<compile_context>
chip_gen: v7x
topology: tpu7x:2x2x1
jax: 0.10.2.dev20260603
libtpu: 0.0.44.dev20260713+nightly
codegen_flags: <defaults>
</compile_context>

<pallas_src>
import functools

import jax
import jax.numpy as jnp
from jax import lax
from jax.experimental import pallas as pl
from jax.experimental.pallas import tpu as pltpu
from jax.experimental.pallas import tpu_sc as plsc

_N = 4194304
_NBINS = 10
_NC = 2
_NS = 16
_NW = _NC * _NS
_PER_W = _N // _NW
_CHUNK = 16384
_NBUF = 3
_NCHUNK = _PER_W // _CHUNK
_VPB = 16
_L = 16
_ROWS = _NBINS

_CMUL = 10.0 * (1.0 - 2.0 ** -23)
_mesh = plsc.VectorSubcoreMesh(core_axis_name="c", subcore_axis_name="s")


@functools.partial(
    pl.kernel,
    mesh=_mesh,
    compiler_params=pltpu.CompilerParams(needs_layout_passes=False),
    out_type=[
        jax.ShapeDtypeStruct((_NW * _ROWS * _L,), jnp.float32),
        jax.ShapeDtypeStruct((_NW * _ROWS * _L,), jnp.int32),
    ],
    scratch_types=[
        pltpu.VMEM((_NBUF * _CHUNK,), jnp.float32),
        pltpu.VMEM((_NBUF * _CHUNK,), jnp.int32),
        pltpu.VMEM((_ROWS * _L,), jnp.float32),
        pltpu.VMEM((_ROWS * _L,), jnp.int32),
        pltpu.SemaphoreType.DMA,
        pltpu.SemaphoreType.DMA,
        pltpu.SemaphoreType.DMA,
        pltpu.SemaphoreType.DMA,
        pltpu.SemaphoreType.DMA,
        pltpu.SemaphoreType.DMA,
    ],
)
def _ece_partials(logits_hbm, corr_hbm, conf_out, ca_out,
                  lbuf, cbuf, conf_acc, ca_acc,
                  sl0, sl1, sl2, sc0, sc1, sc2):
    sls = (sl0, sl1, sl2)
    scs = (sc0, sc1, sc2)
    wid = lax.axis_index("c") * _NS + lax.axis_index("s")
    base = wid * _PER_W

    zeros = jnp.zeros((_L,), jnp.float32)
    izeros = jnp.zeros((_L,), jnp.int32)
    for j in range(_ROWS):
        conf_acc[pl.ds(j * _L, _L)] = zeros
        ca_acc[pl.ds(j * _L, _L)] = izeros

    lane = lax.iota(jnp.int32, _L)

    def start(g):
        s = g % _NBUF
        pltpu.async_copy(
            logits_hbm.at[pl.ds(base + g * _CHUNK, _CHUNK)],
            lbuf.at[pl.ds(s * _CHUNK, _CHUNK)], sls[s])
        pltpu.async_copy(
            corr_hbm.at[pl.ds(base + g * _CHUNK, _CHUNK)],
            cbuf.at[pl.ds(s * _CHUNK, _CHUNK)], scs[s])

    def wait(g):
        s = g % _NBUF
        pltpu.make_async_copy(
            logits_hbm.at[pl.ds(base + g * _CHUNK, _CHUNK)],
            lbuf.at[pl.ds(s * _CHUNK, _CHUNK)], sls[s]).wait()
        pltpu.make_async_copy(
            corr_hbm.at[pl.ds(base + g * _CHUNK, _CHUNK)],
            cbuf.at[pl.ds(s * _CHUNK, _CHUNK)], scs[s]).wait()

    def compute(g):
        s = g % _NBUF
        sbase = s * _CHUNK

        def body(i, carry):
            off = sbase + i * (_L * _VPB)
            xs = [lbuf[pl.ds(off + u * _L, _L)] for u in range(_VPB)]
            cs = [cbuf[pl.ds(off + u * _L, _L)] for u in range(_VPB)]
            for u in range(_VPB):
                x, c = xs[u], cs[u]
                ki = (x * jnp.float32(_CMUL)).astype(jnp.int32)
                idx = ki * _L + lane
                packed = c + jnp.int32(16384)
                pos = x > jnp.float32(0.0)
                plsc.addupdate_scatter(conf_acc, [idx], x, mask=pos)
                plsc.addupdate_scatter(ca_acc, [idx], packed, mask=pos)
            return carry

        lax.fori_loop(0, _CHUNK // (_L * _VPB), body, 0)

    for g in range(min(_NBUF, _NCHUNK)):
        start(g)
    for g in range(_NCHUNK):
        wait(g)
        compute(g)
        if g + _NBUF < _NCHUNK:
            start(g + _NBUF)

    obase = wid * (_ROWS * _L)
    pltpu.sync_copy(conf_acc, conf_out.at[pl.ds(obase, _ROWS * _L)])
    pltpu.sync_copy(ca_acc, ca_out.at[pl.ds(obase, _ROWS * _L)])


def kernel(logits, correctness):
    conf_p, ca_p = _ece_partials(logits, correctness.astype(jnp.int32))
    ca = ca_p.reshape(_NW, _ROWS, _L)
    count = (ca >> 14).sum(axis=(0, 2)).astype(jnp.float32)
    sum_acc = (ca & 16383).sum(axis=(0, 2)).astype(jnp.float32)
    sum_conf = conf_p.reshape(_NW, _ROWS, _L).sum(axis=(0, 2))
    total = jnp.float32(logits.size)
    safe = jnp.maximum(count, 1.0)
    contrib = jnp.abs(sum_conf / safe - sum_acc / safe) * (count / total)
    ece = jnp.sum(jnp.where(count > 0, contrib, 0.0))
    return ece.reshape(1)

# --- scband reference (transcript-rebuilt; emitter-appended) ---
"""Pipeline reference for scband-e-eceloss-17343077941754 (READ-ONLY COPY).

The authoritative reference and input builder live on the scoring server;
editing this copy changes nothing except your own understanding.
"""

import jax, jax.numpy as jnp
import numpy as np

N_BINS = 10
N = 4194304

def setup_inputs(seed: int = 0) -> dict:
    key = jax.random.key(seed)
    k1, k2 = jax.random.split(key)
    logits = jax.random.uniform(k1, (N,), dtype=jnp.float32)
    correctness = jax.random.randint(k2, (N,), 0, 2, dtype=jnp.int64)
    return {"logits": logits, "correctness": correctness}

def reference(logits, correctness):
    bin_boundaries = jnp.linspace(0.0, 1.0, N_BINS + 1)
    bin_lowers = bin_boundaries[:-1]
    bin_uppers = bin_boundaries[1:]
    accuracies = correctness.astype(jnp.float32)
    total = jnp.float32(logits.size)
    ece = jnp.zeros(1, dtype=jnp.float32)
    for i in range(N_BINS):
        bin_lower = bin_lowers[i]
        bin_upper = bin_uppers[i]
        in_bin = (logits > bin_lower) & (logits <= bin_upper)
        mask = in_bin.astype(jnp.float32)
        count = jnp.sum(mask)
        prop_in_bin = count / total
        safe_count = jnp.maximum(count, 1.0)
        accuracy_in_bin = jnp.sum(accuracies * mask) / safe_count
        avg_confidence_in_bin = jnp.sum(logits * mask) / safe_count
        contrib = jnp.abs(avg_confidence_in_bin - accuracy_in_bin) * prop_in_bin
        ece = ece + jnp.where(count > 0, contrib, 0.0)
    return ece

if __name__ == "__main__":
    import jax
    _d = setup_inputs()
    print(jax.jit(kernel)(*tuple(_d.values())))

</pallas_src>

<mosaic_0001>
#map = affine_map<(d0, d1) -> (0)>
module attributes {stable_mosaic.version = 14 : i64} {
  func.func @_ece_partials(%arg0: i32, %arg1: i32, %arg2: memref<4194304xf32, #tpu.memory_space<hbm>>, %arg3: memref<4194304xi32, #tpu.memory_space<hbm>>, %arg4: memref<5120xf32, #tpu.memory_space<hbm>>, %arg5: memref<5120xi32, #tpu.memory_space<hbm>>, %arg6: memref<49152xf32, #tpu.memory_space<vmem>>, %arg7: memref<49152xi32, #tpu.memory_space<vmem>>, %arg8: memref<160xf32, #tpu.memory_space<vmem>>, %arg9: memref<160xi32, #tpu.memory_space<vmem>>, %arg10: memref<!tpu.dma_semaphore, #tpu.memory_space<semaphore_mem>>, %arg11: memref<!tpu.dma_semaphore, #tpu.memory_space<semaphore_mem>>, %arg12: memref<!tpu.dma_semaphore, #tpu.memory_space<semaphore_mem>>, %arg13: memref<!tpu.dma_semaphore, #tpu.memory_space<semaphore_mem>>, %arg14: memref<!tpu.dma_semaphore, #tpu.memory_space<semaphore_mem>>, %arg15: memref<!tpu.dma_semaphore, #tpu.memory_space<semaphore_mem>>) attributes {dimension_semantics = [#tpu.dimension_semantics<core_parallel>, #tpu.dimension_semantics<subcore_parallel>], iteration_bounds = array<i64: 2, 16>, scalar_prefetch = 0 : i64, scratch_operands = 10 : i64, tpu.core_type = #tpu.core_type<sc_vector_subcore>, window_params = [{transform_indices = #map}, {transform_indices = #map}, {transform_indices = #map}, {transform_indices = #map}]} {
    %mul3A = arith.constant 16 : i32
    %mul3A_0 = arith.muli %arg0, %mul3A : i32
    %add3A = arith.addi %mul3A_0, %arg1 : i32
    %mul3A_1 = arith.constant 131072 : i32
    %mul3A_2 = arith.muli %add3A, %mul3A_1 : i32
    %broadcast_in_dim3A = arith.constant 0.000000e+00 : f32
    %broadcast_in_dim3A_3 = vector.broadcast %broadcast_in_dim3A : f32 to vector<16xf32>
    %broadcast_in_dim3A_4 = arith.constant 0 : i32
    %broadcast_in_dim3A_5 = vector.broadcast %broadcast_in_dim3A_4 : i32 to vector<16xi32>
    %swap3A = arith.constant 0 : index
    %swap3A_6 = tpu.vector_load %arg8[%swap3A] {strides = array<i32>} : memref<160xf32, #tpu.memory_space<vmem>>, vector<16xf32>,
    tpu.vector_store %arg8[%swap3A], %broadcast_in_dim3A_3 {strides = array<i32>} : memref<160xf32, #tpu.memory_space<vmem>>, vector<16xf32>,
    %swap3A_7 = arith.constant 0 : index
    %swap3A_8 = tpu.vector_load %arg9[%swap3A_7] {strides = array<i32>} : memref<160xi32, #tpu.memory_space<vmem>>, vector<16xi32>,
    tpu.vector_store %arg9[%swap3A_7], %broadcast_in_dim3A_5 {strides = array<i32>} : memref<160xi32, #tpu.memory_space<vmem>>, vector<16xi32>,
    %swap3A_9 = arith.constant 16 : index
    %swap3A_10 = tpu.vector_load %arg8[%swap3A_9] {strides = array<i32>} : memref<160xf32, #tpu.memory_space<vmem>>, vector<16xf32>,
    tpu.vector_store %arg8[%swap3A_9], %broadcast_in_dim3A_3 {strides = array<i32>} : memref<160xf32, #tpu.memory_space<vmem>>, vector<16xf32>,
    %swap3A_11 = arith.constant 16 : index
    %swap3A_12 = tpu.vector_load %arg9[%swap3A_11] {strides = array<i32>} : memref<160xi32, #tpu.memory_space<vmem>>, vector<16xi32>,
    tpu.vector_store %arg9[%swap3A_11], %broadcast_in_dim3A_5 {strides = array<i32>} : memref<160xi32, #tpu.memory_space<vmem>>, vector<16xi32>,
    %swap3A_13 = arith.constant 32 : index
    %swap3A_14 = tpu.vector_load %arg8[%swap3A_13] {strides = array<i32>} : memref<160xf32, #tpu.memory_space<vmem>>, vector<16xf32>,
    tpu.vector_store %arg8[%swap3A_13], %broadcast_in_dim3A_3 {strides = array<i32>} : memref<160xf32, #tpu.memory_space<vmem>>, vector<16xf32>,
    %swap3A_15 = arith.constant 32 : index
    %swap3A_16 = tpu.vector_load %arg9[%swap3A_15] {strides = array<i32>} : memref<160xi32, #tpu.memory_space<vmem>>, vector<16xi32>,
    tpu.vector_store %arg9[%swap3A_15], %broadcast_in_dim3A_5 {strides = array<i32>} : memref<160xi32, #tpu.memory_space<vmem>>, vector<16xi32>,
    %swap3A_17 = arith.constant 48 : index
    %swap3A_18 = tpu.vector_load %arg8[%swap3A_17] {strides = array<i32>} : memref<160xf32, #tpu.memory_space<vmem>>, vector<16xf32>,
    tpu.vector_store %arg8[%swap3A_17], %broadcast_in_dim3A_3 {strides = array<i32>} : memref<160xf32, #tpu.memory_space<vmem>>, vector<16xf32>,
    %swap3A_19 = arith.constant 48 : index
    %swap3A_20 = tpu.vector_load %arg9[%swap3A_19] {strides = array<i32>} : memref<160xi32, #tpu.memory_space<vmem>>, vector<16xi32>,
    tpu.vector_store %arg9[%swap3A_19], %broadcast_in_dim3A_5 {strides = array<i32>} : memref<160xi32, #tpu.memory_space<vmem>>, vector<16xi32>,
    %swap3A_21 = arith.constant 64 : index
    %swap3A_22 = tpu.vector_load %arg8[%swap3A_21] {strides = array<i32>} : memref<160xf32, #tpu.memory_space<vmem>>, vector<16xf32>,
    tpu.vector_store %arg8[%swap3A_21], %broadcast_in_dim3A_3 {strides = array<i32>} : memref<160xf32, #tpu.memory_space<vmem>>, vector<16xf32>,
    %swap3A_23 = arith.constant 64 : index
    %swap3A_24 = tpu.vector_load %arg9[%swap3A_23] {strides = array<i32>} : memref<160xi32, #tpu.memory_space<vmem>>, vector<16xi32>,
    tpu.vector_store %arg9[%swap3A_23], %broadcast_in_dim3A_5 {strides = array<i32>} : memref<160xi32, #tpu.memory_space<vmem>>, vector<16xi32>,
    %swap3A_25 = arith.constant 80 : index
    %swap3A_26 = tpu.vector_load %arg8[%swap3A_25] {strides = array<i32>} : memref<160xf32, #tpu.memory_space<vmem>>, vector<16xf32>,
    tpu.vector_store %arg8[%swap3A_25], %broadcast_in_dim3A_3 {strides = array<i32>} : memref<160xf32, #tpu.memory_space<vmem>>, vector<16xf32>,
    %swap3A_27 = arith.constant 80 : index
    %swap3A_28 = tpu.vector_load %arg9[%swap3A_27] {strides = array<i32>} : memref<160xi32, #tpu.memory_space<vmem>>, vector<16xi32>,
    tpu.vector_store %arg9[%swap3A_27], %broadcast_in_dim3A_5 {strides = array<i32>} : memref<160xi32, #tpu.memory_space<vmem>>, vector<16xi32>,
    %swap3A_29 = arith.constant 96 : index
    %swap3A_30 = tpu.vector_load %arg8[%swap3A_29] {strides = array<i32>} : memref<160xf32, #tpu.memory_space<vmem>>, vector<16xf32>,
    tpu.vector_store %arg8[%swap3A_29], %broadcast_in_dim3A_3 {strides = array<i32>} : memref<160xf32, #tpu.memory_space<vmem>>, vector<16xf32>,
    %swap3A_31 = arith.constant 96 : index
    %swap3A_32 = tpu.vector_load %arg9[%swap3A_31] {strides = array<i32>} : memref<160xi32, #tpu.memory_space<vmem>>, vector<16xi32>,
    tpu.vector_store %arg9[%swap3A_31], %broadcast_in_dim3A_5 {strides = array<i32>} : memref<160xi32, #tpu.memory_space<vmem>>, vector<16xi32>,
    %swap3A_33 = arith.constant 112 : index
    %swap3A_34 = tpu.vector_load %arg8[%swap3A_33] {strides = array<i32>} : memref<160xf32, #tpu.memory_space<vmem>>, vector<16xf32>,
    tpu.vector_store %arg8[%swap3A_33], %broadcast_in_dim3A_3 {strides = array<i32>} : memref<160xf32, #tpu.memory_space<vmem>>, vector<16xf32>,
    %swap3A_35 = arith.constant 112 : index
    %swap3A_36 = tpu.vector_load %arg9[%swap3A_35] {strides = array<i32>} : memref<160xi32, #tpu.memory_space<vmem>>, vector<16xi32>,
    tpu.vector_store %arg9[%swap3A_35], %broadcast_in_dim3A_5 {strides = array<i32>} : memref<160xi32, #tpu.memory_space<vmem>>, vector<16xi32>,
    %swap3A_37 = arith.constant 128 : index
    %swap3A_38 = tpu.vector_load %arg8[%swap3A_37] {strides = array<i32>} : memref<160xf32, #tpu.memory_space<vmem>>, vector<16xf32>,
    tpu.vector_store %arg8[%swap3A_37], %broadcast_in_dim3A_3 {strides = array<i32>} : memref<160xf32, #tpu.memory_space<vmem>>, vector<16xf32>,
    %swap3A_39 = arith.constant 128 : index
    %swap3A_40 = tpu.vector_load %arg9[%swap3A_39] {strides = array<i32>} : memref<160xi32, #tpu.memory_space<vmem>>, vector<16xi32>,
    tpu.vector_store %arg9[%swap3A_39], %broadcast_in_dim3A_5 {strides = array<i32>} : memref<160xi32, #tpu.memory_space<vmem>>, vector<16xi32>,
    %swap3A_41 = arith.constant 144 : index
    %swap3A_42 = tpu.vector_load %arg8[%swap3A_41] {strides = array<i32>} : memref<160xf32, #tpu.memory_space<vmem>>, vector<16xf32>,
    tpu.vector_store %arg8[%swap3A_41], %broadcast_in_dim3A_3 {strides = array<i32>} : memref<160xf32, #tpu.memory_space<vmem>>, vector<16xf32>,
    %swap3A_43 = arith.constant 144 : index
    %swap3A_44 = tpu.vector_load %arg9[%swap3A_43] {strides = array<i32>} : memref<160xi32, #tpu.memory_space<vmem>>, vector<16xi32>,
    tpu.vector_store %arg9[%swap3A_43], %broadcast_in_dim3A_5 {strides = array<i32>} : memref<160xi32, #tpu.memory_space<vmem>>, vector<16xi32>,
    %iota3A = tpu.iota {dimensions = array<i32: 0>} : vector<16xi32>
    %add3A_45 = arith.constant 0 : i32
    %add3A_46 = arith.addi %mul3A_2, %add3A_45 : i32
    %dma_start3A = arith.constant 0 : i32
    %dma_start3A_47 = tpu.memref_slice %arg6[%dma_start3A] : memref<49152xf32, #tpu.memory_space<vmem>> -> memref<16384xf32, #tpu.memory_space<vmem>>
    %dma_start3A_48 = tpu.memref_slice %arg2[%add3A_46] : memref<4194304xf32, #tpu.memory_space<hbm>> -> memref<16384xf32, #tpu.memory_space<hbm>>
    %dma_start3A_49 = arith.constant 0 : i32
    %dma_start3A_50 = tpu.memref_slice %arg6[%dma_start3A_49] : memref<49152xf32, #tpu.memory_space<vmem>> -> memref<16384xf32, #tpu.memory_space<vmem>>
    %dma_start3A_51 = tpu.memref_slice %arg2[%add3A_46] : memref<4194304xf32, #tpu.memory_space<hbm>> -> memref<16384xf32, #tpu.memory_space<hbm>>
    tpu.enqueue_dma source(%dma_start3A_51 : memref<16384xf32, #tpu.memory_space<hbm>>) target(%dma_start3A_50 : memref<16384xf32, #tpu.memory_space<vmem>>) target_semaphore(%arg10 : memref<!tpu.dma_semaphore, #tpu.memory_space<semaphore_mem>>)
    %add3A_52 = arith.constant 0 : i32
    %add3A_53 = arith.addi %mul3A_2, %add3A_52 : i32
    %dma_start3A_54 = arith.constant 0 : i32
    %dma_start3A_55 = tpu.memref_slice %arg7[%dma_start3A_54] : memref<49152xi32, #tpu.memory_space<vmem>> -> memref<16384xi32, #tpu.memory_space<vmem>>
    %dma_start3A_56 = tpu.memref_slice %arg3[%add3A_53] : memref<4194304xi32, #tpu.memory_space<hbm>> -> memref<16384xi32, #tpu.memory_space<hbm>>
    %dma_start3A_57 = arith.constant 0 : i32
    %dma_start3A_58 = tpu.memref_slice %arg7[%dma_start3A_57] : memref<49152xi32, #tpu.memory_space<vmem>> -> memref<16384xi32, #tpu.memory_space<vmem>>
    %dma_start3A_59 = tpu.memref_slice %arg3[%add3A_53] : memref<4194304xi32, #tpu.memory_space<hbm>> -> memref<16384xi32, #tpu.memory_space<hbm>>
    tpu.enqueue_dma source(%dma_start3A_59 : memref<16384xi32, #tpu.memory_space<hbm>>) target(%dma_start3A_58 : memref<16384xi32, #tpu.memory_space<vmem>>) target_semaphore(%arg13 : memref<!tpu.dma_semaphore, #tpu.memory_space<semaphore_mem>>)
    %add3A_60 = arith.constant 16384 : i32
    %add3A_61 = arith.addi %mul3A_2, %add3A_60 : i32
    %dma_start3A_62 = arith.constant 16384 : i32
    %dma_start3A_63 = tpu.memref_slice %arg6[%dma_start3A_62] : memref<49152xf32, #tpu.memory_space<vmem>> -> memref<16384xf32, #tpu.memory_space<vmem>>
    %dma_start3A_64 = tpu.memref_slice %arg2[%add3A_61] : memref<4194304xf32, #tpu.memory_space<hbm>> -> memref<16384xf32, #tpu.memory_space<hbm>>
    %dma_start3A_65 = arith.constant 16384 : i32
    %dma_start3A_66 = tpu.memref_slice %arg6[%dma_start3A_65] : memref<49152xf32, #tpu.memory_space<vmem>> -> memref<16384xf32, #tpu.memory_space<vmem>>
    %dma_start3A_67 = tpu.memref_slice %arg2[%add3A_61] : memref<4194304xf32, #tpu.memory_space<hbm>> -> memref<16384xf32, #tpu.memory_space<hbm>>
    tpu.enqueue_dma source(%dma_start3A_67 : memref<16384xf32, #tpu.memory_space<hbm>>) target(%dma_start3A_66 : memref<16384xf32, #tpu.memory_space<vmem>>) target_semaphore(%arg11 : memref<!tpu.dma_semaphore, #tpu.memory_space<semaphore_mem>>)
    %add3A_68 = arith.constant 16384 : i32
    %add3A_69 = arith.addi %mul3A_2, %add3A_68 : i32
    %dma_start3A_70 = arith.constant 16384 : i32
    %dma_start3A_71 = tpu.memref_slice %arg7[%dma_start3A_70] : memref<49152xi32, #tpu.memory_space<vmem>> -> memref<16384xi32, #tpu.memory_space<vmem>>
    %dma_start3A_72 = tpu.memref_slice %arg3[%add3A_69] : memref<4194304xi32, #tpu.memory_space<hbm>> -> memref<16384xi32, #tpu.memory_space<hbm>>
    %dma_start3A_73 = arith.constant 16384 : i32
    %dma_start3A_74 = tpu.memref_slice %arg7[%dma_start3A_73] : memref<49152xi32, #tpu.memory_space<vmem>> -> memref<16384xi32, #tpu.memory_space<vmem>>
    %dma_start3A_75 = tpu.memref_slice %arg3[%add3A_69] : memref<4194304xi32, #tpu.memory_space<hbm>> -> memref<16384xi32, #tpu.memory_space<hbm>>
    tpu.enqueue_dma source(%dma_start3A_75 : memref<16384xi32, #tpu.memory_space<hbm>>) target(%dma_start3A_74 : memref<16384xi32, #tpu.memory_space<vmem>>) target_semaphore(%arg14 : memref<!tpu.dma_semaphore, #tpu.memory_space<semaphore_mem>>)
    %add3A_76 = arith.constant 32768 : i32
    %add3A_77 = arith.addi %mul3A_2, %add3A_76 : i32
    %dma_start3A_78 = arith.constant 32768 : i32
    %dma_start3A_79 = tpu.memref_slice %arg6[%dma_start3A_78] : memref<49152xf32, #tpu.memory_space<vmem>> -> memref<16384xf32, #tpu.memory_space<vmem>>
    %dma_start3A_80 = tpu.memref_slice %arg2[%add3A_77] : memref<4194304xf32, #tpu.memory_space<hbm>> -> memref<16384xf32, #tpu.memory_space<hbm>>
    %dma_start3A_81 = arith.constant 32768 : i32
    %dma_start3A_82 = tpu.memref_slice %arg6[%dma_start3A_81] : memref<49152xf32, #tpu.memory_space<vmem>> -> memref<16384xf32, #tpu.memory_space<vmem>>
    %dma_start3A_83 = tpu.memref_slice %arg2[%add3A_77] : memref<4194304xf32, #tpu.memory_space<hbm>> -> memref<16384xf32, #tpu.memory_space<hbm>>
    tpu.enqueue_dma source(%dma_start3A_83 : memref<16384xf32, #tpu.memory_space<hbm>>) target(%dma_start3A_82 : memref<16384xf32, #tpu.memory_space<vmem>>) target_semaphore(%arg12 : memref<!tpu.dma_semaphore, #tpu.memory_space<semaphore_mem>>)
    %add3A_84 = arith.constant 32768 : i32
    %add3A_85 = arith.addi %mul3A_2, %add3A_84 : i32
    %dma_start3A_86 = arith.constant 32768 : i32
    %dma_start3A_87 = tpu.memref_slice %arg7[%dma_start3A_86] : memref<49152xi32, #tpu.memory_space<vmem>> -> memref<16384xi32, #tpu.memory_space<vmem>>
    %dma_start3A_88 = tpu.memref_slice %arg3[%add3A_85] : memref<4194304xi32, #tpu.memory_space<hbm>> -> memref<16384xi32, #tpu.memory_space<hbm>>
    %dma_start3A_89 = arith.constant 32768 : i32
    %dma_start3A_90 = tpu.memref_slice %arg7[%dma_start3A_89] : memref<49152xi32, #tpu.memory_space<vmem>> -> memref<16384xi32, #tpu.memory_space<vmem>>
    %dma_start3A_91 = tpu.memref_slice %arg3[%add3A_85] : memref<4194304xi32, #tpu.memory_space<hbm>> -> memref<16384xi32, #tpu.memory_space<hbm>>
    tpu.enqueue_dma source(%dma_start3A_91 : memref<16384xi32, #tpu.memory_space<hbm>>) target(%dma_start3A_90 : memref<16384xi32, #tpu.memory_space<vmem>>) target_semaphore(%arg15 : memref<!tpu.dma_semaphore, #tpu.memory_space<semaphore_mem>>)
    %add3A_92 = arith.constant 0 : i32
    %add3A_93 = arith.addi %mul3A_2, %add3A_92 : i32
    %dma_wait3A = arith.constant 0 : i32
    %dma_wait3A_94 = tpu.memref_slice %arg6[%dma_wait3A] : memref<49152xf32, #tpu.memory_space<vmem>> -> memref<16384xf32, #tpu.memory_space<vmem>>
    %dma_wait3A_95 = tpu.memref_slice %arg2[%add3A_93] : memref<4194304xf32, #tpu.memory_space<hbm>> -> memref<16384xf32, #tpu.memory_space<hbm>>
    %dma_wait3A_96 = arith.constant 0 : i32
    %dma_wait3A_97 = tpu.memref_slice %arg6[%dma_wait3A_96] : memref<49152xf32, #tpu.memory_space<vmem>> -> memref<16384xf32, #tpu.memory_space<vmem>>
    %dma_wait3A_98 = tpu.memref_slice %arg2[%add3A_93] : memref<4194304xf32, #tpu.memory_space<hbm>> -> memref<16384xf32, #tpu.memory_space<hbm>>
    tpu.wait_dma2 semaphore(%arg10 : memref<!tpu.dma_semaphore, #tpu.memory_space<semaphore_mem>>) src(%dma_wait3A_98 : memref<16384xf32, #tpu.memory_space<hbm>>) dst(%dma_wait3A_97 : memref<16384xf32, #tpu.memory_space<vmem>>)
    %add3A_99 = arith.constant 0 : i32
    %add3A_100 = arith.addi %mul3A_2, %add3A_99 : i32
    %dma_wait3A_101 = arith.constant 0 : i32
    %dma_wait3A_102 = tpu.memref_slice %arg7[%dma_wait3A_101] : memref<49152xi32, #tpu.memory_space<vmem>> -> memref<16384xi32, #tpu.memory_space<vmem>>
    %dma_wait3A_103 = tpu.memref_slice %arg3[%add3A_100] : memref<4194304xi32, #tpu.memory_space<hbm>> -> memref<16384xi32, #tpu.memory_space<hbm>>
    %dma_wait3A_104 = arith.constant 0 : i32
    %dma_wait3A_105 = tpu.memref_slice %arg7[%dma_wait3A_104] : memref<49152xi32, #tpu.memory_space<vmem>> -> memref<16384xi32, #tpu.memory_space<vmem>>
    %dma_wait3A_106 = tpu.memref_slice %arg3[%add3A_100] : memref<4194304xi32, #tpu.memory_space<hbm>> -> memref<16384xi32, #tpu.memory_space<hbm>>
    tpu.wait_dma2 semaphore(%arg13 : memref<!tpu.dma_semaphore, #tpu.memory_space<semaphore_mem>>) src(%dma_wait3A_106 : memref<16384xi32, #tpu.memory_space<hbm>>) dst(%dma_wait3A_105 : memref<16384xi32, #tpu.memory_space<vmem>>)
    %scan3A = arith.constant 0 : i32
    %scan3A_107 = arith.constant 0 : i32
    %scan3A_108 = arith.constant 64 : i32
    %scan3A_109 = arith.addi %scan3A_107, %scan3A_108 : i32
    %scan3A_110 = arith.constant 1 : i32
    scf.for %scan3A_348 = %scan3A_107 to %scan3A_109 step %scan3A_110  : i32 {
      %mul3A_349 = arith.constant 256 : i32
      %mul3A_350 = arith.muli %scan3A_348, %mul3A_349 : i32
      %add3A_351 = arith.constant 0 : i32
      %add3A_352 = arith.addi %add3A_351, %mul3A_350 : i32
      %add3A_353 = arith.constant 0 : i32
      %add3A_354 = arith.addi %add3A_352, %add3A_353 : i32
      %get3A = arith.index_cast %add3A_354 : i32 to index
      %get3A_355 = tpu.vector_load %arg6[%get3A] {strides = array<i32>} : memref<49152xf32, #tpu.memory_space<vmem>>, vector<16xf32>,
      %add3A_356 = arith.constant 16 : i32
      %add3A_357 = arith.addi %add3A_352, %add3A_356 : i32
      %get3A_358 = arith.index_cast %add3A_357 : i32 to index
      %get3A_359 = tpu.vector_load %arg6[%get3A_358] {strides = array<i32>} : memref<49152xf32, #tpu.memory_space<vmem>>, vector<16xf32>,
      %add3A_360 = arith.constant 32 : i32
      %add3A_361 = arith.addi %add3A_352, %add3A_360 : i32
      %get3A_362 = arith.index_cast %add3A_361 : i32 to index
      %get3A_363 = tpu.vector_load %arg6[%get3A_362] {strides = array<i32>} : memref<49152xf32, #tpu.memory_space<vmem>>, vector<16xf32>,
      %add3A_364 = arith.constant 48 : i32
      %add3A_365 = arith.addi %add3A_352, %add3A_364 : i32
      %get3A_366 = arith.index_cast %add3A_365 : i32 to index
      %get3A_367 = tpu.vector_load %arg6[%get3A_366] {strides = array<i32>} : memref<49152xf32, #tpu.memory_space<vmem>>, vector<16xf32>,
      %add3A_368 = arith.constant 64 : i32
      %add3A_369 = arith.addi %add3A_352, %add3A_368 : i32
      %get3A_370 = arith.index_cast %add3A_369 : i32 to index
      %get3A_371 = tpu.vector_load %arg6[%get3A_370] {strides = array<i32>} : memref<49152xf32, #tpu.memory_space<vmem>>, vector<16xf32>,
      %add3A_372 = arith.constant 80 : i32
      %add3A_373 = arith.addi %add3A_352, %add3A_372 : i32
      %get3A_374 = arith.index_cast %add3A_373 : i32 to index
      %get3A_375 = tpu.vector_load %arg6[%get3A_374] {strides = array<i32>} : memref<49152xf32, #tpu.memory_space<vmem>>, vector<16xf32>,
      %add3A_376 = arith.constant 96 : i32
      %add3A_377 = arith.addi %add3A_352, %add3A_376 : i32
      %get3A_378 = arith.index_cast %add3A_377 : i32 to index
      %get3A_379 = tpu.vector_load %arg6[%get3A_378] {strides = array<i32>} : memref<49152xf32, #tpu.memory_space<vmem>>, vector<16xf32>,
      %add3A_380 = arith.constant 112 : i32
      %add3A_381 = arith.addi %add3A_352, %add3A_380 : i32
      %get3A_382 = arith.index_cast %add3A_381 : i32 to index
      %get3A_383 = tpu.vector_load %arg6[%get3A_382] {strides = array<i32>} : memref<49152xf32, #tpu.memory_space<vmem>>, vector<16xf32>,
      %add3A_384 = arith.constant 128 : i32
      %add3A_385 = arith.addi %add3A_352, %add3A_384 : i32
      %get3A_386 = arith.index_cast %add3A_385 : i32 to index
      %get3A_387 = tpu.vector_load %arg6[%get3A_386] {strides = array<i32>} : memref<49152xf32, #tpu.memory_space<vmem>>, vector<16xf32>,
      %add3A_388 = arith.constant 144 : i32
      %add3A_389 = arith.addi %add3A_352, %add3A_388 : i32
      %get3A_390 = arith.index_cast %add3A_389 : i32 to index
      %get3A_391 = tpu.vector_load %arg6[%get3A_390] {strides = array<i32>} : memref<49152xf32, #tpu.memory_space<vmem>>, vector<16xf32>,
      %add3A_392 = arith.constant 160 : i32
      %add3A_393 = arith.addi %add3A_352, %add3A_392 : i32
      %get3A_394 = arith.index_cast %add3A_393 : i32 to index
      %get3A_395 = tpu.vector_load %arg6[%get3A_394] {strides = array<i32>} : memref<49152xf32, #tpu.memory_space<vmem>>, vector<16xf32>,
      %add3A_396 = arith.constant 176 : i32
      %add3A_397 = arith.addi %add3A_352, %add3A_396 : i32
      %get3A_398 = arith.index_cast %add3A_397 : i32 to index
      %get3A_399 = tpu.vector_load %arg6[%get3A_398] {strides = array<i32>} : memref<49152xf32, #tpu.memory_space<vmem>>, vector<16xf32>,
      %add3A_400 = arith.constant 192 : i32
      %add3A_401 = arith.addi %add3A_352, %add3A_400 : i32
      %get3A_402 = arith.index_cast %add3A_401 : i32 to index
      %get3A_403 = tpu.vector_load %arg6[%get3A_402] {strides = array<i32>} : memref<49152xf32, #tpu.memory_space<vmem>>, vector<16xf32>,
      %add3A_404 = arith.constant 208 : i32
      %add3A_405 = arith.addi %add3A_352, %add3A_404 : i32
      %get3A_406 = arith.index_cast %add3A_405 : i32 to index
      %get3A_407 = tpu.vector_load %arg6[%get3A_406] {strides = array<i32>} : memref<49152xf32, #tpu.memory_space<vmem>>, vector<16xf32>,
      %add3A_408 = arith.constant 224 : i32
      %add3A_409 = arith.addi %add3A_352, %add3A_408 : i32
      %get3A_410 = arith.index_cast %add3A_409 : i32 to index
      %get3A_411 = tpu.vector_load %arg6[%get3A_410] {strides = array<i32>} : memref<49152xf32, #tpu.memory_space<vmem>>, vector<16xf32>,
      %add3A_412 = arith.constant 240 : i32
      %add3A_413 = arith.addi %add3A_352, %add3A_412 : i32
      %get3A_414 = arith.index_cast %add3A_413 : i32 to index
      %get3A_415 = tpu.vector_load %arg6[%get3A_414] {strides = array<i32>} : memref<49152xf32, #tpu.memory_space<vmem>>, vector<16xf32>,
      %add3A_416 = arith.constant 0 : i32
      %add3A_417 = arith.addi %add3A_352, %add3A_416 : i32
      %get3A_418 = arith.index_cast %add3A_417 : i32 to index
      %get3A_419 = tpu.vector_load %arg7[%get3A_418] {strides = array<i32>} : memref<49152xi32, #tpu.memory_space<vmem>>, vector<16xi32>,
      %add3A_420 = arith.constant 16 : i32
      %add3A_421 = arith.addi %add3A_352, %add3A_420 : i32
      %get3A_422 = arith.index_cast %add3A_421 : i32 to index
      %get3A_423 = tpu.vector_load %arg7[%get3A_422] {strides = array<i32>} : memref<49152xi32, #tpu.memory_space<vmem>>, vector<16xi32>,
      %add3A_424 = arith.constant 32 : i32
      %add3A_425 = arith.addi %add3A_352, %add3A_424 : i32
      %get3A_426 = arith.index_cast %add3A_425 : i32 to index
      %get3A_427 = tpu.vector_load %arg7[%get3A_426] {strides = array<i32>} : memref<49152xi32, #tpu.memory_space<vmem>>, vector<16xi32>,
      %add3A_428 = arith.constant 48 : i32
      %add3A_429 = arith.addi %add3A_352, %add3A_428 : i32
      %get3A_430 = arith.index_cast %add3A_429 : i32 to index
      %get3A_431 = tpu.vector_load %arg7[%get3A_430] {strides = array<i32>} : memref<49152xi32, #tpu.memory_space<vmem>>, vector<16xi32>,
      %add3A_432 = arith.constant 64 : i32
      %add3A_433 = arith.addi %add3A_352, %add3A_432 : i32
      %get3A_434 = arith.index_cast %add3A_433 : i32 to index
      %get3A_435 = tpu.vector_load %arg7[%get3A_434] {strides = array<i32>} : memref<49152xi32, #tpu.memory_space<vmem>>, vector<16xi32>,
      %add3A_436 = arith.constant 80 : i32
      %add3A_437 = arith.addi %add3A_352, %add3A_436 : i32
      %get3A_438 = arith.index_cast %add3A_437 : i32 to index
      %get3A_439 = tpu.vector_load %arg7[%get3A_438] {strides = array<i32>} : memref<49152xi32, #tpu.memory_space<vmem>>, vector<16xi32>,
      %add3A_440 = arith.constant 96 : i32
      %add3A_441 = arith.addi %add3A_352, %add3A_440 : i32
      %get3A_442 = arith.index_cast %add3A_441 : i32 to index
      %get3A_443 = tpu.vector_load %arg7[%get3A_442] {strides = array<i32>} : memref<49152xi32, #tpu.memory_space<vmem>>, vector<16xi32>,
      %add3A_444 = arith.constant 112 : i32
      %add3A_445 = arith.addi %add3A_352, %add3A_444 : i32
      %get3A_446 = arith.index_cast %add3A_445 : i32 to index
      %get3A_447 = tpu.vector_load %arg7[%get3A_446] {strides = array<i32>} : memref<49152xi32, #tpu.memory_space<vmem>>, vector<16xi32>,
      %add3A_448 = arith.constant 128 : i32
      %add3A_449 = arith.addi %add3A_352, %add3A_448 : i32
      %get3A_450 = arith.index_cast %add3A_449 : i32 to index
      %get3A_451 = tpu.vector_load %arg7[%get3A_450] {strides = array<i32>} : memref<49152xi32, #tpu.memory_space<vmem>>, vector<16xi32>,
      %add3A_452 = arith.constant 144 : i32
      %add3A_453 = arith.addi %add3A_352, %add3A_452 : i32
      %get3A_454 = arith.index_cast %add3A_453 : i32 to index
      %get3A_455 = tpu.vector_load %arg7[%get3A_454] {strides = array<i32>} : memref<49152xi32, #tpu.memory_space<vmem>>, vector<16xi32>,
      %add3A_456 = arith.constant 160 : i32
      %add3A_457 = arith.addi %add3A_352, %add3A_456 : i32
      %get3A_458 = arith.index_cast %add3A_457 : i32 to index
      %get3A_459 = tpu.vector_load %arg7[%get3A_458] {strides = array<i32>} : memref<49152xi32, #tpu.memory_space<vmem>>, vector<16xi32>,
      %add3A_460 = arith.constant 176 : i32
      %add3A_461 = arith.addi %add3A_352, %add3A_460 : i32
      %get3A_462 = arith.index_cast %add3A_461 : i32 to index
      %get3A_463 = tpu.vector_load %arg7[%get3A_462] {strides = array<i32>} : memref<49152xi32, #tpu.memory_space<vmem>>, vector<16xi32>,
      %add3A_464 = arith.constant 192 : i32
      %add3A_465 = arith.addi %add3A_352, %add3A_464 : i32
      %get3A_466 = arith.index_cast %add3A_465 : i32 to index
      %get3A_467 = tpu.vector_load %arg7[%get3A_466] {strides = array<i32>} : memref<49152xi32, #tpu.memory_space<vmem>>, vector<16xi32>,
      %add3A_468 = arith.constant 208 : i32
      %add3A_469 = arith.addi %add3A_352, %add3A_468 : i32
      %get3A_470 = arith.index_cast %add3A_469 : i32 to index
      %get3A_471 = tpu.vector_load %arg7[%get3A_470] {strides = array<i32>} : memref<49152xi32, #tpu.memory_space<vmem>>, vector<16xi32>,
      %add3A_472 = arith.constant 224 : i32
      %add3A_473 = arith.addi %add3A_352, %add3A_472 : i32
      %get3A_474 = arith.index_cast %add3A_473 : i32 to index
      %get3A_475 = tpu.vector_load %arg7[%get3A_474] {strides = array<i32>} : memref<49152xi32, #tpu.memory_space<vmem>>, vector<16xi32>,
      %add3A_476 = arith.constant 240 : i32
      %add3A_477 = arith.addi %add3A_352, %add3A_476 : i32
      %get3A_478 = arith.index_cast %add3A_477 : i32 to index
      %get3A_479 = tpu.vector_load %arg7[%get3A_478] {strides = array<i32>} : memref<49152xi32, #tpu.memory_space<vmem>>, vector<16xi32>,
      %mul3A_480 = arith.constant 9.99999904 : f32
      %mul3A_481 = vector.broadcast %mul3A_480 : f32 to vector<16xf32>
      %mul3A_482 = arith.mulf %get3A_355, %mul3A_481 : vector<16xf32>
      %convert_element_type3A = arith.fptosi %mul3A_482 : vector<16xf32> to vector<16xi32>
      %mul3A_483 = arith.constant 16 : i32
      %mul3A_484 = vector.broadcast %mul3A_483 : i32 to vector<16xi32>
      %mul3A_485 = arith.muli %convert_element_type3A, %mul3A_484 : vector<16xi32>
      %add3A_486 = arith.addi %mul3A_485, %iota3A : vector<16xi32>
      %add3A_487 = arith.constant 16384 : i32
      %add3A_488 = vector.broadcast %add3A_487 : i32 to vector<16xi32>
      %add3A_489 = arith.addi %get3A_419, %add3A_488 : vector<16xi32>
      %gt3A = arith.constant 0.000000e+00 : f32
      %gt3A_490 = vector.broadcast %gt3A : f32 to vector<16xf32>
      %gt3A_491 = arith.cmpf ogt, %get3A_355, %gt3A_490 : vector<16xf32>
      tpu.vector_store_idx %arg8[%add3A_486], %get3A_355 masked %gt3A_491 {add = true} : memref<160xf32, #tpu.memory_space<vmem>>[vector<16xi32>], vector<16xf32>, vector<16xi1>
      tpu.vector_store_idx %arg9[%add3A_486], %add3A_489 masked %gt3A_491 {add = true} : memref<160xi32, #tpu.memory_space<vmem>>[vector<16xi32>], vector<16xi32>, vector<16xi1>
      %mul3A_492 = arith.constant 9.99999904 : f32
      %mul3A_493 = vector.broadcast %mul3A_492 : f32 to vector<16xf32>
      %mul3A_494 = arith.mulf %get3A_359, %mul3A_493 : vector<16xf32>
      %convert_element_type3A_495 = arith.fptosi %mul3A_494 : vector<16xf32> to vector<16xi32>
      %mul3A_496 = arith.constant 16 : i32
      %mul3A_497 = vector.broadcast %mul3A_496 : i32 to vector<16xi32>
      %mul3A_498 = arith.muli %convert_element_type3A_495, %mul3A_497 : vector<16xi32>
      %add3A_499 = arith.addi %mul3A_498, %iota3A : vector<16xi32>
      %add3A_500 = arith.constant 16384 : i32
      %add3A_501 = vector.broadcast %add3A_500 : i32 to vector<16xi32>
      %add3A_502 = arith.addi %get3A_423, %add3A_501 : vector<16xi32>
      %gt3A_503 = arith.constant 0.000000e+00 : f32
      %gt3A_504 = vector.broadcast %gt3A_503 : f32 to vector<16xf32>
      %gt3A_505 = arith.cmpf ogt, %get3A_359, %gt3A_504 : vector<16xf32>
      tpu.vector_store_idx %arg8[%add3A_499], %get3A_359 masked %gt3A_505 {add = true} : memref<160xf32, #tpu.memory_space<vmem>>[vector<16xi32>], vector<16xf32>, vector<16xi1>
      tpu.vector_store_idx %arg9[%add3A_499], %add3A_502 masked %gt3A_505 {add = true} : memref<160xi32, #tpu.memory_space<vmem>>[vector<16xi32>], vector<16xi32>, vector<16xi1>
      %mul3A_506 = arith.constant 9.99999904 : f32
      %mul3A_507 = vector.broadcast %mul3A_506 : f32 to vector<16xf32>
      %mul3A_508 = arith.mulf %get3A_363, %mul3A_507 : vector<16xf32>
      %convert_element_type3A_509 = arith.fptosi %mul3A_508 : vector<16xf32> to vector<16xi32>
      %mul3A_510 = arith.constant 16 : i32
      %mul3A_511 = vector.broadcast %mul3A_510 : i32 to vector<16xi32>
      %mul3A_512 = arith.muli %convert_element_type3A_509, %mul3A_511 : vector<16xi32>
      %add3A_513 = arith.addi %mul3A_512, %iota3A : vector<16xi32>
      %add3A_514 = arith.constant 16384 : i32
      %add3A_515 = vector.broadcast %add3A_514 : i32 to vector<16xi32>
      %add3A_516 = arith.addi %get3A_427, %add3A_515 : vector<16xi32>
      %gt3A_517 = arith.constant 0.000000e+00 : f32
      %gt3A_518 = vector.broadcast %gt3A_517 : f32 to vector<16xf32>
      %gt3A_519 = arith.cmpf ogt, %get3A_363, %gt3A_518 : vector<16xf32>
      tpu.vector_store_idx %arg8[%add3A_513], %get3A_363 masked %gt3A_519 {add = true} : memref<160xf32, #tpu.memory_space<vmem>>[vector<16xi32>], vector<16xf32>, vector<16xi1>
      tpu.vector_store_idx %arg9[%add3A_513], %add3A_516 masked %gt3A_519 {add = true} : memref<160xi32, #tpu.memory_space<vmem>>[vector<16xi32>], vector<16xi32>, vector<16xi1>
      %mul3A_520 = arith.constant 9.99999904 : f32
      %mul3A_521 = vector.broadcast %mul3A_520 : f32 to vector<16xf32>
      %mul3A_522 = arith.mulf %get3A_367, %mul3A_521 : vector<16xf32>
      %convert_element_type3A_523 = arith.fptosi %mul3A_522 : vector<16xf32> to vector<16xi32>
      %mul3A_524 = arith.constant 16 : i32
      %mul3A_525 = vector.broadcast %mul3A_524 : i32 to vector<16xi32>
      %mul3A_526 = arith.muli %convert_element_type3A_523, %mul3A_525 : vector<16xi32>
      %add3A_527 = arith.addi %mul3A_526, %iota3A : vector<16xi32>
      %add3A_528 = arith.constant 16384 : i32
      %add3A_529 = vector.broadcast %add3A_528 : i32 to vector<16xi32>
      %add3A_530 = arith.addi %get3A_431, %add3A_529 : vector<16xi32>
      %gt3A_531 = arith.constant 0.000000e+00 : f32
      %gt3A_532 = vector.broadcast %gt3A_531 : f32 to vector<16xf32>
      %gt3A_533 = arith.cmpf ogt, %get3A_367, %gt3A_532 : vector<16xf32>
      tpu.vector_store_idx %arg8[%add3A_527], %get3A_367 masked %gt3A_533 {add = true} : memref<160xf32, #tpu.memory_space<vmem>>[vector<16xi32>], vector<16xf32>, vector<16xi1>
      tpu.vector_store_idx %arg9[%add3A_527], %add3A_530 masked %gt3A_533 {add = true} : memref<160xi32, #tpu.memory_space<vmem>>[vector<16xi32>], vector<16xi32>, vector<16xi1>
      %mul3A_534 = arith.constant 9.99999904 : f32
      %mul3A_535 = vector.broadcast %mul3A_534 : f32 to vector<16xf32>
      %mul3A_536 = arith.mulf %get3A_371, %mul3A_535 : vector<16xf32>
      %convert_element_type3A_537 = arith.fptosi %mul3A_536 : vector<16xf32> to vector<16xi32>
      %mul3A_538 = arith.constant 16 : i32
      %mul3A_539 = vector.broadcast %mul3A_538 : i32 to vector<16xi32>
      %mul3A_540 = arith.muli %convert_element_type3A_537, %mul3A_539 : vector<16xi32>
      %add3A_541 = arith.addi %mul3A_540, %iota3A : vector<16xi32>
      %add3A_542 = arith.constant 16384 : i32
      %add3A_543 = vector.broadcast %add3A_542 : i32 to vector<16xi32>
      %add3A_544 = arith.addi %get3A_435, %add3A_543 : vector<16xi32>
      %gt3A_545 = arith.constant 0.000000e+00 : f32
      %gt3A_546 = vector.broadcast %gt3A_545 : f32 to vector<16xf32>
      %gt3A_547 = arith.cmpf ogt, %get3A_371, %gt3A_546 : vector<16xf32>
      tpu.vector_store_idx %arg8[%add3A_541], %get3A_371 masked %gt3A_547 {add = true} : memref<160xf32, #tpu.memory_space<vmem>>[vector<16xi32>], vector<16xf32>, vector<16xi1>
      tpu.vector_store_idx %arg9[%add3A_541], %add3A_544 masked %gt3A_547 {add = true} : memref<160xi32, #tpu.memory_space<vmem>>[vector<16xi32>], vector<16xi32>, vector<16xi1>
      %mul3A_548 = arith.constant 9.99999904 : f32
      %mul3A_549 = vector.broadcast %mul3A_548 : f32 to vector<16xf32>
      %mul3A_550 = arith.mulf %get3A_375, %mul3A_549 : vector<16xf32>
      %convert_element_type3A_551 = arith.fptosi %mul3A_550 : vector<16xf32> to vector<16xi32>
      %mul3A_552 = arith.constant 16 : i32
      %mul3A_553 = vector.broadcast %mul3A_552 : i32 to vector<16xi32>
      %mul3A_554 = arith.muli %convert_element_type3A_551, %mul3A_553 : vector<16xi32>
      %add3A_555 = arith.addi %mul3A_554, %iota3A : vector<16xi32>
      %add3A_556 = arith.constant 16384 : i32
      %add3A_557 = vector.broadcast %add3A_556 : i32 to vector<16xi32>
      %add3A_558 = arith.addi %get3A_439, %add3A_557 : vector<16xi32>
      %gt3A_559 = arith.constant 0.000000e+00 : f32
      %gt3A_560 = vector.broadcast %gt3A_559 : f32 to vector<16xf32>
      %gt3A_561 = arith.cmpf ogt, %get3A_375, %gt3A_560 : vector<16xf32>
      tpu.vector_store_idx %arg8[%add3A_555], %get3A_375 masked %gt3A_561 {add = true} : memref<160xf32, #tpu.memory_space<vmem>>[vector<16xi32>], vector<16xf32>, vector<16xi1>
      tpu.vector_store_idx %arg9[%add3A_555], %add3A_558 masked %gt3A_561 {add = true} : memref<160xi32, #tpu.memory_space<vmem>>[vector<16xi32>], vector<16xi32>, vector<16xi1>
      %mul3A_562 = arith.constant 9.99999904 : f32
      %mul3A_563 = vector.broadcast %mul3A_562 : f32 to vector<16xf32>
      %mul3A_564 = arith.mulf %get3A_379, %mul3A_563 : vector<16xf32>
      %convert_element_type3A_565 = arith.fptosi %mul3A_564 : vector<16xf32> to vector<16xi32>
      %mul3A_566 = arith.constant 16 : i32
      %mul3A_567 = vector.broadcast %mul3A_566 : i32 to vector<16xi32>
      %mul3A_568 = arith.muli %convert_element_type3A_565, %mul3A_567 : vector<16xi32>
      %add3A_569 = arith.addi %mul3A_568, %iota3A : vector<16xi32>
      %add3A_570 = arith.constant 16384 : i32
      %add3A_571 = vector.broadcast %add3A_570 : i32 to vector<16xi32>
      %add3A_572 = arith.addi %get3A_443, %add3A_571 : vector<16xi32>
      %gt3A_573 = arith.constant 0.000000e+00 : f32
      %gt3A_574 = vector.broadcast %gt3A_573 : f32 to vector<16xf32>
      %gt3A_575 = arith.cmpf ogt, %get3A_379, %gt3A_574 : vector<16xf32>
      tpu.vector_store_idx %arg8[%add3A_569], %get3A_379 masked %gt3A_575 {add = true} : memref<160xf32, #tpu.memory_space<vmem>>[vector<16xi32>], vector<16xf32>, vector<16xi1>
      tpu.vector_store_idx %arg9[%add3A_569], %add3A_572 masked %gt3A_575 {add = true} : memref<160xi32, #tpu.memory_space<vmem>>[vector<16xi32>], vector<16xi32>, vector<16xi1>
      %mul3A_576 = arith.constant 9.99999904 : f32
      %mul3A_577 = vector.broadcast %mul3A_576 : f32 to vector<16xf32>
      %mul3A_578 = arith.mulf %get3A_383, %mul3A_577 : vector<16xf32>
      %convert_element_type3A_579 = arith.fptosi %mul3A_578 : vector<16xf32> to vector<16xi32>
      %mul3A_580 = arith.constant 16 : i32
      %mul3A_581 = vector.broadcast %mul3A_580 : i32 to vector<16xi32>
      %mul3A_582 = arith.muli %convert_element_type3A_579, %mul3A_581 : vector<16xi32>
      %add3A_583 = arith.addi %mul3A_582, %iota3A : vector<16xi32>
      %add3A_584 = arith.constant 16384 : i32
      %add3A_585 = vector.broadcast %add3A_584 : i32 to vector<16xi32>
      %add3A_586 = arith.addi %get3A_447, %add3A_585 : vector<16xi32>
      %gt3A_587 = arith.constant 0.000000e+00 : f32
      %gt3A_588 = vector.broadcast %gt3A_587 : f32 to vector<16xf32>
      %gt3A_589 = arith.cmpf ogt, %get3A_383, %gt3A_588 : vector<16xf32>
      tpu.vector_store_idx %arg8[%add3A_583], %get3A_383 masked %gt3A_589 {add = true} : memref<160xf32, #tpu.memory_space<vmem>>[vector<16xi32>], vector<16xf32>, vector<16xi1>
      tpu.vector_store_idx %arg9[%add3A_583], %add3A_586 masked %gt3A_589 {add = true} : memref<160xi32, #tpu.memory_space<vmem>>[vector<16xi32>], vector<16xi32>, vector<16xi1>
      %mul3A_590 = arith.constant 9.99999904 : f32
      %mul3A_591 = vector.broadcast %mul3A_590 : f32 to vector<16xf32>
      %mul3A_592 = arith.mulf %get3A_387, %mul3A_591 : vector<16xf32>
      %convert_element_type3A_593 = arith.fptosi %mul3A_592 : vector<16xf32> to vector<16xi32>
      %mul3A_594 = arith.constant 16 : i32
      %mul3A_595 = vector.broadcast %mul3A_594 : i32 to vector<16xi32>
      %mul3A_596 = arith.muli %convert_element_type3A_593, %mul3A_595 : vector<16xi32>
      %add3A_597 = arith.addi %mul3A_596, %iota3A : vector<16xi32>
      %add3A_598 = arith.constant 16384 : i32
      %add3A_599 = vector.broadcast %add3A_598 : i32 to vector<16xi32>
      %add3A_600 = arith.addi %get3A_451, %add3A_599 : vector<16xi32>
      %gt3A_601 = arith.constant 0.000000e+00 : f32
      %gt3A_602 = vector.broadcast %gt3A_601 : f32 to vector<16xf32>
      %gt3A_603 = arith.cmpf ogt, %get3A_387, %gt3A_602 : vector<16xf32>
      tpu.vector_store_idx %arg8[%add3A_597], %get3A_387 masked %gt3A_603 {add = true} : memref<160xf32, #tpu.memory_space<vmem>>[vector<16xi32>], vector<16xf32>, vector<16xi1>
      tpu.vector_store_idx %arg9[%add3A_597], %add3A_600 masked %gt3A_603 {add = true} : memref<160xi32, #tpu.memory_space<vmem>>[vector<16xi32>], vector<16xi32>, vector<16xi1>
      %mul3A_604 = arith.constant 9.99999904 : f32
      %mul3A_605 = vector.broadcast %mul3A_604 : f32 to vector<16xf32>
      %mul3A_606 = arith.mulf %get3A_391, %mul3A_605 : vector<16xf32>
      %convert_element_type3A_607 = arith.fptosi %mul3A_606 : vector<16xf32> to vector<16xi32>
      %mul3A_608 = arith.constant 16 : i32
      %mul3A_609 = vector.broadcast %mul3A_608 : i32 to vector<16xi32>
      %mul3A_610 = arith.muli %convert_element_type3A_607, %mul3A_609 : vector<16xi32>
      %add3A_611 = arith.addi %mul3A_610, %iota3A : vector<16xi32>
      %add3A_612 = arith.constant 16384 : i32
      %add3A_613 = vector.broadcast %add3A_612 : i32 to vector<16xi32>
      %add3A_614 = arith.addi %get3A_455, %add3A_613 : vector<16xi32>
      %gt3A_615 = arith.constant 0.000000e+00 : f32
      %gt3A_616 = vector.broadcast %gt3A_615 : f32 to vector<16xf32>
      %gt3A_617 = arith.cmpf ogt, %get3A_391, %gt3A_616 : vector<16xf32>
      tpu.vector_store_idx %arg8[%add3A_611], %get3A_391 masked %gt3A_617 {add = true} : memref<160xf32, #tpu.memory_space<vmem>>[vector<16xi32>], vector<16xf32>, vector<16xi1>
      tpu.vector_store_idx %arg9[%add3A_611], %add3A_614 masked %gt3A_617 {add = true} : memref<160xi32, #tpu.memory_space<vmem>>[vector<16xi32>], vector<16xi32>, vector<16xi1>
      %mul3A_618 = arith.constant 9.99999904 : f32
      %mul3A_619 = vector.broadcast %mul3A_618 : f32 to vector<16xf32>
      %mul3A_620 = arith.mulf %get3A_395, %mul3A_619 : vector<16xf32>
      %convert_element_type3A_621 = arith.fptosi %mul3A_620 : vector<16xf32> to vector<16xi32>
      %mul3A_622 = arith.constant 16 : i32
      %mul3A_623 = vector.broadcast %mul3A_622 : i32 to vector<16xi32>
      %mul3A_624 = arith.muli %convert_element_type3A_621, %mul3A_623 : vector<16xi32>
      %add3A_625 = arith.addi %mul3A_624, %iota3A : vector<16xi32>
      %add3A_626 = arith.constant 16384 : i32
      %add3A_627 = vector.broadcast %add3A_626 : i32 to vector<16xi32>
      %add3A_628 = arith.addi %get3A_459, %add3A_627 : vector<16xi32>
      %gt3A_629 = arith.constant 0.000000e+00 : f32
      %gt3A_630 = vector.broadcast %gt3A_629 : f32 to vector<16xf32>
      %gt3A_631 = arith.cmpf ogt, %get3A_395, %gt3A_630 : vector<16xf32>
      tpu.vector_store_idx %arg8[%add3A_625], %get3A_395 masked %gt3A_631 {add = true} : memref<160xf32, #tpu.memory_space<vmem>>[vector<16xi32>], vector<16xf32>, vector<16xi1>
      tpu.vector_store_idx %arg9[%add3A_625], %add3A_628 masked %gt3A_631 {add = true} : memref<160xi32, #tpu.memory_space<vmem>>[vector<16xi32>], vector<16xi32>, vector<16xi1>
      %mul3A_632 = arith.constant 9.99999904 : f32
      %mul3A_633 = vector.broadcast %mul3A_632 : f32 to vector<16xf32>
      %mul3A_634 = arith.mulf %get3A_399, %mul3A_633 : vector<16xf32>
      %convert_element_type3A_635 = arith.fptosi %mul3A_634 : vector<16xf32> to vector<16xi32>
      %mul3A_636 = arith.constant 16 : i32
      %mul3A_637 = vector.broadcast %mul3A_636 : i32 to vector<16xi32>
      %mul3A_638 = arith.muli %convert_element_type3A_635, %mul3A_637 : vector<16xi32>
      %add3A_639 = arith.addi %mul3A_638, %iota3A : vector<16xi32>
      %add3A_640 = arith.constant 16384 : i32
      %add3A_641 = vector.broadcast %add3A_640 : i32 to vector<16xi32>
      %add3A_642 = arith.addi %get3A_463, %add3A_641 : vector<16xi32>
      %gt3A_643 = arith.constant 0.000000e+00 : f32
      %gt3A_644 = vector.broadcast %gt3A_643 : f32 to vector<16xf32>
      %gt3A_645 = arith.cmpf ogt, %get3A_399, %gt3A_644 : vector<16xf32>
      tpu.vector_store_idx %arg8[%add3A_639], %get3A_399 masked %gt3A_645 {add = true} : memref<160xf32, #tpu.memory_space<vmem>>[vector<16xi32>], vector<16xf32>, vector<16xi1>
      tpu.vector_store_idx %arg9[%add3A_639], %add3A_642 masked %gt3A_645 {add = true} : memref<160xi32, #tpu.memory_space<vmem>>[vector<16xi32>], vector<16xi32>, vector<16xi1>
      %mul3A_646 = arith.constant 9.99999904 : f32
      %mul3A_647 = vector.broadcast %mul3A_646 : f32 to vector<16xf32>
      %mul3A_648 = arith.mulf %get3A_403, %mul3A_647 : vector<16xf32>
      %convert_element_type3A_649 = arith.fptosi %mul3A_648 : vector<16xf32> to vector<16xi32>
      %mul3A_650 = arith.constant 16 : i32
      %mul3A_651 = vector.broadcast %mul3A_650 : i32 to vector<16xi32>
      %mul3A_652 = arith.muli %convert_element_type3A_649, %mul3A_651 : vector<16xi32>
      %add3A_653 = arith.addi %mul3A_652, %iota3A : vector<16xi32>
      %add3A_654 = arith.constant 16384 : i32
      %add3A_655 = vector.broadcast %add3A_654 : i32 to vector<16xi32>
      %add3A_656 = arith.addi %get3A_467, %add3A_655 : vector<16xi32>
      %gt3A_657 = arith.constant 0.000000e+00 : f32
      %gt3A_658 = vector.broadcast %gt3A_657 : f32 to vector<16xf32>
      %gt3A_659 = arith.cmpf ogt, %get3A_403, %gt3A_658 : vector<16xf32>
      tpu.vector_store_idx %arg8[%add3A_653], %get3A_403 masked %gt3A_659 {add = true} : memref<160xf32, #tpu.memory_space<vmem>>[vector<16xi32>], vector<16xf32>, vector<16xi1>
      tpu.vector_store_idx %arg9[%add3A_653], %add3A_656 masked %gt3A_659 {add = true} : memref<160xi32, #tpu.memory_space<vmem>>[vector<16xi32>], vector<16xi32>, vector<16xi1>
      %mul3A_660 = arith.constant 9.99999904 : f32
      %mul3A_661 = vector.broadcast %mul3A_660 : f32 to vector<16xf32>
      %mul3A_662 = arith.mulf %get3A_407, %mul3A_661 : vector<16xf32>
      %convert_element_type3A_663 = arith.fptosi %mul3A_662 : vector<16xf32> to vector<16xi32>
      %mul3A_664 = arith.constant 16 : i32
      %mul3A_665 = vector.broadcast %mul3A_664 : i32 to vector<16xi32>
      %mul3A_666 = arith.muli %convert_element_type3A_663, %mul3A_665 : vector<16xi32>
      %add3A_667 = arith.addi %mul3A_666, %iota3A : vector<16xi32>
      %add3A_668 = arith.constant 16384 : i32
      %add3A_669 = vector.broadcast %add3A_668 : i32 to vector<16xi32>
      %add3A_670 = arith.addi %get3A_471, %add3A_669 : vector<16xi32>
      %gt3A_671 = arith.constant 0.000000e+00 : f32
      %gt3A_672 = vector.broadcast %gt3A_671 : f32 to vector<16xf32>
      %gt3A_673 = arith.cmpf ogt, %get3A_407, %gt3A_672 : vector<16xf32>
      tpu.vector_store_idx %arg8[%add3A_667], %get3A_407 masked %gt3A_673 {add = true} : memref<160xf32, #tpu.memory_space<vmem>>[vector<16xi32>], vector<16xf32>, vector<16xi1>
      tpu.vector_store_idx %arg9[%add3A_667], %add3A_670 masked %gt3A_673 {add = true} : memref<160xi32, #tpu.memory_space<vmem>>[vector<16xi32>], vector<16xi32>, vector<16xi1>
      %mul3A_674 = arith.constant 9.99999904 : f32
      %mul3A_675 = vector.broadcast %mul3A_674 : f32 to vector<16xf32>
      %mul3A_676 = arith.mulf %get3A_411, %mul3A_675 : vector<16xf32>
      %convert_element_type3A_677 = arith.fptosi %mul3A_676 : vector<16xf32> to vector<16xi32>
      %mul3A_678 = arith.constant 16 : i32
      %mul3A_679 = vector.broadcast %mul3A_678 : i32 to vector<16xi32>
      %mul3A_680 = arith.muli %convert_element_type3A_677, %mul3A_679 : vector<16xi32>
      %add3A_681 = arith.addi %mul3A_680, %iota3A : vector<16xi32>
      %add3A_682 = arith.constant 16384 : i32
      %add3A_683 = vector.broadcast %add3A_682 : i32 to vector<16xi32>
      %add3A_684 = arith.addi %get3A_475, %add3A_683 : vector<16xi32>
      %gt3A_685 = arith.constant 0.000000e+00 : f32
      %gt3A_686 = vector.broadcast %gt3A_685 : f32 to vector<16xf32>
      %gt3A_687 = arith.cmpf ogt, %get3A_411, %gt3A_686 : vector<16xf32>
      tpu.vector_store_idx %arg8[%add3A_681], %get3A_411 masked %gt3A_687 {add = true} : memref<160xf32, #tpu.memory_space<vmem>>[vector<16xi32>], vector<16xf32>, vector<16xi1>
      tpu.vector_store_idx %arg9[%add3A_681], %add3A_684 masked %gt3A_687 {add = true} : memref<160xi32, #tpu.memory_space<vmem>>[vector<16xi32>], vector<16xi32>, vector<16xi1>
      %mul3A_688 = arith.constant 9.99999904 : f32
      %mul3A_689 = vector.broadcast %mul3A_688 : f32 to vector<16xf32>
      %mul3A_690 = arith.mulf %get3A_415, %mul3A_689 : vector<16xf32>
      %convert_element_type3A_691 = arith.fptosi %mul3A_690 : vector<16xf32> to vector<16xi32>
      %mul3A_692 = arith.constant 16 : i32
      %mul3A_693 = vector.broadcast %mul3A_692 : i32 to vector<16xi32>
      %mul3A_694 = arith.muli %convert_element_type3A_691, %mul3A_693 : vector<16xi32>
      %add3A_695 = arith.addi %mul3A_694, %iota3A : vector<16xi32>
      %add3A_696 = arith.constant 16384 : i32
      %add3A_697 = vector.broadcast %add3A_696 : i32 to vector<16xi32>
      %add3A_698 = arith.addi %get3A_479, %add3A_697 : vector<16xi32>
      %gt3A_699 = arith.constant 0.000000e+00 : f32
      %gt3A_700 = vector.broadcast %gt3A_699 : f32 to vector<16xf32>
      %gt3A_701 = arith.cmpf ogt, %get3A_415, %gt3A_700 : vector<16xf32>
      tpu.vector_store_idx %arg8[%add3A_695], %get3A_415 masked %gt3A_701 {add = true} : memref<160xf32, #tpu.memory_space<vmem>>[vector<16xi32>], vector<16xf32>, vector<16xi1>
      tpu.vector_store_idx %arg9[%add3A_695], %add3A_698 masked %gt3A_701 {add = true} : memref<160xi32, #tpu.memory_space<vmem>>[vector<16xi32>], vector<16xi32>, vector<16xi1>
    }
    %scan3A_111 = arith.constant 64 : i32
    %add3A_112 = arith.constant 49152 : i32
    %add3A_113 = arith.addi %mul3A_2, %add3A_112 : i32
    %dma_start3A_114 = arith.constant 0 : i32
    %dma_start3A_115 = tpu.memref_slice %arg6[%dma_start3A_114] : memref<49152xf32, #tpu.memory_space<vmem>> -> memref<16384xf32, #tpu.memory_space<vmem>>
    %dma_start3A_116 = tpu.memref_slice %arg2[%add3A_113] : memref<4194304xf32, #tpu.memory_space<hbm>> -> memref<16384xf32, #tpu.memory_space<hbm>>
    %dma_start3A_117 = arith.constant 0 : i32
    %dma_start3A_118 = tpu.memref_slice %arg6[%dma_start3A_117] : memref<49152xf32, #tpu.memory_space<vmem>> -> memref<16384xf32, #tpu.memory_space<vmem>>
    %dma_start3A_119 = tpu.memref_slice %arg2[%add3A_113] : memref<4194304xf32, #tpu.memory_space<hbm>> -> memref<16384xf32, #tpu.memory_space<hbm>>
    tpu.enqueue_dma source(%dma_start3A_119 : memref<16384xf32, #tpu.memory_space<hbm>>) target(%dma_start3A_118 : memref<16384xf32, #tpu.memory_space<vmem>>) target_semaphore(%arg10 : memref<!tpu.dma_semaphore, #tpu.memory_space<semaphore_mem>>)
    %add3A_120 = arith.constant 49152 : i32
    %add3A_121 = arith.addi %mul3A_2, %add3A_120 : i32
    %dma_start3A_122 = arith.constant 0 : i32
    %dma_start3A_123 = tpu.memref_slice %arg7[%dma_start3A_122] : memref<49152xi32, #tpu.memory_space<vmem>> -> memref<16384xi32, #tpu.memory_space<vmem>>
    %dma_start3A_124 = tpu.memref_slice %arg3[%add3A_121] : memref<4194304xi32, #tpu.memory_space<hbm>> -> memref<16384xi32, #tpu.memory_space<hbm>>
    %dma_start3A_125 = arith.constant 0 : i32
    %dma_start3A_126 = tpu.memref_slice %arg7[%dma_start3A_125] : memref<49152xi32, #tpu.memory_space<vmem>> -> memref<16384xi32, #tpu.memory_space<vmem>>
    %dma_start3A_127 = tpu.memref_slice %arg3[%add3A_121] : memref<4194304xi32, #tpu.memory_space<hbm>> -> memref<16384xi32, #tpu.memory_space<hbm>>
    tpu.enqueue_dma source(%dma_start3A_127 : memref<16384xi32, #tpu.memory_space<hbm>>) target(%dma_start3A_126 : memref<16384xi32, #tpu.memory_space<vmem>>) target_semaphore(%arg13 : memref<!tpu.dma_semaphore, #tpu.memory_space<semaphore_mem>>)
    %add3A_128 = arith.constant 16384 : i32
    %add3A_129 = arith.addi %mul3A_2, %add3A_128 : i32
    %dma_wait3A_130 = arith.constant 16384 : i32
    %dma_wait3A_131 = tpu.memref_slice %arg6[%dma_wait3A_130] : memref<49152xf32, #tpu.memory_space<vmem>> -> memref<16384xf32, #tpu.memory_space<vmem>>
    %dma_wait3A_132 = tpu.memref_slice %arg2[%add3A_129] : memref<4194304xf32, #tpu.memory_space<hbm>> -> memref<16384xf32, #tpu.memory_space<hbm>>
    %dma_wait3A_133 = arith.constant 16384 : i32
    %dma_wait3A_134 = tpu.memref_slice %arg6[%dma_wait3A_133] : memref<49152xf32, #tpu.memory_space<vmem>> -> memref<16384xf32, #tpu.memory_space<vmem>>
    %dma_wait3A_135 = tpu.memref_slice %arg2[%add3A_129] : memref<4194304xf32, #tpu.memory_space<hbm>> -> memref<16384xf32, #tpu.memory_space<hbm>>
    tpu.wait_dma2 semaphore(%arg11 : memref<!tpu.dma_semaphore, #tpu.memory_space<semaphore_mem>>) src(%dma_wait3A_135 : memref<16384xf32, #tpu.memory_space<hbm>>) dst(%dma_wait3A_134 : memref<16384xf32, #tpu.memory_space<vmem>>)
    %add3A_136 = arith.constant 16384 : i32
    %add3A_137 = arith.addi %mul3A_2, %add3A_136 : i32
    %dma_wait3A_138 = arith.constant 16384 : i32
    %dma_wait3A_139 = tpu.memref_slice %arg7[%dma_wait3A_138] : memref<49152xi32, #tpu.memory_space<vmem>> -> memref<16384xi32, #tpu.memory_space<vmem>>
    %dma_wait3A_140 = tpu.memref_slice %arg3[%add3A_137] : memref<4194304xi32, #tpu.memory_space<hbm>> -> memref<16384xi32, #tpu.memory_space<hbm>>
    %dma_wait3A_141 = arith.constant 16384 : i32
    %dma_wait3A_142 = tpu.memref_slice %arg7[%dma_wait3A_141] : memref<49152xi32, #tpu.memory_space<vmem>> -> memref<16384xi32, #tpu.memory_space<vmem>>
    %dma_wait3A_143 = tpu.memref_slice %arg3[%add3A_137] : memref<4194304xi32, #tpu.memory_space<hbm>> -> memref<16384xi32, #tpu.memory_space<hbm>>
    tpu.wait_dma2 semaphore(%arg14 : memref<!tpu.dma_semaphore, #tpu.memory_space<semaphore_mem>>) src(%dma_wait3A_143 : memref<16384xi32, #tpu.memory_space<hbm>>) dst(%dma_wait3A_142 : memref<16384xi32, #tpu.memory_space<vmem>>)
    %scan3A_144 = arith.constant 0 : i32
    %scan3A_145 = arith.constant 0 : i32
    %scan3A_146 = arith.constant 64 : i32
    %scan3A_147 = arith.addi %scan3A_145, %scan3A_146 : i32
    %scan3A_148 = arith.constant 1 : i32
    scf.for %scan3A_348 = %scan3A_145 to %scan3A_147 step %scan3A_148  : i32 {
      %mul3A_349 = arith.constant 256 : i32
      %mul3A_350 = arith.muli %scan3A_348, %mul3A_349 : i32
      %add3A_351 = arith.constant 16384 : i32
      %add3A_352 = arith.addi %add3A_351, %mul3A_350 : i32
      %add3A_353 = arith.constant 0 : i32
      %add3A_354 = arith.addi %add3A_352, %add3A_353 : i32
      %get3A = arith.index_cast %add3A_354 : i32 to index
      %get3A_355 = tpu.vector_load %arg6[%get3A] {strides = array<i32>} : memref<49152xf32, #tpu.memory_space<vmem>>, vector<16xf32>,
      %add3A_356 = arith.constant 16 : i32
      %add3A_357 = arith.addi %add3A_352, %add3A_356 : i32
      %get3A_358 = arith.index_cast %add3A_357 : i32 to index
      %get3A_359 = tpu.vector_load %arg6[%get3A_358] {strides = array<i32>} : memref<49152xf32, #tpu.memory_space<vmem>>, vector<16xf32>,
      %add3A_360 = arith.constant 32 : i32
      %add3A_361 = arith.addi %add3A_352, %add3A_360 : i32
      %get3A_362 = arith.index_cast %add3A_361 : i32 to index
      %get3A_363 = tpu.vector_load %arg6[%get3A_362] {strides = array<i32>} : memref<49152xf32, #tpu.memory_space<vmem>>, vector<16xf32>,
      %add3A_364 = arith.constant 48 : i32
      %add3A_365 = arith.addi %add3A_352, %add3A_364 : i32
      %get3A_366 = arith.index_cast %add3A_365 : i32 to index
      %get3A_367 = tpu.vector_load %arg6[%get3A_366] {strides = array<i32>} : memref<49152xf32, #tpu.memory_space<vmem>>, vector<16xf32>,
      %add3A_368 = arith.constant 64 : i32
      %add3A_369 = arith.addi %add3A_352, %add3A_368 : i32
      %get3A_370 = arith.index_cast %add3A_369 : i32 to index
      %get3A_371 = tpu.vector_load %arg6[%get3A_370] {strides = array<i32>} : memref<49152xf32, #tpu.memory_space<vmem>>, vector<16xf32>,
      %add3A_372 = arith.constant 80 : i32
      %add3A_373 = arith.addi %add3A_352, %add3A_372 : i32
      %get3A_374 = arith.index_cast %add3A_373 : i32 to index
      %get3A_375 = tpu.vector_load %arg6[%get3A_374] {strides = array<i32>} : memref<49152xf32, #tpu.memory_space<vmem>>, vector<16xf32>,
      %add3A_376 = arith.constant 96 : i32
      %add3A_377 = arith.addi %add3A_352, %add3A_376 : i32
      %get3A_378 = arith.index_cast %add3A_377 : i32 to index
      %get3A_379 = tpu.vector_load %arg6[%get3A_378] {strides = array<i32>} : memref<49152xf32, #tpu.memory_space<vmem>>, vector<16xf32>,
      %add3A_380 = arith.constant 112 : i32
      %add3A_381 = arith.addi %add3A_352, %add3A_380 : i32
      %get3A_382 = arith.index_cast %add3A_381 : i32 to index
      %get3A_383 = tpu.vector_load %arg6[%get3A_382] {strides = array<i32>} : memref<49152xf32, #tpu.memory_space<vmem>>, vector<16xf32>,
      %add3A_384 = arith.constant 128 : i32
      %add3A_385 = arith.addi %add3A_352, %add3A_384 : i32
      %get3A_386 = arith.index_cast %add3A_385 : i32 to index
      %get3A_387 = tpu.vector_load %arg6[%get3A_386] {strides = array<i32>} : memref<49152xf32, #tpu.memory_space<vmem>>, vector<16xf32>,
      %add3A_388 = arith.constant 144 : i32
      %add3A_389 = arith.addi %add3A_352, %add3A_388 : i32
      %get3A_390 = arith.index_cast %add3A_389 : i32 to index
      %get3A_391 = tpu.vector_load %arg6[%get3A_390] {strides = array<i32>} : memref<49152xf32, #tpu.memory_space<vmem>>, vector<16xf32>,
      %add3A_392 = arith.constant 160 : i32
      %add3A_393 = arith.addi %add3A_352, %add3A_392 : i32
      %get3A_394 = arith.index_cast %add3A_393 : i32 to index
      %get3A_395 = tpu.vector_load %arg6[%get3A_394] {strides = array<i32>} : memref<49152xf32, #tpu.memory_space<vmem>>, vector<16xf32>,
      %add3A_396 = arith.constant 176 : i32
      %add3A_397 = arith.addi %add3A_352, %add3A_396 : i32
      %get3A_398 = arith.index_cast %add3A_397 : i32 to index
      %get3A_399 = tpu.vector_load %arg6[%get3A_398] {strides = array<i32>} : memref<49152xf32, #tpu.memory_space<vmem>>, vector<16xf32>,
      %add3A_400 = arith.constant 192 : i32
      %add3A_401 = arith.addi %add3A_352, %add3A_400 : i32
      %get3A_402 = arith.index_cast %add3A_401 : i32 to index
      %get3A_403 = tpu.vector_load %arg6[%get3A_402] {strides = array<i32>} : memref<49152xf32, #tpu.memory_space<vmem>>, vector<16xf32>,
      %add3A_404 = arith.constant 208 : i32
      %add3A_405 = arith.addi %add3A_352, %add3A_404 : i32
      %get3A_406 = arith.index_cast %add3A_405 : i32 to index
      %get3A_407 = tpu.vector_load %arg6[%get3A_406] {strides = array<i32>} : memref<49152xf32, #tpu.memory_space<vmem>>, vector<16xf32>,
      %add3A_408 = arith.constant 224 : i32
      %add3A_409 = arith.addi %add3A_352, %add3A_408 : i32
      %get3A_410 = arith.index_cast %add3A_409 : i32 to index
      %get3A_411 = tpu.vector_load %arg6[%get3A_410] {strides = array<i32>} : memref<49152xf32, #tpu.memory_space<vmem>>, vector<16xf32>,
      %add3A_412 = arith.constant 240 : i32
      %add3A_413 = arith.addi %add3A_352, %add3A_412 : i32
      %get3A_414 = arith.index_cast %add3A_413 : i32 to index
      %get3A_415 = tpu.vector_load %arg6[%get3A_414] {strides = array<i32>} : memref<49152xf32, #tpu.memory_space<vmem>>, vector<16xf32>,
      %add3A_416 = arith.constant 0 : i32
      %add3A_417 = arith.addi %add3A_352, %add3A_416 : i32
      %get3A_418 = arith.index_cast %add3A_417 : i32 to index
      %get3A_419 = tpu.vector_load %arg7[%get3A_418] {strides = array<i32>} : memref<49152xi32, #tpu.memory_space<vmem>>, vector<16xi32>,
      %add3A_420 = arith.constant 16 : i32
      %add3A_421 = arith.addi %add3A_352, %add3A_420 : i32
      %get3A_422 = arith.index_cast %add3A_421 : i32 to index
      %get3A_423 = tpu.vector_load %arg7[%get3A_422] {strides = array<i32>} : memref<49152xi32, #tpu.memory_space<vmem>>, vector<16xi32>,
      %add3A_424 = arith.constant 32 : i32
      %add3A_425 = arith.addi %add3A_352, %add3A_424 : i32
      %get3A_426 = arith.index_cast %add3A_425 : i32 to index
      %get3A_427 = tpu.vector_load %arg7[%get3A_426] {strides = array<i32>} : memref<49152xi32, #tpu.memory_space<vmem>>, vector<16xi32>,
      %add3A_428 = arith.constant 48 : i32
      %add3A_429 = arith.addi %add3A_352, %add3A_428 : i32
      %get3A_430 = arith.index_cast %add3A_429 : i32 to index
      %get3A_431 = tpu.vector_load %arg7[%get3A_430] {strides = array<i32>} : memref<49152xi32, #tpu.memory_space<vmem>>, vector<16xi32>,
      %add3A_432 = arith.constant 64 : i32
      %add3A_433 = arith.addi %add3A_352, %add3A_432 : i32
      %get3A_434 = arith.index_cast %add3A_433 : i32 to index
      %get3A_435 = tpu.vector_load %arg7[%get3A_434] {strides = array<i32>} : memref<49152xi32, #tpu.memory_space<vmem>>, vector<16xi32>,
      %add3A_436 = arith.constant 80 : i32
      %add3A_437 = arith.addi %add3A_352, %add3A_436 : i32
      %get3A_438 = arith.index_cast %add3A_437 : i32 to index
      %get3A_439 = tpu.vector_load %arg7[%get3A_438] {strides = array<i32>} : memref<49152xi32, #tpu.memory_space<vmem>>, vector<16xi32>,
      %add3A_440 = arith.constant 96 : i32
      %add3A_441 = arith.addi %add3A_352, %add3A_440 : i32
      %get3A_442 = arith.index_cast %add3A_441 : i32 to index
      %get3A_443 = tpu.vector_load %arg7[%get3A_442] {strides = array<i32>} : memref<49152xi32, #tpu.memory_space<vmem>>, vector<16xi32>,
      %add3A_444 = arith.constant 112 : i32
      %add3A_445 = arith.addi %add3A_352, %add3A_444 : i32
      %get3A_446 = arith.index_cast %add3A_445 : i32 to index
      %get3A_447 = tpu.vector_load %arg7[%get3A_446] {strides = array<i32>} : memref<49152xi32, #tpu.memory_space<vmem>>, vector<16xi32>,
      %add3A_448 = arith.constant 128 : i32
      %add3A_449 = arith.addi %add3A_352, %add3A_448 : i32
      %get3A_450 = arith.index_cast %add3A_449 : i32 to index
      %get3A_451 = tpu.vector_load %arg7[%get3A_450] {strides = array<i32>} : memref<49152xi32, #tpu.memory_space<vmem>>, vector<16xi32>,
      %add3A_452 = arith.constant 144 : i32
      %add3A_453 = arith.addi %add3A_352, %add3A_452 : i32
      %get3A_454 = arith.index_cast %add3A_453 : i32 to index
      %get3A_455 = tpu.vector_load %arg7[%get3A_454] {strides = array<i32>} : memref<49152xi32, #tpu.memory_space<vmem>>, vector<16xi32>,
      %add3A_456 = arith.constant 160 : i32
      %add3A_457 = arith.addi %add3A_352, %add3A_456 : i32
      %get3A_458 = arith.index_cast %add3A_457 : i32 to index
      %get3A_459 = tpu.vector_load %arg7[%get3A_458] {strides = array<i32>} : memref<49152xi32, #tpu.memory_space<vmem>>, vector<16xi32>,
      %add3A_460 = arith.constant 176 : i32
      %add3A_461 = arith.addi %add3A_352, %add3A_460 : i32
      %get3A_462 = arith.index_cast %add3A_461 : i32 to index
      %get3A_463 = tpu.vector_load %arg7[%get3A_462] {strides = array<i32>} : memref<49152xi32, #tpu.memory_space<vmem>>, vector<16xi32>,
      %add3A_464 = arith.constant 192 : i32
      %add3A_465 = arith.addi %add3A_352, %add3A_464 : i32
      %get3A_466 = arith.index_cast %add3A_465 : i32 to index
      %get3A_467 = tpu.vector_load %arg7[%get3A_466] {strides = array<i32>} : memref<49152xi32, #tpu.memory_space<vmem>>, vector<16xi32>,
      %add3A_468 = arith.constant 208 : i32
      %add3A_469 = arith.addi %add3A_352, %add3A_468 : i32
      %get3A_470 = arith.index_cast %add3A_469 : i32 to index
      %get3A_471 = tpu.vector_load %arg7[%get3A_470] {strides = array<i32>} : memref<49152xi32, #tpu.memory_space<vmem>>, vector<16xi32>,
      %add3A_472 = arith.constant 224 : i32
      %add3A_473 = arith.addi %add3A_352, %add3A_472 : i32
      %get3A_474 = arith.index_cast %add3A_473 : i32 to index
      %get3A_475 = tpu.vector_load %arg7[%get3A_474] {strides = array<i32>} : memref<49152xi32, #tpu.memory_space<vmem>>, vector<16xi32>,
      %add3A_476 = arith.constant 240 : i32
      %add3A_477 = arith.addi %add3A_352, %add3A_476 : i32
      %get3A_478 = arith.index_cast %add3A_477 : i32 to index
      %get3A_479 = tpu.vector_load %arg7[%get3A_478] {strides = array<i32>} : memref<49152xi32, #tpu.memory_space<vmem>>, vector<16xi32>,
      %mul3A_480 = arith.constant 9.99999904 : f32
      %mul3A_481 = vector.broadcast %mul3A_480 : f32 to vector<16xf32>
      %mul3A_482 = arith.mulf %get3A_355, %mul3A_481 : vector<16xf32>
      %convert_element_type3A = arith.fptosi %mul3A_482 : vector<16xf32> to vector<16xi32>
      %mul3A_483 = arith.constant 16 : i32
      %mul3A_484 = vector.broadcast %mul3A_483 : i32 to vector<16xi32>
      %mul3A_485 = arith.muli %convert_element_type3A, %mul3A_484 : vector<16xi32>
      %add3A_486 = arith.addi %mul3A_485, %iota3A : vector<16xi32>
      %add3A_487 = arith.constant 16384 : i32
      %add3A_488 = vector.broadcast %add3A_487 : i32 to vector<16xi32>
      %add3A_489 = arith.addi %get3A_419, %add3A_488 : vector<16xi32>
      %gt3A = arith.constant 0.000000e+00 : f32
      %gt3A_490 = vector.broadcast %gt3A : f32 to vector<16xf32>
      %gt3A_491 = arith.cmpf ogt, %get3A_355, %gt3A_490 : vector<16xf32>
      tpu.vector_store_idx %arg8[%add3A_486], %get3A_355 masked %gt3A_491 {add = true} : memref<160xf32, #tpu.memory_space<vmem>>[vector<16xi32>], vector<16xf32>, vector<16xi1>
      tpu.vector_store_idx %arg9[%add3A_486], %add3A_489 masked %gt3A_491 {add = true} : memref<160xi32, #tpu.memory_space<vmem>>[vector<16xi32>], vector<16xi32>, vector<16xi1>
      %mul3A_492 = arith.constant 9.99999904 : f32
      %mul3A_493 = vector.broadcast %mul3A_492 : f32 to vector<16xf32>
      %mul3A_494 = arith.mulf %get3A_359, %mul3A_493 : vector<16xf32>
      %convert_element_type3A_495 = arith.fptosi %mul3A_494 : vector<16xf32> to vector<16xi32>
      %mul3A_496 = arith.constant 16 : i32
      %mul3A_497 = vector.broadcast %mul3A_496 : i32 to vector<16xi32>
      %mul3A_498 = arith.muli %convert_element_type3A_495, %mul3A_497 : vector<16xi32>
      %add3A_499 = arith.addi %mul3A_498, %iota3A : vector<16xi32>
      %add3A_500 = arith.constant 16384 : i32
      %add3A_501 = vector.broadcast %add3A_500 : i32 to vector<16xi32>
      %add3A_502 = arith.addi %get3A_423, %add3A_501 : vector<16xi32>
      %gt3A_503 = arith.constant 0.000000e+00 : f32
      %gt3A_504 = vector.broadcast %gt3A_503 : f32 to vector<16xf32>
      %gt3A_505 = arith.cmpf ogt, %get3A_359, %gt3A_504 : vector<16xf32>
      tpu.vector_store_idx %arg8[%add3A_499], %get3A_359 masked %gt3A_505 {add = true} : memref<160xf32, #tpu.memory_space<vmem>>[vector<16xi32>], vector<16xf32>, vector<16xi1>
      tpu.vector_store_idx %arg9[%add3A_499], %add3A_502 masked %gt3A_505 {add = true} : memref<160xi32, #tpu.memory_space<vmem>>[vector<16xi32>], vector<16xi32>, vector<16xi1>
      %mul3A_506 = arith.constant 9.99999904 : f32
      %mul3A_507 = vector.broadcast %mul3A_506 : f32 to vector<16xf32>
      %mul3A_508 = arith.mulf %get3A_363, %mul3A_507 : vector<16xf32>
      %convert_element_type3A_509 = arith.fptosi %mul3A_508 : vector<16xf32> to vector<16xi32>
      %mul3A_510 = arith.constant 16 : i32
      %mul3A_511 = vector.broadcast %mul3A_510 : i32 to vector<16xi32>
      %mul3A_512 = arith.muli %convert_element_type3A_509, %mul3A_511 : vector<16xi32>
      %add3A_513 = arith.addi %mul3A_512, %iota3A : vector<16xi32>
      %add3A_514 = arith.constant 16384 : i32
      %add3A_515 = vector.broadcast %add3A_514 : i32 to vector<16xi32>
      %add3A_516 = arith.addi %get3A_427, %add3A_515 : vector<16xi32>
      %gt3A_517 = arith.constant 0.000000e+00 : f32
      %gt3A_518 = vector.broadcast %gt3A_517 : f32 to vector<16xf32>
      %gt3A_519 = arith.cmpf ogt, %get3A_363, %gt3A_518 : vector<16xf32>
      tpu.vector_store_idx %arg8[%add3A_513], %get3A_363 masked %gt3A_519 {add = true} : memref<160xf32, #tpu.memory_space<vmem>>[vector<16xi32>], vector<16xf32>, vector<16xi1>
      tpu.vector_store_idx %arg9[%add3A_513], %add3A_516 masked %gt3A_519 {add = true} : memref<160xi32, #tpu.memory_space<vmem>>[vector<16xi32>], vector<16xi32>, vector<16xi1>
      %mul3A_520 = arith.constant 9.99999904 : f32
      %mul3A_521 = vector.broadcast %mul3A_520 : f32 to vector<16xf32>
      %mul3A_522 = arith.mulf %get3A_367, %mul3A_521 : vector<16xf32>
      %convert_element_type3A_523 = arith.fptosi %mul3A_522 : vector<16xf32> to vector<16xi32>
      %mul3A_524 = arith.constant 16 : i32
      %mul3A_525 = vector.broadcast %mul3A_524 : i32 to vector<16xi32>
      %mul3A_526 = arith.muli %convert_element_type3A_523, %mul3A_525 : vector<16xi32>
      %add3A_527 = arith.addi %mul3A_526, %iota3A : vector<16xi32>
      %add3A_528 = arith.constant 16384 : i32
      %add3A_529 = vector.broadcast %add3A_528 : i32 to vector<16xi32>
      %add3A_530 = arith.addi %get3A_431, %add3A_529 : vector<16xi32>
      %gt3A_531 = arith.constant 0.000000e+00 : f32
      %gt3A_532 = vector.broadcast %gt3A_531 : f32 to vector<16xf32>
      %gt3A_533 = arith.cmpf ogt, %get3A_367, %gt3A_532 : vector<16xf32>
      tpu.vector_store_idx %arg8[%add3A_527], %get3A_367 masked %gt3A_533 {add = true} : memref<160xf32, #tpu.memory_space<vmem>>[vector<16xi32>], vector<16xf32>, vector<16xi1>
      tpu.vector_store_idx %arg9[%add3A_527], %add3A_530 masked %gt3A_533 {add = true} : memref<160xi32, #tpu.memory_space<vmem>>[vector<16xi32>], vector<16xi32>, vector<16xi1>
      %mul3A_534 = arith.constant 9.99999904 : f32
      %mul3A_535 = vector.broadcast %mul3A_534 : f32 to vector<16xf32>
      %mul3A_536 = arith.mulf %get3A_371, %mul3A_535 : vector<16xf32>
      %convert_element_type3A_537 = arith.fptosi %mul3A_536 : vector<16xf32> to vector<16xi32>
      %mul3A_538 = arith.constant 16 : i32
      %mul3A_539 = vector.broadcast %mul3A_538 : i32 to vector<16xi32>
      %mul3A_540 = arith.muli %convert_element_type3A_537, %mul3A_539 : vector<16xi32>
      %add3A_541 = arith.addi %mul3A_540, %iota3A : vector<16xi32>
      %add3A_542 = arith.constant 16384 : i32
      %add3A_543 = vector.broadcast %add3A_542 : i32 to vector<16xi32>
      %add3A_544 = arith.addi %get3A_435, %add3A_543 : vector<16xi32>
      %gt3A_545 = arith.constant 0.000000e+00 : f32
      %gt3A_546 = vector.broadcast %gt3A_545 : f32 to vector<16xf32>
      %gt3A_547 = arith.cmpf ogt, %get3A_371, %gt3A_546 : vector<16xf32>
      tpu.vector_store_idx %arg8[%add3A_541], %get3A_371 masked %gt3A_547 {add = true} : memref<160xf32, #tpu.memory_space<vmem>>[vector<16xi32>], vector<16xf32>, vector<16xi1>
      tpu.vector_store_idx %arg9[%add3A_541], %add3A_544 masked %gt3A_547 {add = true} : memref<160xi32, #tpu.memory_space<vmem>>[vector<16xi32>], vector<16xi32>, vector<16xi1>
      %mul3A_548 = arith.constant 9.99999904 : f32
      %mul3A_549 = vector.broadcast %mul3A_548 : f32 to vector<16xf32>
      %mul3A_550 = arith.mulf %get3A_375, %mul3A_549 : vector<16xf32>
      %convert_element_type3A_551 = arith.fptosi %mul3A_550 : vector<16xf32> to vector<16xi32>
      %mul3A_552 = arith.constant 16 : i32
      %mul3A_553 = vector.broadcast %mul3A_552 : i32 to vector<16xi32>
      %mul3A_554 = arith.muli %convert_element_type3A_551, %mul3A_553 : vector<16xi32>
      %add3A_555 = arith.addi %mul3A_554, %iota3A : vector<16xi32>
      %add3A_556 = arith.constant 16384 : i32
      %add3A_557 = vector.broadcast %add3A_556 : i32 to vector<16xi32>
      %add3A_558 = arith.addi %get3A_439, %add3A_557 : vector<16xi32>
      %gt3A_559 = arith.constant 0.000000e+00 : f32
      %gt3A_560 = vector.broadcast %gt3A_559 : f32 to vector<16xf32>
      %gt3A_561 = arith.cmpf ogt, %get3A_375, %gt3A_560 : vector<16xf32>
      tpu.vector_store_idx %arg8[%add3A_555], %get3A_375 masked %gt3A_561 {add = true} : memref<160xf32, #tpu.memory_space<vmem>>[vector<16xi32>], vector<16xf32>, vector<16xi1>
      tpu.vector_store_idx %arg9[%add3A_555], %add3A_558 masked %gt3A_561 {add = true} : memref<160xi32, #tpu.memory_space<vmem>>[vector<16xi32>], vector<16xi32>, vector<16xi1>
      %mul3A_562 = arith.constant 9.99999904 : f32
      %mul3A_563 = vector.broadcast %mul3A_562 : f32 to vector<16xf32>
      %mul3A_564 = arith.mulf %get3A_379, %mul3A_563 : vector<16xf32>
      %convert_element_type3A_565 = arith.fptosi %mul3A_564 : vector<16xf32> to vector<16xi32>
      %mul3A_566 = arith.constant 16 : i32
      %mul3A_567 = vector.broadcast %mul3A_566 : i32 to vector<16xi32>
      %mul3A_568 = arith.muli %convert_element_type3A_565, %mul3A_567 : vector<16xi32>
      %add3A_569 = arith.addi %mul3A_568, %iota3A : vector<16xi32>
      %add3A_570 = arith.constant 16384 : i32
      %add3A_571 = vector.broadcast %add3A_570 : i32 to vector<16xi32>
      %add3A_572 = arith.addi %get3A_443, %add3A_571 : vector<16xi32>
      %gt3A_573 = arith.constant 0.000000e+00 : f32
      %gt3A_574 = vector.broadcast %gt3A_573 : f32 to vector<16xf32>
      %gt3A_575 = arith.cmpf ogt, %get3A_379, %gt3A_574 : vector<16xf32>
      tpu.vector_store_idx %arg8[%add3A_569], %get3A_379 masked %gt3A_575 {add = true} : memref<160xf32, #tpu.memory_space<vmem>>[vector<16xi32>], vector<16xf32>, vector<16xi1>
      tpu.vector_store_idx %arg9[%add3A_569], %add3A_572 masked %gt3A_575 {add = true} : memref<160xi32, #tpu.memory_space<vmem>>[vector<16xi32>], vector<16xi32>, vector<16xi1>
      %mul3A_576 = arith.constant 9.99999904 : f32
      %mul3A_577 = vector.broadcast %mul3A_576 : f32 to vector<16xf32>
      %mul3A_578 = arith.mulf %get3A_383, %mul3A_577 : vector<16xf32>
      %convert_element_type3A_579 = arith.fptosi %mul3A_578 : vector<16xf32> to vector<16xi32>
      %mul3A_580 = arith.constant 16 : i32
      %mul3A_581 = vector.broadcast %mul3A_580 : i32 to vector<16xi32>
      %mul3A_582 = arith.muli %convert_element_type3A_579, %mul3A_581 : vector<16xi32>
      %add3A_583 = arith.addi %mul3A_582, %iota3A : vector<16xi32>
      %add3A_584 = arith.constant 16384 : i32
      %add3A_585 = vector.broadcast %add3A_584 : i32 to vector<16xi32>
      %add3A_586 = arith.addi %get3A_447, %add3A_585 : vector<16xi32>
      %gt3A_587 = arith.constant 0.000000e+00 : f32
      %gt3A_588 = vector.broadcast %gt3A_587 : f32 to vector<16xf32>
      %gt3A_589 = arith.cmpf ogt, %get3A_383, %gt3A_588 : vector<16xf32>
      tpu.vector_store_idx %arg8[%add3A_583], %get3A_383 masked %gt3A_589 {add = true} : memref<160xf32, #tpu.memory_space<vmem>>[vector<16xi32>], vector<16xf32>, vector<16xi1>
      tpu.vector_store_idx %arg9[%add3A_583], %add3A_586 masked %gt3A_589 {add = true} : memref<160xi32, #tpu.memory_space<vmem>>[vector<16xi32>], vector<16xi32>, vector<16xi1>
      %mul3A_590 = arith.constant 9.99999904 : f32
      %mul3A_591 = vector.broadcast %mul3A_590 : f32 to vector<16xf32>
      %mul3A_592 = arith.mulf %get3A_387, %mul3A_591 : vector<16xf32>
      %convert_element_type3A_593 = arith.fptosi %mul3A_592 : vector<16xf32> to vector<16xi32>
      %mul3A_594 = arith.constant 16 : i32
      %mul3A_595 = vector.broadcast %mul3A_594 : i32 to vector<16xi32>
      %mul3A_596 = arith.muli %convert_element_type3A_593, %mul3A_595 : vector<16xi32>
      %add3A_597 = arith.addi %mul3A_596, %iota3A : vector<16xi32>
      %add3A_598 = arith.constant 16384 : i32
      %add3A_599 = vector.broadcast %add3A_598 : i32 to vector<16xi32>
      %add3A_600 = arith.addi %get3A_451, %add3A_599 : vector<16xi32>
      %gt3A_601 = arith.constant 0.000000e+00 : f32
      %gt3A_602 = vector.broadcast %gt3A_601 : f32 to vector<16xf32>
      %gt3A_603 = arith.cmpf ogt, %get3A_387, %gt3A_602 : vector<16xf32>
      tpu.vector_store_idx %arg8[%add3A_597], %get3A_387 masked %gt3A_603 {add = true} : memref<160xf32, #tpu.memory_space<vmem>>[vector<16xi32>], vector<16xf32>, vector<16xi1>
      tpu.vector_store_idx %arg9[%add3A_597], %add3A_600 masked %gt3A_603 {add = true} : memref<160xi32, #tpu.memory_space<vmem>>[vector<16xi32>], vector<16xi32>, vector<16xi1>
      %mul3A_604 = arith.constant 9.99999904 : f32
      %mul3A_605 = vector.broadcast %mul3A_604 : f32 to vector<16xf32>
      %mul3A_606 = arith.mulf %get3A_391, %mul3A_605 : vector<16xf32>
      %convert_element_type3A_607 = arith.fptosi %mul3A_606 : vector<16xf32> to vector<16xi32>
      %mul3A_608 = arith.constant 16 : i32
      %mul3A_609 = vector.broadcast %mul3A_608 : i32 to vector<16xi32>
      %mul3A_610 = arith.muli %convert_element_type3A_607, %mul3A_609 : vector<16xi32>
      %add3A_611 = arith.addi %mul3A_610, %iota3A : vector<16xi32>
      %add3A_612 = arith.constant 16384 : i32
      %add3A_613 = vector.broadcast %add3A_612 : i32 to vector<16xi32>
      %add3A_614 = arith.addi %get3A_455, %add3A_613 : vector<16xi32>
      %gt3A_615 = arith.constant 0.000000e+00 : f32
      %gt3A_616 = vector.broadcast %gt3A_615 : f32 to vector<16xf32>
      %gt3A_617 = arith.cmpf ogt, %get3A_391, %gt3A_616 : vector<16xf32>
      tpu.vector_store_idx %arg8[%add3A_611], %get3A_391 masked %gt3A_617 {add = true} : memref<160xf32, #tpu.memory_space<vmem>>[vector<16xi32>], vector<16xf32>, vector<16xi1>
      tpu.vector_store_idx %arg9[%add3A_611], %add3A_614 masked %gt3A_617 {add = true} : memref<160xi32, #tpu.memory_space<vmem>>[vector<16xi32>], vector<16xi32>, vector<16xi1>
      %mul3A_618 = arith.constant 9.99999904 : f32
      %mul3A_619 = vector.broadcast %mul3A_618 : f32 to vector<16xf32>
      %mul3A_620 = arith.mulf %get3A_395, %mul3A_619 : vector<16xf32>
      %convert_element_type3A_621 = arith.fptosi %mul3A_620 : vector<16xf32> to vector<16xi32>
      %mul3A_622 = arith.constant 16 : i32
      %mul3A_623 = vector.broadcast %mul3A_622 : i32 to vector<16xi32>
      %mul3A_624 = arith.muli %convert_element_type3A_621, %mul3A_623 : vector<16xi32>
      %add3A_625 = arith.addi %mul3A_624, %iota3A : vector<16xi32>
      %add3A_626 = arith.constant 16384 : i32
      %add3A_627 = vector.broadcast %add3A_626 : i32 to vector<16xi32>
      %add3A_628 = arith.addi %get3A_459, %add3A_627 : vector<16xi32>
      %gt3A_629 = arith.constant 0.000000e+00 : f32
      %gt3A_630 = vector.broadcast %gt3A_629 : f32 to vector<16xf32>
      %gt3A_631 = arith.cmpf ogt, %get3A_395, %gt3A_630 : vector<16xf32>
      tpu.vector_store_idx %arg8[%add3A_625], %get3A_395 masked %gt3A_631 {add = true} : memref<160xf32, #tpu.memory_space<vmem>>[vector<16xi32>], vector<16xf32>, vector<16xi1>
      tpu.vector_store_idx %arg9[%add3A_625], %add3A_628 masked %gt3A_631 {add = true} : memref<160xi32, #tpu.memory_space<vmem>>[vector<16xi32>], vector<16xi32>, vector<16xi1>
      %mul3A_632 = arith.constant 9.99999904 : f32
      %mul3A_633 = vector.broadcast %mul3A_632 : f32 to vector<16xf32>
      %mul3A_634 = arith.mulf %get3A_399, %mul3A_633 : vector<16xf32>
      %convert_element_type3A_635 = arith.fptosi %mul3A_634 : vector<16xf32> to vector<16xi32>
      %mul3A_636 = arith.constant 16 : i32
      %mul3A_637 = vector.broadcast %mul3A_636 : i32 to vector<16xi32>
      %mul3A_638 = arith.muli %convert_element_type3A_635, %mul3A_637 : vector<16xi32>
      %add3A_639 = arith.addi %mul3A_638, %iota3A : vector<16xi32>
      %add3A_640 = arith.constant 16384 : i32
      %add3A_641 = vector.broadcast %add3A_640 : i32 to vector<16xi32>
      %add3A_642 = arith.addi %get3A_463, %add3A_641 : vector<16xi32>
      %gt3A_643 = arith.constant 0.000000e+00 : f32
      %gt3A_644 = vector.broadcast %gt3A_643 : f32 to vector<16xf32>
      %gt3A_645 = arith.cmpf ogt, %get3A_399, %gt3A_644 : vector<16xf32>
      tpu.vector_store_idx %arg8[%add3A_639], %get3A_399 masked %gt3A_645 {add = true} : memref<160xf32, #tpu.memory_space<vmem>>[vector<16xi32>], vector<16xf32>, vector<16xi1>
      tpu.vector_store_idx %arg9[%add3A_639], %add3A_642 masked %gt3A_645 {add = true} : memref<160xi32, #tpu.memory_space<vmem>>[vector<16xi32>], vector<16xi32>, vector<16xi1>
      %mul3A_646 = arith.constant 9.99999904 : f32
      %mul3A_647 = vector.broadcast %mul3A_646 : f32 to vector<16xf32>
      %mul3A_648 = arith.mulf %get3A_403, %mul3A_647 : vector<16xf32>
      %convert_element_type3A_649 = arith.fptosi %mul3A_648 : vector<16xf32> to vector<16xi32>
      %mul3A_650 = arith.constant 16 : i32
      %mul3A_651 = vector.broadcast %mul3A_650 : i32 to vector<16xi32>
      %mul3A_652 = arith.muli %convert_element_type3A_649, %mul3A_651 : vector<16xi32>
      %add3A_653 = arith.addi %mul3A_652, %iota3A : vector<16xi32>
      %add3A_654 = arith.constant 16384 : i32
      %add3A_655 = vector.broadcast %add3A_654 : i32 to vector<16xi32>
      %add3A_656 = arith.addi %get3A_467, %add3A_655 : vector<16xi32>
      %gt3A_657 = arith.constant 0.000000e+00 : f32
      %gt3A_658 = vector.broadcast %gt3A_657 : f32 to vector<16xf32>
      %gt3A_659 = arith.cmpf ogt, %get3A_403, %gt3A_658 : vector<16xf32>
      tpu.vector_store_idx %arg8[%add3A_653], %get3A_403 masked %gt3A_659 {add = true} : memref<160xf32, #tpu.memory_space<vmem>>[vector<16xi32>], vector<16xf32>, vector<16xi1>
      tpu.vector_store_idx %arg9[%add3A_653], %add3A_656 masked %gt3A_659 {add = true} : memref<160xi32, #tpu.memory_space<vmem>>[vector<16xi32>], vector<16xi32>, vector<16xi1>
      %mul3A_660 = arith.constant 9.99999904 : f32
      %mul3A_661 = vector.broadcast %mul3A_660 : f32 to vector<16xf32>
      %mul3A_662 = arith.mulf %get3A_407, %mul3A_661 : vector<16xf32>
      %convert_element_type3A_663 = arith.fptosi %mul3A_662 : vector<16xf32> to vector<16xi32>
      %mul3A_664 = arith.constant 16 : i32
      %mul3A_665 = vector.broadcast %mul3A_664 : i32 to vector<16xi32>
      %mul3A_666 = arith.muli %convert_element_type3A_663, %mul3A_665 : vector<16xi32>
      %add3A_667 = arith.addi %mul3A_666, %iota3A : vector<16xi32>
      %add3A_668 = arith.constant 16384 : i32
      %add3A_669 = vector.broadcast %add3A_668 : i32 to vector<16xi32>
      %add3A_670 = arith.addi %get3A_471, %add3A_669 : vector<16xi32>
      %gt3A_671 = arith.constant 0.000000e+00 : f32
      %gt3A_672 = vector.broadcast %gt3A_671 : f32 to vector<16xf32>
      %gt3A_673 = arith.cmpf ogt, %get3A_407, %gt3A_672 : vector<16xf32>
      tpu.vector_store_idx %arg8[%add3A_667], %get3A_407 masked %gt3A_673 {add = true} : memref<160xf32, #tpu.memory_space<vmem>>[vector<16xi32>], vector<16xf32>, vector<16xi1>
      tpu.vector_store_idx %arg9[%add3A_667], %add3A_670 masked %gt3A_673 {add = true} : memref<160xi32, #tpu.memory_space<vmem>>[vector<16xi32>], vector<16xi32>, vector<16xi1>
      %mul3A_674 = arith.constant 9.99999904 : f32
      %mul3A_675 = vector.broadcast %mul3A_674 : f32 to vector<16xf32>
      %mul3A_676 = arith.mulf %get3A_411, %mul3A_675 : vector<16xf32>
      %convert_element_type3A_677 = arith.fptosi %mul3A_676 : vector<16xf32> to vector<16xi32>
      %mul3A_678 = arith.constant 16 : i32
      %mul3A_679 = vector.broadcast %mul3A_678 : i32 to vector<16xi32>
      %mul3A_680 = arith.muli %convert_element_type3A_677, %mul3A_679 : vector<16xi32>
      %add3A_681 = arith.addi %mul3A_680, %iota3A : vector<16xi32>
      %add3A_682 = arith.constant 16384 : i32
      %add3A_683 = vector.broadcast %add3A_682 : i32 to vector<16xi32>
      %add3A_684 = arith.addi %get3A_475, %add3A_683 : vector<16xi32>
      %gt3A_685 = arith.constant 0.000000e+00 : f32
      %gt3A_686 = vector.broadcast %gt3A_685 : f32 to vector<16xf32>
      %gt3A_687 = arith.cmpf ogt, %get3A_411, %gt3A_686 : vector<16xf32>
      tpu.vector_store_idx %arg8[%add3A_681], %get3A_411 masked %gt3A_687 {add = true} : memref<160xf32, #tpu.memory_space<vmem>>[vector<16xi32>], vector<16xf32>, vector<16xi1>
      tpu.vector_store_idx %arg9[%add3A_681], %add3A_684 masked %gt3A_687 {add = true} : memref<160xi32, #tpu.memory_space<vmem>>[vector<16xi32>], vector<16xi32>, vector<16xi1>
      %mul3A_688 = arith.constant 9.99999904 : f32
      %mul3A_689 = vector.broadcast %mul3A_688 : f32 to vector<16xf32>
      %mul3A_690 = arith.mulf %get3A_415, %mul3A_689 : vector<16xf32>
      %convert_element_type3A_691 = arith.fptosi %mul3A_690 : vector<16xf32> to vector<16xi32>
      %mul3A_692 = arith.constant 16 : i32
      %mul3A_693 = vector.broadcast %mul3A_692 : i32 to vector<16xi32>
      %mul3A_694 = arith.muli %convert_element_type3A_691, %mul3A_693 : vector<16xi32>
      %add3A_695 = arith.addi %mul3A_694, %iota3A : vector<16xi32>
      %add3A_696 = arith.constant 16384 : i32
      %add3A_697 = vector.broadcast %add3A_696 : i32 to vector<16xi32>
      %add3A_698 = arith.addi %get3A_479, %add3A_697 : vector<16xi32>
      %gt3A_699 = arith.constant 0.000000e+00 : f32
      %gt3A_700 = vector.broadcast %gt3A_699 : f32 to vector<16xf32>
      %gt3A_701 = arith.cmpf ogt, %get3A_415, %gt3A_700 : vector<16xf32>
      tpu.vector_store_idx %arg8[%add3A_695], %get3A_415 masked %gt3A_701 {add = true} : memref<160xf32, #tpu.memory_space<vmem>>[vector<16xi32>], vector<16xf32>, vector<16xi1>
      tpu.vector_store_idx %arg9[%add3A_695], %add3A_698 masked %gt3A_701 {add = true} : memref<160xi32, #tpu.memory_space<vmem>>[vector<16xi32>], vector<16xi32>, vector<16xi1>
    }
    %scan3A_149 = arith.constant 64 : i32
    %add3A_150 = arith.constant 65536 : i32
    %add3A_151 = arith.addi %mul3A_2, %add3A_150 : i32
    %dma_start3A_152 = arith.constant 16384 : i32
    %dma_start3A_153 = tpu.memref_slice %arg6[%dma_start3A_152] : memref<49152xf32, #tpu.memory_space<vmem>> -> memref<16384xf32, #tpu.memory_space<vmem>>
    %dma_start3A_154 = tpu.memref_slice %arg2[%add3A_151] : memref<4194304xf32, #tpu.memory_space<hbm>> -> memref<16384xf32, #tpu.memory_space<hbm>>
    %dma_start3A_155 = arith.constant 16384 : i32
    %dma_start3A_156 = tpu.memref_slice %arg6[%dma_start3A_155] : memref<49152xf32, #tpu.memory_space<vmem>> -> memref<16384xf32, #tpu.memory_space<vmem>>
    %dma_start3A_157 = tpu.memref_slice %arg2[%add3A_151] : memref<4194304xf32, #tpu.memory_space<hbm>> -> memref<16384xf32, #tpu.memory_space<hbm>>
    tpu.enqueue_dma source(%dma_start3A_157 : memref<16384xf32, #tpu.memory_space<hbm>>) target(%dma_start3A_156 : memref<16384xf32, #tpu.memory_space<vmem>>) target_semaphore(%arg11 : memref<!tpu.dma_semaphore, #tpu.memory_space<semaphore_mem>>)
    %add3A_158 = arith.constant 65536 : i32
    %add3A_159 = arith.addi %mul3A_2, %add3A_158 : i32
    %dma_start3A_160 = arith.constant 16384 : i32
    %dma_start3A_161 = tpu.memref_slice %arg7[%dma_start3A_160] : memref<49152xi32, #tpu.memory_space<vmem>> -> memref<16384xi32, #tpu.memory_space<vmem>>
    %dma_start3A_162 = tpu.memref_slice %arg3[%add3A_159] : memref<4194304xi32, #tpu.memory_space<hbm>> -> memref<16384xi32, #tpu.memory_space<hbm>>
    %dma_start3A_163 = arith.constant 16384 : i32
    %dma_start3A_164 = tpu.memref_slice %arg7[%dma_start3A_163] : memref<49152xi32, #tpu.memory_space<vmem>> -> memref<16384xi32, #tpu.memory_space<vmem>>
    %dma_start3A_165 = tpu.memref_slice %arg3[%add3A_159] : memref<4194304xi32, #tpu.memory_space<hbm>> -> memref<16384xi32, #tpu.memory_space<hbm>>
    tpu.enqueue_dma source(%dma_start3A_165 : memref<16384xi32, #tpu.memory_space<hbm>>) target(%dma_start3A_164 : memref<16384xi32, #tpu.memory_space<vmem>>) target_semaphore(%arg14 : memref<!tpu.dma_semaphore, #tpu.memory_space<semaphore_mem>>)
    %add3A_166 = arith.constant 32768 : i32
    %add3A_167 = arith.addi %mul3A_2, %add3A_166 : i32
    %dma_wait3A_168 = arith.constant 32768 : i32
    %dma_wait3A_169 = tpu.memref_slice %arg6[%dma_wait3A_168] : memref<49152xf32, #tpu.memory_space<vmem>> -> memref<16384xf32, #tpu.memory_space<vmem>>
    %dma_wait3A_170 = tpu.memref_slice %arg2[%add3A_167] : memref<4194304xf32, #tpu.memory_space<hbm>> -> memref<16384xf32, #tpu.memory_space<hbm>>
    %dma_wait3A_171 = arith.constant 32768 : i32
    %dma_wait3A_172 = tpu.memref_slice %arg6[%dma_wait3A_171] : memref<49152xf32, #tpu.memory_space<vmem>> -> memref<16384xf32, #tpu.memory_space<vmem>>
    %dma_wait3A_173 = tpu.memref_slice %arg2[%add3A_167] : memref<4194304xf32, #tpu.memory_space<hbm>> -> memref<16384xf32, #tpu.memory_space<hbm>>
    tpu.wait_dma2 semaphore(%arg12 : memref<!tpu.dma_semaphore, #tpu.memory_space<semaphore_mem>>) src(%dma_wait3A_173 : memref<16384xf32, #tpu.memory_space<hbm>>) dst(%dma_wait3A_172 : memref<16384xf32, #tpu.memory_space<vmem>>)
    %add3A_174 = arith.constant 32768 : i32
    %add3A_175 = arith.addi %mul3A_2, %add3A_174 : i32
    %dma_wait3A_176 = arith.constant 32768 : i32
    %dma_wait3A_177 = tpu.memref_slice %arg7[%dma_wait3A_176] : memref<49152xi32, #tpu.memory_space<vmem>> -> memref<16384xi32, #tpu.memory_space<vmem>>
    %dma_wait3A_178 = tpu.memref_slice %arg3[%add3A_175] : memref<4194304xi32, #tpu.memory_space<hbm>> -> memref<16384xi32, #tpu.memory_space<hbm>>
    %dma_wait3A_179 = arith.constant 32768 : i32
    %dma_wait3A_180 = tpu.memref_slice %arg7[%dma_wait3A_179] : memref<49152xi32, #tpu.memory_space<vmem>> -> memref<16384xi32, #tpu.memory_space<vmem>>
    %dma_wait3A_181 = tpu.memref_slice %arg3[%add3A_175] : memref<4194304xi32, #tpu.memory_space<hbm>> -> memref<16384xi32, #tpu.memory_space<hbm>>
    tpu.wait_dma2 semaphore(%arg15 : memref<!tpu.dma_semaphore, #tpu.memory_space<semaphore_mem>>) src(%dma_wait3A_181 : memref<16384xi32, #tpu.memory_space<hbm>>) dst(%dma_wait3A_180 : memref<16384xi32, #tpu.memory_space<vmem>>)
    %scan3A_182 = arith.constant 0 : i32
    %scan3A_183 = arith.constant 0 : i32
    %scan3A_184 = arith.constant 64 : i32
    %scan3A_185 = arith.addi %scan3A_183, %scan3A_184 : i32
    %scan3A_186 = arith.constant 1 : i32
    scf.for %scan3A_348 = %scan3A_183 to %scan3A_185 step %scan3A_186  : i32 {
      %mul3A_349 = arith.constant 256 : i32
      %mul3A_350 = arith.muli %scan3A_348, %mul3A_349 : i32
      %add3A_351 = arith.constant 32768 : i32
      %add3A_352 = arith.addi %add3A_351, %mul3A_350 : i32
      %add3A_353 = arith.constant 0 : i32
      %add3A_354 = arith.addi %add3A_352, %add3A_353 : i32
      %get3A = arith.index_cast %add3A_354 : i32 to index
      %get3A_355 = tpu.vector_load %arg6[%get3A] {strides = array<i32>} : memref<49152xf32, #tpu.memory_space<vmem>>, vector<16xf32>,
      %add3A_356 = arith.constant 16 : i32
      %add3A_357 = arith.addi %add3A_352, %add3A_356 : i32
      %get3A_358 = arith.index_cast %add3A_357 : i32 to index
      %get3A_359 = tpu.vector_load %arg6[%get3A_358] {strides = array<i32>} : memref<49152xf32, #tpu.memory_space<vmem>>, vector<16xf32>,
      %add3A_360 = arith.constant 32 : i32
      %add3A_361 = arith.addi %add3A_352, %add3A_360 : i32
      %get3A_362 = arith.index_cast %add3A_361 : i32 to index
      %get3A_363 = tpu.vector_load %arg6[%get3A_362] {strides = array<i32>} : memref<49152xf32, #tpu.memory_space<vmem>>, vector<16xf32>,
      %add3A_364 = arith.constant 48 : i32
      %add3A_365 = arith.addi %add3A_352, %add3A_364 : i32
      %get3A_366 = arith.index_cast %add3A_365 : i32 to index
      %get3A_367 = tpu.vector_load %arg6[%get3A_366] {strides = array<i32>} : memref<49152xf32, #tpu.memory_space<vmem>>, vector<16xf32>,
      %add3A_368 = arith.constant 64 : i32
      %add3A_369 = arith.addi %add3A_352, %add3A_368 : i32
      %get3A_370 = arith.index_cast %add3A_369 : i32 to index
      %get3A_371 = tpu.vector_load %arg6[%get3A_370] {strides = array<i32>} : memref<49152xf32, #tpu.memory_space<vmem>>, vector<16xf32>,
      %add3A_372 = arith.constant 80 : i32
      %add3A_373 = arith.addi %add3A_352, %add3A_372 : i32
      %get3A_374 = arith.index_cast %add3A_373 : i32 to index
      %get3A_375 = tpu.vector_load %arg6[%get3A_374] {strides = array<i32>} : memref<49152xf32, #tpu.memory_space<vmem>>, vector<16xf32>,
      %add3A_376 = arith.constant 96 : i32
      %add3A_377 = arith.addi %add3A_352, %add3A_376 : i32
      %get3A_378 = arith.index_cast %add3A_377 : i32 to index
      %get3A_379 = tpu.vector_load %arg6[%get3A_378] {strides = array<i32>} : memref<49152xf32, #tpu.memory_space<vmem>>, vector<16xf32>,
      %add3A_380 = arith.constant 112 : i32
      %add3A_381 = arith.addi %add3A_352, %add3A_380 : i32
      %get3A_382 = arith.index_cast %add3A_381 : i32 to index
      %get3A_383 = tpu.vector_load %arg6[%get3A_382] {strides = array<i32>} : memref<49152xf32, #tpu.memory_space<vmem>>, vector<16xf32>,
      %add3A_384 = arith.constant 128 : i32
      %add3A_385 = arith.addi %add3A_352, %add3A_384 : i32
      %get3A_386 = arith.index_cast %add3A_385 : i32 to index
      %get3A_387 = tpu.vector_load %arg6[%get3A_386] {strides = array<i32>} : memref<49152xf32, #tpu.memory_space<vmem>>, vector<16xf32>,
      %add3A_388 = arith.constant 144 : i32
      %add3A_389 = arith.addi %add3A_352, %add3A_388 : i32
      %get3A_390 = arith.index_cast %add3A_389 : i32 to index
      %get3A_391 = tpu.vector_load %arg6[%get3A_390] {strides = array<i32>} : memref<49152xf32, #tpu.memory_space<vmem>>, vector<16xf32>,
      %add3A_392 = arith.constant 160 : i32
      %add3A_393 = arith.addi %add3A_352, %add3A_392 : i32
      %get3A_394 = arith.index_cast %add3A_393 : i32 to index
      %get3A_395 = tpu.vector_load %arg6[%get3A_394] {strides = array<i32>} : memref<49152xf32, #tpu.memory_space<vmem>>, vector<16xf32>,
      %add3A_396 = arith.constant 176 : i32
      %add3A_397 = arith.addi %add3A_352, %add3A_396 : i32
      %get3A_398 = arith.index_cast %add3A_397 : i32 to index
      %get3A_399 = tpu.vector_load %arg6[%get3A_398] {strides = array<i32>} : memref<49152xf32, #tpu.memory_space<vmem>>, vector<16xf32>,
      %add3A_400 = arith.constant 192 : i32
      %add3A_401 = arith.addi %add3A_352, %add3A_400 : i32
      %get3A_402 = arith.index_cast %add3A_401 : i32 to index
      %get3A_403 = tpu.vector_load %arg6[%get3A_402] {strides = array<i32>} : memref<49152xf32, #tpu.memory_space<vmem>>, vector<16xf32>,
      %add3A_404 = arith.constant 208 : i32
      %add3A_405 = arith.addi %add3A_352, %add3A_404 : i32
      %get3A_406 = arith.index_cast %add3A_405 : i32 to index
      %get3A_407 = tpu.vector_load %arg6[%get3A_406] {strides = array<i32>} : memref<49152xf32, #tpu.memory_space<vmem>>, vector<16xf32>,
      %add3A_408 = arith.constant 224 : i32
      %add3A_409 = arith.addi %add3A_352, %add3A_408 : i32
      %get3A_410 = arith.index_cast %add3A_409 : i32 to index
      %get3A_411 = tpu.vector_load %arg6[%get3A_410] {strides = array<i32>} : memref<49152xf32, #tpu.memory_space<vmem>>, vector<16xf32>,
      %add3A_412 = arith.constant 240 : i32
      %add3A_413 = arith.addi %add3A_352, %add3A_412 : i32
      %get3A_414 = arith.index_cast %add3A_413 : i32 to index
      %get3A_415 = tpu.vector_load %arg6[%get3A_414] {strides = array<i32>} : memref<49152xf32, #tpu.memory_space<vmem>>, vector<16xf32>,
      %add3A_416 = arith.constant 0 : i32
      %add3A_417 = arith.addi %add3A_352, %add3A_416 : i32
      %get3A_418 = arith.index_cast %add3A_417 : i32 to index
      %get3A_419 = tpu.vector_load %arg7[%get3A_418] {strides = array<i32>} : memref<49152xi32, #tpu.memory_space<vmem>>, vector<16xi32>,
      %add3A_420 = arith.constant 16 : i32
      %add3A_421 = arith.addi %add3A_352, %add3A_420 : i32
      %get3A_422 = arith.index_cast %add3A_421 : i32 to index
      %get3A_423 = tpu.vector_load %arg7[%get3A_422] {strides = array<i32>} : memref<49152xi32, #tpu.memory_space<vmem>>, vector<16xi32>,
      %add3A_424 = arith.constant 32 : i32
      %add3A_425 = arith.addi %add3A_352, %add3A_424 : i32
      %get3A_426 = arith.index_cast %add3A_425 : i32 to index
      %get3A_427 = tpu.vector_load %arg7[%get3A_426] {strides = array<i32>} : memref<49152xi32, #tpu.memory_space<vmem>>, vector<16xi32>,
      %add3A_428 = arith.constant 48 : i32
      %add3A_429 = arith.addi %add3A_352, %add3A_428 : i32
      %get3A_430 = arith.index_cast %add3A_429 : i32 to index
      %get3A_431 = tpu.vector_load %arg7[%get3A_430] {strides = array<i32>} : memref<49152xi32, #tpu.memory_space<vmem>>, vector<16xi32>,
      %add3A_432 = arith.constant 64 : i32
      %add3A_433 = arith.addi %add3A_352, %add3A_432 : i32
      %get3A_434 = arith.index_cast %add3A_433 : i32 to index
      %get3A_435 = tpu.vector_load %arg7[%get3A_434] {strides = array<i32>} : memref<49152xi32, #tpu.memory_space<vmem>>, vector<16xi32>,
      %add3A_436 = arith.constant 80 : i32
      %add3A_437 = arith.addi %add3A_352, %add3A_436 : i32
      %get3A_438 = arith.index_cast %add3A_437 : i32 to index
      %get3A_439 = tpu.vector_load %arg7[%get3A_438] {strides = array<i32>} : memref<49152xi32, #tpu.memory_space<vmem>>, vector<16xi32>,
      %add3A_440 = arith.constant 96 : i32
      %add3A_441 = arith.addi %add3A_352, %add3A_440 : i32
      %get3A_442 = arith.index_cast %add3A_441 : i32 to index
      %get3A_443 = tpu.vector_load %arg7[%get3A_442] {strides = array<i32>} : memref<49152xi32, #tpu.memory_space<vmem>>, vector<16xi32>,
      %add3A_444 = arith.constant 112 : i32
      %add3A_445 = arith.addi %add3A_352, %add3A_444 : i32
      %get3A_446 = arith.index_cast %add3A_445 : i32 to index
      %get3A_447 = tpu.vector_load %arg7[%get3A_446] {strides = array<i32>} : memref<49152xi32, #tpu.memory_space<vmem>>, vector<16xi32>,
      %add3A_448 = arith.constant 128 : i32
      %add3A_449 = arith.addi %add3A_352, %add3A_448 : i32
      %get3A_450 = arith.index_cast %add3A_449 : i32 to index
      %get3A_451 = tpu.vector_load %arg7[%get3A_450] {strides = array<i32>} : memref<49152xi32, #tpu.memory_space<vmem>>, vector<16xi32>,
      %add3A_452 = arith.constant 144 : i32
      %add3A_453 = arith.addi %add3A_352, %add3A_452 : i32
      %get3A_454 = arith.index_cast %add3A_453 : i32 to index
      %get3A_455 = tpu.vector_load %arg7[%get3A_454] {strides = array<i32>} : memref<49152xi32, #tpu.memory_space<vmem>>, vector<16xi32>,
      %add3A_456 = arith.constant 160 : i32
      %add3A_457 = arith.addi %add3A_352, %add3A_456 : i32
      %get3A_458 = arith.index_cast %add3A_457 : i32 to index
      %get3A_459 = tpu.vector_load %arg7[%get3A_458] {strides = array<i32>} : memref<49152xi32, #tpu.memory_space<vmem>>, vector<16xi32>,
      %add3A_460 = arith.constant 176 : i32
      %add3A_461 = arith.addi %add3A_352, %add3A_460 : i32
      %get3A_462 = arith.index_cast %add3A_461 : i32 to index
      %get3A_463 = tpu.vector_load %arg7[%get3A_462] {strides = array<i32>} : memref<49152xi32, #tpu.memory_space<vmem>>, vector<16xi32>,
      %add3A_464 = arith.constant 192 : i32
      %add3A_465 = arith.addi %add3A_352, %add3A_464 : i32
      %get3A_466 = arith.index_cast %add3A_465 : i32 to index
      %get3A_467 = tpu.vector_load %arg7[%get3A_466] {strides = array<i32>} : memref<49152xi32, #tpu.memory_space<vmem>>, vector<16xi32>,
      %add3A_468 = arith.constant 208 : i32
      %add3A_469 = arith.addi %add3A_352, %add3A_468 : i32
      %get3A_470 = arith.index_cast %add3A_469 : i32 to index
      %get3A_471 = tpu.vector_load %arg7[%get3A_470] {strides = array<i32>} : memref<49152xi32, #tpu.memory_space<vmem>>, vector<16xi32>,
      %add3A_472 = arith.constant 224 : i32
      %add3A_473 = arith.addi %add3A_352, %add3A_472 : i32
      %get3A_474 = arith.index_cast %add3A_473 : i32 to index
      %get3A_475 = tpu.vector_load %arg7[%get3A_474] {strides = array<i32>} : memref<49152xi32, #tpu.memory_space<vmem>>, vector<16xi32>,
      %add3A_476 = arith.constant 240 : i32
      %add3A_477 = arith.addi %add3A_352, %add3A_476 : i32
      %get3A_478 = arith.index_cast %add3A_477 : i32 to index
      %get3A_479 = tpu.vector_load %arg7[%get3A_478] {strides = array<i32>} : memref<49152xi32, #tpu.memory_space<vmem>>, vector<16xi32>,
      %mul3A_480 = arith.constant 9.99999904 : f32
      %mul3A_481 = vector.broadcast %mul3A_480 : f32 to vector<16xf32>
      %mul3A_482 = arith.mulf %get3A_355, %mul3A_481 : vector<16xf32>
      %convert_element_type3A = arith.fptosi %mul3A_482 : vector<16xf32> to vector<16xi32>
      %mul3A_483 = arith.constant 16 : i32
      %mul3A_484 = vector.broadcast %mul3A_483 : i32 to vector<16xi32>
      %mul3A_485 = arith.muli %convert_element_type3A, %mul3A_484 : vector<16xi32>
      %add3A_486 = arith.addi %mul3A_485, %iota3A : vector<16xi32>
      %add3A_487 = arith.constant 16384 : i32
      %add3A_488 = vector.broadcast %add3A_487 : i32 to vector<16xi32>
      %add3A_489 = arith.addi %get3A_419, %add3A_488 : vector<16xi32>
      %gt3A = arith.constant 0.000000e+00 : f32
      %gt3A_490 = vector.broadcast %gt3A : f32 to vector<16xf32>
      %gt3A_491 = arith.cmpf ogt, %get3A_355, %gt3A_490 : vector<16xf32>
      tpu.vector_store_idx %arg8[%add3A_486], %get3A_355 masked %gt3A_491 {add = true} : memref<160xf32, #tpu.memory_space<vmem>>[vector<16xi32>], vector<16xf32>, vector<16xi1>
      tpu.vector_store_idx %arg9[%add3A_486], %add3A_489 masked %gt3A_491 {add = true} : memref<160xi32, #tpu.memory_space<vmem>>[vector<16xi32>], vector<16xi32>, vector<16xi1>
      %mul3A_492 = arith.constant 9.99999904 : f32
      %mul3A_493 = vector.broadcast %mul3A_492 : f32 to vector<16xf32>
      %mul3A_494 = arith.mulf %get3A_359, %mul3A_493 : vector<16xf32>
      %convert_element_type3A_495 = arith.fptosi %mul3A_494 : vector<16xf32> to vector<16xi32>
      %mul3A_496 = arith.constant 16 : i32
      %mul3A_497 = vector.broadcast %mul3A_496 : i32 to vector<16xi32>
      %mul3A_498 = arith.muli %convert_element_type3A_495, %mul3A_497 : vector<16xi32>
      %add3A_499 = arith.addi %mul3A_498, %iota3A : vector<16xi32>
      %add3A_500 = arith.constant 16384 : i32
      %add3A_501 = vector.broadcast %add3A_500 : i32 to vector<16xi32>
      %add3A_502 = arith.addi %get3A_423, %add3A_501 : vector<16xi32>
      %gt3A_503 = arith.constant 0.000000e+00 : f32
      %gt3A_504 = vector.broadcast %gt3A_503 : f32 to vector<16xf32>
      %gt3A_505 = arith.cmpf ogt, %get3A_359, %gt3A_504 : vector<16xf32>
      tpu.vector_store_idx %arg8[%add3A_499], %get3A_359 masked %gt3A_505 {add = true} : memref<160xf32, #tpu.memory_space<vmem>>[vector<16xi32>], vector<16xf32>, vector<16xi1>
      tpu.vector_store_idx %arg9[%add3A_499], %add3A_502 masked %gt3A_505 {add = true} : memref<160xi32, #tpu.memory_space<vmem>>[vector<16xi32>], vector<16xi32>, vector<16xi1>
      %mul3A_506 = arith.constant 9.99999904 : f32
      %mul3A_507 = vector.broadcast %mul3A_506 : f32 to vector<16xf32>
      %mul3A_508 = arith.mulf %get3A_363, %mul3A_507 : vector<16xf32>
      %convert_element_type3A_509 = arith.fptosi %mul3A_508 : vector<16xf32> to vector<16xi32>
      %mul3A_510 = arith.constant 16 : i32
      %mul3A_511 = vector.broadcast %mul3A_510 : i32 to vector<16xi32>
      %mul3A_512 = arith.muli %convert_element_type3A_509, %mul3A_511 : vector<16xi32>
      %add3A_513 = arith.addi %mul3A_512, %iota3A : vector<16xi32>
      %add3A_514 = arith.constant 16384 : i32
      %add3A_515 = vector.broadcast %add3A_514 : i32 to vector<16xi32>
      %add3A_516 = arith.addi %get3A_427, %add3A_515 : vector<16xi32>
      %gt3A_517 = arith.constant 0.000000e+00 : f32
      %gt3A_518 = vector.broadcast %gt3A_517 : f32 to vector<16xf32>
      %gt3A_519 = arith.cmpf ogt, %get3A_363, %gt3A_518 : vector<16xf32>
      tpu.vector_store_idx %arg8[%add3A_513], %get3A_363 masked %gt3A_519 {add = true} : memref<160xf32, #tpu.memory_space<vmem>>[vector<16xi32>], vector<16xf32>, vector<16xi1>
      tpu.vector_store_idx %arg9[%add3A_513], %add3A_516 masked %gt3A_519 {add = true} : memref<160xi32, #tpu.memory_space<vmem>>[vector<16xi32>], vector<16xi32>, vector<16xi1>
      %mul3A_520 = arith.constant 9.99999904 : f32
      %mul3A_521 = vector.broadcast %mul3A_520 : f32 to vector<16xf32>
      %mul3A_522 = arith.mulf %get3A_367, %mul3A_521 : vector<16xf32>
      %convert_element_type3A_523 = arith.fptosi %mul3A_522 : vector<16xf32> to vector<16xi32>
      %mul3A_524 = arith.constant 16 : i32
      %mul3A_525 = vector.broadcast %mul3A_524 : i32 to vector<16xi32>
      %mul3A_526 = arith.muli %convert_element_type3A_523, %mul3A_525 : vector<16xi32>
      %add3A_527 = arith.addi %mul3A_526, %iota3A : vector<16xi32>
      %add3A_528 = arith.constant 16384 : i32
      %add3A_529 = vector.broadcast %add3A_528 : i32 to vector<16xi32>
      %add3A_530 = arith.addi %get3A_431, %add3A_529 : vector<16xi32>
      %gt3A_531 = arith.constant 0.000000e+00 : f32
      %gt3A_532 = vector.broadcast %gt3A_531 : f32 to vector<16xf32>
      %gt3A_533 = arith.cmpf ogt, %get3A_367, %gt3A_532 : vector<16xf32>
      tpu.vector_store_idx %arg8[%add3A_527], %get3A_367 masked %gt3A_533 {add = true} : memref<160xf32, #tpu.memory_space<vmem>>[vector<16xi32>], vector<16xf32>, vector<16xi1>
      tpu.vector_store_idx %arg9[%add3A_527], %add3A_530 masked %gt3A_533 {add = true} : memref<160xi32, #tpu.memory_space<vmem>>[vector<16xi32>], vector<16xi32>, vector<16xi1>
      %mul3A_534 = arith.constant 9.99999904 : f32
      %mul3A_535 = vector.broadcast %mul3A_534 : f32 to vector<16xf32>
      %mul3A_536 = arith.mulf %get3A_371, %mul3A_535 : vector<16xf32>
      %convert_element_type3A_537 = arith.fptosi %mul3A_536 : vector<16xf32> to vector<16xi32>
      %mul3A_538 = arith.constant 16 : i32
      %mul3A_539 = vector.broadcast %mul3A_538 : i32 to vector<16xi32>
      %mul3A_540 = arith.muli %convert_element_type3A_537, %mul3A_539 : vector<16xi32>
      %add3A_541 = arith.addi %mul3A_540, %iota3A : vector<16xi32>
      %add3A_542 = arith.constant 16384 : i32
      %add3A_543 = vector.broadcast %add3A_542 : i32 to vector<16xi32>
      %add3A_544 = arith.addi %get3A_435, %add3A_543 : vector<16xi32>
      %gt3A_545 = arith.constant 0.000000e+00 : f32
      %gt3A_546 = vector.broadcast %gt3A_545 : f32 to vector<16xf32>
      %gt3A_547 = arith.cmpf ogt, %get3A_371, %gt3A_546 : vector<16xf32>
      tpu.vector_store_idx %arg8[%add3A_541], %get3A_371 masked %gt3A_547 {add = true} : memref<160xf32, #tpu.memory_space<vmem>>[vector<16xi32>], vector<16xf32>, vector<16xi1>
      tpu.vector_store_idx %arg9[%add3A_541], %add3A_544 masked %gt3A_547 {add = true} : memref<160xi32, #tpu.memory_space<vmem>>[vector<16xi32>], vector<16xi32>, vector<16xi1>
      %mul3A_548 = arith.constant 9.99999904 : f32
      %mul3A_549 = vector.broadcast %mul3A_548 : f32 to vector<16xf32>
      %mul3A_550 = arith.mulf %get3A_375, %mul3A_549 : vector<16xf32>
      %convert_element_type3A_551 = arith.fptosi %mul3A_550 : vector<16xf32> to vector<16xi32>
      %mul3A_552 = arith.constant 16 : i32
      %mul3A_553 = vector.broadcast %mul3A_552 : i32 to vector<16xi32>
      %mul3A_554 = arith.muli %convert_element_type3A_551, %mul3A_553 : vector<16xi32>
      %add3A_555 = arith.addi %mul3A_554, %iota3A : vector<16xi32>
      %add3A_556 = arith.constant 16384 : i32
      %add3A_557 = vector.broadcast %add3A_556 : i32 to vector<16xi32>
      %add3A_558 = arith.addi %get3A_439, %add3A_557 : vector<16xi32>
      %gt3A_559 = arith.constant 0.000000e+00 : f32
      %gt3A_560 = vector.broadcast %gt3A_559 : f32 to vector<16xf32>
      %gt3A_561 = arith.cmpf ogt, %get3A_375, %gt3A_560 : vector<16xf32>
      tpu.vector_store_idx %arg8[%add3A_555], %get3A_375 masked %gt3A_561 {add = true} : memref<160xf32, #tpu.memory_space<vmem>>[vector<16xi32>], vector<16xf32>, vector<16xi1>
      tpu.vector_store_idx %arg9[%add3A_555], %add3A_558 masked %gt3A_561 {add = true} : memref<160xi32, #tpu.memory_space<vmem>>[vector<16xi32>], vector<16xi32>, vector<16xi1>
      %mul3A_562 = arith.constant 9.99999904 : f32
      %mul3A_563 = vector.broadcast %mul3A_562 : f32 to vector<16xf32>
      %mul3A_564 = arith.mulf %get3A_379, %mul3A_563 : vector<16xf32>
      %convert_element_type3A_565 = arith.fptosi %mul3A_564 : vector<16xf32> to vector<16xi32>
      %mul3A_566 = arith.constant 16 : i32
      %mul3A_567 = vector.broadcast %mul3A_566 : i32 to vector<16xi32>
      %mul3A_568 = arith.muli %convert_element_type3A_565, %mul3A_567 : vector<16xi32>
      %add3A_569 = arith.addi %mul3A_568, %iota3A : vector<16xi32>
      %add3A_570 = arith.constant 16384 : i32
      %add3A_571 = vector.broadcast %add3A_570 : i32 to vector<16xi32>
      %add3A_572 = arith.addi %get3A_443, %add3A_571 : vector<16xi32>
      %gt3A_573 = arith.constant 0.000000e+00 : f32
      %gt3A_574 = vector.broadcast %gt3A_573 : f32 to vector<16xf32>
      %gt3A_575 = arith.cmpf ogt, %get3A_379, %gt3A_574 : vector<16xf32>
      tpu.vector_store_idx %arg8[%add3A_569], %get3A_379 masked %gt3A_575 {add = true} : memref<160xf32, #tpu.memory_space<vmem>>[vector<16xi32>], vector<16xf32>, vector<16xi1>
      tpu.vector_store_idx %arg9[%add3A_569], %add3A_572 masked %gt3A_575 {add = true} : memref<160xi32, #tpu.memory_space<vmem>>[vector<16xi32>], vector<16xi32>, vector<16xi1>
      %mul3A_576 = arith.constant 9.99999904 : f32
      %mul3A_577 = vector.broadcast %mul3A_576 : f32 to vector<16xf32>
      %mul3A_578 = arith.mulf %get3A_383, %mul3A_577 : vector<16xf32>
      %convert_element_type3A_579 = arith.fptosi %mul3A_578 : vector<16xf32> to vector<16xi32>
      %mul3A_580 = arith.constant 16 : i32
      %mul3A_581 = vector.broadcast %mul3A_580 : i32 to vector<16xi32>
      %mul3A_582 = arith.muli %convert_element_type3A_579, %mul3A_581 : vector<16xi32>
      %add3A_583 = arith.addi %mul3A_582, %iota3A : vector<16xi32>
      %add3A_584 = arith.constant 16384 : i32
      %add3A_585 = vector.broadcast %add3A_584 : i32 to vector<16xi32>
      %add3A_586 = arith.addi %get3A_447, %add3A_585 : vector<16xi32>
      %gt3A_587 = arith.constant 0.000000e+00 : f32
      %gt3A_588 = vector.broadcast %gt3A_587 : f32 to vector<16xf32>
      %gt3A_589 = arith.cmpf ogt, %get3A_383, %gt3A_588 : vector<16xf32>
      tpu.vector_store_idx %arg8[%add3A_583], %get3A_383 masked %gt3A_589 {add = true} : memref<160xf32, #tpu.memory_space<vmem>>[vector<16xi32>], vector<16xf32>, vector<16xi1>
      tpu.vector_store_idx %arg9[%add3A_583], %add3A_586 masked %gt3A_589 {add = true} : memref<160xi32, #tpu.memory_space<vmem>>[vector<16xi32>], vector<16xi32>, vector<16xi1>
      %mul3A_590 = arith.constant 9.99999904 : f32
      %mul3A_591 = vector.broadcast %mul3A_590 : f32 to vector<16xf32>
      %mul3A_592 = arith.mulf %get3A_387, %mul3A_591 : vector<16xf32>
      %convert_element_type3A_593 = arith.fptosi %mul3A_592 : vector<16xf32> to vector<16xi32>
      %mul3A_594 = arith.constant 16 : i32
      %mul3A_595 = vector.broadcast %mul3A_594 : i32 to vector<16xi32>
      %mul3A_596 = arith.muli %convert_element_type3A_593, %mul3A_595 : vector<16xi32>
      %add3A_597 = arith.addi %mul3A_596, %iota3A : vector<16xi32>
      %add3A_598 = arith.constant 16384 : i32
      %add3A_599 = vector.broadcast %add3A_598 : i32 to vector<16xi32>
      %add3A_600 = arith.addi %get3A_451, %add3A_599 : vector<16xi32>
      %gt3A_601 = arith.constant 0.000000e+00 : f32
      %gt3A_602 = vector.broadcast %gt3A_601 : f32 to vector<16xf32>
      %gt3A_603 = arith.cmpf ogt, %get3A_387, %gt3A_602 : vector<16xf32>
      tpu.vector_store_idx %arg8[%add3A_597], %get3A_387 masked %gt3A_603 {add = true} : memref<160xf32, #tpu.memory_space<vmem>>[vector<16xi32>], vector<16xf32>, vector<16xi1>
      tpu.vector_store_idx %arg9[%add3A_597], %add3A_600 masked %gt3A_603 {add = true} : memref<160xi32, #tpu.memory_space<vmem>>[vector<16xi32>], vector<16xi32>, vector<16xi1>
      %mul3A_604 = arith.constant 9.99999904 : f32
      %mul3A_605 = vector.broadcast %mul3A_604 : f32 to vector<16xf32>
      %mul3A_606 = arith.mulf %get3A_391, %mul3A_605 : vector<16xf32>
      %convert_element_type3A_607 = arith.fptosi %mul3A_606 : vector<16xf32> to vector<16xi32>
      %mul3A_608 = arith.constant 16 : i32
      %mul3A_609 = vector.broadcast %mul3A_608 : i32 to vector<16xi32>
      %mul3A_610 = arith.muli %convert_element_type3A_607, %mul3A_609 : vector<16xi32>
      %add3A_611 = arith.addi %mul3A_610, %iota3A : vector<16xi32>
      %add3A_612 = arith.constant 16384 : i32
      %add3A_613 = vector.broadcast %add3A_612 : i32 to vector<16xi32>
      %add3A_614 = arith.addi %get3A_455, %add3A_613 : vector<16xi32>
      %gt3A_615 = arith.constant 0.000000e+00 : f32
      %gt3A_616 = vector.broadcast %gt3A_615 : f32 to vector<16xf32>
      %gt3A_617 = arith.cmpf ogt, %get3A_391, %gt3A_616 : vector<16xf32>
      tpu.vector_store_idx %arg8[%add3A_611], %get3A_391 masked %gt3A_617 {add = true} : memref<160xf32, #tpu.memory_space<vmem>>[vector<16xi32>], vector<16xf32>, vector<16xi1>
      tpu.vector_store_idx %arg9[%add3A_611], %add3A_614 masked %gt3A_617 {add = true} : memref<160xi32, #tpu.memory_space<vmem>>[vector<16xi32>], vector<16xi32>, vector<16xi1>
      %mul3A_618 = arith.constant 9.99999904 : f32
      %mul3A_619 = vector.broadcast %mul3A_618 : f32 to vector<16xf32>
      %mul3A_620 = arith.mulf %get3A_395, %mul3A_619 : vector<16xf32>
      %convert_element_type3A_621 = arith.fptosi %mul3A_620 : vector<16xf32> to vector<16xi32>
      %mul3A_622 = arith.constant 16 : i32
      %mul3A_623 = vector.broadcast %mul3A_622 : i32 to vector<16xi32>
      %mul3A_624 = arith.muli %convert_element_type3A_621, %mul3A_623 : vector<16xi32>
      %add3A_625 = arith.addi %mul3A_624, %iota3A : vector<16xi32>
      %add3A_626 = arith.constant 16384 : i32
      %add3A_627 = vector.broadcast %add3A_626 : i32 to vector<16xi32>
      %add3A_628 = arith.addi %get3A_459, %add3A_627 : vector<16xi32>
      %gt3A_629 = arith.constant 0.000000e+00 : f32
      %gt3A_630 = vector.broadcast %gt3A_629 : f32 to vector<16xf32>
      %gt3A_631 = arith.cmpf ogt, %get3A_395, %gt3A_630 : vector<16xf32>
      tpu.vector_store_idx %arg8[%add3A_625], %get3A_395 masked %gt3A_631 {add = true} : memref<160xf32, #tpu.memory_space<vmem>>[vector<16xi32>], vector<16xf32>, vector<16xi1>
      tpu.vector_store_idx %arg9[%add3A_625], %add3A_628 masked %gt3A_631 {add = true} : memref<160xi32, #tpu.memory_space<vmem>>[vector<16xi32>], vector<16xi32>, vector<16xi1>
      %mul3A_632 = arith.constant 9.99999904 : f32
      %mul3A_633 = vector.broadcast %mul3A_632 : f32 to vector<16xf32>
      %mul3A_634 = arith.mulf %get3A_399, %mul3A_633 : vector<16xf32>
      %convert_element_type3A_635 = arith.fptosi %mul3A_634 : vector<16xf32> to vector<16xi32>
      %mul3A_636 = arith.constant 16 : i32
      %mul3A_637 = vector.broadcast %mul3A_636 : i32 to vector<16xi32>
      %mul3A_638 = arith.muli %convert_element_type3A_635, %mul3A_637 : vector<16xi32>
      %add3A_639 = arith.addi %mul3A_638, %iota3A : vector<16xi32>
      %add3A_640 = arith.constant 16384 : i32
      %add3A_641 = vector.broadcast %add3A_640 : i32 to vector<16xi32>
      %add3A_642 = arith.addi %get3A_463, %add3A_641 : vector<16xi32>
      %gt3A_643 = arith.constant 0.000000e+00 : f32
      %gt3A_644 = vector.broadcast %gt3A_643 : f32 to vector<16xf32>
      %gt3A_645 = arith.cmpf ogt, %get3A_399, %gt3A_644 : vector<16xf32>
      tpu.vector_store_idx %arg8[%add3A_639], %get3A_399 masked %gt3A_645 {add = true} : memref<160xf32, #tpu.memory_space<vmem>>[vector<16xi32>], vector<16xf32>, vector<16xi1>
      tpu.vector_store_idx %arg9[%add3A_639], %add3A_642 masked %gt3A_645 {add = true} : memref<160xi32, #tpu.memory_space<vmem>>[vector<16xi32>], vector<16xi32>, vector<16xi1>
      %mul3A_646 = arith.constant 9.99999904 : f32
      %mul3A_647 = vector.broadcast %mul3A_646 : f32 to vector<16xf32>
      %mul3A_648 = arith.mulf %get3A_403, %mul3A_647 : vector<16xf32>
      %convert_element_type3A_649 = arith.fptosi %mul3A_648 : vector<16xf32> to vector<16xi32>
      %mul3A_650 = arith.constant 16 : i32
      %mul3A_651 = vector.broadcast %mul3A_650 : i32 to vector<16xi32>
      %mul3A_652 = arith.muli %convert_element_type3A_649, %mul3A_651 : vector<16xi32>
      %add3A_653 = arith.addi %mul3A_652, %iota3A : vector<16xi32>
      %add3A_654 = arith.constant 16384 : i32
      %add3A_655 = vector.broadcast %add3A_654 : i32 to vector<16xi32>
      %add3A_656 = arith.addi %get3A_467, %add3A_655 : vector<16xi32>
      %gt3A_657 = arith.constant 0.000000e+00 : f32
      %gt3A_658 = vector.broadcast %gt3A_657 : f32 to vector<16xf32>
      %gt3A_659 = arith.cmpf ogt, %get3A_403, %gt3A_658 : vector<16xf32>
      tpu.vector_store_idx %arg8[%add3A_653], %get3A_403 masked %gt3A_659 {add = true} : memref<160xf32, #tpu.memory_space<vmem>>[vector<16xi32>], vector<16xf32>, vector<16xi1>
      tpu.vector_store_idx %arg9[%add3A_653], %add3A_656 masked %gt3A_659 {add = true} : memref<160xi32, #tpu.memory_space<vmem>>[vector<16xi32>], vector<16xi32>, vector<16xi1>
      %mul3A_660 = arith.constant 9.99999904 : f32
      %mul3A_661 = vector.broadcast %mul3A_660 : f32 to vector<16xf32>
      %mul3A_662 = arith.mulf %get3A_407, %mul3A_661 : vector<16xf32>
      %convert_element_type3A_663 = arith.fptosi %mul3A_662 : vector<16xf32> to vector<16xi32>
      %mul3A_664 = arith.constant 16 : i32
      %mul3A_665 = vector.broadcast %mul3A_664 : i32 to vector<16xi32>
      %mul3A_666 = arith.muli %convert_element_type3A_663, %mul3A_665 : vector<16xi32>
      %add3A_667 = arith.addi %mul3A_666, %iota3A : vector<16xi32>
      %add3A_668 = arith.constant 16384 : i32
      %add3A_669 = vector.broadcast %add3A_668 : i32 to vector<16xi32>
      %add3A_670 = arith.addi %get3A_471, %add3A_669 : vector<16xi32>
      %gt3A_671 = arith.constant 0.000000e+00 : f32
      %gt3A_672 = vector.broadcast %gt3A_671 : f32 to vector<16xf32>
      %gt3A_673 = arith.cmpf ogt, %get3A_407, %gt3A_672 : vector<16xf32>
      tpu.vector_store_idx %arg8[%add3A_667], %get3A_407 masked %gt3A_673 {add = true} : memref<160xf32, #tpu.memory_space<vmem>>[vector<16xi32>], vector<16xf32>, vector<16xi1>
      tpu.vector_store_idx %arg9[%add3A_667], %add3A_670 masked %gt3A_673 {add = true} : memref<160xi32, #tpu.memory_space<vmem>>[vector<16xi32>], vector<16xi32>, vector<16xi1>
      %mul3A_674 = arith.constant 9.99999904 : f32
      %mul3A_675 = vector.broadcast %mul3A_674 : f32 to vector<16xf32>
      %mul3A_676 = arith.mulf %get3A_411, %mul3A_675 : vector<16xf32>
      %convert_element_type3A_677 = arith.fptosi %mul3A_676 : vector<16xf32> to vector<16xi32>
      %mul3A_678 = arith.constant 16 : i32
      %mul3A_679 = vector.broadcast %mul3A_678 : i32 to vector<16xi32>
      %mul3A_680 = arith.muli %convert_element_type3A_677, %mul3A_679 : vector<16xi32>
      %add3A_681 = arith.addi %mul3A_680, %iota3A : vector<16xi32>
      %add3A_682 = arith.constant 16384 : i32
      %add3A_683 = vector.broadcast %add3A_682 : i32 to vector<16xi32>
      %add3A_684 = arith.addi %get3A_475, %add3A_683 : vector<16xi32>
      %gt3A_685 = arith.constant 0.000000e+00 : f32
      %gt3A_686 = vector.broadcast %gt3A_685 : f32 to vector<16xf32>
      %gt3A_687 = arith.cmpf ogt, %get3A_411, %gt3A_686 : vector<16xf32>
      tpu.vector_store_idx %arg8[%add3A_681], %get3A_411 masked %gt3A_687 {add = true} : memref<160xf32, #tpu.memory_space<vmem>>[vector<16xi32>], vector<16xf32>, vector<16xi1>
      tpu.vector_store_idx %arg9[%add3A_681], %add3A_684 masked %gt3A_687 {add = true} : memref<160xi32, #tpu.memory_space<vmem>>[vector<16xi32>], vector<16xi32>, vector<16xi1>
      %mul3A_688 = arith.constant 9.99999904 : f32
      %mul3A_689 = vector.broadcast %mul3A_688 : f32 to vector<16xf32>
      %mul3A_690 = arith.mulf %get3A_415, %mul3A_689 : vector<16xf32>
      %convert_element_type3A_691 = arith.fptosi %mul3A_690 : vector<16xf32> to vector<16xi32>
      %mul3A_692 = arith.constant 16 : i32
      %mul3A_693 = vector.broadcast %mul3A_692 : i32 to vector<16xi32>
      %mul3A_694 = arith.muli %convert_element_type3A_691, %mul3A_693 : vector<16xi32>
      %add3A_695 = arith.addi %mul3A_694, %iota3A : vector<16xi32>
      %add3A_696 = arith.constant 16384 : i32
      %add3A_697 = vector.broadcast %add3A_696 : i32 to vector<16xi32>
      %add3A_698 = arith.addi %get3A_479, %add3A_697 : vector<16xi32>
      %gt3A_699 = arith.constant 0.000000e+00 : f32
      %gt3A_700 = vector.broadcast %gt3A_699 : f32 to vector<16xf32>
      %gt3A_701 = arith.cmpf ogt, %get3A_415, %gt3A_700 : vector<16xf32>
      tpu.vector_store_idx %arg8[%add3A_695], %get3A_415 masked %gt3A_701 {add = true} : memref<160xf32, #tpu.memory_space<vmem>>[vector<16xi32>], vector<16xf32>, vector<16xi1>
      tpu.vector_store_idx %arg9[%add3A_695], %add3A_698 masked %gt3A_701 {add = true} : memref<160xi32, #tpu.memory_space<vmem>>[vector<16xi32>], vector<16xi32>, vector<16xi1>
    }
    %scan3A_187 = arith.constant 64 : i32
    %add3A_188 = arith.constant 81920 : i32
    %add3A_189 = arith.addi %mul3A_2, %add3A_188 : i32
    %dma_start3A_190 = arith.constant 32768 : i32
    %dma_start3A_191 = tpu.memref_slice %arg6[%dma_start3A_190] : memref<49152xf32, #tpu.memory_space<vmem>> -> memref<16384xf32, #tpu.memory_space<vmem>>
    %dma_start3A_192 = tpu.memref_slice %arg2[%add3A_189] : memref<4194304xf32, #tpu.memory_space<hbm>> -> memref<16384xf32, #tpu.memory_space<hbm>>
    %dma_start3A_193 = arith.constant 32768 : i32
    %dma_start3A_194 = tpu.memref_slice %arg6[%dma_start3A_193] : memref<49152xf32, #tpu.memory_space<vmem>> -> memref<16384xf32, #tpu.memory_space<vmem>>
    %dma_start3A_195 = tpu.memref_slice %arg2[%add3A_189] : memref<4194304xf32, #tpu.memory_space<hbm>> -> memref<16384xf32, #tpu.memory_space<hbm>>
    tpu.enqueue_dma source(%dma_start3A_195 : memref<16384xf32, #tpu.memory_space<hbm>>) target(%dma_start3A_194 : memref<16384xf32, #tpu.memory_space<vmem>>) target_semaphore(%arg12 : memref<!tpu.dma_semaphore, #tpu.memory_space<semaphore_mem>>)
    %add3A_196 = arith.constant 81920 : i32
    %add3A_197 = arith.addi %mul3A_2, %add3A_196 : i32
    %dma_start3A_198 = arith.constant 32768 : i32
    %dma_start3A_199 = tpu.memref_slice %arg7[%dma_start3A_198] : memref<49152xi32, #tpu.memory_space<vmem>> -> memref<16384xi32, #tpu.memory_space<vmem>>
    %dma_start3A_200 = tpu.memref_slice %arg3[%add3A_197] : memref<4194304xi32, #tpu.memory_space<hbm>> -> memref<16384xi32, #tpu.memory_space<hbm>>
    %dma_start3A_201 = arith.constant 32768 : i32
    %dma_start3A_202 = tpu.memref_slice %arg7[%dma_start3A_201] : memref<49152xi32, #tpu.memory_space<vmem>> -> memref<16384xi32, #tpu.memory_space<vmem>>
    %dma_start3A_203 = tpu.memref_slice %arg3[%add3A_197] : memref<4194304xi32, #tpu.memory_space<hbm>> -> memref<16384xi32, #tpu.memory_space<hbm>>
    tpu.enqueue_dma source(%dma_start3A_203 : memref<16384xi32, #tpu.memory_space<hbm>>) target(%dma_start3A_202 : memref<16384xi32, #tpu.memory_space<vmem>>) target_semaphore(%arg15 : memref<!tpu.dma_semaphore, #tpu.memory_space<semaphore_mem>>)
    %add3A_204 = arith.constant 49152 : i32
    %add3A_205 = arith.addi %mul3A_2, %add3A_204 : i32
    %dma_wait3A_206 = arith.constant 0 : i32
    %dma_wait3A_207 = tpu.memref_slice %arg6[%dma_wait3A_206] : memref<49152xf32, #tpu.memory_space<vmem>> -> memref<16384xf32, #tpu.memory_space<vmem>>
    %dma_wait3A_208 = tpu.memref_slice %arg2[%add3A_205] : memref<4194304xf32, #tpu.memory_space<hbm>> -> memref<16384xf32, #tpu.memory_space<hbm>>
    %dma_wait3A_209 = arith.constant 0 : i32
    %dma_wait3A_210 = tpu.memref_slice %arg6[%dma_wait3A_209] : memref<49152xf32, #tpu.memory_space<vmem>> -> memref<16384xf32, #tpu.memory_space<vmem>>
    %dma_wait3A_211 = tpu.memref_slice %arg2[%add3A_205] : memref<4194304xf32, #tpu.memory_space<hbm>> -> memref<16384xf32, #tpu.memory_space<hbm>>
    tpu.wait_dma2 semaphore(%arg10 : memref<!tpu.dma_semaphore, #tpu.memory_space<semaphore_mem>>) src(%dma_wait3A_211 : memref<16384xf32, #tpu.memory_space<hbm>>) dst(%dma_wait3A_210 : memref<16384xf32, #tpu.memory_space<vmem>>)
    %add3A_212 = arith.constant 49152 : i32
    %add3A_213 = arith.addi %mul3A_2, %add3A_212 : i32
    %dma_wait3A_214 = arith.constant 0 : i32
    %dma_wait3A_215 = tpu.memref_slice %arg7[%dma_wait3A_214] : memref<49152xi32, #tpu.memory_space<vmem>> -> memref<16384xi32, #tpu.memory_space<vmem>>
    %dma_wait3A_216 = tpu.memref_slice %arg3[%add3A_213] : memref<4194304xi32, #tpu.memory_space<hbm>> -> memref<16384xi32, #tpu.memory_space<hbm>>
    %dma_wait3A_217 = arith.constant 0 : i32
    %dma_wait3A_218 = tpu.memref_slice %arg7[%dma_wait3A_217] : memref<49152xi32, #tpu.memory_space<vmem>> -> memref<16384xi32, #tpu.memory_space<vmem>>
    %dma_wait3A_219 = tpu.memref_slice %arg3[%add3A_213] : memref<4194304xi32, #tpu.memory_space<hbm>> -> memref<16384xi32, #tpu.memory_space<hbm>>
    tpu.wait_dma2 semaphore(%arg13 : memref<!tpu.dma_semaphore, #tpu.memory_space<semaphore_mem>>) src(%dma_wait3A_219 : memref<16384xi32, #tpu.memory_space<hbm>>) dst(%dma_wait3A_218 : memref<16384xi32, #tpu.memory_space<vmem>>)
    %scan3A_220 = arith.constant 0 : i32
    %scan3A_221 = arith.constant 0 : i32
    %scan3A_222 = arith.constant 64 : i32
    %scan3A_223 = arith.addi %scan3A_221, %scan3A_222 : i32
    %scan3A_224 = arith.constant 1 : i32
    scf.for %scan3A_348 = %scan3A_221 to %scan3A_223 step %scan3A_224  : i32 {
      %mul3A_349 = arith.constant 256 : i32
      %mul3A_350 = arith.muli %scan3A_348, %mul3A_349 : i32
      %add3A_351 = arith.constant 0 : i32
      %add3A_352 = arith.addi %add3A_351, %mul3A_350 : i32
      %add3A_353 = arith.constant 0 : i32
      %add3A_354 = arith.addi %add3A_352, %add3A_353 : i32
      %get3A = arith.index_cast %add3A_354 : i32 to index
      %get3A_355 = tpu.vector_load %arg6[%get3A] {strides = array<i32>} : memref<49152xf32, #tpu.memory_space<vmem>>, vector<16xf32>,
      %add3A_356 = arith.constant 16 : i32
      %add3A_357 = arith.addi %add3A_352, %add3A_356 : i32
      %get3A_358 = arith.index_cast %add3A_357 : i32 to index
      %get3A_359 = tpu.vector_load %arg6[%get3A_358] {strides = array<i32>} : memref<49152xf32, #tpu.memory_space<vmem>>, vector<16xf32>,
      %add3A_360 = arith.constant 32 : i32
      %add3A_361 = arith.addi %add3A_352, %add3A_360 : i32
      %get3A_362 = arith.index_cast %add3A_361 : i32 to index
      %get3A_363 = tpu.vector_load %arg6[%get3A_362] {strides = array<i32>} : memref<49152xf32, #tpu.memory_space<vmem>>, vector<16xf32>,
      %add3A_364 = arith.constant 48 : i32
      %add3A_365 = arith.addi %add3A_352, %add3A_364 : i32
      %get3A_366 = arith.index_cast %add3A_365 : i32 to index
      %get3A_367 = tpu.vector_load %arg6[%get3A_366] {strides = array<i32>} : memref<49152xf32, #tpu.memory_space<vmem>>, vector<16xf32>,
      %add3A_368 = arith.constant 64 : i32
      %add3A_369 = arith.addi %add3A_352, %add3A_368 : i32
      %get3A_370 = arith.index_cast %add3A_369 : i32 to index
      %get3A_371 = tpu.vector_load %arg6[%get3A_370] {strides = array<i32>} : memref<49152xf32, #tpu.memory_space<vmem>>, vector<16xf32>,
      %add3A_372 = arith.constant 80 : i32
      %add3A_373 = arith.addi %add3A_352, %add3A_372 : i32
      %get3A_374 = arith.index_cast %add3A_373 : i32 to index
      %get3A_375 = tpu.vector_load %arg6[%get3A_374] {strides = array<i32>} : memref<49152xf32, #tpu.memory_space<vmem>>, vector<16xf32>,
      %add3A_376 = arith.constant 96 : i32
      %add3A_377 = arith.addi %add3A_352, %add3A_376 : i32
      %get3A_378 = arith.index_cast %add3A_377 : i32 to index
      %get3A_379 = tpu.vector_load %arg6[%get3A_378] {strides = array<i32>} : memref<49152xf32, #tpu.memory_space<vmem>>, vector<16xf32>,
      %add3A_380 = arith.constant 112 : i32
      %add3A_381 = arith.addi %add3A_352, %add3A_380 : i32
      %get3A_382 = arith.index_cast %add3A_381 : i32 to index
      %get3A_383 = tpu.vector_load %arg6[%get3A_382] {strides = array<i32>} : memref<49152xf32, #tpu.memory_space<vmem>>, vector<16xf32>,
      %add3A_384 = arith.constant 128 : i32
      %add3A_385 = arith.addi %add3A_352, %add3A_384 : i32
      %get3A_386 = arith.index_cast %add3A_385 : i32 to index
      %get3A_387 = tpu.vector_load %arg6[%get3A_386] {strides = array<i32>} : memref<49152xf32, #tpu.memory_space<vmem>>, vector<16xf32>,
      %add3A_388 = arith.constant 144 : i32
      %add3A_389 = arith.addi %add3A_352, %add3A_388 : i32
      %get3A_390 = arith.index_cast %add3A_389 : i32 to index
      %get3A_391 = tpu.vector_load %arg6[%get3A_390] {strides = array<i32>} : memref<49152xf32, #tpu.memory_space<vmem>>, vector<16xf32>,
      %add3A_392 = arith.constant 160 : i32
      %add3A_393 = arith.addi %add3A_352, %add3A_392 : i32
      %get3A_394 = arith.index_cast %add3A_393 : i32 to index
      %get3A_395 = tpu.vector_load %arg6[%get3A_394] {strides = array<i32>} : memref<49152xf32, #tpu.memory_space<vmem>>, vector<16xf32>,
      %add3A_396 = arith.constant 176 : i32
      %add3A_397 = arith.addi %add3A_352, %add3A_396 : i32
      %get3A_398 = arith.index_cast %add3A_397 : i32 to index
      %get3A_399 = tpu.vector_load %arg6[%get3A_398] {strides = array<i32>} : memref<49152xf32, #tpu.memory_space<vmem>>, vector<16xf32>,
      %add3A_400 = arith.constant 192 : i32
      %add3A_401 = arith.addi %add3A_352, %add3A_400 : i32
      %get3A_402 = arith.index_cast %add3A_401 : i32 to index
      %get3A_403 = tpu.vector_load %arg6[%get3A_402] {strides = array<i32>} : memref<49152xf32, #tpu.memory_space<vmem>>, vector<16xf32>,
      %add3A_404 = arith.constant 208 : i32
      %add3A_405 = arith.addi %add3A_352, %add3A_404 : i32
      %get3A_406 = arith.index_cast %add3A_405 : i32 to index
      %get3A_407 = tpu.vector_load %arg6[%get3A_406] {strides = array<i32>} : memref<49152xf32, #tpu.memory_space<vmem>>, vector<16xf32>,
      %add3A_408 = arith.constant 224 : i32
      %add3A_409 = arith.addi %add3A_352, %add3A_408 : i32
      %get3A_410 = arith.index_cast %add3A_409 : i32 to index
      %get3A_411 = tpu.vector_load %arg6[%get3A_410] {strides = array<i32>} : memref<49152xf32, #tpu.memory_space<vmem>>, vector<16xf32>,
      %add3A_412 = arith.constant 240 : i32
      %add3A_413 = arith.addi %add3A_352, %add3A_412 : i32
      %get3A_414 = arith.index_cast %add3A_413 : i32 to index
      %get3A_415 = tpu.vector_load %arg6[%get3A_414] {strides = array<i32>} : memref<49152xf32, #tpu.memory_space<vmem>>, vector<16xf32>,
      %add3A_416 = arith.constant 0 : i32
      %add3A_417 = arith.addi %add3A_352, %add3A_416 : i32
      %get3A_418 = arith.index_cast %add3A_417 : i32 to index
      %get3A_419 = tpu.vector_load %arg7[%get3A_418] {strides = array<i32>} : memref<49152xi32, #tpu.memory_space<vmem>>, vector<16xi32>,
      %add3A_420 = arith.constant 16 : i32
      %add3A_421 = arith.addi %add3A_352, %add3A_420 : i32
      %get3A_422 = arith.index_cast %add3A_421 : i32 to index
      %get3A_423 = tpu.vector_load %arg7[%get3A_422] {strides = array<i32>} : memref<49152xi32, #tpu.memory_space<vmem>>, vector<16xi32>,
      %add3A_424 = arith.constant 32 : i32
      %add3A_425 = arith.addi %add3A_352, %add3A_424 : i32
      %get3A_426 = arith.index_cast %add3A_425 : i32 to index
      %get3A_427 = tpu.vector_load %arg7[%get3A_426] {strides = array<i32>} : memref<49152xi32, #tpu.memory_space<vmem>>, vector<16xi32>,
      %add3A_428 = arith.constant 48 : i32
      %add3A_429 = arith.addi %add3A_352, %add3A_428 : i32
      %get3A_430 = arith.index_cast %add3A_429 : i32 to index
      %get3A_431 = tpu.vector_load %arg7[%get3A_430] {strides = array<i32>} : memref<49152xi32, #tpu.memory_space<vmem>>, vector<16xi32>,
      %add3A_432 = arith.constant 64 : i32
      %add3A_433 = arith.addi %add3A_352, %add3A_432 : i32
      %get3A_434 = arith.index_cast %add3A_433 : i32 to index
      %get3A_435 = tpu.vector_load %arg7[%get3A_434] {strides = array<i32>} : memref<49152xi32, #tpu.memory_space<vmem>>, vector<16xi32>,
      %add3A_436 = arith.constant 80 : i32
      %add3A_437 = arith.addi %add3A_352, %add3A_436 : i32
      %get3A_438 = arith.index_cast %add3A_437 : i32 to index
      %get3A_439 = tpu.vector_load %arg7[%get3A_438] {strides = array<i32>} : memref<49152xi32, #tpu.memory_space<vmem>>, vector<16xi32>,
      %add3A_440 = arith.constant 96 : i32
      %add3A_441 = arith.addi %add3A_352, %add3A_440 : i32
      %get3A_442 = arith.index_cast %add3A_441 : i32 to index
      %get3A_443 = tpu.vector_load %arg7[%get3A_442] {strides = array<i32>} : memref<49152xi32, #tpu.memory_space<vmem>>, vector<16xi32>,
      %add3A_444 = arith.constant 112 : i32
      %add3A_445 = arith.addi %add3A_352, %add3A_444 : i32
      %get3A_446 = arith.index_cast %add3A_445 : i32 to index
      %get3A_447 = tpu.vector_load %arg7[%get3A_446] {strides = array<i32>} : memref<49152xi32, #tpu.memory_space<vmem>>, vector<16xi32>,
      %add3A_448 = arith.constant 128 : i32
      %add3A_449 = arith.addi %add3A_352, %add3A_448 : i32
      %get3A_450 = arith.index_cast %add3A_449 : i32 to index
      %get3A_451 = tpu.vector_load %arg7[%get3A_450] {strides = array<i32>} : memref<49152xi32, #tpu.memory_space<vmem>>, vector<16xi32>,
      %add3A_452 = arith.constant 144 : i32
      %add3A_453 = arith.addi %add3A_352, %add3A_452 : i32
      %get3A_454 = arith.index_cast %add3A_453 : i32 to index
      %get3A_455 = tpu.vector_load %arg7[%get3A_454] {strides = array<i32>} : memref<49152xi32, #tpu.memory_space<vmem>>, vector<16xi32>,
      %add3A_456 = arith.constant 160 : i32
      %add3A_457 = arith.addi %add3A_352, %add3A_456 : i32
      %get3A_458 = arith.index_cast %add3A_457 : i32 to index
      %get3A_459 = tpu.vector_load %arg7[%get3A_458] {strides = array<i32>} : memref<49152xi32, #tpu.memory_space<vmem>>, vector<16xi32>,
      %add3A_460 = arith.constant 176 : i32
      %add3A_461 = arith.addi %add3A_352, %add3A_460 : i32
      %get3A_462 = arith.index_cast %add3A_461 : i32 to index
      %get3A_463 = tpu.vector_load %arg7[%get3A_462] {strides = array<i32>} : memref<49152xi32, #tpu.memory_space<vmem>>, vector<16xi32>,
      %add3A_464 = arith.constant 192 : i32
      %add3A_465 = arith.addi %add3A_352, %add3A_464 : i32
      %get3A_466 = arith.index_cast %add3A_465 : i32 to index
      %get3A_467 = tpu.vector_load %arg7[%get3A_466] {strides = array<i32>} : memref<49152xi32, #tpu.memory_space<vmem>>, vector<16xi32>,
      %add3A_468 = arith.constant 208 : i32
      %add3A_469 = arith.addi %add3A_352, %add3A_468 : i32
      %get3A_470 = arith.index_cast %add3A_469 : i32 to index
      %get3A_471 = tpu.vector_load %arg7[%get3A_470] {strides = array<i32>} : memref<49152xi32, #tpu.memory_space<vmem>>, vector<16xi32>,
      %add3A_472 = arith.constant 224 : i32
      %add3A_473 = arith.addi %add3A_352, %add3A_472 : i32
      %get3A_474 = arith.index_cast %add3A_473 : i32 to index
      %get3A_475 = tpu.vector_load %arg7[%get3A_474] {strides = array<i32>} : memref<49152xi32, #tpu.memory_space<vmem>>, vector<16xi32>,
      %add3A_476 = arith.constant 240 : i32
      %add3A_477 = arith.addi %add3A_352, %add3A_476 : i32
      %get3A_478 = arith.index_cast %add3A_477 : i32 to index
      %get3A_479 = tpu.vector_load %arg7[%get3A_478] {strides = array<i32>} : memref<49152xi32, #tpu.memory_space<vmem>>, vector<16xi32>,
      %mul3A_480 = arith.constant 9.99999904 : f32
      %mul3A_481 = vector.broadcast %mul3A_480 : f32 to vector<16xf32>
      %mul3A_482 = arith.mulf %get3A_355, %mul3A_481 : vector<16xf32>
      %convert_element_type3A = arith.fptosi %mul3A_482 : vector<16xf32> to vector<16xi32>
      %mul3A_483 = arith.constant 16 : i32
      %mul3A_484 = vector.broadcast %mul3A_483 : i32 to vector<16xi32>
      %mul3A_485 = arith.muli %convert_element_type3A, %mul3A_484 : vector<16xi32>
      %add3A_486 = arith.addi %mul3A_485, %iota3A : vector<16xi32>
      %add3A_487 = arith.constant 16384 : i32
      %add3A_488 = vector.broadcast %add3A_487 : i32 to vector<16xi32>
      %add3A_489 = arith.addi %get3A_419, %add3A_488 : vector<16xi32>
      %gt3A = arith.constant 0.000000e+00 : f32
      %gt3A_490 = vector.broadcast %gt3A : f32 to vector<16xf32>
      %gt3A_491 = arith.cmpf ogt, %get3A_355, %gt3A_490 : vector<16xf32>
      tpu.vector_store_idx %arg8[%add3A_486], %get3A_355 masked %gt3A_491 {add = true} : memref<160xf32, #tpu.memory_space<vmem>>[vector<16xi32>], vector<16xf32>, vector<16xi1>
      tpu.vector_store_idx %arg9[%add3A_486], %add3A_489 masked %gt3A_491 {add = true} : memref<160xi32, #tpu.memory_space<vmem>>[vector<16xi32>], vector<16xi32>, vector<16xi1>
      %mul3A_492 = arith.constant 9.99999904 : f32
      %mul3A_493 = vector.broadcast %mul3A_492 : f32 to vector<16xf32>
      %mul3A_494 = arith.mulf %get3A_359, %mul3A_493 : vector<16xf32>
      %convert_element_type3A_495 = arith.fptosi %mul3A_494 : vector<16xf32> to vector<16xi32>
      %mul3A_496 = arith.constant 16 : i32
      %mul3A_497 = vector.broadcast %mul3A_496 : i32 to vector<16xi32>
      %mul3A_498 = arith.muli %convert_element_type3A_495, %mul3A_497 : vector<16xi32>
      %add3A_499 = arith.addi %mul3A_498, %iota3A : vector<16xi32>
      %add3A_500 = arith.constant 16384 : i32
      %add3A_501 = vector.broadcast %add3A_500 : i32 to vector<16xi32>
      %add3A_502 = arith.addi %get3A_423, %add3A_501 : vector<16xi32>
      %gt3A_503 = arith.constant 0.000000e+00 : f32
      %gt3A_504 = vector.broadcast %gt3A_503 : f32 to vector<16xf32>
      %gt3A_505 = arith.cmpf ogt, %get3A_359, %gt3A_504 : vector<16xf32>
      tpu.vector_store_idx %arg8[%add3A_499], %get3A_359 masked %gt3A_505 {add = true} : memref<160xf32, #tpu.memory_space<vmem>>[vector<16xi32>], vector<16xf32>, vector<16xi1>
      tpu.vector_store_idx %arg9[%add3A_499], %add3A_502 masked %gt3A_505 {add = true} : memref<160xi32, #tpu.memory_space<vmem>>[vector<16xi32>], vector<16xi32>, vector<16xi1>
      %mul3A_506 = arith.constant 9.99999904 : f32
      %mul3A_507 = vector.broadcast %mul3A_506 : f32 to vector<16xf32>
      %mul3A_508 = arith.mulf %get3A_363, %mul3A_507 : vector<16xf32>
      %convert_element_type3A_509 = arith.fptosi %mul3A_508 : vector<16xf32> to vector<16xi32>
      %mul3A_510 = arith.constant 16 : i32
      %mul3A_511 = vector.broadcast %mul3A_510 : i32 to vector<16xi32>
      %mul3A_512 = arith.muli %convert_element_type3A_509, %mul3A_511 : vector<16xi32>
      %add3A_513 = arith.addi %mul3A_512, %iota3A : vector<16xi32>
      %add3A_514 = arith.constant 16384 : i32
      %add3A_515 = vector.broadcast %add3A_514 : i32 to vector<16xi32>
      %add3A_516 = arith.addi %get3A_427, %add3A_515 : vector<16xi32>
      %gt3A_517 = arith.constant 0.000000e+00 : f32
      %gt3A_518 = vector.broadcast %gt3A_517 : f32 to vector<16xf32>
      %gt3A_519 = arith.cmpf ogt, %get3A_363, %gt3A_518 : vector<16xf32>
      tpu.vector_store_idx %arg8[%add3A_513], %get3A_363 masked %gt3A_519 {add = true} : memref<160xf32, #tpu.memory_space<vmem>>[vector<16xi32>], vector<16xf32>, vector<16xi1>
      tpu.vector_store_idx %arg9[%add3A_513], %add3A_516 masked %gt3A_519 {add = true} : memref<160xi32, #tpu.memory_space<vmem>>[vector<16xi32>], vector<16xi32>, vector<16xi1>
      %mul3A_520 = arith.constant 9.99999904 : f32
      %mul3A_521 = vector.broadcast %mul3A_520 : f32 to vector<16xf32>
      %mul3A_522 = arith.mulf %get3A_367, %mul3A_521 : vector<16xf32>
      %convert_element_type3A_523 = arith.fptosi %mul3A_522 : vector<16xf32> to vector<16xi32>
      %mul3A_524 = arith.constant 16 : i32
      %mul3A_525 = vector.broadcast %mul3A_524 : i32 to vector<16xi32>
      %mul3A_526 = arith.muli %convert_element_type3A_523, %mul3A_525 : vector<16xi32>
      %add3A_527 = arith.addi %mul3A_526, %iota3A : vector<16xi32>
      %add3A_528 = arith.constant 16384 : i32
      %add3A_529 = vector.broadcast %add3A_528 : i32 to vector<16xi32>
      %add3A_530 = arith.addi %get3A_431, %add3A_529 : vector<16xi32>
      %gt3A_531 = arith.constant 0.000000e+00 : f32
      %gt3A_532 = vector.broadcast %gt3A_531 : f32 to vector<16xf32>
      %gt3A_533 = arith.cmpf ogt, %get3A_367, %gt3A_532 : vector<16xf32>
      tpu.vector_store_idx %arg8[%add3A_527], %get3A_367 masked %gt3A_533 {add = true} : memref<160xf32, #tpu.memory_space<vmem>>[vector<16xi32>], vector<16xf32>, vector<16xi1>
      tpu.vector_store_idx %arg9[%add3A_527], %add3A_530 masked %gt3A_533 {add = true} : memref<160xi32, #tpu.memory_space<vmem>>[vector<16xi32>], vector<16xi32>, vector<16xi1>
      %mul3A_534 = arith.constant 9.99999904 : f32
      %mul3A_535 = vector.broadcast %mul3A_534 : f32 to vector<16xf32>
      %mul3A_536 = arith.mulf %get3A_371, %mul3A_535 : vector<16xf32>
      %convert_element_type3A_537 = arith.fptosi %mul3A_536 : vector<16xf32> to vector<16xi32>
      %mul3A_538 = arith.constant 16 : i32
      %mul3A_539 = vector.broadcast %mul3A_538 : i32 to vector<16xi32>
      %mul3A_540 = arith.muli %convert_element_type3A_537, %mul3A_539 : vector<16xi32>
      %add3A_541 = arith.addi %mul3A_540, %iota3A : vector<16xi32>
      %add3A_542 = arith.constant 16384 : i32
      %add3A_543 = vector.broadcast %add3A_542 : i32 to vector<16xi32>
      %add3A_544 = arith.addi %get3A_435, %add3A_543 : vector<16xi32>
      %gt3A_545 = arith.constant 0.000000e+00 : f32
      %gt3A_546 = vector.broadcast %gt3A_545 : f32 to vector<16xf32>
      %gt3A_547 = arith.cmpf ogt, %get3A_371, %gt3A_546 : vector<16xf32>
      tpu.vector_store_idx %arg8[%add3A_541], %get3A_371 masked %gt3A_547 {add = true} : memref<160xf32, #tpu.memory_space<vmem>>[vector<16xi32>], vector<16xf32>, vector<16xi1>
      tpu.vector_store_idx %arg9[%add3A_541], %add3A_544 masked %gt3A_547 {add = true} : memref<160xi32, #tpu.memory_space<vmem>>[vector<16xi32>], vector<16xi32>, vector<16xi1>
      %mul3A_548 = arith.constant 9.99999904 : f32
      %mul3A_549 = vector.broadcast %mul3A_548 : f32 to vector<16xf32>
      %mul3A_550 = arith.mulf %get3A_375, %mul3A_549 : vector<16xf32>
      %convert_element_type3A_551 = arith.fptosi %mul3A_550 : vector<16xf32> to vector<16xi32>
      %mul3A_552 = arith.constant 16 : i32
      %mul3A_553 = vector.broadcast %mul3A_552 : i32 to vector<16xi32>
      %mul3A_554 = arith.muli %convert_element_type3A_551, %mul3A_553 : vector<16xi32>
      %add3A_555 = arith.addi %mul3A_554, %iota3A : vector<16xi32>
      %add3A_556 = arith.constant 16384 : i32
      %add3A_557 = vector.broadcast %add3A_556 : i32 to vector<16xi32>
      %add3A_558 = arith.addi %get3A_439, %add3A_557 : vector<16xi32>
      %gt3A_559 = arith.constant 0.000000e+00 : f32
      %gt3A_560 = vector.broadcast %gt3A_559 : f32 to vector<16xf32>
      %gt3A_561 = arith.cmpf ogt, %get3A_375, %gt3A_560 : vector<16xf32>
      tpu.vector_store_idx %arg8[%add3A_555], %get3A_375 masked %gt3A_561 {add = true} : memref<160xf32, #tpu.memory_space<vmem>>[vector<16xi32>], vector<16xf32>, vector<16xi1>
      tpu.vector_store_idx %arg9[%add3A_555], %add3A_558 masked %gt3A_561 {add = true} : memref<160xi32, #tpu.memory_space<vmem>>[vector<16xi32>], vector<16xi32>, vector<16xi1>
      %mul3A_562 = arith.constant 9.99999904 : f32
      %mul3A_563 = vector.broadcast %mul3A_562 : f32 to vector<16xf32>
      %mul3A_564 = arith.mulf %get3A_379, %mul3A_563 : vector<16xf32>
      %convert_element_type3A_565 = arith.fptosi %mul3A_564 : vector<16xf32> to vector<16xi32>
      %mul3A_566 = arith.constant 16 : i32
      %mul3A_567 = vector.broadcast %mul3A_566 : i32 to vector<16xi32>
      %mul3A_568 = arith.muli %convert_element_type3A_565, %mul3A_567 : vector<16xi32>
      %add3A_569 = arith.addi %mul3A_568, %iota3A : vector<16xi32>
      %add3A_570 = arith.constant 16384 : i32
      %add3A_571 = vector.broadcast %add3A_570 : i32 to vector<16xi32>
      %add3A_572 = arith.addi %get3A_443, %add3A_571 : vector<16xi32>
      %gt3A_573 = arith.constant 0.000000e+00 : f32
      %gt3A_574 = vector.broadcast %gt3A_573 : f32 to vector<16xf32>
      %gt3A_575 = arith.cmpf ogt, %get3A_379, %gt3A_574 : vector<16xf32>
      tpu.vector_store_idx %arg8[%add3A_569], %get3A_379 masked %gt3A_575 {add = true} : memref<160xf32, #tpu.memory_space<vmem>>[vector<16xi32>], vector<16xf32>, vector<16xi1>
      tpu.vector_store_idx %arg9[%add3A_569], %add3A_572 masked %gt3A_575 {add = true} : memref<160xi32, #tpu.memory_space<vmem>>[vector<16xi32>], vector<16xi32>, vector<16xi1>
      %mul3A_576 = arith.constant 9.99999904 : f32
      %mul3A_577 = vector.broadcast %mul3A_576 : f32 to vector<16xf32>
      %mul3A_578 = arith.mulf %get3A_383, %mul3A_577 : vector<16xf32>
      %convert_element_type3A_579 = arith.fptosi %mul3A_578 : vector<16xf32> to vector<16xi32>
      %mul3A_580 = arith.constant 16 : i32
      %mul3A_581 = vector.broadcast %mul3A_580 : i32 to vector<16xi32>
      %mul3A_582 = arith.muli %convert_element_type3A_579, %mul3A_581 : vector<16xi32>
      %add3A_583 = arith.addi %mul3A_582, %iota3A : vector<16xi32>
      %add3A_584 = arith.constant 16384 : i32
      %add3A_585 = vector.broadcast %add3A_584 : i32 to vector<16xi32>
      %add3A_586 = arith.addi %get3A_447, %add3A_585 : vector<16xi32>
      %gt3A_587 = arith.constant 0.000000e+00 : f32
      %gt3A_588 = vector.broadcast %gt3A_587 : f32 to vector<16xf32>
      %gt3A_589 = arith.cmpf ogt, %get3A_383, %gt3A_588 : vector<16xf32>
      tpu.vector_store_idx %arg8[%add3A_583], %get3A_383 masked %gt3A_589 {add = true} : memref<160xf32, #tpu.memory_space<vmem>>[vector<16xi32>], vector<16xf32>, vector<16xi1>
      tpu.vector_store_idx %arg9[%add3A_583], %add3A_586 masked %gt3A_589 {add = true} : memref<160xi32, #tpu.memory_space<vmem>>[vector<16xi32>], vector<16xi32>, vector<16xi1>
      %mul3A_590 = arith.constant 9.99999904 : f32
      %mul3A_591 = vector.broadcast %mul3A_590 : f32 to vector<16xf32>
      %mul3A_592 = arith.mulf %get3A_387, %mul3A_591 : vector<16xf32>
      %convert_element_type3A_593 = arith.fptosi %mul3A_592 : vector<16xf32> to vector<16xi32>
      %mul3A_594 = arith.constant 16 : i32
      %mul3A_595 = vector.broadcast %mul3A_594 : i32 to vector<16xi32>
      %mul3A_596 = arith.muli %convert_element_type3A_593, %mul3A_595 : vector<16xi32>
      %add3A_597 = arith.addi %mul3A_596, %iota3A : vector<16xi32>
      %add3A_598 = arith.constant 16384 : i32
      %add3A_599 = vector.broadcast %add3A_598 : i32 to vector<16xi32>
      %add3A_600 = arith.addi %get3A_451, %add3A_599 : vector<16xi32>
      %gt3A_601 = arith.constant 0.000000e+00 : f32
      %gt3A_602 = vector.broadcast %gt3A_601 : f32 to vector<16xf32>
      %gt3A_603 = arith.cmpf ogt, %get3A_387, %gt3A_602 : vector<16xf32>
      tpu.vector_store_idx %arg8[%add3A_597], %get3A_387 masked %gt3A_603 {add = true} : memref<160xf32, #tpu.memory_space<vmem>>[vector<16xi32>], vector<16xf32>, vector<16xi1>
      tpu.vector_store_idx %arg9[%add3A_597], %add3A_600 masked %gt3A_603 {add = true} : memref<160xi32, #tpu.memory_space<vmem>>[vector<16xi32>], vector<16xi32>, vector<16xi1>
      %mul3A_604 = arith.constant 9.99999904 : f32
      %mul3A_605 = vector.broadcast %mul3A_604 : f32 to vector<16xf32>
      %mul3A_606 = arith.mulf %get3A_391, %mul3A_605 : vector<16xf32>
      %convert_element_type3A_607 = arith.fptosi %mul3A_606 : vector<16xf32> to vector<16xi32>
      %mul3A_608 = arith.constant 16 : i32
      %mul3A_609 = vector.broadcast %mul3A_608 : i32 to vector<16xi32>
      %mul3A_610 = arith.muli %convert_element_type3A_607, %mul3A_609 : vector<16xi32>
      %add3A_611 = arith.addi %mul3A_610, %iota3A : vector<16xi32>
      %add3A_612 = arith.constant 16384 : i32
      %add3A_613 = vector.broadcast %add3A_612 : i32 to vector<16xi32>
      %add3A_614 = arith.addi %get3A_455, %add3A_613 : vector<16xi32>
      %gt3A_615 = arith.constant 0.000000e+00 : f32
      %gt3A_616 = vector.broadcast %gt3A_615 : f32 to vector<16xf32>
      %gt3A_617 = arith.cmpf ogt, %get3A_391, %gt3A_616 : vector<16xf32>
      tpu.vector_store_idx %arg8[%add3A_611], %get3A_391 masked %gt3A_617 {add = true} : memref<160xf32, #tpu.memory_space<vmem>>[vector<16xi32>], vector<16xf32>, vector<16xi1>
      tpu.vector_store_idx %arg9[%add3A_611], %add3A_614 masked %gt3A_617 {add = true} : memref<160xi32, #tpu.memory_space<vmem>>[vector<16xi32>], vector<16xi32>, vector<16xi1>
      %mul3A_618 = arith.constant 9.99999904 : f32
      %mul3A_619 = vector.broadcast %mul3A_618 : f32 to vector<16xf32>
      %mul3A_620 = arith.mulf %get3A_395, %mul3A_619 : vector<16xf32>
      %convert_element_type3A_621 = arith.fptosi %mul3A_620 : vector<16xf32> to vector<16xi32>
      %mul3A_622 = arith.constant 16 : i32
      %mul3A_623 = vector.broadcast %mul3A_622 : i32 to vector<16xi32>
      %mul3A_624 = arith.muli %convert_element_type3A_621, %mul3A_623 : vector<16xi32>
      %add3A_625 = arith.addi %mul3A_624, %iota3A : vector<16xi32>
      %add3A_626 = arith.constant 16384 : i32
      %add3A_627 = vector.broadcast %add3A_626 : i32 to vector<16xi32>
      %add3A_628 = arith.addi %get3A_459, %add3A_627 : vector<16xi32>
      %gt3A_629 = arith.constant 0.000000e+00 : f32
      %gt3A_630 = vector.broadcast %gt3A_629 : f32 to vector<16xf32>
      %gt3A_631 = arith.cmpf ogt, %get3A_395, %gt3A_630 : vector<16xf32>
      tpu.vector_store_idx %arg8[%add3A_625], %get3A_395 masked %gt3A_631 {add = true} : memref<160xf32, #tpu.memory_space<vmem>>[vector<16xi32>], vector<16xf32>, vector<16xi1>
      tpu.vector_store_idx %arg9[%add3A_625], %add3A_628 masked %gt3A_631 {add = true} : memref<160xi32, #tpu.memory_space<vmem>>[vector<16xi32>], vector<16xi32>, vector<16xi1>
      %mul3A_632 = arith.constant 9.99999904 : f32
      %mul3A_633 = vector.broadcast %mul3A_632 : f32 to vector<16xf32>
      %mul3A_634 = arith.mulf %get3A_399, %mul3A_633 : vector<16xf32>
      %convert_element_type3A_635 = arith.fptosi %mul3A_634 : vector<16xf32> to vector<16xi32>
      %mul3A_636 = arith.constant 16 : i32
      %mul3A_637 = vector.broadcast %mul3A_636 : i32 to vector<16xi32>
      %mul3A_638 = arith.muli %convert_element_type3A_635, %mul3A_637 : vector<16xi32>
      %add3A_639 = arith.addi %mul3A_638, %iota3A : vector<16xi32>
      %add3A_640 = arith.constant 16384 : i32
      %add3A_641 = vector.broadcast %add3A_640 : i32 to vector<16xi32>
      %add3A_642 = arith.addi %get3A_463, %add3A_641 : vector<16xi32>
      %gt3A_643 = arith.constant 0.000000e+00 : f32
      %gt3A_644 = vector.broadcast %gt3A_643 : f32 to vector<16xf32>
      %gt3A_645 = arith.cmpf ogt, %get3A_399, %gt3A_644 : vector<16xf32>
      tpu.vector_store_idx %arg8[%add3A_639], %get3A_399 masked %gt3A_645 {add = true} : memref<160xf32, #tpu.memory_space<vmem>>[vector<16xi32>], vector<16xf32>, vector<16xi1>
      tpu.vector_store_idx %arg9[%add3A_639], %add3A_642 masked %gt3A_645 {add = true} : memref<160xi32, #tpu.memory_space<vmem>>[vector<16xi32>], vector<16xi32>, vector<16xi1>
      %mul3A_646 = arith.constant 9.99999904 : f32
      %mul3A_647 = vector.broadcast %mul3A_646 : f32 to vector<16xf32>
      %mul3A_648 = arith.mulf %get3A_403, %mul3A_647 : vector<16xf32>
      %convert_element_type3A_649 = arith.fptosi %mul3A_648 : vector<16xf32> to vector<16xi32>
      %mul3A_650 = arith.constant 16 : i32
      %mul3A_651 = vector.broadcast %mul3A_650 : i32 to vector<16xi32>
      %mul3A_652 = arith.muli %convert_element_type3A_649, %mul3A_651 : vector<16xi32>
      %add3A_653 = arith.addi %mul3A_652, %iota3A : vector<16xi32>
      %add3A_654 = arith.constant 16384 : i32
      %add3A_655 = vector.broadcast %add3A_654 : i32 to vector<16xi32>
      %add3A_656 = arith.addi %get3A_467, %add3A_655 : vector<16xi32>
      %gt3A_657 = arith.constant 0.000000e+00 : f32
      %gt3A_658 = vector.broadcast %gt3A_657 : f32 to vector<16xf32>
      %gt3A_659 = arith.cmpf ogt, %get3A_403, %gt3A_658 : vector<16xf32>
      tpu.vector_store_idx %arg8[%add3A_653], %get3A_403 masked %gt3A_659 {add = true} : memref<160xf32, #tpu.memory_space<vmem>>[vector<16xi32>], vector<16xf32>, vector<16xi1>
      tpu.vector_store_idx %arg9[%add3A_653], %add3A_656 masked %gt3A_659 {add = true} : memref<160xi32, #tpu.memory_space<vmem>>[vector<16xi32>], vector<16xi32>, vector<16xi1>
      %mul3A_660 = arith.constant 9.99999904 : f32
      %mul3A_661 = vector.broadcast %mul3A_660 : f32 to vector<16xf32>
      %mul3A_662 = arith.mulf %get3A_407, %mul3A_661 : vector<16xf32>
      %convert_element_type3A_663 = arith.fptosi %mul3A_662 : vector<16xf32> to vector<16xi32>
      %mul3A_664 = arith.constant 16 : i32
      %mul3A_665 = vector.broadcast %mul3A_664 : i32 to vector<16xi32>
      %mul3A_666 = arith.muli %convert_element_type3A_663, %mul3A_665 : vector<16xi32>
      %add3A_667 = arith.addi %mul3A_666, %iota3A : vector<16xi32>
      %add3A_668 = arith.constant 16384 : i32
      %add3A_669 = vector.broadcast %add3A_668 : i32 to vector<16xi32>
      %add3A_670 = arith.addi %get3A_471, %add3A_669 : vector<16xi32>
      %gt3A_671 = arith.constant 0.000000e+00 : f32
      %gt3A_672 = vector.broadcast %gt3A_671 : f32 to vector<16xf32>
      %gt3A_673 = arith.cmpf ogt, %get3A_407, %gt3A_672 : vector<16xf32>
      tpu.vector_store_idx %arg8[%add3A_667], %get3A_407 masked %gt3A_673 {add = true} : memref<160xf32, #tpu.memory_space<vmem>>[vector<16xi32>], vector<16xf32>, vector<16xi1>
      tpu.vector_store_idx %arg9[%add3A_667], %add3A_670 masked %gt3A_673 {add = true} : memref<160xi32, #tpu.memory_space<vmem>>[vector<16xi32>], vector<16xi32>, vector<16xi1>
      %mul3A_674 = arith.constant 9.99999904 : f32
      %mul3A_675 = vector.broadcast %mul3A_674 : f32 to vector<16xf32>
      %mul3A_676 = arith.mulf %get3A_411, %mul3A_675 : vector<16xf32>
      %convert_element_type3A_677 = arith.fptosi %mul3A_676 : vector<16xf32> to vector<16xi32>
      %mul3A_678 = arith.constant 16 : i32
      %mul3A_679 = vector.broadcast %mul3A_678 : i32 to vector<16xi32>
      %mul3A_680 = arith.muli %convert_element_type3A_677, %mul3A_679 : vector<16xi32>
      %add3A_681 = arith.addi %mul3A_680, %iota3A : vector<16xi32>
      %add3A_682 = arith.constant 16384 : i32
      %add3A_683 = vector.broadcast %add3A_682 : i32 to vector<16xi32>
      %add3A_684 = arith.addi %get3A_475, %add3A_683 : vector<16xi32>
      %gt3A_685 = arith.constant 0.000000e+00 : f32
      %gt3A_686 = vector.broadcast %gt3A_685 : f32 to vector<16xf32>
      %gt3A_687 = arith.cmpf ogt, %get3A_411, %gt3A_686 : vector<16xf32>
      tpu.vector_store_idx %arg8[%add3A_681], %get3A_411 masked %gt3A_687 {add = true} : memref<160xf32, #tpu.memory_space<vmem>>[vector<16xi32>], vector<16xf32>, vector<16xi1>
      tpu.vector_store_idx %arg9[%add3A_681], %add3A_684 masked %gt3A_687 {add = true} : memref<160xi32, #tpu.memory_space<vmem>>[vector<16xi32>], vector<16xi32>, vector<16xi1>
      %mul3A_688 = arith.constant 9.99999904 : f32
      %mul3A_689 = vector.broadcast %mul3A_688 : f32 to vector<16xf32>
      %mul3A_690 = arith.mulf %get3A_415, %mul3A_689 : vector<16xf32>
      %convert_element_type3A_691 = arith.fptosi %mul3A_690 : vector<16xf32> to vector<16xi32>
      %mul3A_692 = arith.constant 16 : i32
      %mul3A_693 = vector.broadcast %mul3A_692 : i32 to vector<16xi32>
      %mul3A_694 = arith.muli %convert_element_type3A_691, %mul3A_693 : vector<16xi32>
      %add3A_695 = arith.addi %mul3A_694, %iota3A : vector<16xi32>
      %add3A_696 = arith.constant 16384 : i32
      %add3A_697 = vector.broadcast %add3A_696 : i32 to vector<16xi32>
      %add3A_698 = arith.addi %get3A_479, %add3A_697 : vector<16xi32>
      %gt3A_699 = arith.constant 0.000000e+00 : f32
      %gt3A_700 = vector.broadcast %gt3A_699 : f32 to vector<16xf32>
      %gt3A_701 = arith.cmpf ogt, %get3A_415, %gt3A_700 : vector<16xf32>
      tpu.vector_store_idx %arg8[%add3A_695], %get3A_415 masked %gt3A_701 {add = true} : memref<160xf32, #tpu.memory_space<vmem>>[vector<16xi32>], vector<16xf32>, vector<16xi1>
      tpu.vector_store_idx %arg9[%add3A_695], %add3A_698 masked %gt3A_701 {add = true} : memref<160xi32, #tpu.memory_space<vmem>>[vector<16xi32>], vector<16xi32>, vector<16xi1>
    }
    %scan3A_225 = arith.constant 64 : i32
    %add3A_226 = arith.constant 98304 : i32
    %add3A_227 = arith.addi %mul3A_2, %add3A_226 : i32
    %dma_start3A_228 = arith.constant 0 : i32
    %dma_start3A_229 = tpu.memref_slice %arg6[%dma_start3A_228] : memref<49152xf32, #tpu.memory_space<vmem>> -> memref<16384xf32, #tpu.memory_space<vmem>>
    %dma_start3A_230 = tpu.memref_slice %arg2[%add3A_227] : memref<4194304xf32, #tpu.memory_space<hbm>> -> memref<16384xf32, #tpu.memory_space<hbm>>
    %dma_start3A_231 = arith.constant 0 : i32
    %dma_start3A_232 = tpu.memref_slice %arg6[%dma_start3A_231] : memref<49152xf32, #tpu.memory_space<vmem>> -> memref<16384xf32, #tpu.memory_space<vmem>>
    %dma_start3A_233 = tpu.memref_slice %arg2[%add3A_227] : memref<4194304xf32, #tpu.memory_space<hbm>> -> memref<16384xf32, #tpu.memory_space<hbm>>
    tpu.enqueue_dma source(%dma_start3A_233 : memref<16384xf32, #tpu.memory_space<hbm>>) target(%dma_start3A_232 : memref<16384xf32, #tpu.memory_space<vmem>>) target_semaphore(%arg10 : memref<!tpu.dma_semaphore, #tpu.memory_space<semaphore_mem>>)
    %add3A_234 = arith.constant 98304 : i32
    %add3A_235 = arith.addi %mul3A_2, %add3A_234 : i32
    %dma_start3A_236 = arith.constant 0 : i32
    %dma_start3A_237 = tpu.memref_slice %arg7[%dma_start3A_236] : memref<49152xi32, #tpu.memory_space<vmem>> -> memref<16384xi32, #tpu.memory_space<vmem>>
    %dma_start3A_238 = tpu.memref_slice %arg3[%add3A_235] : memref<4194304xi32, #tpu.memory_space<hbm>> -> memref<16384xi32, #tpu.memory_space<hbm>>
    %dma_start3A_239 = arith.constant 0 : i32
    %dma_start3A_240 = tpu.memref_slice %arg7[%dma_start3A_239] : memref<49152xi32, #tpu.memory_space<vmem>> -> memref<16384xi32, #tpu.memory_space<vmem>>
    %dma_start3A_241 = tpu.memref_slice %arg3[%add3A_235] : memref<4194304xi32, #tpu.memory_space<hbm>> -> memref<16384xi32, #tpu.memory_space<hbm>>
    tpu.enqueue_dma source(%dma_start3A_241 : memref<16384xi32, #tpu.memory_space<hbm>>) target(%dma_start3A_240 : memref<16384xi32, #tpu.memory_space<vmem>>) target_semaphore(%arg13 : memref<!tpu.dma_semaphore, #tpu.memory_space<semaphore_mem>>)
    %add3A_242 = arith.constant 65536 : i32
    %add3A_243 = arith.addi %mul3A_2, %add3A_242 : i32
    %dma_wait3A_244 = arith.constant 16384 : i32
    %dma_wait3A_245 = tpu.memref_slice %arg6[%dma_wait3A_244] : memref<49152xf32, #tpu.memory_space<vmem>> -> memref<16384xf32, #tpu.memory_space<vmem>>
    %dma_wait3A_246 = tpu.memref_slice %arg2[%add3A_243] : memref<4194304xf32, #tpu.memory_space<hbm>> -> memref<16384xf32, #tpu.memory_space<hbm>>
    %dma_wait3A_247 = arith.constant 16384 : i32
    %dma_wait3A_248 = tpu.memref_slice %arg6[%dma_wait3A_247] : memref<49152xf32, #tpu.memory_space<vmem>> -> memref<16384xf32, #tpu.memory_space<vmem>>
    %dma_wait3A_249 = tpu.memref_slice %arg2[%add3A_243] : memref<4194304xf32, #tpu.memory_space<hbm>> -> memref<16384xf32, #tpu.memory_space<hbm>>
    tpu.wait_dma2 semaphore(%arg11 : memref<!tpu.dma_semaphore, #tpu.memory_space<semaphore_mem>>) src(%dma_wait3A_249 : memref<16384xf32, #tpu.memory_space<hbm>>) dst(%dma_wait3A_248 : memref<16384xf32, #tpu.memory_space<vmem>>)
    %add3A_250 = arith.constant 65536 : i32
    %add3A_251 = arith.addi %mul3A_2, %add3A_250 : i32
    %dma_wait3A_252 = arith.constant 16384 : i32
    %dma_wait3A_253 = tpu.memref_slice %arg7[%dma_wait3A_252] : memref<49152xi32, #tpu.memory_space<vmem>> -> memref<16384xi32, #tpu.memory_space<vmem>>
    %dma_wait3A_254 = tpu.memref_slice %arg3[%add3A_251] : memref<4194304xi32, #tpu.memory_space<hbm>> -> memref<16384xi32, #tpu.memory_space<hbm>>
    %dma_wait3A_255 = arith.constant 16384 : i32
    %dma_wait3A_256 = tpu.memref_slice %arg7[%dma_wait3A_255] : memref<49152xi32, #tpu.memory_space<vmem>> -> memref<16384xi32, #tpu.memory_space<vmem>>
    %dma_wait3A_257 = tpu.memref_slice %arg3[%add3A_251] : memref<4194304xi32, #tpu.memory_space<hbm>> -> memref<16384xi32, #tpu.memory_space<hbm>>
    tpu.wait_dma2 semaphore(%arg14 : memref<!tpu.dma_semaphore, #tpu.memory_space<semaphore_mem>>) src(%dma_wait3A_257 : memref<16384xi32, #tpu.memory_space<hbm>>) dst(%dma_wait3A_256 : memref<16384xi32, #tpu.memory_space<vmem>>)
    %scan3A_258 = arith.constant 0 : i32
    %scan3A_259 = arith.constant 0 : i32
    %scan3A_260 = arith.constant 64 : i32
    %scan3A_261 = arith.addi %scan3A_259, %scan3A_260 : i32
    %scan3A_262 = arith.constant 1 : i32
    scf.for %scan3A_348 = %scan3A_259 to %scan3A_261 step %scan3A_262  : i32 {
      %mul3A_349 = arith.constant 256 : i32
      %mul3A_350 = arith.muli %scan3A_348, %mul3A_349 : i32
      %add3A_351 = arith.constant 16384 : i32
      %add3A_352 = arith.addi %add3A_351, %mul3A_350 : i32
      %add3A_353 = arith.constant 0 : i32
      %add3A_354 = arith.addi %add3A_352, %add3A_353 : i32
      %get3A = arith.index_cast %add3A_354 : i32 to index
      %get3A_355 = tpu.vector_load %arg6[%get3A] {strides = array<i32>} : memref<49152xf32, #tpu.memory_space<vmem>>, vector<16xf32>,
      %add3A_356 = arith.constant 16 : i32
      %add3A_357 = arith.addi %add3A_352, %add3A_356 : i32
      %get3A_358 = arith.index_cast %add3A_357 : i32 to index
      %get3A_359 = tpu.vector_load %arg6[%get3A_358] {strides = array<i32>} : memref<49152xf32, #tpu.memory_space<vmem>>, vector<16xf32>,
      %add3A_360 = arith.constant 32 : i32
      %add3A_361 = arith.addi %add3A_352, %add3A_360 : i32
      %get3A_362 = arith.index_cast %add3A_361 : i32 to index
      %get3A_363 = tpu.vector_load %arg6[%get3A_362] {strides = array<i32>} : memref<49152xf32, #tpu.memory_space<vmem>>, vector<16xf32>,
      %add3A_364 = arith.constant 48 : i32
      %add3A_365 = arith.addi %add3A_352, %add3A_364 : i32
      %get3A_366 = arith.index_cast %add3A_365 : i32 to index
      %get3A_367 = tpu.vector_load %arg6[%get3A_366] {strides = array<i32>} : memref<49152xf32, #tpu.memory_space<vmem>>, vector<16xf32>,
      %add3A_368 = arith.constant 64 : i32
      %add3A_369 = arith.addi %add3A_352, %add3A_368 : i32
      %get3A_370 = arith.index_cast %add3A_369 : i32 to index
      %get3A_371 = tpu.vector_load %arg6[%get3A_370] {strides = array<i32>} : memref<49152xf32, #tpu.memory_space<vmem>>, vector<16xf32>,
      %add3A_372 = arith.constant 80 : i32
      %add3A_373 = arith.addi %add3A_352, %add3A_372 : i32
      %get3A_374 = arith.index_cast %add3A_373 : i32 to index
      %get3A_375 = tpu.vector_load %arg6[%get3A_374] {strides = array<i32>} : memref<49152xf32, #tpu.memory_space<vmem>>, vector<16xf32>,
      %add3A_376 = arith.constant 96 : i32
      %add3A_377 = arith.addi %add3A_352, %add3A_376 : i32
      %get3A_378 = arith.index_cast %add3A_377 : i32 to index
      %get3A_379 = tpu.vector_load %arg6[%get3A_378] {strides = array<i32>} : memref<49152xf32, #tpu.memory_space<vmem>>, vector<16xf32>,
      %add3A_380 = arith.constant 112 : i32
      %add3A_381 = arith.addi %add3A_352, %add3A_380 : i32
      %get3A_382 = arith.index_cast %add3A_381 : i32 to index
      %get3A_383 = tpu.vector_load %arg6[%get3A_382] {strides = array<i32>} : memref<49152xf32, #tpu.memory_space<vmem>>, vector<16xf32>,
      %add3A_384 = arith.constant 128 : i32
      %add3A_385 = arith.addi %add3A_352, %add3A_384 : i32
      %get3A_386 = arith.index_cast %add3A_385 : i32 to index
      %get3A_387 = tpu.vector_load %arg6[%get3A_386] {strides = array<i32>} : memref<49152xf32, #tpu.memory_space<vmem>>, vector<16xf32>,
      %add3A_388 = arith.constant 144 : i32
      %add3A_389 = arith.addi %add3A_352, %add3A_388 : i32
      %get3A_390 = arith.index_cast %add3A_389 : i32 to index
      %get3A_391 = tpu.vector_load %arg6[%get3A_390] {strides = array<i32>} : memref<49152xf32, #tpu.memory_space<vmem>>, vector<16xf32>,
      %add3A_392 = arith.constant 160 : i32
      %add3A_393 = arith.addi %add3A_352, %add3A_392 : i32
      %get3A_394 = arith.index_cast %add3A_393 : i32 to index
      %get3A_395 = tpu.vector_load %arg6[%get3A_394] {strides = array<i32>} : memref<49152xf32, #tpu.memory_space<vmem>>, vector<16xf32>,
      %add3A_396 = arith.constant 176 : i32
      %add3A_397 = arith.addi %add3A_352, %add3A_396 : i32
      %get3A_398 = arith.index_cast %add3A_397 : i32 to index
      %get3A_399 = tpu.vector_load %arg6[%get3A_398] {strides = array<i32>} : memref<49152xf32, #tpu.memory_space<vmem>>, vector<16xf32>,
      %add3A_400 = arith.constant 192 : i32
      %add3A_401 = arith.addi %add3A_352, %add3A_400 : i32
      %get3A_402 = arith.index_cast %add3A_401 : i32 to index
      %get3A_403 = tpu.vector_load %arg6[%get3A_402] {strides = array<i32>} : memref<49152xf32, #tpu.memory_space<vmem>>, vector<16xf32>,
      %add3A_404 = arith.constant 208 : i32
      %add3A_405 = arith.addi %add3A_352, %add3A_404 : i32
      %get3A_406 = arith.index_cast %add3A_405 : i32 to index
      %get3A_407 = tpu.vector_load %arg6[%get3A_406] {strides = array<i32>} : memref<49152xf32, #tpu.memory_space<vmem>>, vector<16xf32>,
      %add3A_408 = arith.constant 224 : i32
      %add3A_409 = arith.addi %add3A_352, %add3A_408 : i32
      %get3A_410 = arith.index_cast %add3A_409 : i32 to index
      %get3A_411 = tpu.vector_load %arg6[%get3A_410] {strides = array<i32>} : memref<49152xf32, #tpu.memory_space<vmem>>, vector<16xf32>,
      %add3A_412 = arith.constant 240 : i32
      %add3A_413 = arith.addi %add3A_352, %add3A_412 : i32
      %get3A_414 = arith.index_cast %add3A_413 : i32 to index
      %get3A_415 = tpu.vector_load %arg6[%get3A_414] {strides = array<i32>} : memref<49152xf32, #tpu.memory_space<vmem>>, vector<16xf32>,
      %add3A_416 = arith.constant 0 : i32
      %add3A_417 = arith.addi %add3A_352, %add3A_416 : i32
      %get3A_418 = arith.index_cast %add3A_417 : i32 to index
      %get3A_419 = tpu.vector_load %arg7[%get3A_418] {strides = array<i32>} : memref<49152xi32, #tpu.memory_space<vmem>>, vector<16xi32>,
      %add3A_420 = arith.constant 16 : i32
      %add3A_421 = arith.addi %add3A_352, %add3A_420 : i32
      %get3A_422 = arith.index_cast %add3A_421 : i32 to index
      %get3A_423 = tpu.vector_load %arg7[%get3A_422] {strides = array<i32>} : memref<49152xi32, #tpu.memory_space<vmem>>, vector<16xi32>,
      %add3A_424 = arith.constant 32 : i32
      %add3A_425 = arith.addi %add3A_352, %add3A_424 : i32
      %get3A_426 = arith.index_cast %add3A_425 : i32 to index
      %get3A_427 = tpu.vector_load %arg7[%get3A_426] {strides = array<i32>} : memref<49152xi32, #tpu.memory_space<vmem>>, vector<16xi32>,
      %add3A_428 = arith.constant 48 : i32
      %add3A_429 = arith.addi %add3A_352, %add3A_428 : i32
      %get3A_430 = arith.index_cast %add3A_429 : i32 to index
      %get3A_431 = tpu.vector_load %arg7[%get3A_430] {strides = array<i32>} : memref<49152xi32, #tpu.memory_space<vmem>>, vector<16xi32>,
      %add3A_432 = arith.constant 64 : i32
      %add3A_433 = arith.addi %add3A_352, %add3A_432 : i32
      %get3A_434 = arith.index_cast %add3A_433 : i32 to index
      %get3A_435 = tpu.vector_load %arg7[%get3A_434] {strides = array<i32>} : memref<49152xi32, #tpu.memory_space<vmem>>, vector<16xi32>,
      %add3A_436 = arith.constant 80 : i32
      %add3A_437 = arith.addi %add3A_352, %add3A_436 : i32
      %get3A_438 = arith.index_cast %add3A_437 : i32 to index
      %get3A_439 = tpu.vector_load %arg7[%get3A_438] {strides = array<i32>} : memref<49152xi32, #tpu.memory_space<vmem>>, vector<16xi32>,
      %add3A_440 = arith.constant 96 : i32
      %add3A_441 = arith.addi %add3A_352, %add3A_440 : i32
      %get3A_442 = arith.index_cast %add3A_441 : i32 to index
      %get3A_443 = tpu.vector_load %arg7[%get3A_442] {strides = array<i32>} : memref<49152xi32, #tpu.memory_space<vmem>>, vector<16xi32>,
      %add3A_444 = arith.constant 112 : i32
      %add3A_445 = arith.addi %add3A_352, %add3A_444 : i32
      %get3A_446 = arith.index_cast %add3A_445 : i32 to index
      %get3A_447 = tpu.vector_load %arg7[%get3A_446] {strides = array<i32>} : memref<49152xi32, #tpu.memory_space<vmem>>, vector<16xi32>,
      %add3A_448 = arith.constant 128 : i32
      %add3A_449 = arith.addi %add3A_352, %add3A_448 : i32
      %get3A_450 = arith.index_cast %add3A_449 : i32 to index
      %get3A_451 = tpu.vector_load %arg7[%get3A_450] {strides = array<i32>} : memref<49152xi32, #tpu.memory_space<vmem>>, vector<16xi32>,
      %add3A_452 = arith.constant 144 : i32
      %add3A_453 = arith.addi %add3A_352, %add3A_452 : i32
      %get3A_454 = arith.index_cast %add3A_453 : i32 to index
      %get3A_455 = tpu.vector_load %arg7[%get3A_454] {strides = array<i32>} : memref<49152xi32, #tpu.memory_space<vmem>>, vector<16xi32>,
      %add3A_456 = arith.constant 160 : i32
      %add3A_457 = arith.addi %add3A_352, %add3A_456 : i32
      %get3A_458 = arith.index_cast %add3A_457 : i32 to index
      %get3A_459 = tpu.vector_load %arg7[%get3A_458] {strides = array<i32>} : memref<49152xi32, #tpu.memory_space<vmem>>, vector<16xi32>,
      %add3A_460 = arith.constant 176 : i32
      %add3A_461 = arith.addi %add3A_352, %add3A_460 : i32
      %get3A_462 = arith.index_cast %add3A_461 : i32 to index
      %get3A_463 = tpu.vector_load %arg7[%get3A_462] {strides = array<i32>} : memref<49152xi32, #tpu.memory_space<vmem>>, vector<16xi32>,
      %add3A_464 = arith.constant 192 : i32
      %add3A_465 = arith.addi %add3A_352, %add3A_464 : i32
      %get3A_466 = arith.index_cast %add3A_465 : i32 to index
      %get3A_467 = tpu.vector_load %arg7[%get3A_466] {strides = array<i32>} : memref<49152xi32, #tpu.memory_space<vmem>>, vector<16xi32>,
      %add3A_468 = arith.constant 208 : i32
      %add3A_469 = arith.addi %add3A_352, %add3A_468 : i32
      %get3A_470 = arith.index_cast %add3A_469 : i32 to index
      %get3A_471 = tpu.vector_load %arg7[%get3A_470] {strides = array<i32>} : memref<49152xi32, #tpu.memory_space<vmem>>, vector<16xi32>,
      %add3A_472 = arith.constant 224 : i32
      %add3A_473 = arith.addi %add3A_352, %add3A_472 : i32
      %get3A_474 = arith.index_cast %add3A_473 : i32 to index
      %get3A_475 = tpu.vector_load %arg7[%get3A_474] {strides = array<i32>} : memref<49152xi32, #tpu.memory_space<vmem>>, vector<16xi32>,
      %add3A_476 = arith.constant 240 : i32
      %add3A_477 = arith.addi %add3A_352, %add3A_476 : i32
      %get3A_478 = arith.index_cast %add3A_477 : i32 to index
      %get3A_479 = tpu.vector_load %arg7[%get3A_478] {strides = array<i32>} : memref<49152xi32, #tpu.memory_space<vmem>>, vector<16xi32>,
      %mul3A_480 = arith.constant 9.99999904 : f32
      %mul3A_481 = vector.broadcast %mul3A_480 : f32 to vector<16xf32>
      %mul3A_482 = arith.mulf %get3A_355, %mul3A_481 : vector<16xf32>
      %convert_element_type3A = arith.fptosi %mul3A_482 : vector<16xf32> to vector<16xi32>
      %mul3A_483 = arith.constant 16 : i32
      %mul3A_484 = vector.broadcast %mul3A_483 : i32 to vector<16xi32>
      %mul3A_485 = arith.muli %convert_element_type3A, %mul3A_484 : vector<16xi32>
      %add3A_486 = arith.addi %mul3A_485, %iota3A : vector<16xi32>
      %add3A_487 = arith.constant 16384 : i32
      %add3A_488 = vector.broadcast %add3A_487 : i32 to vector<16xi32>
      %add3A_489 = arith.addi %get3A_419, %add3A_488 : vector<16xi32>
      %gt3A = arith.constant 0.000000e+00 : f32
      %gt3A_490 = vector.broadcast %gt3A : f32 to vector<16xf32>
      %gt3A_491 = arith.cmpf ogt, %get3A_355, %gt3A_490 : vector<16xf32>
      tpu.vector_store_idx %arg8[%add3A_486], %get3A_355 masked %gt3A_491 {add = true} : memref<160xf32, #tpu.memory_space<vmem>>[vector<16xi32>], vector<16xf32>, vector<16xi1>
      tpu.vector_store_idx %arg9[%add3A_486], %add3A_489 masked %gt3A_491 {add = true} : memref<160xi32, #tpu.memory_space<vmem>>[vector<16xi32>], vector<16xi32>, vector<16xi1>
      %mul3A_492 = arith.constant 9.99999904 : f32
      %mul3A_493 = vector.broadcast %mul3A_492 : f32 to vector<16xf32>
      %mul3A_494 = arith.mulf %get3A_359, %mul3A_493 : vector<16xf32>
      %convert_element_type3A_495 = arith.fptosi %mul3A_494 : vector<16xf32> to vector<16xi32>
      %mul3A_496 = arith.constant 16 : i32
      %mul3A_497 = vector.broadcast %mul3A_496 : i32 to vector<16xi32>
      %mul3A_498 = arith.muli %convert_element_type3A_495, %mul3A_497 : vector<16xi32>
      %add3A_499 = arith.addi %mul3A_498, %iota3A : vector<16xi32>
      %add3A_500 = arith.constant 16384 : i32
      %add3A_501 = vector.broadcast %add3A_500 : i32 to vector<16xi32>
      %add3A_502 = arith.addi %get3A_423, %add3A_501 : vector<16xi32>
      %gt3A_503 = arith.constant 0.000000e+00 : f32
      %gt3A_504 = vector.broadcast %gt3A_503 : f32 to vector<16xf32>
      %gt3A_505 = arith.cmpf ogt, %get3A_359, %gt3A_504 : vector<16xf32>
      tpu.vector_store_idx %arg8[%add3A_499], %get3A_359 masked %gt3A_505 {add = true} : memref<160xf32, #tpu.memory_space<vmem>>[vector<16xi32>], vector<16xf32>, vector<16xi1>
      tpu.vector_store_idx %arg9[%add3A_499], %add3A_502 masked %gt3A_505 {add = true} : memref<160xi32, #tpu.memory_space<vmem>>[vector<16xi32>], vector<16xi32>, vector<16xi1>
      %mul3A_506 = arith.constant 9.99999904 : f32
      %mul3A_507 = vector.broadcast %mul3A_506 : f32 to vector<16xf32>
      %mul3A_508 = arith.mulf %get3A_363, %mul3A_507 : vector<16xf32>
      %convert_element_type3A_509 = arith.fptosi %mul3A_508 : vector<16xf32> to vector<16xi32>
      %mul3A_510 = arith.constant 16 : i32
      %mul3A_511 = vector.broadcast %mul3A_510 : i32 to vector<16xi32>
      %mul3A_512 = arith.muli %convert_element_type3A_509, %mul3A_511 : vector<16xi32>
      %add3A_513 = arith.addi %mul3A_512, %iota3A : vector<16xi32>
      %add3A_514 = arith.constant 16384 : i32
      %add3A_515 = vector.broadcast %add3A_514 : i32 to vector<16xi32>
      %add3A_516 = arith.addi %get3A_427, %add3A_515 : vector<16xi32>
      %gt3A_517 = arith.constant 0.000000e+00 : f32
      %gt3A_518 = vector.broadcast %gt3A_517 : f32 to vector<16xf32>
      %gt3A_519 = arith.cmpf ogt, %get3A_363, %gt3A_518 : vector<16xf32>
      tpu.vector_store_idx %arg8[%add3A_513], %get3A_363 masked %gt3A_519 {add = true} : memref<160xf32, #tpu.memory_space<vmem>>[vector<16xi32>], vector<16xf32>, vector<16xi1>
      tpu.vector_store_idx %arg9[%add3A_513], %add3A_516 masked %gt3A_519 {add = true} : memref<160xi32, #tpu.memory_space<vmem>>[vector<16xi32>], vector<16xi32>, vector<16xi1>
      %mul3A_520 = arith.constant 9.99999904 : f32
      %mul3A_521 = vector.broadcast %mul3A_520 : f32 to vector<16xf32>
      %mul3A_522 = arith.mulf %get3A_367, %mul3A_521 : vector<16xf32>
      %convert_element_type3A_523 = arith.fptosi %mul3A_522 : vector<16xf32> to vector<16xi32>
      %mul3A_524 = arith.constant 16 : i32
      %mul3A_525 = vector.broadcast %mul3A_524 : i32 to vector<16xi32>
      %mul3A_526 = arith.muli %convert_element_type3A_523, %mul3A_525 : vector<16xi32>
      %add3A_527 = arith.addi %mul3A_526, %iota3A : vector<16xi32>
      %add3A_528 = arith.constant 16384 : i32
      %add3A_529 = vector.broadcast %add3A_528 : i32 to vector<16xi32>
      %add3A_530 = arith.addi %get3A_431, %add3A_529 : vector<16xi32>
      %gt3A_531 = arith.constant 0.000000e+00 : f32
      %gt3A_532 = vector.broadcast %gt3A_531 : f32 to vector<16xf32>
      %gt3A_533 = arith.cmpf ogt, %get3A_367, %gt3A_532 : vector<16xf32>
      tpu.vector_store_idx %arg8[%add3A_527], %get3A_367 masked %gt3A_533 {add = true} : memref<160xf32, #tpu.memory_space<vmem>>[vector<16xi32>], vector<16xf32>, vector<16xi1>
      tpu.vector_store_idx %arg9[%add3A_527], %add3A_530 masked %gt3A_533 {add = true} : memref<160xi32, #tpu.memory_space<vmem>>[vector<16xi32>], vector<16xi32>, vector<16xi1>
      %mul3A_534 = arith.constant 9.99999904 : f32
      %mul3A_535 = vector.broadcast %mul3A_534 : f32 to vector<16xf32>
      %mul3A_536 = arith.mulf %get3A_371, %mul3A_535 : vector<16xf32>
      %convert_element_type3A_537 = arith.fptosi %mul3A_536 : vector<16xf32> to vector<16xi32>
      %mul3A_538 = arith.constant 16 : i32
      %mul3A_539 = vector.broadcast %mul3A_538 : i32 to vector<16xi32>
      %mul3A_540 = arith.muli %convert_element_type3A_537, %mul3A_539 : vector<16xi32>
      %add3A_541 = arith.addi %mul3A_540, %iota3A : vector<16xi32>
      %add3A_542 = arith.constant 16384 : i32
      %add3A_543 = vector.broadcast %add3A_542 : i32 to vector<16xi32>
      %add3A_544 = arith.addi %get3A_435, %add3A_543 : vector<16xi32>
      %gt3A_545 = arith.constant 0.000000e+00 : f32
      %gt3A_546 = vector.broadcast %gt3A_545 : f32 to vector<16xf32>
      %gt3A_547 = arith.cmpf ogt, %get3A_371, %gt3A_546 : vector<16xf32>
      tpu.vector_store_idx %arg8[%add3A_541], %get3A_371 masked %gt3A_547 {add = true} : memref<160xf32, #tpu.memory_space<vmem>>[vector<16xi32>], vector<16xf32>, vector<16xi1>
      tpu.vector_store_idx %arg9[%add3A_541], %add3A_544 masked %gt3A_547 {add = true} : memref<160xi32, #tpu.memory_space<vmem>>[vector<16xi32>], vector<16xi32>, vector<16xi1>
      %mul3A_548 = arith.constant 9.99999904 : f32
      %mul3A_549 = vector.broadcast %mul3A_548 : f32 to vector<16xf32>
      %mul3A_550 = arith.mulf %get3A_375, %mul3A_549 : vector<16xf32>
      %convert_element_type3A_551 = arith.fptosi %mul3A_550 : vector<16xf32> to vector<16xi32>
      %mul3A_552 = arith.constant 16 : i32
      %mul3A_553 = vector.broadcast %mul3A_552 : i32 to vector<16xi32>
      %mul3A_554 = arith.muli %convert_element_type3A_551, %mul3A_553 : vector<16xi32>
      %add3A_555 = arith.addi %mul3A_554, %iota3A : vector<16xi32>
      %add3A_556 = arith.constant 16384 : i32
      %add3A_557 = vector.broadcast %add3A_556 : i32 to vector<16xi32>
      %add3A_558 = arith.addi %get3A_439, %add3A_557 : vector<16xi32>
      %gt3A_559 = arith.constant 0.000000e+00 : f32
      %gt3A_560 = vector.broadcast %gt3A_559 : f32 to vector<16xf32>
      %gt3A_561 = arith.cmpf ogt, %get3A_375, %gt3A_560 : vector<16xf32>
      tpu.vector_store_idx %arg8[%add3A_555], %get3A_375 masked %gt3A_561 {add = true} : memref<160xf32, #tpu.memory_space<vmem>>[vector<16xi32>], vector<16xf32>, vector<16xi1>
      tpu.vector_store_idx %arg9[%add3A_555], %add3A_558 masked %gt3A_561 {add = true} : memref<160xi32, #tpu.memory_space<vmem>>[vector<16xi32>], vector<16xi32>, vector<16xi1>
      %mul3A_562 = arith.constant 9.99999904 : f32
      %mul3A_563 = vector.broadcast %mul3A_562 : f32 to vector<16xf32>
      %mul3A_564 = arith.mulf %get3A_379, %mul3A_563 : vector<16xf32>
      %convert_element_type3A_565 = arith.fptosi %mul3A_564 : vector<16xf32> to vector<16xi32>
      %mul3A_566 = arith.constant 16 : i32
      %mul3A_567 = vector.broadcast %mul3A_566 : i32 to vector<16xi32>
      %mul3A_568 = arith.muli %convert_element_type3A_565, %mul3A_567 : vector<16xi32>
      %add3A_569 = arith.addi %mul3A_568, %iota3A : vector<16xi32>
      %add3A_570 = arith.constant 16384 : i32
      %add3A_571 = vector.broadcast %add3A_570 : i32 to vector<16xi32>
      %add3A_572 = arith.addi %get3A_443, %add3A_571 : vector<16xi32>
      %gt3A_573 = arith.constant 0.000000e+00 : f32
      %gt3A_574 = vector.broadcast %gt3A_573 : f32 to vector<16xf32>
      %gt3A_575 = arith.cmpf ogt, %get3A_379, %gt3A_574 : vector<16xf32>
      tpu.vector_store_idx %arg8[%add3A_569], %get3A_379 masked %gt3A_575 {add = true} : memref<160xf32, #tpu.memory_space<vmem>>[vector<16xi32>], vector<16xf32>, vector<16xi1>
      tpu.vector_store_idx %arg9[%add3A_569], %add3A_572 masked %gt3A_575 {add = true} : memref<160xi32, #tpu.memory_space<vmem>>[vector<16xi32>], vector<16xi32>, vector<16xi1>
      %mul3A_576 = arith.constant 9.99999904 : f32
      %mul3A_577 = vector.broadcast %mul3A_576 : f32 to vector<16xf32>
      %mul3A_578 = arith.mulf %get3A_383, %mul3A_577 : vector<16xf32>
      %convert_element_type3A_579 = arith.fptosi %mul3A_578 : vector<16xf32> to vector<16xi32>
      %mul3A_580 = arith.constant 16 : i32
      %mul3A_581 = vector.broadcast %mul3A_580 : i32 to vector<16xi32>
      %mul3A_582 = arith.muli %convert_element_type3A_579, %mul3A_581 : vector<16xi32>
      %add3A_583 = arith.addi %mul3A_582, %iota3A : vector<16xi32>
      %add3A_584 = arith.constant 16384 : i32
      %add3A_585 = vector.broadcast %add3A_584 : i32 to vector<16xi32>
      %add3A_586 = arith.addi %get3A_447, %add3A_585 : vector<16xi32>
      %gt3A_587 = arith.constant 0.000000e+00 : f32
      %gt3A_588 = vector.broadcast %gt3A_587 : f32 to vector<16xf32>
      %gt3A_589 = arith.cmpf ogt, %get3A_383, %gt3A_588 : vector<16xf32>
      tpu.vector_store_idx %arg8[%add3A_583], %get3A_383 masked %gt3A_589 {add = true} : memref<160xf32, #tpu.memory_space<vmem>>[vector<16xi32>], vector<16xf32>, vector<16xi1>
      tpu.vector_store_idx %arg9[%add3A_583], %add3A_586 masked %gt3A_589 {add = true} : memref<160xi32, #tpu.memory_space<vmem>>[vector<16xi32>], vector<16xi32>, vector<16xi1>
      %mul3A_590 = arith.constant 9.99999904 : f32
      %mul3A_591 = vector.broadcast %mul3A_590 : f32 to vector<16xf32>
      %mul3A_592 = arith.mulf %get3A_387, %mul3A_591 : vector<16xf32>
      %convert_element_type3A_593 = arith.fptosi %mul3A_592 : vector<16xf32> to vector<16xi32>
      %mul3A_594 = arith.constant 16 : i32
      %mul3A_595 = vector.broadcast %mul3A_594 : i32 to vector<16xi32>
      %mul3A_596 = arith.muli %convert_element_type3A_593, %mul3A_595 : vector<16xi32>
      %add3A_597 = arith.addi %mul3A_596, %iota3A : vector<16xi32>
      %add3A_598 = arith.constant 16384 : i32
      %add3A_599 = vector.broadcast %add3A_598 : i32 to vector<16xi32>
      %add3A_600 = arith.addi %get3A_451, %add3A_599 : vector<16xi32>
      %gt3A_601 = arith.constant 0.000000e+00 : f32
      %gt3A_602 = vector.broadcast %gt3A_601 : f32 to vector<16xf32>
      %gt3A_603 = arith.cmpf ogt, %get3A_387, %gt3A_602 : vector<16xf32>
      tpu.vector_store_idx %arg8[%add3A_597], %get3A_387 masked %gt3A_603 {add = true} : memref<160xf32, #tpu.memory_space<vmem>>[vector<16xi32>], vector<16xf32>, vector<16xi1>
      tpu.vector_store_idx %arg9[%add3A_597], %add3A_600 masked %gt3A_603 {add = true} : memref<160xi32, #tpu.memory_space<vmem>>[vector<16xi32>], vector<16xi32>, vector<16xi1>
      %mul3A_604 = arith.constant 9.99999904 : f32
      %mul3A_605 = vector.broadcast %mul3A_604 : f32 to vector<16xf32>
      %mul3A_606 = arith.mulf %get3A_391, %mul3A_605 : vector<16xf32>
      %convert_element_type3A_607 = arith.fptosi %mul3A_606 : vector<16xf32> to vector<16xi32>
      %mul3A_608 = arith.constant 16 : i32
      %mul3A_609 = vector.broadcast %mul3A_608 : i32 to vector<16xi32>
      %mul3A_610 = arith.muli %convert_element_type3A_607, %mul3A_609 : vector<16xi32>
      %add3A_611 = arith.addi %mul3A_610, %iota3A : vector<16xi32>
      %add3A_612 = arith.constant 16384 : i32
      %add3A_613 = vector.broadcast %add3A_612 : i32 to vector<16xi32>
      %add3A_614 = arith.addi %get3A_455, %add3A_613 : vector<16xi32>
      %gt3A_615 = arith.constant 0.000000e+00 : f32
      %gt3A_616 = vector.broadcast %gt3A_615 : f32 to vector<16xf32>
      %gt3A_617 = arith.cmpf ogt, %get3A_391, %gt3A_616 : vector<16xf32>
      tpu.vector_store_idx %arg8[%add3A_611], %get3A_391 masked %gt3A_617 {add = true} : memref<160xf32, #tpu.memory_space<vmem>>[vector<16xi32>], vector<16xf32>, vector<16xi1>
      tpu.vector_store_idx %arg9[%add3A_611], %add3A_614 masked %gt3A_617 {add = true} : memref<160xi32, #tpu.memory_space<vmem>>[vector<16xi32>], vector<16xi32>, vector<16xi1>
      %mul3A_618 = arith.constant 9.99999904 : f32
      %mul3A_619 = vector.broadcast %mul3A_618 : f32 to vector<16xf32>
      %mul3A_620 = arith.mulf %get3A_395, %mul3A_619 : vector<16xf32>
      %convert_element_type3A_621 = arith.fptosi %mul3A_620 : vector<16xf32> to vector<16xi32>
      %mul3A_622 = arith.constant 16 : i32
      %mul3A_623 = vector.broadcast %mul3A_622 : i32 to vector<16xi32>
      %mul3A_624 = arith.muli %convert_element_type3A_621, %mul3A_623 : vector<16xi32>
      %add3A_625 = arith.addi %mul3A_624, %iota3A : vector<16xi32>
      %add3A_626 = arith.constant 16384 : i32
      %add3A_627 = vector.broadcast %add3A_626 : i32 to vector<16xi32>
      %add3A_628 = arith.addi %get3A_459, %add3A_627 : vector<16xi32>
      %gt3A_629 = arith.constant 0.000000e+00 : f32
      %gt3A_630 = vector.broadcast %gt3A_629 : f32 to vector<16xf32>
      %gt3A_631 = arith.cmpf ogt, %get3A_395, %gt3A_630 : vector<16xf32>
      tpu.vector_store_idx %arg8[%add3A_625], %get3A_395 masked %gt3A_631 {add = true} : memref<160xf32, #tpu.memory_space<vmem>>[vector<16xi32>], vector<16xf32>, vector<16xi1>
      tpu.vector_store_idx %arg9[%add3A_625], %add3A_628 masked %gt3A_631 {add = true} : memref<160xi32, #tpu.memory_space<vmem>>[vector<16xi32>], vector<16xi32>, vector<16xi1>
      %mul3A_632 = arith.constant 9.99999904 : f32
      %mul3A_633 = vector.broadcast %mul3A_632 : f32 to vector<16xf32>
      %mul3A_634 = arith.mulf %get3A_399, %mul3A_633 : vector<16xf32>
      %convert_element_type3A_635 = arith.fptosi %mul3A_634 : vector<16xf32> to vector<16xi32>
      %mul3A_636 = arith.constant 16 : i32
      %mul3A_637 = vector.broadcast %mul3A_636 : i32 to vector<16xi32>
      %mul3A_638 = arith.muli %convert_element_type3A_635, %mul3A_637 : vector<16xi32>
      %add3A_639 = arith.addi %mul3A_638, %iota3A : vector<16xi32>
      %add3A_640 = arith.constant 16384 : i32
      %add3A_641 = vector.broadcast %add3A_640 : i32 to vector<16xi32>
      %add3A_642 = arith.addi %get3A_463, %add3A_641 : vector<16xi32>
      %gt3A_643 = arith.constant 0.000000e+00 : f32
      %gt3A_644 = vector.broadcast %gt3A_643 : f32 to vector<16xf32>
      %gt3A_645 = arith.cmpf ogt, %get3A_399, %gt3A_644 : vector<16xf32>
      tpu.vector_store_idx %arg8[%add3A_639], %get3A_399 masked %gt3A_645 {add = true} : memref<160xf32, #tpu.memory_space<vmem>>[vector<16xi32>], vector<16xf32>, vector<16xi1>
      tpu.vector_store_idx %arg9[%add3A_639], %add3A_642 masked %gt3A_645 {add = true} : memref<160xi32, #tpu.memory_space<vmem>>[vector<16xi32>], vector<16xi32>, vector<16xi1>
      %mul3A_646 = arith.constant 9.99999904 : f32
      %mul3A_647 = vector.broadcast %mul3A_646 : f32 to vector<16xf32>
      %mul3A_648 = arith.mulf %get3A_403, %mul3A_647 : vector<16xf32>
      %convert_element_type3A_649 = arith.fptosi %mul3A_648 : vector<16xf32> to vector<16xi32>
      %mul3A_650 = arith.constant 16 : i32
      %mul3A_651 = vector.broadcast %mul3A_650 : i32 to vector<16xi32>
      %mul3A_652 = arith.muli %convert_element_type3A_649, %mul3A_651 : vector<16xi32>
      %add3A_653 = arith.addi %mul3A_652, %iota3A : vector<16xi32>
      %add3A_654 = arith.constant 16384 : i32
      %add3A_655 = vector.broadcast %add3A_654 : i32 to vector<16xi32>
      %add3A_656 = arith.addi %get3A_467, %add3A_655 : vector<16xi32>
      %gt3A_657 = arith.constant 0.000000e+00 : f32
      %gt3A_658 = vector.broadcast %gt3A_657 : f32 to vector<16xf32>
      %gt3A_659 = arith.cmpf ogt, %get3A_403, %gt3A_658 : vector<16xf32>
      tpu.vector_store_idx %arg8[%add3A_653], %get3A_403 masked %gt3A_659 {add = true} : memref<160xf32, #tpu.memory_space<vmem>>[vector<16xi32>], vector<16xf32>, vector<16xi1>
      tpu.vector_store_idx %arg9[%add3A_653], %add3A_656 masked %gt3A_659 {add = true} : memref<160xi32, #tpu.memory_space<vmem>>[vector<16xi32>], vector<16xi32>, vector<16xi1>
      %mul3A_660 = arith.constant 9.99999904 : f32
      %mul3A_661 = vector.broadcast %mul3A_660 : f32 to vector<16xf32>
      %mul3A_662 = arith.mulf %get3A_407, %mul3A_661 : vector<16xf32>
      %convert_element_type3A_663 = arith.fptosi %mul3A_662 : vector<16xf32> to vector<16xi32>
      %mul3A_664 = arith.constant 16 : i32
      %mul3A_665 = vector.broadcast %mul3A_664 : i32 to vector<16xi32>
      %mul3A_666 = arith.muli %convert_element_type3A_663, %mul3A_665 : vector<16xi32>
      %add3A_667 = arith.addi %mul3A_666, %iota3A : vector<16xi32>
      %add3A_668 = arith.constant 16384 : i32
      %add3A_669 = vector.broadcast %add3A_668 : i32 to vector<16xi32>
      %add3A_670 = arith.addi %get3A_471, %add3A_669 : vector<16xi32>
      %gt3A_671 = arith.constant 0.000000e+00 : f32
      %gt3A_672 = vector.broadcast %gt3A_671 : f32 to vector<16xf32>
      %gt3A_673 = arith.cmpf ogt, %get3A_407, %gt3A_672 : vector<16xf32>
      tpu.vector_store_idx %arg8[%add3A_667], %get3A_407 masked %gt3A_673 {add = true} : memref<160xf32, #tpu.memory_space<vmem>>[vector<16xi32>], vector<16xf32>, vector<16xi1>
      tpu.vector_store_idx %arg9[%add3A_667], %add3A_670 masked %gt3A_673 {add = true} : memref<160xi32, #tpu.memory_space<vmem>>[vector<16xi32>], vector<16xi32>, vector<16xi1>
      %mul3A_674 = arith.constant 9.99999904 : f32
      %mul3A_675 = vector.broadcast %mul3A_674 : f32 to vector<16xf32>
      %mul3A_676 = arith.mulf %get3A_411, %mul3A_675 : vector<16xf32>
      %convert_element_type3A_677 = arith.fptosi %mul3A_676 : vector<16xf32> to vector<16xi32>
      %mul3A_678 = arith.constant 16 : i32
      %mul3A_679 = vector.broadcast %mul3A_678 : i32 to vector<16xi32>
      %mul3A_680 = arith.muli %convert_element_type3A_677, %mul3A_679 : vector<16xi32>
      %add3A_681 = arith.addi %mul3A_680, %iota3A : vector<16xi32>
      %add3A_682 = arith.constant 16384 : i32
      %add3A_683 = vector.broadcast %add3A_682 : i32 to vector<16xi32>
      %add3A_684 = arith.addi %get3A_475, %add3A_683 : vector<16xi32>
      %gt3A_685 = arith.constant 0.000000e+00 : f32
      %gt3A_686 = vector.broadcast %gt3A_685 : f32 to vector<16xf32>
      %gt3A_687 = arith.cmpf ogt, %get3A_411, %gt3A_686 : vector<16xf32>
      tpu.vector_store_idx %arg8[%add3A_681], %get3A_411 masked %gt3A_687 {add = true} : memref<160xf32, #tpu.memory_space<vmem>>[vector<16xi32>], vector<16xf32>, vector<16xi1>
      tpu.vector_store_idx %arg9[%add3A_681], %add3A_684 masked %gt3A_687 {add = true} : memref<160xi32, #tpu.memory_space<vmem>>[vector<16xi32>], vector<16xi32>, vector<16xi1>
      %mul3A_688 = arith.constant 9.99999904 : f32
      %mul3A_689 = vector.broadcast %mul3A_688 : f32 to vector<16xf32>
      %mul3A_690 = arith.mulf %get3A_415, %mul3A_689 : vector<16xf32>
      %convert_element_type3A_691 = arith.fptosi %mul3A_690 : vector<16xf32> to vector<16xi32>
      %mul3A_692 = arith.constant 16 : i32
      %mul3A_693 = vector.broadcast %mul3A_692 : i32 to vector<16xi32>
      %mul3A_694 = arith.muli %convert_element_type3A_691, %mul3A_693 : vector<16xi32>
      %add3A_695 = arith.addi %mul3A_694, %iota3A : vector<16xi32>
      %add3A_696 = arith.constant 16384 : i32
      %add3A_697 = vector.broadcast %add3A_696 : i32 to vector<16xi32>
      %add3A_698 = arith.addi %get3A_479, %add3A_697 : vector<16xi32>
      %gt3A_699 = arith.constant 0.000000e+00 : f32
      %gt3A_700 = vector.broadcast %gt3A_699 : f32 to vector<16xf32>
      %gt3A_701 = arith.cmpf ogt, %get3A_415, %gt3A_700 : vector<16xf32>
      tpu.vector_store_idx %arg8[%add3A_695], %get3A_415 masked %gt3A_701 {add = true} : memref<160xf32, #tpu.memory_space<vmem>>[vector<16xi32>], vector<16xf32>, vector<16xi1>
      tpu.vector_store_idx %arg9[%add3A_695], %add3A_698 masked %gt3A_701 {add = true} : memref<160xi32, #tpu.memory_space<vmem>>[vector<16xi32>], vector<16xi32>, vector<16xi1>
    }
    %scan3A_263 = arith.constant 64 : i32
    %add3A_264 = arith.constant 114688 : i32
    %add3A_265 = arith.addi %mul3A_2, %add3A_264 : i32
    %dma_start3A_266 = arith.constant 16384 : i32
    %dma_start3A_267 = tpu.memref_slice %arg6[%dma_start3A_266] : memref<49152xf32, #tpu.memory_space<vmem>> -> memref<16384xf32, #tpu.memory_space<vmem>>
    %dma_start3A_268 = tpu.memref_slice %arg2[%add3A_265] : memref<4194304xf32, #tpu.memory_space<hbm>> -> memref<16384xf32, #tpu.memory_space<hbm>>
    %dma_start3A_269 = arith.constant 16384 : i32
    %dma_start3A_270 = tpu.memref_slice %arg6[%dma_start3A_269] : memref<49152xf32, #tpu.memory_space<vmem>> -> memref<16384xf32, #tpu.memory_space<vmem>>
    %dma_start3A_271 = tpu.memref_slice %arg2[%add3A_265] : memref<4194304xf32, #tpu.memory_space<hbm>> -> memref<16384xf32, #tpu.memory_space<hbm>>
    tpu.enqueue_dma source(%dma_start3A_271 : memref<16384xf32, #tpu.memory_space<hbm>>) target(%dma_start3A_270 : memref<16384xf32, #tpu.memory_space<vmem>>) target_semaphore(%arg11 : memref<!tpu.dma_semaphore, #tpu.memory_space<semaphore_mem>>)
    %add3A_272 = arith.constant 114688 : i32
    %add3A_273 = arith.addi %mul3A_2, %add3A_272 : i32
    %dma_start3A_274 = arith.constant 16384 : i32
    %dma_start3A_275 = tpu.memref_slice %arg7[%dma_start3A_274] : memref<49152xi32, #tpu.memory_space<vmem>> -> memref<16384xi32, #tpu.memory_space<vmem>>
    %dma_start3A_276 = tpu.memref_slice %arg3[%add3A_273] : memref<4194304xi32, #tpu.memory_space<hbm>> -> memref<16384xi32, #tpu.memory_space<hbm>>
    %dma_start3A_277 = arith.constant 16384 : i32
    %dma_start3A_278 = tpu.memref_slice %arg7[%dma_start3A_277] : memref<49152xi32, #tpu.memory_space<vmem>> -> memref<16384xi32, #tpu.memory_space<vmem>>
    %dma_start3A_279 = tpu.memref_slice %arg3[%add3A_273] : memref<4194304xi32, #tpu.memory_space<hbm>> -> memref<16384xi32, #tpu.memory_space<hbm>>
    tpu.enqueue_dma source(%dma_start3A_279 : memref<16384xi32, #tpu.memory_space<hbm>>) target(%dma_start3A_278 : memref<16384xi32, #tpu.memory_space<vmem>>) target_semaphore(%arg14 : memref<!tpu.dma_semaphore, #tpu.memory_space<semaphore_mem>>)
    %add3A_280 = arith.constant 81920 : i32
    %add3A_281 = arith.addi %mul3A_2, %add3A_280 : i32
    %dma_wait3A_282 = arith.constant 32768 : i32
    %dma_wait3A_283 = tpu.memref_slice %arg6[%dma_wait3A_282] : memref<49152xf32, #tpu.memory_space<vmem>> -> memref<16384xf32, #tpu.memory_space<vmem>>
    %dma_wait3A_284 = tpu.memref_slice %arg2[%add3A_281] : memref<4194304xf32, #tpu.memory_space<hbm>> -> memref<16384xf32, #tpu.memory_space<hbm>>
    %dma_wait3A_285 = arith.constant 32768 : i32
    %dma_wait3A_286 = tpu.memref_slice %arg6[%dma_wait3A_285] : memref<49152xf32, #tpu.memory_space<vmem>> -> memref<16384xf32, #tpu.memory_space<vmem>>
    %dma_wait3A_287 = tpu.memref_slice %arg2[%add3A_281] : memref<4194304xf32, #tpu.memory_space<hbm>> -> memref<16384xf32, #tpu.memory_space<hbm>>
    tpu.wait_dma2 semaphore(%arg12 : memref<!tpu.dma_semaphore, #tpu.memory_space<semaphore_mem>>) src(%dma_wait3A_287 : memref<16384xf32, #tpu.memory_space<hbm>>) dst(%dma_wait3A_286 : memref<16384xf32, #tpu.memory_space<vmem>>)
    %add3A_288 = arith.constant 81920 : i32
    %add3A_289 = arith.addi %mul3A_2, %add3A_288 : i32
    %dma_wait3A_290 = arith.constant 32768 : i32
    %dma_wait3A_291 = tpu.memref_slice %arg7[%dma_wait3A_290] : memref<49152xi32, #tpu.memory_space<vmem>> -> memref<16384xi32, #tpu.memory_space<vmem>>
    %dma_wait3A_292 = tpu.memref_slice %arg3[%add3A_289] : memref<4194304xi32, #tpu.memory_space<hbm>> -> memref<16384xi32, #tpu.memory_space<hbm>>
    %dma_wait3A_293 = arith.constant 32768 : i32
    %dma_wait3A_294 = tpu.memref_slice %arg7[%dma_wait3A_293] : memref<49152xi32, #tpu.memory_space<vmem>> -> memref<16384xi32, #tpu.memory_space<vmem>>
    %dma_wait3A_295 = tpu.memref_slice %arg3[%add3A_289] : memref<4194304xi32, #tpu.memory_space<hbm>> -> memref<16384xi32, #tpu.memory_space<hbm>>
    tpu.wait_dma2 semaphore(%arg15 : memref<!tpu.dma_semaphore, #tpu.memory_space<semaphore_mem>>) src(%dma_wait3A_295 : memref<16384xi32, #tpu.memory_space<hbm>>) dst(%dma_wait3A_294 : memref<16384xi32, #tpu.memory_space<vmem>>)
    %scan3A_296 = arith.constant 0 : i32
    %scan3A_297 = arith.constant 0 : i32
    %scan3A_298 = arith.constant 64 : i32
    %scan3A_299 = arith.addi %scan3A_297, %scan3A_298 : i32
    %scan3A_300 = arith.constant 1 : i32
    scf.for %scan3A_348 = %scan3A_297 to %scan3A_299 step %scan3A_300  : i32 {
      %mul3A_349 = arith.constant 256 : i32
      %mul3A_350 = arith.muli %scan3A_348, %mul3A_349 : i32
      %add3A_351 = arith.constant 32768 : i32
      %add3A_352 = arith.addi %add3A_351, %mul3A_350 : i32
      %add3A_353 = arith.constant 0 : i32
      %add3A_354 = arith.addi %add3A_352, %add3A_353 : i32
      %get3A = arith.index_cast %add3A_354 : i32 to index
      %get3A_355 = tpu.vector_load %arg6[%get3A] {strides = array<i32>} : memref<49152xf32, #tpu.memory_space<vmem>>, vector<16xf32>,
      %add3A_356 = arith.constant 16 : i32
      %add3A_357 = arith.addi %add3A_352, %add3A_356 : i32
      %get3A_358 = arith.index_cast %add3A_357 : i32 to index
      %get3A_359 = tpu.vector_load %arg6[%get3A_358] {strides = array<i32>} : memref<49152xf32, #tpu.memory_space<vmem>>, vector<16xf32>,
      %add3A_360 = arith.constant 32 : i32
      %add3A_361 = arith.addi %add3A_352, %add3A_360 : i32
      %get3A_362 = arith.index_cast %add3A_361 : i32 to index
      %get3A_363 = tpu.vector_load %arg6[%get3A_362] {strides = array<i32>} : memref<49152xf32, #tpu.memory_space<vmem>>, vector<16xf32>,
      %add3A_364 = arith.constant 48 : i32
      %add3A_365 = arith.addi %add3A_352, %add3A_364 : i32
      %get3A_366 = arith.index_cast %add3A_365 : i32 to index
      %get3A_367 = tpu.vector_load %arg6[%get3A_366] {strides = array<i32>} : memref<49152xf32, #tpu.memory_space<vmem>>, vector<16xf32>,
      %add3A_368 = arith.constant 64 : i32
      %add3A_369 = arith.addi %add3A_352, %add3A_368 : i32
      %get3A_370 = arith.index_cast %add3A_369 : i32 to index
      %get3A_371 = tpu.vector_load %arg6[%get3A_370] {strides = array<i32>} : memref<49152xf32, #tpu.memory_space<vmem>>, vector<16xf32>,
      %add3A_372 = arith.constant 80 : i32
      %add3A_373 = arith.addi %add3A_352, %add3A_372 : i32
      %get3A_374 = arith.index_cast %add3A_373 : i32 to index
      %get3A_375 = tpu.vector_load %arg6[%get3A_374] {strides = array<i32>} : memref<49152xf32, #tpu.memory_space<vmem>>, vector<16xf32>,
      %add3A_376 = arith.constant 96 : i32
      %add3A_377 = arith.addi %add3A_352, %add3A_376 : i32
      %get3A_378 = arith.index_cast %add3A_377 : i32 to index
      %get3A_379 = tpu.vector_load %arg6[%get3A_378] {strides = array<i32>} : memref<49152xf32, #tpu.memory_space<vmem>>, vector<16xf32>,
      %add3A_380 = arith.constant 112 : i32
      %add3A_381 = arith.addi %add3A_352, %add3A_380 : i32
      %get3A_382 = arith.index_cast %add3A_381 : i32 to index
      %get3A_383 = tpu.vector_load %arg6[%get3A_382] {strides = array<i32>} : memref<49152xf32, #tpu.memory_space<vmem>>, vector<16xf32>,
      %add3A_384 = arith.constant 128 : i32
      %add3A_385 = arith.addi %add3A_352, %add3A_384 : i32
      %get3A_386 = arith.index_cast %add3A_385 : i32 to index
      %get3A_387 = tpu.vector_load %arg6[%get3A_386] {strides = array<i32>} : memref<49152xf32, #tpu.memory_space<vmem>>, vector<16xf32>,
      %add3A_388 = arith.constant 144 : i32
      %add3A_389 = arith.addi %add3A_352, %add3A_388 : i32
      %get3A_390 = arith.index_cast %add3A_389 : i32 to index
      %get3A_391 = tpu.vector_load %arg6[%get3A_390] {strides = array<i32>} : memref<49152xf32, #tpu.memory_space<vmem>>, vector<16xf32>,
      %add3A_392 = arith.constant 160 : i32
      %add3A_393 = arith.addi %add3A_352, %add3A_392 : i32
      %get3A_394 = arith.index_cast %add3A_393 : i32 to index
      %get3A_395 = tpu.vector_load %arg6[%get3A_394] {strides = array<i32>} : memref<49152xf32, #tpu.memory_space<vmem>>, vector<16xf32>,
      %add3A_396 = arith.constant 176 : i32
      %add3A_397 = arith.addi %add3A_352, %add3A_396 : i32
      %get3A_398 = arith.index_cast %add3A_397 : i32 to index
      %get3A_399 = tpu.vector_load %arg6[%get3A_398] {strides = array<i32>} : memref<49152xf32, #tpu.memory_space<vmem>>, vector<16xf32>,
      %add3A_400 = arith.constant 192 : i32
      %add3A_401 = arith.addi %add3A_352, %add3A_400 : i32
      %get3A_402 = arith.index_cast %add3A_401 : i32 to index
      %get3A_403 = tpu.vector_load %arg6[%get3A_402] {strides = array<i32>} : memref<49152xf32, #tpu.memory_space<vmem>>, vector<16xf32>,
      %add3A_404 = arith.constant 208 : i32
      %add3A_405 = arith.addi %add3A_352, %add3A_404 : i32
      %get3A_406 = arith.index_cast %add3A_405 : i32 to index
      %get3A_407 = tpu.vector_load %arg6[%get3A_406] {strides = array<i32>} : memref<49152xf32, #tpu.memory_space<vmem>>, vector<16xf32>,
      %add3A_408 = arith.constant 224 : i32
      %add3A_409 = arith.addi %add3A_352, %add3A_408 : i32
      %get3A_410 = arith.index_cast %add3A_409 : i32 to index
      %get3A_411 = tpu.vector_load %arg6[%get3A_410] {strides = array<i32>} : memref<49152xf32, #tpu.memory_space<vmem>>, vector<16xf32>,
      %add3A_412 = arith.constant 240 : i32
      %add3A_413 = arith.addi %add3A_352, %add3A_412 : i32
      %get3A_414 = arith.index_cast %add3A_413 : i32 to index
      %get3A_415 = tpu.vector_load %arg6[%get3A_414] {strides = array<i32>} : memref<49152xf32, #tpu.memory_space<vmem>>, vector<16xf32>,
      %add3A_416 = arith.constant 0 : i32
      %add3A_417 = arith.addi %add3A_352, %add3A_416 : i32
      %get3A_418 = arith.index_cast %add3A_417 : i32 to index
      %get3A_419 = tpu.vector_load %arg7[%get3A_418] {strides = array<i32>} : memref<49152xi32, #tpu.memory_space<vmem>>, vector<16xi32>,
      %add3A_420 = arith.constant 16 : i32
      %add3A_421 = arith.addi %add3A_352, %add3A_420 : i32
      %get3A_422 = arith.index_cast %add3A_421 : i32 to index
      %get3A_423 = tpu.vector_load %arg7[%get3A_422] {strides = array<i32>} : memref<49152xi32, #tpu.memory_space<vmem>>, vector<16xi32>,
      %add3A_424 = arith.constant 32 : i32
      %add3A_425 = arith.addi %add3A_352, %add3A_424 : i32
      %get3A_426 = arith.index_cast %add3A_425 : i32 to index
      %get3A_427 = tpu.vector_load %arg7[%get3A_426] {strides = array<i32>} : memref<49152xi32, #tpu.memory_space<vmem>>, vector<16xi32>,
      %add3A_428 = arith.constant 48 : i32
      %add3A_429 = arith.addi %add3A_352, %add3A_428 : i32
      %get3A_430 = arith.index_cast %add3A_429 : i32 to index
      %get3A_431 = tpu.vector_load %arg7[%get3A_430] {strides = array<i32>} : memref<49152xi32, #tpu.memory_space<vmem>>, vector<16xi32>,
      %add3A_432 = arith.constant 64 : i32
      %add3A_433 = arith.addi %add3A_352, %add3A_432 : i32
      %get3A_434 = arith.index_cast %add3A_433 : i32 to index
      %get3A_435 = tpu.vector_load %arg7[%get3A_434] {strides = array<i32>} : memref<49152xi32, #tpu.memory_space<vmem>>, vector<16xi32>,
      %add3A_436 = arith.constant 80 : i32
      %add3A_437 = arith.addi %add3A_352, %add3A_436 : i32
      %get3A_438 = arith.index_cast %add3A_437 : i32 to index
      %get3A_439 = tpu.vector_load %arg7[%get3A_438] {strides = array<i32>} : memref<49152xi32, #tpu.memory_space<vmem>>, vector<16xi32>,
      %add3A_440 = arith.constant 96 : i32
      %add3A_441 = arith.addi %add3A_352, %add3A_440 : i32
      %get3A_442 = arith.index_cast %add3A_441 : i32 to index
      %get3A_443 = tpu.vector_load %arg7[%get3A_442] {strides = array<i32>} : memref<49152xi32, #tpu.memory_space<vmem>>, vector<16xi32>,
      %add3A_444 = arith.constant 112 : i32
      %add3A_445 = arith.addi %add3A_352, %add3A_444 : i32
      %get3A_446 = arith.index_cast %add3A_445 : i32 to index
      %get3A_447 = tpu.vector_load %arg7[%get3A_446] {strides = array<i32>} : memref<49152xi32, #tpu.memory_space<vmem>>, vector<16xi32>,
      %add3A_448 = arith.constant 128 : i32
      %add3A_449 = arith.addi %add3A_352, %add3A_448 : i32
      %get3A_450 = arith.index_cast %add3A_449 : i32 to index
      %get3A_451 = tpu.vector_load %arg7[%get3A_450] {strides = array<i32>} : memref<49152xi32, #tpu.memory_space<vmem>>, vector<16xi32>,
      %add3A_452 = arith.constant 144 : i32
      %add3A_453 = arith.addi %add3A_352, %add3A_452 : i32
      %get3A_454 = arith.index_cast %add3A_453 : i32 to index
      %get3A_455 = tpu.vector_load %arg7[%get3A_454] {strides = array<i32>} : memref<49152xi32, #tpu.memory_space<vmem>>, vector<16xi32>,
      %add3A_456 = arith.constant 160 : i32
      %add3A_457 = arith.addi %add3A_352, %add3A_456 : i32
      %get3A_458 = arith.index_cast %add3A_457 : i32 to index
      %get3A_459 = tpu.vector_load %arg7[%get3A_458] {strides = array<i32>} : memref<49152xi32, #tpu.memory_space<vmem>>, vector<16xi32>,
      %add3A_460 = arith.constant 176 : i32
      %add3A_461 = arith.addi %add3A_352, %add3A_460 : i32
      %get3A_462 = arith.index_cast %add3A_461 : i32 to index
      %get3A_463 = tpu.vector_load %arg7[%get3A_462] {strides = array<i32>} : memref<49152xi32, #tpu.memory_space<vmem>>, vector<16xi32>,
      %add3A_464 = arith.constant 192 : i32
      %add3A_465 = arith.addi %add3A_352, %add3A_464 : i32
      %get3A_466 = arith.index_cast %add3A_465 : i32 to index
      %get3A_467 = tpu.vector_load %arg7[%get3A_466] {strides = array<i32>} : memref<49152xi32, #tpu.memory_space<vmem>>, vector<16xi32>,
      %add3A_468 = arith.constant 208 : i32
      %add3A_469 = arith.addi %add3A_352, %add3A_468 : i32
      %get3A_470 = arith.index_cast %add3A_469 : i32 to index
      %get3A_471 = tpu.vector_load %arg7[%get3A_470] {strides = array<i32>} : memref<49152xi32, #tpu.memory_space<vmem>>, vector<16xi32>,
      %add3A_472 = arith.constant 224 : i32
      %add3A_473 = arith.addi %add3A_352, %add3A_472 : i32
      %get3A_474 = arith.index_cast %add3A_473 : i32 to index
      %get3A_475 = tpu.vector_load %arg7[%get3A_474] {strides = array<i32>} : memref<49152xi32, #tpu.memory_space<vmem>>, vector<16xi32>,
      %add3A_476 = arith.constant 240 : i32
      %add3A_477 = arith.addi %add3A_352, %add3A_476 : i32
      %get3A_478 = arith.index_cast %add3A_477 : i32 to index
      %get3A_479 = tpu.vector_load %arg7[%get3A_478] {strides = array<i32>} : memref<49152xi32, #tpu.memory_space<vmem>>, vector<16xi32>,
      %mul3A_480 = arith.constant 9.99999904 : f32
      %mul3A_481 = vector.broadcast %mul3A_480 : f32 to vector<16xf32>
      %mul3A_482 = arith.mulf %get3A_355, %mul3A_481 : vector<16xf32>
      %convert_element_type3A = arith.fptosi %mul3A_482 : vector<16xf32> to vector<16xi32>
      %mul3A_483 = arith.constant 16 : i32
      %mul3A_484 = vector.broadcast %mul3A_483 : i32 to vector<16xi32>
      %mul3A_485 = arith.muli %convert_element_type3A, %mul3A_484 : vector<16xi32>
      %add3A_486 = arith.addi %mul3A_485, %iota3A : vector<16xi32>
      %add3A_487 = arith.constant 16384 : i32
      %add3A_488 = vector.broadcast %add3A_487 : i32 to vector<16xi32>
      %add3A_489 = arith.addi %get3A_419, %add3A_488 : vector<16xi32>
      %gt3A = arith.constant 0.000000e+00 : f32
      %gt3A_490 = vector.broadcast %gt3A : f32 to vector<16xf32>
      %gt3A_491 = arith.cmpf ogt, %get3A_355, %gt3A_490 : vector<16xf32>
      tpu.vector_store_idx %arg8[%add3A_486], %get3A_355 masked %gt3A_491 {add = true} : memref<160xf32, #tpu.memory_space<vmem>>[vector<16xi32>], vector<16xf32>, vector<16xi1>
      tpu.vector_store_idx %arg9[%add3A_486], %add3A_489 masked %gt3A_491 {add = true} : memref<160xi32, #tpu.memory_space<vmem>>[vector<16xi32>], vector<16xi32>, vector<16xi1>
      %mul3A_492 = arith.constant 9.99999904 : f32
      %mul3A_493 = vector.broadcast %mul3A_492 : f32 to vector<16xf32>
      %mul3A_494 = arith.mulf %get3A_359, %mul3A_493 : vector<16xf32>
      %convert_element_type3A_495 = arith.fptosi %mul3A_494 : vector<16xf32> to vector<16xi32>
      %mul3A_496 = arith.constant 16 : i32
      %mul3A_497 = vector.broadcast %mul3A_496 : i32 to vector<16xi32>
      %mul3A_498 = arith.muli %convert_element_type3A_495, %mul3A_497 : vector<16xi32>
      %add3A_499 = arith.addi %mul3A_498, %iota3A : vector<16xi32>
      %add3A_500 = arith.constant 16384 : i32
      %add3A_501 = vector.broadcast %add3A_500 : i32 to vector<16xi32>
      %add3A_502 = arith.addi %get3A_423, %add3A_501 : vector<16xi32>
      %gt3A_503 = arith.constant 0.000000e+00 : f32
      %gt3A_504 = vector.broadcast %gt3A_503 : f32 to vector<16xf32>
      %gt3A_505 = arith.cmpf ogt, %get3A_359, %gt3A_504 : vector<16xf32>
      tpu.vector_store_idx %arg8[%add3A_499], %get3A_359 masked %gt3A_505 {add = true} : memref<160xf32, #tpu.memory_space<vmem>>[vector<16xi32>], vector<16xf32>, vector<16xi1>
      tpu.vector_store_idx %arg9[%add3A_499], %add3A_502 masked %gt3A_505 {add = true} : memref<160xi32, #tpu.memory_space<vmem>>[vector<16xi32>], vector<16xi32>, vector<16xi1>
      %mul3A_506 = arith.constant 9.99999904 : f32
      %mul3A_507 = vector.broadcast %mul3A_506 : f32 to vector<16xf32>
      %mul3A_508 = arith.mulf %get3A_363, %mul3A_507 : vector<16xf32>
      %convert_element_type3A_509 = arith.fptosi %mul3A_508 : vector<16xf32> to vector<16xi32>
      %mul3A_510 = arith.constant 16 : i32
      %mul3A_511 = vector.broadcast %mul3A_510 : i32 to vector<16xi32>
      %mul3A_512 = arith.muli %convert_element_type3A_509, %mul3A_511 : vector<16xi32>
      %add3A_513 = arith.addi %mul3A_512, %iota3A : vector<16xi32>
      %add3A_514 = arith.constant 16384 : i32
      %add3A_515 = vector.broadcast %add3A_514 : i32 to vector<16xi32>
      %add3A_516 = arith.addi %get3A_427, %add3A_515 : vector<16xi32>
      %gt3A_517 = arith.constant 0.000000e+00 : f32
      %gt3A_518 = vector.broadcast %gt3A_517 : f32 to vector<16xf32>
      %gt3A_519 = arith.cmpf ogt, %get3A_363, %gt3A_518 : vector<16xf32>
      tpu.vector_store_idx %arg8[%add3A_513], %get3A_363 masked %gt3A_519 {add = true} : memref<160xf32, #tpu.memory_space<vmem>>[vector<16xi32>], vector<16xf32>, vector<16xi1>
      tpu.vector_store_idx %arg9[%add3A_513], %add3A_516 masked %gt3A_519 {add = true} : memref<160xi32, #tpu.memory_space<vmem>>[vector<16xi32>], vector<16xi32>, vector<16xi1>
      %mul3A_520 = arith.constant 9.99999904 : f32
      %mul3A_521 = vector.broadcast %mul3A_520 : f32 to vector<16xf32>
      %mul3A_522 = arith.mulf %get3A_367, %mul3A_521 : vector<16xf32>
      %convert_element_type3A_523 = arith.fptosi %mul3A_522 : vector<16xf32> to vector<16xi32>
      %mul3A_524 = arith.constant 16 : i32
      %mul3A_525 = vector.broadcast %mul3A_524 : i32 to vector<16xi32>
      %mul3A_526 = arith.muli %convert_element_type3A_523, %mul3A_525 : vector<16xi32>
      %add3A_527 = arith.addi %mul3A_526, %iota3A : vector<16xi32>
      %add3A_528 = arith.constant 16384 : i32
      %add3A_529 = vector.broadcast %add3A_528 : i32 to vector<16xi32>
      %add3A_530 = arith.addi %get3A_431, %add3A_529 : vector<16xi32>
      %gt3A_531 = arith.constant 0.000000e+00 : f32
      %gt3A_532 = vector.broadcast %gt3A_531 : f32 to vector<16xf32>
      %gt3A_533 = arith.cmpf ogt, %get3A_367, %gt3A_532 : vector<16xf32>
      tpu.vector_store_idx %arg8[%add3A_527], %get3A_367 masked %gt3A_533 {add = true} : memref<160xf32, #tpu.memory_space<vmem>>[vector<16xi32>], vector<16xf32>, vector<16xi1>
      tpu.vector_store_idx %arg9[%add3A_527], %add3A_530 masked %gt3A_533 {add = true} : memref<160xi32, #tpu.memory_space<vmem>>[vector<16xi32>], vector<16xi32>, vector<16xi1>
      %mul3A_534 = arith.constant 9.99999904 : f32
      %mul3A_535 = vector.broadcast %mul3A_534 : f32 to vector<16xf32>
      %mul3A_536 = arith.mulf %get3A_371, %mul3A_535 : vector<16xf32>
      %convert_element_type3A_537 = arith.fptosi %mul3A_536 : vector<16xf32> to vector<16xi32>
      %mul3A_538 = arith.constant 16 : i32
      %mul3A_539 = vector.broadcast %mul3A_538 : i32 to vector<16xi32>
      %mul3A_540 = arith.muli %convert_element_type3A_537, %mul3A_539 : vector<16xi32>
      %add3A_541 = arith.addi %mul3A_540, %iota3A : vector<16xi32>
      %add3A_542 = arith.constant 16384 : i32
      %add3A_543 = vector.broadcast %add3A_542 : i32 to vector<16xi32>
      %add3A_544 = arith.addi %get3A_435, %add3A_543 : vector<16xi32>
      %gt3A_545 = arith.constant 0.000000e+00 : f32
      %gt3A_546 = vector.broadcast %gt3A_545 : f32 to vector<16xf32>
      %gt3A_547 = arith.cmpf ogt, %get3A_371, %gt3A_546 : vector<16xf32>
      tpu.vector_store_idx %arg8[%add3A_541], %get3A_371 masked %gt3A_547 {add = true} : memref<160xf32, #tpu.memory_space<vmem>>[vector<16xi32>], vector<16xf32>, vector<16xi1>
      tpu.vector_store_idx %arg9[%add3A_541], %add3A_544 masked %gt3A_547 {add = true} : memref<160xi32, #tpu.memory_space<vmem>>[vector<16xi32>], vector<16xi32>, vector<16xi1>
      %mul3A_548 = arith.constant 9.99999904 : f32
      %mul3A_549 = vector.broadcast %mul3A_548 : f32 to vector<16xf32>
      %mul3A_550 = arith.mulf %get3A_375, %mul3A_549 : vector<16xf32>
      %convert_element_type3A_551 = arith.fptosi %mul3A_550 : vector<16xf32> to vector<16xi32>
      %mul3A_552 = arith.constant 16 : i32
      %mul3A_553 = vector.broadcast %mul3A_552 : i32 to vector<16xi32>
      %mul3A_554 = arith.muli %convert_element_type3A_551, %mul3A_553 : vector<16xi32>
      %add3A_555 = arith.addi %mul3A_554, %iota3A : vector<16xi32>
      %add3A_556 = arith.constant 16384 : i32
      %add3A_557 = vector.broadcast %add3A_556 : i32 to vector<16xi32>
      %add3A_558 = arith.addi %get3A_439, %add3A_557 : vector<16xi32>
      %gt3A_559 = arith.constant 0.000000e+00 : f32
      %gt3A_560 = vector.broadcast %gt3A_559 : f32 to vector<16xf32>
      %gt3A_561 = arith.cmpf ogt, %get3A_375, %gt3A_560 : vector<16xf32>
      tpu.vector_store_idx %arg8[%add3A_555], %get3A_375 masked %gt3A_561 {add = true} : memref<160xf32, #tpu.memory_space<vmem>>[vector<16xi32>], vector<16xf32>, vector<16xi1>
      tpu.vector_store_idx %arg9[%add3A_555], %add3A_558 masked %gt3A_561 {add = true} : memref<160xi32, #tpu.memory_space<vmem>>[vector<16xi32>], vector<16xi32>, vector<16xi1>
      %mul3A_562 = arith.constant 9.99999904 : f32
      %mul3A_563 = vector.broadcast %mul3A_562 : f32 to vector<16xf32>
      %mul3A_564 = arith.mulf %get3A_379, %mul3A_563 : vector<16xf32>
      %convert_element_type3A_565 = arith.fptosi %mul3A_564 : vector<16xf32> to vector<16xi32>
      %mul3A_566 = arith.constant 16 : i32
      %mul3A_567 = vector.broadcast %mul3A_566 : i32 to vector<16xi32>
      %mul3A_568 = arith.muli %convert_element_type3A_565, %mul3A_567 : vector<16xi32>
      %add3A_569 = arith.addi %mul3A_568, %iota3A : vector<16xi32>
      %add3A_570 = arith.constant 16384 : i32
      %add3A_571 = vector.broadcast %add3A_570 : i32 to vector<16xi32>
      %add3A_572 = arith.addi %get3A_443, %add3A_571 : vector<16xi32>
      %gt3A_573 = arith.constant 0.000000e+00 : f32
      %gt3A_574 = vector.broadcast %gt3A_573 : f32 to vector<16xf32>
      %gt3A_575 = arith.cmpf ogt, %get3A_379, %gt3A_574 : vector<16xf32>
      tpu.vector_store_idx %arg8[%add3A_569], %get3A_379 masked %gt3A_575 {add = true} : memref<160xf32, #tpu.memory_space<vmem>>[vector<16xi32>], vector<16xf32>, vector<16xi1>
      tpu.vector_store_idx %arg9[%add3A_569], %add3A_572 masked %gt3A_575 {add = true} : memref<160xi32, #tpu.memory_space<vmem>>[vector<16xi32>], vector<16xi32>, vector<16xi1>
      %mul3A_576 = arith.constant 9.99999904 : f32
      %mul3A_577 = vector.broadcast %mul3A_576 : f32 to vector<16xf32>
      %mul3A_578 = arith.mulf %get3A_383, %mul3A_577 : vector<16xf32>
      %convert_element_type3A_579 = arith.fptosi %mul3A_578 : vector<16xf32> to vector<16xi32>
      %mul3A_580 = arith.constant 16 : i32
      %mul3A_581 = vector.broadcast %mul3A_580 : i32 to vector<16xi32>
      %mul3A_582 = arith.muli %convert_element_type3A_579, %mul3A_581 : vector<16xi32>
      %add3A_583 = arith.addi %mul3A_582, %iota3A : vector<16xi32>
      %add3A_584 = arith.constant 16384 : i32
      %add3A_585 = vector.broadcast %add3A_584 : i32 to vector<16xi32>
      %add3A_586 = arith.addi %get3A_447, %add3A_585 : vector<16xi32>
      %gt3A_587 = arith.constant 0.000000e+00 : f32
      %gt3A_588 = vector.broadcast %gt3A_587 : f32 to vector<16xf32>
      %gt3A_589 = arith.cmpf ogt, %get3A_383, %gt3A_588 : vector<16xf32>
      tpu.vector_store_idx %arg8[%add3A_583], %get3A_383 masked %gt3A_589 {add = true} : memref<160xf32, #tpu.memory_space<vmem>>[vector<16xi32>], vector<16xf32>, vector<16xi1>
      tpu.vector_store_idx %arg9[%add3A_583], %add3A_586 masked %gt3A_589 {add = true} : memref<160xi32, #tpu.memory_space<vmem>>[vector<16xi32>], vector<16xi32>, vector<16xi1>
      %mul3A_590 = arith.constant 9.99999904 : f32
      %mul3A_591 = vector.broadcast %mul3A_590 : f32 to vector<16xf32>
      %mul3A_592 = arith.mulf %get3A_387, %mul3A_591 : vector<16xf32>
      %convert_element_type3A_593 = arith.fptosi %mul3A_592 : vector<16xf32> to vector<16xi32>
      %mul3A_594 = arith.constant 16 : i32
      %mul3A_595 = vector.broadcast %mul3A_594 : i32 to vector<16xi32>
      %mul3A_596 = arith.muli %convert_element_type3A_593, %mul3A_595 : vector<16xi32>
      %add3A_597 = arith.addi %mul3A_596, %iota3A : vector<16xi32>
      %add3A_598 = arith.constant 16384 : i32
      %add3A_599 = vector.broadcast %add3A_598 : i32 to vector<16xi32>
      %add3A_600 = arith.addi %get3A_451, %add3A_599 : vector<16xi32>
      %gt3A_601 = arith.constant 0.000000e+00 : f32
      %gt3A_602 = vector.broadcast %gt3A_601 : f32 to vector<16xf32>
      %gt3A_603 = arith.cmpf ogt, %get3A_387, %gt3A_602 : vector<16xf32>
      tpu.vector_store_idx %arg8[%add3A_597], %get3A_387 masked %gt3A_603 {add = true} : memref<160xf32, #tpu.memory_space<vmem>>[vector<16xi32>], vector<16xf32>, vector<16xi1>
      tpu.vector_store_idx %arg9[%add3A_597], %add3A_600 masked %gt3A_603 {add = true} : memref<160xi32, #tpu.memory_space<vmem>>[vector<16xi32>], vector<16xi32>, vector<16xi1>
      %mul3A_604 = arith.constant 9.99999904 : f32
      %mul3A_605 = vector.broadcast %mul3A_604 : f32 to vector<16xf32>
      %mul3A_606 = arith.mulf %get3A_391, %mul3A_605 : vector<16xf32>
      %convert_element_type3A_607 = arith.fptosi %mul3A_606 : vector<16xf32> to vector<16xi32>
      %mul3A_608 = arith.constant 16 : i32
      %mul3A_609 = vector.broadcast %mul3A_608 : i32 to vector<16xi32>
      %mul3A_610 = arith.muli %convert_element_type3A_607, %mul3A_609 : vector<16xi32>
      %add3A_611 = arith.addi %mul3A_610, %iota3A : vector<16xi32>
      %add3A_612 = arith.constant 16384 : i32
      %add3A_613 = vector.broadcast %add3A_612 : i32 to vector<16xi32>
      %add3A_614 = arith.addi %get3A_455, %add3A_613 : vector<16xi32>
      %gt3A_615 = arith.constant 0.000000e+00 : f32
      %gt3A_616 = vector.broadcast %gt3A_615 : f32 to vector<16xf32>
      %gt3A_617 = arith.cmpf ogt, %get3A_391, %gt3A_616 : vector<16xf32>
      tpu.vector_store_idx %arg8[%add3A_611], %get3A_391 masked %gt3A_617 {add = true} : memref<160xf32, #tpu.memory_space<vmem>>[vector<16xi32>], vector<16xf32>, vector<16xi1>
      tpu.vector_store_idx %arg9[%add3A_611], %add3A_614 masked %gt3A_617 {add = true} : memref<160xi32, #tpu.memory_space<vmem>>[vector<16xi32>], vector<16xi32>, vector<16xi1>
      %mul3A_618 = arith.constant 9.99999904 : f32
      %mul3A_619 = vector.broadcast %mul3A_618 : f32 to vector<16xf32>
      %mul3A_620 = arith.mulf %get3A_395, %mul3A_619 : vector<16xf32>
      %convert_element_type3A_621 = arith.fptosi %mul3A_620 : vector<16xf32> to vector<16xi32>
      %mul3A_622 = arith.constant 16 : i32
      %mul3A_623 = vector.broadcast %mul3A_622 : i32 to vector<16xi32>
      %mul3A_624 = arith.muli %convert_element_type3A_621, %mul3A_623 : vector<16xi32>
      %add3A_625 = arith.addi %mul3A_624, %iota3A : vector<16xi32>
      %add3A_626 = arith.constant 16384 : i32
      %add3A_627 = vector.broadcast %add3A_626 : i32 to vector<16xi32>
      %add3A_628 = arith.addi %get3A_459, %add3A_627 : vector<16xi32>
      %gt3A_629 = arith.constant 0.000000e+00 : f32
      %gt3A_630 = vector.broadcast %gt3A_629 : f32 to vector<16xf32>
      %gt3A_631 = arith.cmpf ogt, %get3A_395, %gt3A_630 : vector<16xf32>
      tpu.vector_store_idx %arg8[%add3A_625], %get3A_395 masked %gt3A_631 {add = true} : memref<160xf32, #tpu.memory_space<vmem>>[vector<16xi32>], vector<16xf32>, vector<16xi1>
      tpu.vector_store_idx %arg9[%add3A_625], %add3A_628 masked %gt3A_631 {add = true} : memref<160xi32, #tpu.memory_space<vmem>>[vector<16xi32>], vector<16xi32>, vector<16xi1>
      %mul3A_632 = arith.constant 9.99999904 : f32
      %mul3A_633 = vector.broadcast %mul3A_632 : f32 to vector<16xf32>
      %mul3A_634 = arith.mulf %get3A_399, %mul3A_633 : vector<16xf32>
      %convert_element_type3A_635 = arith.fptosi %mul3A_634 : vector<16xf32> to vector<16xi32>
      %mul3A_636 = arith.constant 16 : i32
      %mul3A_637 = vector.broadcast %mul3A_636 : i32 to vector<16xi32>
      %mul3A_638 = arith.muli %convert_element_type3A_635, %mul3A_637 : vector<16xi32>
      %add3A_639 = arith.addi %mul3A_638, %iota3A : vector<16xi32>
      %add3A_640 = arith.constant 16384 : i32
      %add3A_641 = vector.broadcast %add3A_640 : i32 to vector<16xi32>
      %add3A_642 = arith.addi %get3A_463, %add3A_641 : vector<16xi32>
      %gt3A_643 = arith.constant 0.000000e+00 : f32
      %gt3A_644 = vector.broadcast %gt3A_643 : f32 to vector<16xf32>
      %gt3A_645 = arith.cmpf ogt, %get3A_399, %gt3A_644 : vector<16xf32>
      tpu.vector_store_idx %arg8[%add3A_639], %get3A_399 masked %gt3A_645 {add = true} : memref<160xf32, #tpu.memory_space<vmem>>[vector<16xi32>], vector<16xf32>, vector<16xi1>
      tpu.vector_store_idx %arg9[%add3A_639], %add3A_642 masked %gt3A_645 {add = true} : memref<160xi32, #tpu.memory_space<vmem>>[vector<16xi32>], vector<16xi32>, vector<16xi1>
      %mul3A_646 = arith.constant 9.99999904 : f32
      %mul3A_647 = vector.broadcast %mul3A_646 : f32 to vector<16xf32>
      %mul3A_648 = arith.mulf %get3A_403, %mul3A_647 : vector<16xf32>
      %convert_element_type3A_649 = arith.fptosi %mul3A_648 : vector<16xf32> to vector<16xi32>
      %mul3A_650 = arith.constant 16 : i32
      %mul3A_651 = vector.broadcast %mul3A_650 : i32 to vector<16xi32>
      %mul3A_652 = arith.muli %convert_element_type3A_649, %mul3A_651 : vector<16xi32>
      %add3A_653 = arith.addi %mul3A_652, %iota3A : vector<16xi32>
      %add3A_654 = arith.constant 16384 : i32
      %add3A_655 = vector.broadcast %add3A_654 : i32 to vector<16xi32>
      %add3A_656 = arith.addi %get3A_467, %add3A_655 : vector<16xi32>
      %gt3A_657 = arith.constant 0.000000e+00 : f32
      %gt3A_658 = vector.broadcast %gt3A_657 : f32 to vector<16xf32>
      %gt3A_659 = arith.cmpf ogt, %get3A_403, %gt3A_658 : vector<16xf32>
      tpu.vector_store_idx %arg8[%add3A_653], %get3A_403 masked %gt3A_659 {add = true} : memref<160xf32, #tpu.memory_space<vmem>>[vector<16xi32>], vector<16xf32>, vector<16xi1>
      tpu.vector_store_idx %arg9[%add3A_653], %add3A_656 masked %gt3A_659 {add = true} : memref<160xi32, #tpu.memory_space<vmem>>[vector<16xi32>], vector<16xi32>, vector<16xi1>
      %mul3A_660 = arith.constant 9.99999904 : f32
      %mul3A_661 = vector.broadcast %mul3A_660 : f32 to vector<16xf32>
      %mul3A_662 = arith.mulf %get3A_407, %mul3A_661 : vector<16xf32>
      %convert_element_type3A_663 = arith.fptosi %mul3A_662 : vector<16xf32> to vector<16xi32>
      %mul3A_664 = arith.constant 16 : i32
      %mul3A_665 = vector.broadcast %mul3A_664 : i32 to vector<16xi32>
      %mul3A_666 = arith.muli %convert_element_type3A_663, %mul3A_665 : vector<16xi32>
      %add3A_667 = arith.addi %mul3A_666, %iota3A : vector<16xi32>
      %add3A_668 = arith.constant 16384 : i32
      %add3A_669 = vector.broadcast %add3A_668 : i32 to vector<16xi32>
      %add3A_670 = arith.addi %get3A_471, %add3A_669 : vector<16xi32>
      %gt3A_671 = arith.constant 0.000000e+00 : f32
      %gt3A_672 = vector.broadcast %gt3A_671 : f32 to vector<16xf32>
      %gt3A_673 = arith.cmpf ogt, %get3A_407, %gt3A_672 : vector<16xf32>
      tpu.vector_store_idx %arg8[%add3A_667], %get3A_407 masked %gt3A_673 {add = true} : memref<160xf32, #tpu.memory_space<vmem>>[vector<16xi32>], vector<16xf32>, vector<16xi1>
      tpu.vector_store_idx %arg9[%add3A_667], %add3A_670 masked %gt3A_673 {add = true} : memref<160xi32, #tpu.memory_space<vmem>>[vector<16xi32>], vector<16xi32>, vector<16xi1>
      %mul3A_674 = arith.constant 9.99999904 : f32
      %mul3A_675 = vector.broadcast %mul3A_674 : f32 to vector<16xf32>
      %mul3A_676 = arith.mulf %get3A_411, %mul3A_675 : vector<16xf32>
      %convert_element_type3A_677 = arith.fptosi %mul3A_676 : vector<16xf32> to vector<16xi32>
      %mul3A_678 = arith.constant 16 : i32
      %mul3A_679 = vector.broadcast %mul3A_678 : i32 to vector<16xi32>
      %mul3A_680 = arith.muli %convert_element_type3A_677, %mul3A_679 : vector<16xi32>
      %add3A_681 = arith.addi %mul3A_680, %iota3A : vector<16xi32>
      %add3A_682 = arith.constant 16384 : i32
      %add3A_683 = vector.broadcast %add3A_682 : i32 to vector<16xi32>
      %add3A_684 = arith.addi %get3A_475, %add3A_683 : vector<16xi32>
      %gt3A_685 = arith.constant 0.000000e+00 : f32
      %gt3A_686 = vector.broadcast %gt3A_685 : f32 to vector<16xf32>
      %gt3A_687 = arith.cmpf ogt, %get3A_411, %gt3A_686 : vector<16xf32>
      tpu.vector_store_idx %arg8[%add3A_681], %get3A_411 masked %gt3A_687 {add = true} : memref<160xf32, #tpu.memory_space<vmem>>[vector<16xi32>], vector<16xf32>, vector<16xi1>
      tpu.vector_store_idx %arg9[%add3A_681], %add3A_684 masked %gt3A_687 {add = true} : memref<160xi32, #tpu.memory_space<vmem>>[vector<16xi32>], vector<16xi32>, vector<16xi1>
      %mul3A_688 = arith.constant 9.99999904 : f32
      %mul3A_689 = vector.broadcast %mul3A_688 : f32 to vector<16xf32>
      %mul3A_690 = arith.mulf %get3A_415, %mul3A_689 : vector<16xf32>
      %convert_element_type3A_691 = arith.fptosi %mul3A_690 : vector<16xf32> to vector<16xi32>
      %mul3A_692 = arith.constant 16 : i32
      %mul3A_693 = vector.broadcast %mul3A_692 : i32 to vector<16xi32>
      %mul3A_694 = arith.muli %convert_element_type3A_691, %mul3A_693 : vector<16xi32>
      %add3A_695 = arith.addi %mul3A_694, %iota3A : vector<16xi32>
      %add3A_696 = arith.constant 16384 : i32
      %add3A_697 = vector.broadcast %add3A_696 : i32 to vector<16xi32>
      %add3A_698 = arith.addi %get3A_479, %add3A_697 : vector<16xi32>
      %gt3A_699 = arith.constant 0.000000e+00 : f32
      %gt3A_700 = vector.broadcast %gt3A_699 : f32 to vector<16xf32>
      %gt3A_701 = arith.cmpf ogt, %get3A_415, %gt3A_700 : vector<16xf32>
      tpu.vector_store_idx %arg8[%add3A_695], %get3A_415 masked %gt3A_701 {add = true} : memref<160xf32, #tpu.memory_space<vmem>>[vector<16xi32>], vector<16xf32>, vector<16xi1>
      tpu.vector_store_idx %arg9[%add3A_695], %add3A_698 masked %gt3A_701 {add = true} : memref<160xi32, #tpu.memory_space<vmem>>[vector<16xi32>], vector<16xi32>, vector<16xi1>
    }
    %scan3A_301 = arith.constant 64 : i32
    %add3A_302 = arith.constant 98304 : i32
    %add3A_303 = arith.addi %mul3A_2, %add3A_302 : i32
    %dma_wait3A_304 = arith.constant 0 : i32
    %dma_wait3A_305 = tpu.memref_slice %arg6[%dma_wait3A_304] : memref<49152xf32, #tpu.memory_space<vmem>> -> memref<16384xf32, #tpu.memory_space<vmem>>
    %dma_wait3A_306 = tpu.memref_slice %arg2[%add3A_303] : memref<4194304xf32, #tpu.memory_space<hbm>> -> memref<16384xf32, #tpu.memory_space<hbm>>
    %dma_wait3A_307 = arith.constant 0 : i32
    %dma_wait3A_308 = tpu.memref_slice %arg6[%dma_wait3A_307] : memref<49152xf32, #tpu.memory_space<vmem>> -> memref<16384xf32, #tpu.memory_space<vmem>>
    %dma_wait3A_309 = tpu.memref_slice %arg2[%add3A_303] : memref<4194304xf32, #tpu.memory_space<hbm>> -> memref<16384xf32, #tpu.memory_space<hbm>>
    tpu.wait_dma2 semaphore(%arg10 : memref<!tpu.dma_semaphore, #tpu.memory_space<semaphore_mem>>) src(%dma_wait3A_309 : memref<16384xf32, #tpu.memory_space<hbm>>) dst(%dma_wait3A_308 : memref<16384xf32, #tpu.memory_space<vmem>>)
    %add3A_310 = arith.constant 98304 : i32
    %add3A_311 = arith.addi %mul3A_2, %add3A_310 : i32
    %dma_wait3A_312 = arith.constant 0 : i32
    %dma_wait3A_313 = tpu.memref_slice %arg7[%dma_wait3A_312] : memref<49152xi32, #tpu.memory_space<vmem>> -> memref<16384xi32, #tpu.memory_space<vmem>>
    %dma_wait3A_314 = tpu.memref_slice %arg3[%add3A_311] : memref<4194304xi32, #tpu.memory_space<hbm>> -> memref<16384xi32, #tpu.memory_space<hbm>>
    %dma_wait3A_315 = arith.constant 0 : i32
    %dma_wait3A_316 = tpu.memref_slice %arg7[%dma_wait3A_315] : memref<49152xi32, #tpu.memory_space<vmem>> -> memref<16384xi32, #tpu.memory_space<vmem>>
    %dma_wait3A_317 = tpu.memref_slice %arg3[%add3A_311] : memref<4194304xi32, #tpu.memory_space<hbm>> -> memref<16384xi32, #tpu.memory_space<hbm>>
    tpu.wait_dma2 semaphore(%arg13 : memref<!tpu.dma_semaphore, #tpu.memory_space<semaphore_mem>>) src(%dma_wait3A_317 : memref<16384xi32, #tpu.memory_space<hbm>>) dst(%dma_wait3A_316 : memref<16384xi32, #tpu.memory_space<vmem>>)
    %scan3A_318 = arith.constant 0 : i32
    %scan3A_319 = arith.constant 0 : i32
    %scan3A_320 = arith.constant 64 : i32
    %scan3A_321 = arith.addi %scan3A_319, %scan3A_320 : i32
    %scan3A_322 = arith.constant 1 : i32
    scf.for %scan3A_348 = %scan3A_319 to %scan3A_321 step %scan3A_322  : i32 {
      %mul3A_349 = arith.constant 256 : i32
      %mul3A_350 = arith.muli %scan3A_348, %mul3A_349 : i32
      %add3A_351 = arith.constant 0 : i32
      %add3A_352 = arith.addi %add3A_351, %mul3A_350 : i32
      %add3A_353 = arith.constant 0 : i32
      %add3A_354 = arith.addi %add3A_352, %add3A_353 : i32
      %get3A = arith.index_cast %add3A_354 : i32 to index
      %get3A_355 = tpu.vector_load %arg6[%get3A] {strides = array<i32>} : memref<49152xf32, #tpu.memory_space<vmem>>, vector<16xf32>,
      %add3A_356 = arith.constant 16 : i32
      %add3A_357 = arith.addi %add3A_352, %add3A_356 : i32
      %get3A_358 = arith.index_cast %add3A_357 : i32 to index
      %get3A_359 = tpu.vector_load %arg6[%get3A_358] {strides = array<i32>} : memref<49152xf32, #tpu.memory_space<vmem>>, vector<16xf32>,
      %add3A_360 = arith.constant 32 : i32
      %add3A_361 = arith.addi %add3A_352, %add3A_360 : i32
      %get3A_362 = arith.index_cast %add3A_361 : i32 to index
      %get3A_363 = tpu.vector_load %arg6[%get3A_362] {strides = array<i32>} : memref<49152xf32, #tpu.memory_space<vmem>>, vector<16xf32>,
      %add3A_364 = arith.constant 48 : i32
      %add3A_365 = arith.addi %add3A_352, %add3A_364 : i32
      %get3A_366 = arith.index_cast %add3A_365 : i32 to index
      %get3A_367 = tpu.vector_load %arg6[%get3A_366] {strides = array<i32>} : memref<49152xf32, #tpu.memory_space<vmem>>, vector<16xf32>,
      %add3A_368 = arith.constant 64 : i32
      %add3A_369 = arith.addi %add3A_352, %add3A_368 : i32
      %get3A_370 = arith.index_cast %add3A_369 : i32 to index
      %get3A_371 = tpu.vector_load %arg6[%get3A_370] {strides = array<i32>} : memref<49152xf32, #tpu.memory_space<vmem>>, vector<16xf32>,
      %add3A_372 = arith.constant 80 : i32
      %add3A_373 = arith.addi %add3A_352, %add3A_372 : i32
      %get3A_374 = arith.index_cast %add3A_373 : i32 to index
      %get3A_375 = tpu.vector_load %arg6[%get3A_374] {strides = array<i32>} : memref<49152xf32, #tpu.memory_space<vmem>>, vector<16xf32>,
      %add3A_376 = arith.constant 96 : i32
      %add3A_377 = arith.addi %add3A_352, %add3A_376 : i32
      %get3A_378 = arith.index_cast %add3A_377 : i32 to index
      %get3A_379 = tpu.vector_load %arg6[%get3A_378] {strides = array<i32>} : memref<49152xf32, #tpu.memory_space<vmem>>, vector<16xf32>,
      %add3A_380 = arith.constant 112 : i32
      %add3A_381 = arith.addi %add3A_352, %add3A_380 : i32
      %get3A_382 = arith.index_cast %add3A_381 : i32 to index
      %get3A_383 = tpu.vector_load %arg6[%get3A_382] {strides = array<i32>} : memref<49152xf32, #tpu.memory_space<vmem>>, vector<16xf32>,
      %add3A_384 = arith.constant 128 : i32
      %add3A_385 = arith.addi %add3A_352, %add3A_384 : i32
      %get3A_386 = arith.index_cast %add3A_385 : i32 to index
      %get3A_387 = tpu.vector_load %arg6[%get3A_386] {strides = array<i32>} : memref<49152xf32, #tpu.memory_space<vmem>>, vector<16xf32>,
      %add3A_388 = arith.constant 144 : i32
      %add3A_389 = arith.addi %add3A_352, %add3A_388 : i32
      %get3A_390 = arith.index_cast %add3A_389 : i32 to index
      %get3A_391 = tpu.vector_load %arg6[%get3A_390] {strides = array<i32>} : memref<49152xf32, #tpu.memory_space<vmem>>, vector<16xf32>,
      %add3A_392 = arith.constant 160 : i32
      %add3A_393 = arith.addi %add3A_352, %add3A_392 : i32
      %get3A_394 = arith.index_cast %add3A_393 : i32 to index
      %get3A_395 = tpu.vector_load %arg6[%get3A_394] {strides = array<i32>} : memref<49152xf32, #tpu.memory_space<vmem>>, vector<16xf32>,
      %add3A_396 = arith.constant 176 : i32
      %add3A_397 = arith.addi %add3A_352, %add3A_396 : i32
      %get3A_398 = arith.index_cast %add3A_397 : i32 to index
      %get3A_399 = tpu.vector_load %arg6[%get3A_398] {strides = array<i32>} : memref<49152xf32, #tpu.memory_space<vmem>>, vector<16xf32>,
      %add3A_400 = arith.constant 192 : i32
      %add3A_401 = arith.addi %add3A_352, %add3A_400 : i32
      %get3A_402 = arith.index_cast %add3A_401 : i32 to index
      %get3A_403 = tpu.vector_load %arg6[%get3A_402] {strides = array<i32>} : memref<49152xf32, #tpu.memory_space<vmem>>, vector<16xf32>,
      %add3A_404 = arith.constant 208 : i32
      %add3A_405 = arith.addi %add3A_352, %add3A_404 : i32
      %get3A_406 = arith.index_cast %add3A_405 : i32 to index
      %get3A_407 = tpu.vector_load %arg6[%get3A_406] {strides = array<i32>} : memref<49152xf32, #tpu.memory_space<vmem>>, vector<16xf32>,
      %add3A_408 = arith.constant 224 : i32
      %add3A_409 = arith.addi %add3A_352, %add3A_408 : i32
      %get3A_410 = arith.index_cast %add3A_409 : i32 to index
      %get3A_411 = tpu.vector_load %arg6[%get3A_410] {strides = array<i32>} : memref<49152xf32, #tpu.memory_space<vmem>>, vector<16xf32>,
      %add3A_412 = arith.constant 240 : i32
      %add3A_413 = arith.addi %add3A_352, %add3A_412 : i32
      %get3A_414 = arith.index_cast %add3A_413 : i32 to index
      %get3A_415 = tpu.vector_load %arg6[%get3A_414] {strides = array<i32>} : memref<49152xf32, #tpu.memory_space<vmem>>, vector<16xf32>,
      %add3A_416 = arith.constant 0 : i32
      %add3A_417 = arith.addi %add3A_352, %add3A_416 : i32
      %get3A_418 = arith.index_cast %add3A_417 : i32 to index
      %get3A_419 = tpu.vector_load %arg7[%get3A_418] {strides = array<i32>} : memref<49152xi32, #tpu.memory_space<vmem>>, vector<16xi32>,
      %add3A_420 = arith.constant 16 : i32
      %add3A_421 = arith.addi %add3A_352, %add3A_420 : i32
      %get3A_422 = arith.index_cast %add3A_421 : i32 to index
      %get3A_423 = tpu.vector_load %arg7[%get3A_422] {strides = array<i32>} : memref<49152xi32, #tpu.memory_space<vmem>>, vector<16xi32>,
      %add3A_424 = arith.constant 32 : i32
      %add3A_425 = arith.addi %add3A_352, %add3A_424 : i32
      %get3A_426 = arith.index_cast %add3A_425 : i32 to index
      %get3A_427 = tpu.vector_load %arg7[%get3A_426] {strides = array<i32>} : memref<49152xi32, #tpu.memory_space<vmem>>, vector<16xi32>,
      %add3A_428 = arith.constant 48 : i32
      %add3A_429 = arith.addi %add3A_352, %add3A_428 : i32
      %get3A_430 = arith.index_cast %add3A_429 : i32 to index
      %get3A_431 = tpu.vector_load %arg7[%get3A_430] {strides = array<i32>} : memref<49152xi32, #tpu.memory_space<vmem>>, vector<16xi32>,
      %add3A_432 = arith.constant 64 : i32
      %add3A_433 = arith.addi %add3A_352, %add3A_432 : i32
      %get3A_434 = arith.index_cast %add3A_433 : i32 to index
      %get3A_435 = tpu.vector_load %arg7[%get3A_434] {strides = array<i32>} : memref<49152xi32, #tpu.memory_space<vmem>>, vector<16xi32>,
      %add3A_436 = arith.constant 80 : i32
      %add3A_437 = arith.addi %add3A_352, %add3A_436 : i32
      %get3A_438 = arith.index_cast %add3A_437 : i32 to index
      %get3A_439 = tpu.vector_load %arg7[%get3A_438] {strides = array<i32>} : memref<49152xi32, #tpu.memory_space<vmem>>, vector<16xi32>,
      %add3A_440 = arith.constant 96 : i32
      %add3A_441 = arith.addi %add3A_352, %add3A_440 : i32
      %get3A_442 = arith.index_cast %add3A_441 : i32 to index
      %get3A_443 = tpu.vector_load %arg7[%get3A_442] {strides = array<i32>} : memref<49152xi32, #tpu.memory_space<vmem>>, vector<16xi32>,
      %add3A_444 = arith.constant 112 : i32
      %add3A_445 = arith.addi %add3A_352, %add3A_444 : i32
      %get3A_446 = arith.index_cast %add3A_445 : i32 to index
      %get3A_447 = tpu.vector_load %arg7[%get3A_446] {strides = array<i32>} : memref<49152xi32, #tpu.memory_space<vmem>>, vector<16xi32>,
      %add3A_448 = arith.constant 128 : i32
      %add3A_449 = arith.addi %add3A_352, %add3A_448 : i32
      %get3A_450 = arith.index_cast %add3A_449 : i32 to index
      %get3A_451 = tpu.vector_load %arg7[%get3A_450] {strides = array<i32>} : memref<49152xi32, #tpu.memory_space<vmem>>, vector<16xi32>,
      %add3A_452 = arith.constant 144 : i32
      %add3A_453 = arith.addi %add3A_352, %add3A_452 : i32
      %get3A_454 = arith.index_cast %add3A_453 : i32 to index
      %get3A_455 = tpu.vector_load %arg7[%get3A_454] {strides = array<i32>} : memref<49152xi32, #tpu.memory_space<vmem>>, vector<16xi32>,
      %add3A_456 = arith.constant 160 : i32
      %add3A_457 = arith.addi %add3A_352, %add3A_456 : i32
      %get3A_458 = arith.index_cast %add3A_457 : i32 to index
      %get3A_459 = tpu.vector_load %arg7[%get3A_458] {strides = array<i32>} : memref<49152xi32, #tpu.memory_space<vmem>>, vector<16xi32>,
      %add3A_460 = arith.constant 176 : i32
      %add3A_461 = arith.addi %add3A_352, %add3A_460 : i32
      %get3A_462 = arith.index_cast %add3A_461 : i32 to index
      %get3A_463 = tpu.vector_load %arg7[%get3A_462] {strides = array<i32>} : memref<49152xi32, #tpu.memory_space<vmem>>, vector<16xi32>,
      %add3A_464 = arith.constant 192 : i32
      %add3A_465 = arith.addi %add3A_352, %add3A_464 : i32
      %get3A_466 = arith.index_cast %add3A_465 : i32 to index
      %get3A_467 = tpu.vector_load %arg7[%get3A_466] {strides = array<i32>} : memref<49152xi32, #tpu.memory_space<vmem>>, vector<16xi32>,
      %add3A_468 = arith.constant 208 : i32
      %add3A_469 = arith.addi %add3A_352, %add3A_468 : i32
      %get3A_470 = arith.index_cast %add3A_469 : i32 to index
      %get3A_471 = tpu.vector_load %arg7[%get3A_470] {strides = array<i32>} : memref<49152xi32, #tpu.memory_space<vmem>>, vector<16xi32>,
      %add3A_472 = arith.constant 224 : i32
      %add3A_473 = arith.addi %add3A_352, %add3A_472 : i32
      %get3A_474 = arith.index_cast %add3A_473 : i32 to index
      %get3A_475 = tpu.vector_load %arg7[%get3A_474] {strides = array<i32>} : memref<49152xi32, #tpu.memory_space<vmem>>, vector<16xi32>,
      %add3A_476 = arith.constant 240 : i32
      %add3A_477 = arith.addi %add3A_352, %add3A_476 : i32
      %get3A_478 = arith.index_cast %add3A_477 : i32 to index
      %get3A_479 = tpu.vector_load %arg7[%get3A_478] {strides = array<i32>} : memref<49152xi32, #tpu.memory_space<vmem>>, vector<16xi32>,
      %mul3A_480 = arith.constant 9.99999904 : f32
      %mul3A_481 = vector.broadcast %mul3A_480 : f32 to vector<16xf32>
      %mul3A_482 = arith.mulf %get3A_355, %mul3A_481 : vector<16xf32>
      %convert_element_type3A = arith.fptosi %mul3A_482 : vector<16xf32> to vector<16xi32>
      %mul3A_483 = arith.constant 16 : i32
      %mul3A_484 = vector.broadcast %mul3A_483 : i32 to vector<16xi32>
      %mul3A_485 = arith.muli %convert_element_type3A, %mul3A_484 : vector<16xi32>
      %add3A_486 = arith.addi %mul3A_485, %iota3A : vector<16xi32>
      %add3A_487 = arith.constant 16384 : i32
      %add3A_488 = vector.broadcast %add3A_487 : i32 to vector<16xi32>
      %add3A_489 = arith.addi %get3A_419, %add3A_488 : vector<16xi32>
      %gt3A = arith.constant 0.000000e+00 : f32
      %gt3A_490 = vector.broadcast %gt3A : f32 to vector<16xf32>
      %gt3A_491 = arith.cmpf ogt, %get3A_355, %gt3A_490 : vector<16xf32>
      tpu.vector_store_idx %arg8[%add3A_486], %get3A_355 masked %gt3A_491 {add = true} : memref<160xf32, #tpu.memory_space<vmem>>[vector<16xi32>], vector<16xf32>, vector<16xi1>
      tpu.vector_store_idx %arg9[%add3A_486], %add3A_489 masked %gt3A_491 {add = true} : memref<160xi32, #tpu.memory_space<vmem>>[vector<16xi32>], vector<16xi32>, vector<16xi1>
      %mul3A_492 = arith.constant 9.99999904 : f32
      %mul3A_493 = vector.broadcast %mul3A_492 : f32 to vector<16xf32>
      %mul3A_494 = arith.mulf %get3A_359, %mul3A_493 : vector<16xf32>
      %convert_element_type3A_495 = arith.fptosi %mul3A_494 : vector<16xf32> to vector<16xi32>
      %mul3A_496 = arith.constant 16 : i32
      %mul3A_497 = vector.broadcast %mul3A_496 : i32 to vector<16xi32>
      %mul3A_498 = arith.muli %convert_element_type3A_495, %mul3A_497 : vector<16xi32>
      %add3A_499 = arith.addi %mul3A_498, %iota3A : vector<16xi32>
      %add3A_500 = arith.constant 16384 : i32
      %add3A_501 = vector.broadcast %add3A_500 : i32 to vector<16xi32>
      %add3A_502 = arith.addi %get3A_423, %add3A_501 : vector<16xi32>
      %gt3A_503 = arith.constant 0.000000e+00 : f32
      %gt3A_504 = vector.broadcast %gt3A_503 : f32 to vector<16xf32>
      %gt3A_505 = arith.cmpf ogt, %get3A_359, %gt3A_504 : vector<16xf32>
      tpu.vector_store_idx %arg8[%add3A_499], %get3A_359 masked %gt3A_505 {add = true} : memref<160xf32, #tpu.memory_space<vmem>>[vector<16xi32>], vector<16xf32>, vector<16xi1>
      tpu.vector_store_idx %arg9[%add3A_499], %add3A_502 masked %gt3A_505 {add = true} : memref<160xi32, #tpu.memory_space<vmem>>[vector<16xi32>], vector<16xi32>, vector<16xi1>
      %mul3A_506 = arith.constant 9.99999904 : f32
      %mul3A_507 = vector.broadcast %mul3A_506 : f32 to vector<16xf32>
      %mul3A_508 = arith.mulf %get3A_363, %mul3A_507 : vector<16xf32>
      %convert_element_type3A_509 = arith.fptosi %mul3A_508 : vector<16xf32> to vector<16xi32>
      %mul3A_510 = arith.constant 16 : i32
      %mul3A_511 = vector.broadcast %mul3A_510 : i32 to vector<16xi32>
      %mul3A_512 = arith.muli %convert_element_type3A_509, %mul3A_511 : vector<16xi32>
      %add3A_513 = arith.addi %mul3A_512, %iota3A : vector<16xi32>
      %add3A_514 = arith.constant 16384 : i32
      %add3A_515 = vector.broadcast %add3A_514 : i32 to vector<16xi32>
      %add3A_516 = arith.addi %get3A_427, %add3A_515 : vector<16xi32>
      %gt3A_517 = arith.constant 0.000000e+00 : f32
      %gt3A_518 = vector.broadcast %gt3A_517 : f32 to vector<16xf32>
      %gt3A_519 = arith.cmpf ogt, %get3A_363, %gt3A_518 : vector<16xf32>
      tpu.vector_store_idx %arg8[%add3A_513], %get3A_363 masked %gt3A_519 {add = true} : memref<160xf32, #tpu.memory_space<vmem>>[vector<16xi32>], vector<16xf32>, vector<16xi1>
      tpu.vector_store_idx %arg9[%add3A_513], %add3A_516 masked %gt3A_519 {add = true} : memref<160xi32, #tpu.memory_space<vmem>>[vector<16xi32>], vector<16xi32>, vector<16xi1>
      %mul3A_520 = arith.constant 9.99999904 : f32
      %mul3A_521 = vector.broadcast %mul3A_520 : f32 to vector<16xf32>
      %mul3A_522 = arith.mulf %get3A_367, %mul3A_521 : vector<16xf32>
      %convert_element_type3A_523 = arith.fptosi %mul3A_522 : vector<16xf32> to vector<16xi32>
      %mul3A_524 = arith.constant 16 : i32
      %mul3A_525 = vector.broadcast %mul3A_524 : i32 to vector<16xi32>
      %mul3A_526 = arith.muli %convert_element_type3A_523, %mul3A_525 : vector<16xi32>
      %add3A_527 = arith.addi %mul3A_526, %iota3A : vector<16xi32>
      %add3A_528 = arith.constant 16384 : i32
      %add3A_529 = vector.broadcast %add3A_528 : i32 to vector<16xi32>
      %add3A_530 = arith.addi %get3A_431, %add3A_529 : vector<16xi32>
      %gt3A_531 = arith.constant 0.000000e+00 : f32
      %gt3A_532 = vector.broadcast %gt3A_531 : f32 to vector<16xf32>
      %gt3A_533 = arith.cmpf ogt, %get3A_367, %gt3A_532 : vector<16xf32>
      tpu.vector_store_idx %arg8[%add3A_527], %get3A_367 masked %gt3A_533 {add = true} : memref<160xf32, #tpu.memory_space<vmem>>[vector<16xi32>], vector<16xf32>, vector<16xi1>
      tpu.vector_store_idx %arg9[%add3A_527], %add3A_530 masked %gt3A_533 {add = true} : memref<160xi32, #tpu.memory_space<vmem>>[vector<16xi32>], vector<16xi32>, vector<16xi1>
      %mul3A_534 = arith.constant 9.99999904 : f32
      %mul3A_535 = vector.broadcast %mul3A_534 : f32 to vector<16xf32>
      %mul3A_536 = arith.mulf %get3A_371, %mul3A_535 : vector<16xf32>
      %convert_element_type3A_537 = arith.fptosi %mul3A_536 : vector<16xf32> to vector<16xi32>
      %mul3A_538 = arith.constant 16 : i32
      %mul3A_539 = vector.broadcast %mul3A_538 : i32 to vector<16xi32>
      %mul3A_540 = arith.muli %convert_element_type3A_537, %mul3A_539 : vector<16xi32>
      %add3A_541 = arith.addi %mul3A_540, %iota3A : vector<16xi32>
      %add3A_542 = arith.constant 16384 : i32
      %add3A_543 = vector.broadcast %add3A_542 : i32 to vector<16xi32>
      %add3A_544 = arith.addi %get3A_435, %add3A_543 : vector<16xi32>
      %gt3A_545 = arith.constant 0.000000e+00 : f32
      %gt3A_546 = vector.broadcast %gt3A_545 : f32 to vector<16xf32>
      %gt3A_547 = arith.cmpf ogt, %get3A_371, %gt3A_546 : vector<16xf32>
      tpu.vector_store_idx %arg8[%add3A_541], %get3A_371 masked %gt3A_547 {add = true} : memref<160xf32, #tpu.memory_space<vmem>>[vector<16xi32>], vector<16xf32>, vector<16xi1>
      tpu.vector_store_idx %arg9[%add3A_541], %add3A_544 masked %gt3A_547 {add = true} : memref<160xi32, #tpu.memory_space<vmem>>[vector<16xi32>], vector<16xi32>, vector<16xi1>
      %mul3A_548 = arith.constant 9.99999904 : f32
      %mul3A_549 = vector.broadcast %mul3A_548 : f32 to vector<16xf32>
      %mul3A_550 = arith.mulf %get3A_375, %mul3A_549 : vector<16xf32>
      %convert_element_type3A_551 = arith.fptosi %mul3A_550 : vector<16xf32> to vector<16xi32>
      %mul3A_552 = arith.constant 16 : i32
      %mul3A_553 = vector.broadcast %mul3A_552 : i32 to vector<16xi32>
      %mul3A_554 = arith.muli %convert_element_type3A_551, %mul3A_553 : vector<16xi32>
      %add3A_555 = arith.addi %mul3A_554, %iota3A : vector<16xi32>
      %add3A_556 = arith.constant 16384 : i32
      %add3A_557 = vector.broadcast %add3A_556 : i32 to vector<16xi32>
      %add3A_558 = arith.addi %get3A_439, %add3A_557 : vector<16xi32>
      %gt3A_559 = arith.constant 0.000000e+00 : f32
      %gt3A_560 = vector.broadcast %gt3A_559 : f32 to vector<16xf32>
      %gt3A_561 = arith.cmpf ogt, %get3A_375, %gt3A_560 : vector<16xf32>
      tpu.vector_store_idx %arg8[%add3A_555], %get3A_375 masked %gt3A_561 {add = true} : memref<160xf32, #tpu.memory_space<vmem>>[vector<16xi32>], vector<16xf32>, vector<16xi1>
      tpu.vector_store_idx %arg9[%add3A_555], %add3A_558 masked %gt3A_561 {add = true} : memref<160xi32, #tpu.memory_space<vmem>>[vector<16xi32>], vector<16xi32>, vector<16xi1>
      %mul3A_562 = arith.constant 9.99999904 : f32
      %mul3A_563 = vector.broadcast %mul3A_562 : f32 to vector<16xf32>
      %mul3A_564 = arith.mulf %get3A_379, %mul3A_563 : vector<16xf32>
      %convert_element_type3A_565 = arith.fptosi %mul3A_564 : vector<16xf32> to vector<16xi32>
      %mul3A_566 = arith.constant 16 : i32
      %mul3A_567 = vector.broadcast %mul3A_566 : i32 to vector<16xi32>
      %mul3A_568 = arith.muli %convert_element_type3A_565, %mul3A_567 : vector<16xi32>
      %add3A_569 = arith.addi %mul3A_568, %iota3A : vector<16xi32>
      %add3A_570 = arith.constant 16384 : i32
      %add3A_571 = vector.broadcast %add3A_570 : i32 to vector<16xi32>
      %add3A_572 = arith.addi %get3A_443, %add3A_571 : vector<16xi32>
      %gt3A_573 = arith.constant 0.000000e+00 : f32
      %gt3A_574 = vector.broadcast %gt3A_573 : f32 to vector<16xf32>
      %gt3A_575 = arith.cmpf ogt, %get3A_379, %gt3A_574 : vector<16xf32>
      tpu.vector_store_idx %arg8[%add3A_569], %get3A_379 masked %gt3A_575 {add = true} : memref<160xf32, #tpu.memory_space<vmem>>[vector<16xi32>], vector<16xf32>, vector<16xi1>
      tpu.vector_store_idx %arg9[%add3A_569], %add3A_572 masked %gt3A_575 {add = true} : memref<160xi32, #tpu.memory_space<vmem>>[vector<16xi32>], vector<16xi32>, vector<16xi1>
      %mul3A_576 = arith.constant 9.99999904 : f32
      %mul3A_577 = vector.broadcast %mul3A_576 : f32 to vector<16xf32>
      %mul3A_578 = arith.mulf %get3A_383, %mul3A_577 : vector<16xf32>
      %convert_element_type3A_579 = arith.fptosi %mul3A_578 : vector<16xf32> to vector<16xi32>
      %mul3A_580 = arith.constant 16 : i32
      %mul3A_581 = vector.broadcast %mul3A_580 : i32 to vector<16xi32>
      %mul3A_582 = arith.muli %convert_element_type3A_579, %mul3A_581 : vector<16xi32>
      %add3A_583 = arith.addi %mul3A_582, %iota3A : vector<16xi32>
      %add3A_584 = arith.constant 16384 : i32
      %add3A_585 = vector.broadcast %add3A_584 : i32 to vector<16xi32>
      %add3A_586 = arith.addi %get3A_447, %add3A_585 : vector<16xi32>
      %gt3A_587 = arith.constant 0.000000e+00 : f32
      %gt3A_588 = vector.broadcast %gt3A_587 : f32 to vector<16xf32>
      %gt3A_589 = arith.cmpf ogt, %get3A_383, %gt3A_588 : vector<16xf32>
      tpu.vector_store_idx %arg8[%add3A_583], %get3A_383 masked %gt3A_589 {add = true} : memref<160xf32, #tpu.memory_space<vmem>>[vector<16xi32>], vector<16xf32>, vector<16xi1>
      tpu.vector_store_idx %arg9[%add3A_583], %add3A_586 masked %gt3A_589 {add = true} : memref<160xi32, #tpu.memory_space<vmem>>[vector<16xi32>], vector<16xi32>, vector<16xi1>
      %mul3A_590 = arith.constant 9.99999904 : f32
      %mul3A_591 = vector.broadcast %mul3A_590 : f32 to vector<16xf32>
      %mul3A_592 = arith.mulf %get3A_387, %mul3A_591 : vector<16xf32>
      %convert_element_type3A_593 = arith.fptosi %mul3A_592 : vector<16xf32> to vector<16xi32>
      %mul3A_594 = arith.constant 16 : i32
      %mul3A_595 = vector.broadcast %mul3A_594 : i32 to vector<16xi32>
      %mul3A_596 = arith.muli %convert_element_type3A_593, %mul3A_595 : vector<16xi32>
      %add3A_597 = arith.addi %mul3A_596, %iota3A : vector<16xi32>
      %add3A_598 = arith.constant 16384 : i32
      %add3A_599 = vector.broadcast %add3A_598 : i32 to vector<16xi32>
      %add3A_600 = arith.addi %get3A_451, %add3A_599 : vector<16xi32>
      %gt3A_601 = arith.constant 0.000000e+00 : f32
      %gt3A_602 = vector.broadcast %gt3A_601 : f32 to vector<16xf32>
      %gt3A_603 = arith.cmpf ogt, %get3A_387, %gt3A_602 : vector<16xf32>
      tpu.vector_store_idx %arg8[%add3A_597], %get3A_387 masked %gt3A_603 {add = true} : memref<160xf32, #tpu.memory_space<vmem>>[vector<16xi32>], vector<16xf32>, vector<16xi1>
      tpu.vector_store_idx %arg9[%add3A_597], %add3A_600 masked %gt3A_603 {add = true} : memref<160xi32, #tpu.memory_space<vmem>>[vector<16xi32>], vector<16xi32>, vector<16xi1>
      %mul3A_604 = arith.constant 9.99999904 : f32
      %mul3A_605 = vector.broadcast %mul3A_604 : f32 to vector<16xf32>
      %mul3A_606 = arith.mulf %get3A_391, %mul3A_605 : vector<16xf32>
      %convert_element_type3A_607 = arith.fptosi %mul3A_606 : vector<16xf32> to vector<16xi32>
      %mul3A_608 = arith.constant 16 : i32
      %mul3A_609 = vector.broadcast %mul3A_608 : i32 to vector<16xi32>
      %mul3A_610 = arith.muli %convert_element_type3A_607, %mul3A_609 : vector<16xi32>
      %add3A_611 = arith.addi %mul3A_610, %iota3A : vector<16xi32>
      %add3A_612 = arith.constant 16384 : i32
      %add3A_613 = vector.broadcast %add3A_612 : i32 to vector<16xi32>
      %add3A_614 = arith.addi %get3A_455, %add3A_613 : vector<16xi32>
      %gt3A_615 = arith.constant 0.000000e+00 : f32
      %gt3A_616 = vector.broadcast %gt3A_615 : f32 to vector<16xf32>
      %gt3A_617 = arith.cmpf ogt, %get3A_391, %gt3A_616 : vector<16xf32>
      tpu.vector_store_idx %arg8[%add3A_611], %get3A_391 masked %gt3A_617 {add = true} : memref<160xf32, #tpu.memory_space<vmem>>[vector<16xi32>], vector<16xf32>, vector<16xi1>
      tpu.vector_store_idx %arg9[%add3A_611], %add3A_614 masked %gt3A_617 {add = true} : memref<160xi32, #tpu.memory_space<vmem>>[vector<16xi32>], vector<16xi32>, vector<16xi1>
      %mul3A_618 = arith.constant 9.99999904 : f32
      %mul3A_619 = vector.broadcast %mul3A_618 : f32 to vector<16xf32>
      %mul3A_620 = arith.mulf %get3A_395, %mul3A_619 : vector<16xf32>
      %convert_element_type3A_621 = arith.fptosi %mul3A_620 : vector<16xf32> to vector<16xi32>
      %mul3A_622 = arith.constant 16 : i32
      %mul3A_623 = vector.broadcast %mul3A_622 : i32 to vector<16xi32>
      %mul3A_624 = arith.muli %convert_element_type3A_621, %mul3A_623 : vector<16xi32>
      %add3A_625 = arith.addi %mul3A_624, %iota3A : vector<16xi32>
      %add3A_626 = arith.constant 16384 : i32
      %add3A_627 = vector.broadcast %add3A_626 : i32 to vector<16xi32>
      %add3A_628 = arith.addi %get3A_459, %add3A_627 : vector<16xi32>
      %gt3A_629 = arith.constant 0.000000e+00 : f32
      %gt3A_630 = vector.broadcast %gt3A_629 : f32 to vector<16xf32>
      %gt3A_631 = arith.cmpf ogt, %get3A_395, %gt3A_630 : vector<16xf32>
      tpu.vector_store_idx %arg8[%add3A_625], %get3A_395 masked %gt3A_631 {add = true} : memref<160xf32, #tpu.memory_space<vmem>>[vector<16xi32>], vector<16xf32>, vector<16xi1>
      tpu.vector_store_idx %arg9[%add3A_625], %add3A_628 masked %gt3A_631 {add = true} : memref<160xi32, #tpu.memory_space<vmem>>[vector<16xi32>], vector<16xi32>, vector<16xi1>
      %mul3A_632 = arith.constant 9.99999904 : f32
      %mul3A_633 = vector.broadcast %mul3A_632 : f32 to vector<16xf32>
      %mul3A_634 = arith.mulf %get3A_399, %mul3A_633 : vector<16xf32>
      %convert_element_type3A_635 = arith.fptosi %mul3A_634 : vector<16xf32> to vector<16xi32>
      %mul3A_636 = arith.constant 16 : i32
      %mul3A_637 = vector.broadcast %mul3A_636 : i32 to vector<16xi32>
      %mul3A_638 = arith.muli %convert_element_type3A_635, %mul3A_637 : vector<16xi32>
      %add3A_639 = arith.addi %mul3A_638, %iota3A : vector<16xi32>
      %add3A_640 = arith.constant 16384 : i32
      %add3A_641 = vector.broadcast %add3A_640 : i32 to vector<16xi32>
      %add3A_642 = arith.addi %get3A_463, %add3A_641 : vector<16xi32>
      %gt3A_643 = arith.constant 0.000000e+00 : f32
      %gt3A_644 = vector.broadcast %gt3A_643 : f32 to vector<16xf32>
      %gt3A_645 = arith.cmpf ogt, %get3A_399, %gt3A_644 : vector<16xf32>
      tpu.vector_store_idx %arg8[%add3A_639], %get3A_399 masked %gt3A_645 {add = true} : memref<160xf32, #tpu.memory_space<vmem>>[vector<16xi32>], vector<16xf32>, vector<16xi1>
      tpu.vector_store_idx %arg9[%add3A_639], %add3A_642 masked %gt3A_645 {add = true} : memref<160xi32, #tpu.memory_space<vmem>>[vector<16xi32>], vector<16xi32>, vector<16xi1>
      %mul3A_646 = arith.constant 9.99999904 : f32
      %mul3A_647 = vector.broadcast %mul3A_646 : f32 to vector<16xf32>
      %mul3A_648 = arith.mulf %get3A_403, %mul3A_647 : vector<16xf32>
      %convert_element_type3A_649 = arith.fptosi %mul3A_648 : vector<16xf32> to vector<16xi32>
      %mul3A_650 = arith.constant 16 : i32
      %mul3A_651 = vector.broadcast %mul3A_650 : i32 to vector<16xi32>
      %mul3A_652 = arith.muli %convert_element_type3A_649, %mul3A_651 : vector<16xi32>
      %add3A_653 = arith.addi %mul3A_652, %iota3A : vector<16xi32>
      %add3A_654 = arith.constant 16384 : i32
      %add3A_655 = vector.broadcast %add3A_654 : i32 to vector<16xi32>
      %add3A_656 = arith.addi %get3A_467, %add3A_655 : vector<16xi32>
      %gt3A_657 = arith.constant 0.000000e+00 : f32
      %gt3A_658 = vector.broadcast %gt3A_657 : f32 to vector<16xf32>
      %gt3A_659 = arith.cmpf ogt, %get3A_403, %gt3A_658 : vector<16xf32>
      tpu.vector_store_idx %arg8[%add3A_653], %get3A_403 masked %gt3A_659 {add = true} : memref<160xf32, #tpu.memory_space<vmem>>[vector<16xi32>], vector<16xf32>, vector<16xi1>
      tpu.vector_store_idx %arg9[%add3A_653], %add3A_656 masked %gt3A_659 {add = true} : memref<160xi32, #tpu.memory_space<vmem>>[vector<16xi32>], vector<16xi32>, vector<16xi1>
      %mul3A_660 = arith.constant 9.99999904 : f32
      %mul3A_661 = vector.broadcast %mul3A_660 : f32 to vector<16xf32>
      %mul3A_662 = arith.mulf %get3A_407, %mul3A_661 : vector<16xf32>
      %convert_element_type3A_663 = arith.fptosi %mul3A_662 : vector<16xf32> to vector<16xi32>
      %mul3A_664 = arith.constant 16 : i32
      %mul3A_665 = vector.broadcast %mul3A_664 : i32 to vector<16xi32>
      %mul3A_666 = arith.muli %convert_element_type3A_663, %mul3A_665 : vector<16xi32>
      %add3A_667 = arith.addi %mul3A_666, %iota3A : vector<16xi32>
      %add3A_668 = arith.constant 16384 : i32
      %add3A_669 = vector.broadcast %add3A_668 : i32 to vector<16xi32>
      %add3A_670 = arith.addi %get3A_471, %add3A_669 : vector<16xi32>
      %gt3A_671 = arith.constant 0.000000e+00 : f32
      %gt3A_672 = vector.broadcast %gt3A_671 : f32 to vector<16xf32>
      %gt3A_673 = arith.cmpf ogt, %get3A_407, %gt3A_672 : vector<16xf32>
      tpu.vector_store_idx %arg8[%add3A_667], %get3A_407 masked %gt3A_673 {add = true} : memref<160xf32, #tpu.memory_space<vmem>>[vector<16xi32>], vector<16xf32>, vector<16xi1>
      tpu.vector_store_idx %arg9[%add3A_667], %add3A_670 masked %gt3A_673 {add = true} : memref<160xi32, #tpu.memory_space<vmem>>[vector<16xi32>], vector<16xi32>, vector<16xi1>
      %mul3A_674 = arith.constant 9.99999904 : f32
      %mul3A_675 = vector.broadcast %mul3A_674 : f32 to vector<16xf32>
      %mul3A_676 = arith.mulf %get3A_411, %mul3A_675 : vector<16xf32>
      %convert_element_type3A_677 = arith.fptosi %mul3A_676 : vector<16xf32> to vector<16xi32>
      %mul3A_678 = arith.constant 16 : i32
      %mul3A_679 = vector.broadcast %mul3A_678 : i32 to vector<16xi32>
      %mul3A_680 = arith.muli %convert_element_type3A_677, %mul3A_679 : vector<16xi32>
      %add3A_681 = arith.addi %mul3A_680, %iota3A : vector<16xi32>
      %add3A_682 = arith.constant 16384 : i32
      %add3A_683 = vector.broadcast %add3A_682 : i32 to vector<16xi32>
      %add3A_684 = arith.addi %get3A_475, %add3A_683 : vector<16xi32>
      %gt3A_685 = arith.constant 0.000000e+00 : f32
      %gt3A_686 = vector.broadcast %gt3A_685 : f32 to vector<16xf32>
      %gt3A_687 = arith.cmpf ogt, %get3A_411, %gt3A_686 : vector<16xf32>
      tpu.vector_store_idx %arg8[%add3A_681], %get3A_411 masked %gt3A_687 {add = true} : memref<160xf32, #tpu.memory_space<vmem>>[vector<16xi32>], vector<16xf32>, vector<16xi1>
      tpu.vector_store_idx %arg9[%add3A_681], %add3A_684 masked %gt3A_687 {add = true} : memref<160xi32, #tpu.memory_space<vmem>>[vector<16xi32>], vector<16xi32>, vector<16xi1>
      %mul3A_688 = arith.constant 9.99999904 : f32
      %mul3A_689 = vector.broadcast %mul3A_688 : f32 to vector<16xf32>
      %mul3A_690 = arith.mulf %get3A_415, %mul3A_689 : vector<16xf32>
      %convert_element_type3A_691 = arith.fptosi %mul3A_690 : vector<16xf32> to vector<16xi32>
      %mul3A_692 = arith.constant 16 : i32
      %mul3A_693 = vector.broadcast %mul3A_692 : i32 to vector<16xi32>
      %mul3A_694 = arith.muli %convert_element_type3A_691, %mul3A_693 : vector<16xi32>
      %add3A_695 = arith.addi %mul3A_694, %iota3A : vector<16xi32>
      %add3A_696 = arith.constant 16384 : i32
      %add3A_697 = vector.broadcast %add3A_696 : i32 to vector<16xi32>
      %add3A_698 = arith.addi %get3A_479, %add3A_697 : vector<16xi32>
      %gt3A_699 = arith.constant 0.000000e+00 : f32
      %gt3A_700 = vector.broadcast %gt3A_699 : f32 to vector<16xf32>
      %gt3A_701 = arith.cmpf ogt, %get3A_415, %gt3A_700 : vector<16xf32>
      tpu.vector_store_idx %arg8[%add3A_695], %get3A_415 masked %gt3A_701 {add = true} : memref<160xf32, #tpu.memory_space<vmem>>[vector<16xi32>], vector<16xf32>, vector<16xi1>
      tpu.vector_store_idx %arg9[%add3A_695], %add3A_698 masked %gt3A_701 {add = true} : memref<160xi32, #tpu.memory_space<vmem>>[vector<16xi32>], vector<16xi32>, vector<16xi1>
    }
    %scan3A_323 = arith.constant 64 : i32
    %add3A_324 = arith.constant 114688 : i32
    %add3A_325 = arith.addi %mul3A_2, %add3A_324 : i32
    %dma_wait3A_326 = arith.constant 16384 : i32
    %dma_wait3A_327 = tpu.memref_slice %arg6[%dma_wait3A_326] : memref<49152xf32, #tpu.memory_space<vmem>> -> memref<16384xf32, #tpu.memory_space<vmem>>
    %dma_wait3A_328 = tpu.memref_slice %arg2[%add3A_325] : memref<4194304xf32, #tpu.memory_space<hbm>> -> memref<16384xf32, #tpu.memory_space<hbm>>
    %dma_wait3A_329 = arith.constant 16384 : i32
    %dma_wait3A_330 = tpu.memref_slice %arg6[%dma_wait3A_329] : memref<49152xf32, #tpu.memory_space<vmem>> -> memref<16384xf32, #tpu.memory_space<vmem>>
    %dma_wait3A_331 = tpu.memref_slice %arg2[%add3A_325] : memref<4194304xf32, #tpu.memory_space<hbm>> -> memref<16384xf32, #tpu.memory_space<hbm>>
    tpu.wait_dma2 semaphore(%arg11 : memref<!tpu.dma_semaphore, #tpu.memory_space<semaphore_mem>>) src(%dma_wait3A_331 : memref<16384xf32, #tpu.memory_space<hbm>>) dst(%dma_wait3A_330 : memref<16384xf32, #tpu.memory_space<vmem>>)
    %add3A_332 = arith.constant 114688 : i32
    %add3A_333 = arith.addi %mul3A_2, %add3A_332 : i32
    %dma_wait3A_334 = arith.constant 16384 : i32
    %dma_wait3A_335 = tpu.memref_slice %arg7[%dma_wait3A_334] : memref<49152xi32, #tpu.memory_space<vmem>> -> memref<16384xi32, #tpu.memory_space<vmem>>
    %dma_wait3A_336 = tpu.memref_slice %arg3[%add3A_333] : memref<4194304xi32, #tpu.memory_space<hbm>> -> memref<16384xi32, #tpu.memory_space<hbm>>
    %dma_wait3A_337 = arith.constant 16384 : i32
    %dma_wait3A_338 = tpu.memref_slice %arg7[%dma_wait3A_337] : memref<49152xi32, #tpu.memory_space<vmem>> -> memref<16384xi32, #tpu.memory_space<vmem>>
    %dma_wait3A_339 = tpu.memref_slice %arg3[%add3A_333] : memref<4194304xi32, #tpu.memory_space<hbm>> -> memref<16384xi32, #tpu.memory_space<hbm>>
    tpu.wait_dma2 semaphore(%arg14 : memref<!tpu.dma_semaphore, #tpu.memory_space<semaphore_mem>>) src(%dma_wait3A_339 : memref<16384xi32, #tpu.memory_space<hbm>>) dst(%dma_wait3A_338 : memref<16384xi32, #tpu.memory_space<vmem>>)
    %scan3A_340 = arith.constant 0 : i32
    %scan3A_341 = arith.constant 0 : i32
    %scan3A_342 = arith.constant 64 : i32
    %scan3A_343 = arith.addi %scan3A_341, %scan3A_342 : i32
    %scan3A_344 = arith.constant 1 : i32
    scf.for %scan3A_348 = %scan3A_341 to %scan3A_343 step %scan3A_344  : i32 {
      %mul3A_349 = arith.constant 256 : i32
      %mul3A_350 = arith.muli %scan3A_348, %mul3A_349 : i32
      %add3A_351 = arith.constant 16384 : i32
      %add3A_352 = arith.addi %add3A_351, %mul3A_350 : i32
      %add3A_353 = arith.constant 0 : i32
      %add3A_354 = arith.addi %add3A_352, %add3A_353 : i32
      %get3A = arith.index_cast %add3A_354 : i32 to index
      %get3A_355 = tpu.vector_load %arg6[%get3A] {strides = array<i32>} : memref<49152xf32, #tpu.memory_space<vmem>>, vector<16xf32>,
      %add3A_356 = arith.constant 16 : i32
      %add3A_357 = arith.addi %add3A_352, %add3A_356 : i32
      %get3A_358 = arith.index_cast %add3A_357 : i32 to index
      %get3A_359 = tpu.vector_load %arg6[%get3A_358] {strides = array<i32>} : memref<49152xf32, #tpu.memory_space<vmem>>, vector<16xf32>,
      %add3A_360 = arith.constant 32 : i32
      %add3A_361 = arith.addi %add3A_352, %add3A_360 : i32
      %get3A_362 = arith.index_cast %add3A_361 : i32 to index
      %get3A_363 = tpu.vector_load %arg6[%get3A_362] {strides = array<i32>} : memref<49152xf32, #tpu.memory_space<vmem>>, vector<16xf32>,
      %add3A_364 = arith.constant 48 : i32
      %add3A_365 = arith.addi %add3A_352, %add3A_364 : i32
      %get3A_366 = arith.index_cast %add3A_365 : i32 to index
      %get3A_367 = tpu.vector_load %arg6[%get3A_366] {strides = array<i32>} : memref<49152xf32, #tpu.memory_space<vmem>>, vector<16xf32>,
      %add3A_368 = arith.constant 64 : i32
      %add3A_369 = arith.addi %add3A_352, %add3A_368 : i32
      %get3A_370 = arith.index_cast %add3A_369 : i32 to index
      %get3A_371 = tpu.vector_load %arg6[%get3A_370] {strides = array<i32>} : memref<49152xf32, #tpu.memory_space<vmem>>, vector<16xf32>,
      %add3A_372 = arith.constant 80 : i32
      %add3A_373 = arith.addi %add3A_352, %add3A_372 : i32
      %get3A_374 = arith.index_cast %add3A_373 : i32 to index
      %get3A_375 = tpu.vector_load %arg6[%get3A_374] {strides = array<i32>} : memref<49152xf32, #tpu.memory_space<vmem>>, vector<16xf32>,
      %add3A_376 = arith.constant 96 : i32
      %add3A_377 = arith.addi %add3A_352, %add3A_376 : i32
      %get3A_378 = arith.index_cast %add3A_377 : i32 to index
      %get3A_379 = tpu.vector_load %arg6[%get3A_378] {strides = array<i32>} : memref<49152xf32, #tpu.memory_space<vmem>>, vector<16xf32>,
      %add3A_380 = arith.constant 112 : i32
      %add3A_381 = arith.addi %add3A_352, %add3A_380 : i32
      %get3A_382 = arith.index_cast %add3A_381 : i32 to index
      %get3A_383 = tpu.vector_load %arg6[%get3A_382] {strides = array<i32>} : memref<49152xf32, #tpu.memory_space<vmem>>, vector<16xf32>,
      %add3A_384 = arith.constant 128 : i32
      %add3A_385 = arith.addi %add3A_352, %add3A_384 : i32
      %get3A_386 = arith.index_cast %add3A_385 : i32 to index
      %get3A_387 = tpu.vector_load %arg6[%get3A_386] {strides = array<i32>} : memref<49152xf32, #tpu.memory_space<vmem>>, vector<16xf32>,
      %add3A_388 = arith.constant 144 : i32
      %add3A_389 = arith.addi %add3A_352, %add3A_388 : i32
      %get3A_390 = arith.index_cast %add3A_389 : i32 to index
      %get3A_391 = tpu.vector_load %arg6[%get3A_390] {strides = array<i32>} : memref<49152xf32, #tpu.memory_space<vmem>>, vector<16xf32>,
      %add3A_392 = arith.constant 160 : i32
      %add3A_393 = arith.addi %add3A_352, %add3A_392 : i32
      %get3A_394 = arith.index_cast %add3A_393 : i32 to index
      %get3A_395 = tpu.vector_load %arg6[%get3A_394] {strides = array<i32>} : memref<49152xf32, #tpu.memory_space<vmem>>, vector<16xf32>,
      %add3A_396 = arith.constant 176 : i32
      %add3A_397 = arith.addi %add3A_352, %add3A_396 : i32
      %get3A_398 = arith.index_cast %add3A_397 : i32 to index
      %get3A_399 = tpu.vector_load %arg6[%get3A_398] {strides = array<i32>} : memref<49152xf32, #tpu.memory_space<vmem>>, vector<16xf32>,
      %add3A_400 = arith.constant 192 : i32
      %add3A_401 = arith.addi %add3A_352, %add3A_400 : i32
      %get3A_402 = arith.index_cast %add3A_401 : i32 to index
      %get3A_403 = tpu.vector_load %arg6[%get3A_402] {strides = array<i32>} : memref<49152xf32, #tpu.memory_space<vmem>>, vector<16xf32>,
      %add3A_404 = arith.constant 208 : i32
      %add3A_405 = arith.addi %add3A_352, %add3A_404 : i32
      %get3A_406 = arith.index_cast %add3A_405 : i32 to index
      %get3A_407 = tpu.vector_load %arg6[%get3A_406] {strides = array<i32>} : memref<49152xf32, #tpu.memory_space<vmem>>, vector<16xf32>,
      %add3A_408 = arith.constant 224 : i32
      %add3A_409 = arith.addi %add3A_352, %add3A_408 : i32
      %get3A_410 = arith.index_cast %add3A_409 : i32 to index
      %get3A_411 = tpu.vector_load %arg6[%get3A_410] {strides = array<i32>} : memref<49152xf32, #tpu.memory_space<vmem>>, vector<16xf32>,
      %add3A_412 = arith.constant 240 : i32
      %add3A_413 = arith.addi %add3A_352, %add3A_412 : i32
      %get3A_414 = arith.index_cast %add3A_413 : i32 to index
      %get3A_415 = tpu.vector_load %arg6[%get3A_414] {strides = array<i32>} : memref<49152xf32, #tpu.memory_space<vmem>>, vector<16xf32>,
      %add3A_416 = arith.constant 0 : i32
      %add3A_417 = arith.addi %add3A_352, %add3A_416 : i32
      %get3A_418 = arith.index_cast %add3A_417 : i32 to index
      %get3A_419 = tpu.vector_load %arg7[%get3A_418] {strides = array<i32>} : memref<49152xi32, #tpu.memory_space<vmem>>, vector<16xi32>,
      %add3A_420 = arith.constant 16 : i32
      %add3A_421 = arith.addi %add3A_352, %add3A_420 : i32
      %get3A_422 = arith.index_cast %add3A_421 : i32 to index
      %get3A_423 = tpu.vector_load %arg7[%get3A_422] {strides = array<i32>} : memref<49152xi32, #tpu.memory_space<vmem>>, vector<16xi32>,
      %add3A_424 = arith.constant 32 : i32
      %add3A_425 = arith.addi %add3A_352, %add3A_424 : i32
      %get3A_426 = arith.index_cast %add3A_425 : i32 to index
      %get3A_427 = tpu.vector_load %arg7[%get3A_426] {strides = array<i32>} : memref<49152xi32, #tpu.memory_space<vmem>>, vector<16xi32>,
      %add3A_428 = arith.constant 48 : i32
      %add3A_429 = arith.addi %add3A_352, %add3A_428 : i32
      %get3A_430 = arith.index_cast %add3A_429 : i32 to index
      %get3A_431 = tpu.vector_load %arg7[%get3A_430] {strides = array<i32>} : memref<49152xi32, #tpu.memory_space<vmem>>, vector<16xi32>,
      %add3A_432 = arith.constant 64 : i32
      %add3A_433 = arith.addi %add3A_352, %add3A_432 : i32
      %get3A_434 = arith.index_cast %add3A_433 : i32 to index
      %get3A_435 = tpu.vector_load %arg7[%get3A_434] {strides = array<i32>} : memref<49152xi32, #tpu.memory_space<vmem>>, vector<16xi32>,
      %add3A_436 = arith.constant 80 : i32
      %add3A_437 = arith.addi %add3A_352, %add3A_436 : i32
      %get3A_438 = arith.index_cast %add3A_437 : i32 to index
      %get3A_439 = tpu.vector_load %arg7[%get3A_438] {strides = array<i32>} : memref<49152xi32, #tpu.memory_space<vmem>>, vector<16xi32>,
      %add3A_440 = arith.constant 96 : i32
      %add3A_441 = arith.addi %add3A_352, %add3A_440 : i32
      %get3A_442 = arith.index_cast %add3A_441 : i32 to index
      %get3A_443 = tpu.vector_load %arg7[%get3A_442] {strides = array<i32>} : memref<49152xi32, #tpu.memory_space<vmem>>, vector<16xi32>,
      %add3A_444 = arith.constant 112 : i32
      %add3A_445 = arith.addi %add3A_352, %add3A_444 : i32
      %get3A_446 = arith.index_cast %add3A_445 : i32 to index
      %get3A_447 = tpu.vector_load %arg7[%get3A_446] {strides = array<i32>} : memref<49152xi32, #tpu.memory_space<vmem>>, vector<16xi32>,
      %add3A_448 = arith.constant 128 : i32
      %add3A_449 = arith.addi %add3A_352, %add3A_448 : i32
      %get3A_450 = arith.index_cast %add3A_449 : i32 to index
      %get3A_451 = tpu.vector_load %arg7[%get3A_450] {strides = array<i32>} : memref<49152xi32, #tpu.memory_space<vmem>>, vector<16xi32>,
      %add3A_452 = arith.constant 144 : i32
      %add3A_453 = arith.addi %add3A_352, %add3A_452 : i32
      %get3A_454 = arith.index_cast %add3A_453 : i32 to index
      %get3A_455 = tpu.vector_load %arg7[%get3A_454] {strides = array<i32>} : memref<49152xi32, #tpu.memory_space<vmem>>, vector<16xi32>,
      %add3A_456 = arith.constant 160 : i32
      %add3A_457 = arith.addi %add3A_352, %add3A_456 : i32
      %get3A_458 = arith.index_cast %add3A_457 : i32 to index
      %get3A_459 = tpu.vector_load %arg7[%get3A_458] {strides = array<i32>} : memref<49152xi32, #tpu.memory_space<vmem>>, vector<16xi32>,
      %add3A_460 = arith.constant 176 : i32
      %add3A_461 = arith.addi %add3A_352, %add3A_460 : i32
      %get3A_462 = arith.index_cast %add3A_461 : i32 to index
      %get3A_463 = tpu.vector_load %arg7[%get3A_462] {strides = array<i32>} : memref<49152xi32, #tpu.memory_space<vmem>>, vector<16xi32>,
      %add3A_464 = arith.constant 192 : i32
      %add3A_465 = arith.addi %add3A_352, %add3A_464 : i32
      %get3A_466 = arith.index_cast %add3A_465 : i32 to index
      %get3A_467 = tpu.vector_load %arg7[%get3A_466] {strides = array<i32>} : memref<49152xi32, #tpu.memory_space<vmem>>, vector<16xi32>,
      %add3A_468 = arith.constant 208 : i32
      %add3A_469 = arith.addi %add3A_352, %add3A_468 : i32
      %get3A_470 = arith.index_cast %add3A_469 : i32 to index
      %get3A_471 = tpu.vector_load %arg7[%get3A_470] {strides = array<i32>} : memref<49152xi32, #tpu.memory_space<vmem>>, vector<16xi32>,
      %add3A_472 = arith.constant 224 : i32
      %add3A_473 = arith.addi %add3A_352, %add3A_472 : i32
      %get3A_474 = arith.index_cast %add3A_473 : i32 to index
      %get3A_475 = tpu.vector_load %arg7[%get3A_474] {strides = array<i32>} : memref<49152xi32, #tpu.memory_space<vmem>>, vector<16xi32>,
      %add3A_476 = arith.constant 240 : i32
      %add3A_477 = arith.addi %add3A_352, %add3A_476 : i32
      %get3A_478 = arith.index_cast %add3A_477 : i32 to index
      %get3A_479 = tpu.vector_load %arg7[%get3A_478] {strides = array<i32>} : memref<49152xi32, #tpu.memory_space<vmem>>, vector<16xi32>,
      %mul3A_480 = arith.constant 9.99999904 : f32
      %mul3A_481 = vector.broadcast %mul3A_480 : f32 to vector<16xf32>
      %mul3A_482 = arith.mulf %get3A_355, %mul3A_481 : vector<16xf32>
      %convert_element_type3A = arith.fptosi %mul3A_482 : vector<16xf32> to vector<16xi32>
      %mul3A_483 = arith.constant 16 : i32
      %mul3A_484 = vector.broadcast %mul3A_483 : i32 to vector<16xi32>
      %mul3A_485 = arith.muli %convert_element_type3A, %mul3A_484 : vector<16xi32>
      %add3A_486 = arith.addi %mul3A_485, %iota3A : vector<16xi32>
      %add3A_487 = arith.constant 16384 : i32
      %add3A_488 = vector.broadcast %add3A_487 : i32 to vector<16xi32>
      %add3A_489 = arith.addi %get3A_419, %add3A_488 : vector<16xi32>
      %gt3A = arith.constant 0.000000e+00 : f32
      %gt3A_490 = vector.broadcast %gt3A : f32 to vector<16xf32>
      %gt3A_491 = arith.cmpf ogt, %get3A_355, %gt3A_490 : vector<16xf32>
      tpu.vector_store_idx %arg8[%add3A_486], %get3A_355 masked %gt3A_491 {add = true} : memref<160xf32, #tpu.memory_space<vmem>>[vector<16xi32>], vector<16xf32>, vector<16xi1>
      tpu.vector_store_idx %arg9[%add3A_486], %add3A_489 masked %gt3A_491 {add = true} : memref<160xi32, #tpu.memory_space<vmem>>[vector<16xi32>], vector<16xi32>, vector<16xi1>
      %mul3A_492 = arith.constant 9.99999904 : f32
      %mul3A_493 = vector.broadcast %mul3A_492 : f32 to vector<16xf32>
      %mul3A_494 = arith.mulf %get3A_359, %mul3A_493 : vector<16xf32>
      %convert_element_type3A_495 = arith.fptosi %mul3A_494 : vector<16xf32> to vector<16xi32>
      %mul3A_496 = arith.constant 16 : i32
      %mul3A_497 = vector.broadcast %mul3A_496 : i32 to vector<16xi32>
      %mul3A_498 = arith.muli %convert_element_type3A_495, %mul3A_497 : vector<16xi32>
      %add3A_499 = arith.addi %mul3A_498, %iota3A : vector<16xi32>
      %add3A_500 = arith.constant 16384 : i32
      %add3A_501 = vector.broadcast %add3A_500 : i32 to vector<16xi32>
      %add3A_502 = arith.addi %get3A_423, %add3A_501 : vector<16xi32>
      %gt3A_503 = arith.constant 0.000000e+00 : f32
      %gt3A_504 = vector.broadcast %gt3A_503 : f32 to vector<16xf32>
      %gt3A_505 = arith.cmpf ogt, %get3A_359, %gt3A_504 : vector<16xf32>
      tpu.vector_store_idx %arg8[%add3A_499], %get3A_359 masked %gt3A_505 {add = true} : memref<160xf32, #tpu.memory_space<vmem>>[vector<16xi32>], vector<16xf32>, vector<16xi1>
      tpu.vector_store_idx %arg9[%add3A_499], %add3A_502 masked %gt3A_505 {add = true} : memref<160xi32, #tpu.memory_space<vmem>>[vector<16xi32>], vector<16xi32>, vector<16xi1>
      %mul3A_506 = arith.constant 9.99999904 : f32
      %mul3A_507 = vector.broadcast %mul3A_506 : f32 to vector<16xf32>
      %mul3A_508 = arith.mulf %get3A_363, %mul3A_507 : vector<16xf32>
      %convert_element_type3A_509 = arith.fptosi %mul3A_508 : vector<16xf32> to vector<16xi32>
      %mul3A_510 = arith.constant 16 : i32
      %mul3A_511 = vector.broadcast %mul3A_510 : i32 to vector<16xi32>
      %mul3A_512 = arith.muli %convert_element_type3A_509, %mul3A_511 : vector<16xi32>
      %add3A_513 = arith.addi %mul3A_512, %iota3A : vector<16xi32>
      %add3A_514 = arith.constant 16384 : i32
      %add3A_515 = vector.broadcast %add3A_514 : i32 to vector<16xi32>
      %add3A_516 = arith.addi %get3A_427, %add3A_515 : vector<16xi32>
      %gt3A_517 = arith.constant 0.000000e+00 : f32
      %gt3A_518 = vector.broadcast %gt3A_517 : f32 to vector<16xf32>
      %gt3A_519 = arith.cmpf ogt, %get3A_363, %gt3A_518 : vector<16xf32>
      tpu.vector_store_idx %arg8[%add3A_513], %get3A_363 masked %gt3A_519 {add = true} : memref<160xf32, #tpu.memory_space<vmem>>[vector<16xi32>], vector<16xf32>, vector<16xi1>
      tpu.vector_store_idx %arg9[%add3A_513], %add3A_516 masked %gt3A_519 {add = true} : memref<160xi32, #tpu.memory_space<vmem>>[vector<16xi32>], vector<16xi32>, vector<16xi1>
      %mul3A_520 = arith.constant 9.99999904 : f32
      %mul3A_521 = vector.broadcast %mul3A_520 : f32 to vector<16xf32>
      %mul3A_522 = arith.mulf %get3A_367, %mul3A_521 : vector<16xf32>
      %convert_element_type3A_523 = arith.fptosi %mul3A_522 : vector<16xf32> to vector<16xi32>
      %mul3A_524 = arith.constant 16 : i32
      %mul3A_525 = vector.broadcast %mul3A_524 : i32 to vector<16xi32>
      %mul3A_526 = arith.muli %convert_element_type3A_523, %mul3A_525 : vector<16xi32>
      %add3A_527 = arith.addi %mul3A_526, %iota3A : vector<16xi32>
      %add3A_528 = arith.constant 16384 : i32
      %add3A_529 = vector.broadcast %add3A_528 : i32 to vector<16xi32>
      %add3A_530 = arith.addi %get3A_431, %add3A_529 : vector<16xi32>
      %gt3A_531 = arith.constant 0.000000e+00 : f32
      %gt3A_532 = vector.broadcast %gt3A_531 : f32 to vector<16xf32>
      %gt3A_533 = arith.cmpf ogt, %get3A_367, %gt3A_532 : vector<16xf32>
      tpu.vector_store_idx %arg8[%add3A_527], %get3A_367 masked %gt3A_533 {add = true} : memref<160xf32, #tpu.memory_space<vmem>>[vector<16xi32>], vector<16xf32>, vector<16xi1>
      tpu.vector_store_idx %arg9[%add3A_527], %add3A_530 masked %gt3A_533 {add = true} : memref<160xi32, #tpu.memory_space<vmem>>[vector<16xi32>], vector<16xi32>, vector<16xi1>
      %mul3A_534 = arith.constant 9.99999904 : f32
      %mul3A_535 = vector.broadcast %mul3A_534 : f32 to vector<16xf32>
      %mul3A_536 = arith.mulf %get3A_371, %mul3A_535 : vector<16xf32>
      %convert_element_type3A_537 = arith.fptosi %mul3A_536 : vector<16xf32> to vector<16xi32>
      %mul3A_538 = arith.constant 16 : i32
      %mul3A_539 = vector.broadcast %mul3A_538 : i32 to vector<16xi32>
      %mul3A_540 = arith.muli %convert_element_type3A_537, %mul3A_539 : vector<16xi32>
      %add3A_541 = arith.addi %mul3A_540, %iota3A : vector<16xi32>
      %add3A_542 = arith.constant 16384 : i32
      %add3A_543 = vector.broadcast %add3A_542 : i32 to vector<16xi32>
      %add3A_544 = arith.addi %get3A_435, %add3A_543 : vector<16xi32>
      %gt3A_545 = arith.constant 0.000000e+00 : f32
      %gt3A_546 = vector.broadcast %gt3A_545 : f32 to vector<16xf32>
      %gt3A_547 = arith.cmpf ogt, %get3A_371, %gt3A_546 : vector<16xf32>
      tpu.vector_store_idx %arg8[%add3A_541], %get3A_371 masked %gt3A_547 {add = true} : memref<160xf32, #tpu.memory_space<vmem>>[vector<16xi32>], vector<16xf32>, vector<16xi1>
      tpu.vector_store_idx %arg9[%add3A_541], %add3A_544 masked %gt3A_547 {add = true} : memref<160xi32, #tpu.memory_space<vmem>>[vector<16xi32>], vector<16xi32>, vector<16xi1>
      %mul3A_548 = arith.constant 9.99999904 : f32
      %mul3A_549 = vector.broadcast %mul3A_548 : f32 to vector<16xf32>
      %mul3A_550 = arith.mulf %get3A_375, %mul3A_549 : vector<16xf32>
      %convert_element_type3A_551 = arith.fptosi %mul3A_550 : vector<16xf32> to vector<16xi32>
      %mul3A_552 = arith.constant 16 : i32
      %mul3A_553 = vector.broadcast %mul3A_552 : i32 to vector<16xi32>
      %mul3A_554 = arith.muli %convert_element_type3A_551, %mul3A_553 : vector<16xi32>
      %add3A_555 = arith.addi %mul3A_554, %iota3A : vector<16xi32>
      %add3A_556 = arith.constant 16384 : i32
      %add3A_557 = vector.broadcast %add3A_556 : i32 to vector<16xi32>
      %add3A_558 = arith.addi %get3A_439, %add3A_557 : vector<16xi32>
      %gt3A_559 = arith.constant 0.000000e+00 : f32
      %gt3A_560 = vector.broadcast %gt3A_559 : f32 to vector<16xf32>
      %gt3A_561 = arith.cmpf ogt, %get3A_375, %gt3A_560 : vector<16xf32>
      tpu.vector_store_idx %arg8[%add3A_555], %get3A_375 masked %gt3A_561 {add = true} : memref<160xf32, #tpu.memory_space<vmem>>[vector<16xi32>], vector<16xf32>, vector<16xi1>
      tpu.vector_store_idx %arg9[%add3A_555], %add3A_558 masked %gt3A_561 {add = true} : memref<160xi32, #tpu.memory_space<vmem>>[vector<16xi32>], vector<16xi32>, vector<16xi1>
      %mul3A_562 = arith.constant 9.99999904 : f32
      %mul3A_563 = vector.broadcast %mul3A_562 : f32 to vector<16xf32>
      %mul3A_564 = arith.mulf %get3A_379, %mul3A_563 : vector<16xf32>
      %convert_element_type3A_565 = arith.fptosi %mul3A_564 : vector<16xf32> to vector<16xi32>
      %mul3A_566 = arith.constant 16 : i32
      %mul3A_567 = vector.broadcast %mul3A_566 : i32 to vector<16xi32>
      %mul3A_568 = arith.muli %convert_element_type3A_565, %mul3A_567 : vector<16xi32>
      %add3A_569 = arith.addi %mul3A_568, %iota3A : vector<16xi32>
      %add3A_570 = arith.constant 16384 : i32
      %add3A_571 = vector.broadcast %add3A_570 : i32 to vector<16xi32>
      %add3A_572 = arith.addi %get3A_443, %add3A_571 : vector<16xi32>
      %gt3A_573 = arith.constant 0.000000e+00 : f32
      %gt3A_574 = vector.broadcast %gt3A_573 : f32 to vector<16xf32>
      %gt3A_575 = arith.cmpf ogt, %get3A_379, %gt3A_574 : vector<16xf32>
      tpu.vector_store_idx %arg8[%add3A_569], %get3A_379 masked %gt3A_575 {add = true} : memref<160xf32, #tpu.memory_space<vmem>>[vector<16xi32>], vector<16xf32>, vector<16xi1>
      tpu.vector_store_idx %arg9[%add3A_569], %add3A_572 masked %gt3A_575 {add = true} : memref<160xi32, #tpu.memory_space<vmem>>[vector<16xi32>], vector<16xi32>, vector<16xi1>
      %mul3A_576 = arith.constant 9.99999904 : f32
      %mul3A_577 = vector.broadcast %mul3A_576 : f32 to vector<16xf32>
      %mul3A_578 = arith.mulf %get3A_383, %mul3A_577 : vector<16xf32>
      %convert_element_type3A_579 = arith.fptosi %mul3A_578 : vector<16xf32> to vector<16xi32>
      %mul3A_580 = arith.constant 16 : i32
      %mul3A_581 = vector.broadcast %mul3A_580 : i32 to vector<16xi32>
      %mul3A_582 = arith.muli %convert_element_type3A_579, %mul3A_581 : vector<16xi32>
      %add3A_583 = arith.addi %mul3A_582, %iota3A : vector<16xi32>
      %add3A_584 = arith.constant 16384 : i32
      %add3A_585 = vector.broadcast %add3A_584 : i32 to vector<16xi32>
      %add3A_586 = arith.addi %get3A_447, %add3A_585 : vector<16xi32>
      %gt3A_587 = arith.constant 0.000000e+00 : f32
      %gt3A_588 = vector.broadcast %gt3A_587 : f32 to vector<16xf32>
      %gt3A_589 = arith.cmpf ogt, %get3A_383, %gt3A_588 : vector<16xf32>
      tpu.vector_store_idx %arg8[%add3A_583], %get3A_383 masked %gt3A_589 {add = true} : memref<160xf32, #tpu.memory_space<vmem>>[vector<16xi32>], vector<16xf32>, vector<16xi1>
      tpu.vector_store_idx %arg9[%add3A_583], %add3A_586 masked %gt3A_589 {add = true} : memref<160xi32, #tpu.memory_space<vmem>>[vector<16xi32>], vector<16xi32>, vector<16xi1>
      %mul3A_590 = arith.constant 9.99999904 : f32
      %mul3A_591 = vector.broadcast %mul3A_590 : f32 to vector<16xf32>
      %mul3A_592 = arith.mulf %get3A_387, %mul3A_591 : vector<16xf32>
      %convert_element_type3A_593 = arith.fptosi %mul3A_592 : vector<16xf32> to vector<16xi32>
      %mul3A_594 = arith.constant 16 : i32
      %mul3A_595 = vector.broadcast %mul3A_594 : i32 to vector<16xi32>
      %mul3A_596 = arith.muli %convert_element_type3A_593, %mul3A_595 : vector<16xi32>
      %add3A_597 = arith.addi %mul3A_596, %iota3A : vector<16xi32>
      %add3A_598 = arith.constant 16384 : i32
      %add3A_599 = vector.broadcast %add3A_598 : i32 to vector<16xi32>
      %add3A_600 = arith.addi %get3A_451, %add3A_599 : vector<16xi32>
      %gt3A_601 = arith.constant 0.000000e+00 : f32
      %gt3A_602 = vector.broadcast %gt3A_601 : f32 to vector<16xf32>
      %gt3A_603 = arith.cmpf ogt, %get3A_387, %gt3A_602 : vector<16xf32>
      tpu.vector_store_idx %arg8[%add3A_597], %get3A_387 masked %gt3A_603 {add = true} : memref<160xf32, #tpu.memory_space<vmem>>[vector<16xi32>], vector<16xf32>, vector<16xi1>
      tpu.vector_store_idx %arg9[%add3A_597], %add3A_600 masked %gt3A_603 {add = true} : memref<160xi32, #tpu.memory_space<vmem>>[vector<16xi32>], vector<16xi32>, vector<16xi1>
      %mul3A_604 = arith.constant 9.99999904 : f32
      %mul3A_605 = vector.broadcast %mul3A_604 : f32 to vector<16xf32>
      %mul3A_606 = arith.mulf %get3A_391, %mul3A_605 : vector<16xf32>
      %convert_element_type3A_607 = arith.fptosi %mul3A_606 : vector<16xf32> to vector<16xi32>
      %mul3A_608 = arith.constant 16 : i32
      %mul3A_609 = vector.broadcast %mul3A_608 : i32 to vector<16xi32>
      %mul3A_610 = arith.muli %convert_element_type3A_607, %mul3A_609 : vector<16xi32>
      %add3A_611 = arith.addi %mul3A_610, %iota3A : vector<16xi32>
      %add3A_612 = arith.constant 16384 : i32
      %add3A_613 = vector.broadcast %add3A_612 : i32 to vector<16xi32>
      %add3A_614 = arith.addi %get3A_455, %add3A_613 : vector<16xi32>
      %gt3A_615 = arith.constant 0.000000e+00 : f32
      %gt3A_616 = vector.broadcast %gt3A_615 : f32 to vector<16xf32>
      %gt3A_617 = arith.cmpf ogt, %get3A_391, %gt3A_616 : vector<16xf32>
      tpu.vector_store_idx %arg8[%add3A_611], %get3A_391 masked %gt3A_617 {add = true} : memref<160xf32, #tpu.memory_space<vmem>>[vector<16xi32>], vector<16xf32>, vector<16xi1>
      tpu.vector_store_idx %arg9[%add3A_611], %add3A_614 masked %gt3A_617 {add = true} : memref<160xi32, #tpu.memory_space<vmem>>[vector<16xi32>], vector<16xi32>, vector<16xi1>
      %mul3A_618 = arith.constant 9.99999904 : f32
      %mul3A_619 = vector.broadcast %mul3A_618 : f32 to vector<16xf32>
      %mul3A_620 = arith.mulf %get3A_395, %mul3A_619 : vector<16xf32>
      %convert_element_type3A_621 = arith.fptosi %mul3A_620 : vector<16xf32> to vector<16xi32>
      %mul3A_622 = arith.constant 16 : i32
      %mul3A_623 = vector.broadcast %mul3A_622 : i32 to vector<16xi32>
      %mul3A_624 = arith.muli %convert_element_type3A_621, %mul3A_623 : vector<16xi32>
      %add3A_625 = arith.addi %mul3A_624, %iota3A : vector<16xi32>
      %add3A_626 = arith.constant 16384 : i32
      %add3A_627 = vector.broadcast %add3A_626 : i32 to vector<16xi32>
      %add3A_628 = arith.addi %get3A_459, %add3A_627 : vector<16xi32>
      %gt3A_629 = arith.constant 0.000000e+00 : f32
      %gt3A_630 = vector.broadcast %gt3A_629 : f32 to vector<16xf32>
      %gt3A_631 = arith.cmpf ogt, %get3A_395, %gt3A_630 : vector<16xf32>
      tpu.vector_store_idx %arg8[%add3A_625], %get3A_395 masked %gt3A_631 {add = true} : memref<160xf32, #tpu.memory_space<vmem>>[vector<16xi32>], vector<16xf32>, vector<16xi1>
      tpu.vector_store_idx %arg9[%add3A_625], %add3A_628 masked %gt3A_631 {add = true} : memref<160xi32, #tpu.memory_space<vmem>>[vector<16xi32>], vector<16xi32>, vector<16xi1>
      %mul3A_632 = arith.constant 9.99999904 : f32
      %mul3A_633 = vector.broadcast %mul3A_632 : f32 to vector<16xf32>
      %mul3A_634 = arith.mulf %get3A_399, %mul3A_633 : vector<16xf32>
      %convert_element_type3A_635 = arith.fptosi %mul3A_634 : vector<16xf32> to vector<16xi32>
      %mul3A_636 = arith.constant 16 : i32
      %mul3A_637 = vector.broadcast %mul3A_636 : i32 to vector<16xi32>
      %mul3A_638 = arith.muli %convert_element_type3A_635, %mul3A_637 : vector<16xi32>
      %add3A_639 = arith.addi %mul3A_638, %iota3A : vector<16xi32>
      %add3A_640 = arith.constant 16384 : i32
      %add3A_641 = vector.broadcast %add3A_640 : i32 to vector<16xi32>
      %add3A_642 = arith.addi %get3A_463, %add3A_641 : vector<16xi32>
      %gt3A_643 = arith.constant 0.000000e+00 : f32
      %gt3A_644 = vector.broadcast %gt3A_643 : f32 to vector<16xf32>
      %gt3A_645 = arith.cmpf ogt, %get3A_399, %gt3A_644 : vector<16xf32>
      tpu.vector_store_idx %arg8[%add3A_639], %get3A_399 masked %gt3A_645 {add = true} : memref<160xf32, #tpu.memory_space<vmem>>[vector<16xi32>], vector<16xf32>, vector<16xi1>
      tpu.vector_store_idx %arg9[%add3A_639], %add3A_642 masked %gt3A_645 {add = true} : memref<160xi32, #tpu.memory_space<vmem>>[vector<16xi32>], vector<16xi32>, vector<16xi1>
      %mul3A_646 = arith.constant 9.99999904 : f32
      %mul3A_647 = vector.broadcast %mul3A_646 : f32 to vector<16xf32>
      %mul3A_648 = arith.mulf %get3A_403, %mul3A_647 : vector<16xf32>
      %convert_element_type3A_649 = arith.fptosi %mul3A_648 : vector<16xf32> to vector<16xi32>
      %mul3A_650 = arith.constant 16 : i32
      %mul3A_651 = vector.broadcast %mul3A_650 : i32 to vector<16xi32>
      %mul3A_652 = arith.muli %convert_element_type3A_649, %mul3A_651 : vector<16xi32>
      %add3A_653 = arith.addi %mul3A_652, %iota3A : vector<16xi32>
      %add3A_654 = arith.constant 16384 : i32
      %add3A_655 = vector.broadcast %add3A_654 : i32 to vector<16xi32>
      %add3A_656 = arith.addi %get3A_467, %add3A_655 : vector<16xi32>
      %gt3A_657 = arith.constant 0.000000e+00 : f32
      %gt3A_658 = vector.broadcast %gt3A_657 : f32 to vector<16xf32>
      %gt3A_659 = arith.cmpf ogt, %get3A_403, %gt3A_658 : vector<16xf32>
      tpu.vector_store_idx %arg8[%add3A_653], %get3A_403 masked %gt3A_659 {add = true} : memref<160xf32, #tpu.memory_space<vmem>>[vector<16xi32>], vector<16xf32>, vector<16xi1>
      tpu.vector_store_idx %arg9[%add3A_653], %add3A_656 masked %gt3A_659 {add = true} : memref<160xi32, #tpu.memory_space<vmem>>[vector<16xi32>], vector<16xi32>, vector<16xi1>
      %mul3A_660 = arith.constant 9.99999904 : f32
      %mul3A_661 = vector.broadcast %mul3A_660 : f32 to vector<16xf32>
      %mul3A_662 = arith.mulf %get3A_407, %mul3A_661 : vector<16xf32>
      %convert_element_type3A_663 = arith.fptosi %mul3A_662 : vector<16xf32> to vector<16xi32>
      %mul3A_664 = arith.constant 16 : i32
      %mul3A_665 = vector.broadcast %mul3A_664 : i32 to vector<16xi32>
      %mul3A_666 = arith.muli %convert_element_type3A_663, %mul3A_665 : vector<16xi32>
      %add3A_667 = arith.addi %mul3A_666, %iota3A : vector<16xi32>
      %add3A_668 = arith.constant 16384 : i32
      %add3A_669 = vector.broadcast %add3A_668 : i32 to vector<16xi32>
      %add3A_670 = arith.addi %get3A_471, %add3A_669 : vector<16xi32>
      %gt3A_671 = arith.constant 0.000000e+00 : f32
      %gt3A_672 = vector.broadcast %gt3A_671 : f32 to vector<16xf32>
      %gt3A_673 = arith.cmpf ogt, %get3A_407, %gt3A_672 : vector<16xf32>
      tpu.vector_store_idx %arg8[%add3A_667], %get3A_407 masked %gt3A_673 {add = true} : memref<160xf32, #tpu.memory_space<vmem>>[vector<16xi32>], vector<16xf32>, vector<16xi1>
      tpu.vector_store_idx %arg9[%add3A_667], %add3A_670 masked %gt3A_673 {add = true} : memref<160xi32, #tpu.memory_space<vmem>>[vector<16xi32>], vector<16xi32>, vector<16xi1>
      %mul3A_674 = arith.constant 9.99999904 : f32
      %mul3A_675 = vector.broadcast %mul3A_674 : f32 to vector<16xf32>
      %mul3A_676 = arith.mulf %get3A_411, %mul3A_675 : vector<16xf32>
      %convert_element_type3A_677 = arith.fptosi %mul3A_676 : vector<16xf32> to vector<16xi32>
      %mul3A_678 = arith.constant 16 : i32
      %mul3A_679 = vector.broadcast %mul3A_678 : i32 to vector<16xi32>
      %mul3A_680 = arith.muli %convert_element_type3A_677, %mul3A_679 : vector<16xi32>
      %add3A_681 = arith.addi %mul3A_680, %iota3A : vector<16xi32>
      %add3A_682 = arith.constant 16384 : i32
      %add3A_683 = vector.broadcast %add3A_682 : i32 to vector<16xi32>
      %add3A_684 = arith.addi %get3A_475, %add3A_683 : vector<16xi32>
      %gt3A_685 = arith.constant 0.000000e+00 : f32
      %gt3A_686 = vector.broadcast %gt3A_685 : f32 to vector<16xf32>
      %gt3A_687 = arith.cmpf ogt, %get3A_411, %gt3A_686 : vector<16xf32>
      tpu.vector_store_idx %arg8[%add3A_681], %get3A_411 masked %gt3A_687 {add = true} : memref<160xf32, #tpu.memory_space<vmem>>[vector<16xi32>], vector<16xf32>, vector<16xi1>
      tpu.vector_store_idx %arg9[%add3A_681], %add3A_684 masked %gt3A_687 {add = true} : memref<160xi32, #tpu.memory_space<vmem>>[vector<16xi32>], vector<16xi32>, vector<16xi1>
      %mul3A_688 = arith.constant 9.99999904 : f32
      %mul3A_689 = vector.broadcast %mul3A_688 : f32 to vector<16xf32>
      %mul3A_690 = arith.mulf %get3A_415, %mul3A_689 : vector<16xf32>
      %convert_element_type3A_691 = arith.fptosi %mul3A_690 : vector<16xf32> to vector<16xi32>
      %mul3A_692 = arith.constant 16 : i32
      %mul3A_693 = vector.broadcast %mul3A_692 : i32 to vector<16xi32>
      %mul3A_694 = arith.muli %convert_element_type3A_691, %mul3A_693 : vector<16xi32>
      %add3A_695 = arith.addi %mul3A_694, %iota3A : vector<16xi32>
      %add3A_696 = arith.constant 16384 : i32
      %add3A_697 = vector.broadcast %add3A_696 : i32 to vector<16xi32>
      %add3A_698 = arith.addi %get3A_479, %add3A_697 : vector<16xi32>
      %gt3A_699 = arith.constant 0.000000e+00 : f32
      %gt3A_700 = vector.broadcast %gt3A_699 : f32 to vector<16xf32>
      %gt3A_701 = arith.cmpf ogt, %get3A_415, %gt3A_700 : vector<16xf32>
      tpu.vector_store_idx %arg8[%add3A_695], %get3A_415 masked %gt3A_701 {add = true} : memref<160xf32, #tpu.memory_space<vmem>>[vector<16xi32>], vector<16xf32>, vector<16xi1>
      tpu.vector_store_idx %arg9[%add3A_695], %add3A_698 masked %gt3A_701 {add = true} : memref<160xi32, #tpu.memory_space<vmem>>[vector<16xi32>], vector<16xi32>, vector<16xi1>
    }
    %scan3A_345 = arith.constant 64 : i32
    %mul3A_346 = arith.constant 160 : i32
    %mul3A_347 = arith.muli %add3A, %mul3A_346 : i32
    "tpu.region"() ({
      %run_scoped3A = tpu.sem_alloc : memref<!tpu.dma_semaphore, #tpu.memory_space<semaphore_mem>>
      %dma_start3A_348 = tpu.memref_slice %arg4[%mul3A_347] : memref<5120xf32, #tpu.memory_space<hbm>> -> memref<160xf32, #tpu.memory_space<hbm>>
      %dma_start3A_349 = tpu.memref_slice %arg4[%mul3A_347] : memref<5120xf32, #tpu.memory_space<hbm>> -> memref<160xf32, #tpu.memory_space<hbm>>
      tpu.enqueue_dma source(%arg8 : memref<160xf32, #tpu.memory_space<vmem>>) target(%dma_start3A_349 : memref<160xf32, #tpu.memory_space<hbm>>) target_semaphore(%run_scoped3A : memref<!tpu.dma_semaphore, #tpu.memory_space<semaphore_mem>>)
      %dma_wait3A_350 = tpu.memref_slice %arg4[%mul3A_347] : memref<5120xf32, #tpu.memory_space<hbm>> -> memref<160xf32, #tpu.memory_space<hbm>>
      %dma_wait3A_351 = tpu.memref_slice %arg4[%mul3A_347] : memref<5120xf32, #tpu.memory_space<hbm>> -> memref<160xf32, #tpu.memory_space<hbm>>
      tpu.wait_dma2 semaphore(%run_scoped3A : memref<!tpu.dma_semaphore, #tpu.memory_space<semaphore_mem>>) src(%arg8 : memref<160xf32, #tpu.memory_space<vmem>>) dst(%dma_wait3A_351 : memref<160xf32, #tpu.memory_space<hbm>>)
      tpu.yield
    }) : () -> ()
    "tpu.region"() ({
      %run_scoped3A = tpu.sem_alloc : memref<!tpu.dma_semaphore, #tpu.memory_space<semaphore_mem>>
      %dma_start3A_348 = tpu.memref_slice %arg5[%mul3A_347] : memref<5120xi32, #tpu.memory_space<hbm>> -> memref<160xi32, #tpu.memory_space<hbm>>
      %dma_start3A_349 = tpu.memref_slice %arg5[%mul3A_347] : memref<5120xi32, #tpu.memory_space<hbm>> -> memref<160xi32, #tpu.memory_space<hbm>>
      tpu.enqueue_dma source(%arg9 : memref<160xi32, #tpu.memory_space<vmem>>) target(%dma_start3A_349 : memref<160xi32, #tpu.memory_space<hbm>>) target_semaphore(%run_scoped3A : memref<!tpu.dma_semaphore, #tpu.memory_space<semaphore_mem>>)
      %dma_wait3A_350 = tpu.memref_slice %arg5[%mul3A_347] : memref<5120xi32, #tpu.memory_space<hbm>> -> memref<160xi32, #tpu.memory_space<hbm>>
      %dma_wait3A_351 = tpu.memref_slice %arg5[%mul3A_347] : memref<5120xi32, #tpu.memory_space<hbm>> -> memref<160xi32, #tpu.memory_space<hbm>>
      tpu.wait_dma2 semaphore(%run_scoped3A : memref<!tpu.dma_semaphore, #tpu.memory_space<semaphore_mem>>) src(%arg9 : memref<160xi32, #tpu.memory_space<vmem>>) dst(%dma_wait3A_351 : memref<160xi32, #tpu.memory_space<hbm>>)
      tpu.yield
    }) : () -> ()
    return
  }
}

</mosaic_0001>

<sc_bundles>
// kernel: kernel.3.cloned.1.call-start
scs
__scs_entry_jumppad:
0x0: {  	(pc) =	sbr.rel $0x88, $3  }
0x1: {  	(tag) =	ssettag $0x0;
	lr =	simm.s32 $0x1  }
0x2: {  	[smem:$0x3F9F] =	sst lr;
	_ =	strace $0xD0000000  }
0x3: {  	_ = 	snop  }
0x4: {  	_ = 	snop  }
0x5: {  	_ = 	snop  }
0x6: {  	_ = 	snop  }
0x7: {  	_ = 	snop  }
__scs_overlays_trampoline_lowered:
0x8: {  	[smem:$0x3FAE] =	sst s0  }
0x9: {  	[smem:$0x3FAF] =	sst s1  }
0xa: {  	[smem:$0x3FB0] =	sst s2  }
0xb: {  	[smem:$0x3FB1] =	sst s3  }
0xc: {  	[smem:$0x3FB2] =	sst s4  }
0xd: {  	[smem:$0x3FB3] =	sst s5  }
0xe: {  	[smem:$0x3FB4] =	sst s6  }
0xf: {  	[smem:$0x3FB5] =	sst s7  }
0x10: {  	[smem:$0x3FB6] =	sst s8  }
0x11: {  	[smem:$0x3FB7] =	sst s9;
	s0 =	simm.s32 @!p0 $0x0  }
0x12: {  	s1 =	sld [smem:$0x3F9D];
	s0 =	simm.s32 @p0 $0x1  }
0x13: {  	[smem:$0x3FB8] =	sst s0;
	s0 =	simm.s32 @!p1 $0x0  }
0x14: {  	s2 =	sld [smem:$0x3F9C];
	s0 =	simm.s32 @p1 $0x1  }
0x15: {  	[smem:$0x3FB9] =	sst s0;
	s0 =	simm.s32 @!p2 $0x0  }
0x16: {  	s3 =	sld [smem:$0x3FDB];
	s0 =	simm.s32 @p2 $0x1  }
0x17: {  	s4 =	simm.s32 $0x1BF5;
	[smem:$0x3FBB] =	sst s0  }
0x18: {  	s0 =	sld [smem:$0x3F9E];
	_ =	swait.ge [sflag:s4], $0x0  }
0x19: {  	s7 =	sld [smem:$0x3F9F]  }
0x1a: {  	s8 =	sadd.s32 $0xFFFFE003, lr  }
0x1b: {  	s9 =	sadd.s32 $0xFFFFFEF7, lr;
	s5 =	simm.s32 $0xFFFFFFFF;
	p2 =	slt.u32 s8, $0xFFFFF086  }
0x1c: {  	p1 =	slt.u32 s9, $0xF7A;
	s5 =	simm.s32 @!p2 $0x0  }
0x1d: {  	s5 =	simm.s32 @p1 $0x1;
	p0 =	seq.s32 s7, s2  }
0x1e: {  	s7 =	smul.u32 @!p0 $0xF7A, s2;
	p2 =	seq.s32 @!p0 s5, $0x0  }
0x1f: {  	s9 =	smul.u32 $0xF7A, s1;
	s8 =	simm.s32 @!p0 $0x1BF5;
	p2 =	por !p2, p0  }
0x20: {  	[sflag:s8] =	ssyncset.s32 @!p0 $0xFFFFF086;
	s6 =	sadd.s32 @!p0 s3, s7;
	s7 =	simm.s32 @!p0 $0x108  }
0x21: {  	s3 =	sadd.s32 s3, s9;
	s6 =	sadd.s32 @!p0 $0x88, s6;
	s7 =	simm.s32 @p2 $0x1082  }
0x22: {  	[simem:s7], [sflag:s8] =	dma.local @!p0 [hbm:s6], $0xF7A  }
0x23: {  	s9 =	sor.u32 $0xD0000000, s2;
	s6 =	simm.s32 $0x108;
	_ =	swait.ge @!p0 [sflag:s8], $0x0  }
0x24: {  	s3 =	sadd.s32 $0x88, s3;
	s6 =	simm.s32 @!p1 $0x1082;
	[sflag:s4] =	ssyncset.s32 $0xFFFFF086  }
0x25: {  	[simem:s6], [sflag:s4] =	dma.local [hbm:s3], $0xF7A  }
0x26: {  	[smem:$0x3F9F] =	sst s1;
	(tag) =	ssettag s2;
	_ =	strace s9  }
0x27: {  	s1 =	sld [smem:$0x3FAF]  }
0x28: {  	s2 =	sld [smem:$0x3FB0]  }
0x29: {  	s4 =	sld [smem:$0x3FB2]  }
0x2a: {  	p0 =	seq.s32 s5, $0x0;
	s5 =	sld [smem:$0x3FB3]  }
0x2b: {  	s6 =	sld [smem:$0x3FB4]  }
0x2c: {  	s7 =	sld [smem:$0x3FB5]  }
0x2d: {  	s3 =	simm.s32 $0x108;
	s8 =	sld [smem:$0x3FB6]  }
0x2e: {  	s3 =	simm.s32 @!p0 $0x1082;
	s9 =	sld [smem:$0x3FB7]  }
0x2f: {  	lr =	sadd.s32 s0, s3;
	s0 =	sld [smem:$0x3FAE]  }
0x30: {  	s3 =	sld [smem:$0x3FB1]  }
0x31: {  	[smem:$0x3FBA] =	sst s10  }
0x32: {  	s10 =	sld [smem:$0x3FB8];
	_ =	sdelay $0x3  }
0x33: {  	p0 =	seq.s32 s10, $0x1;
	s10 =	sld [smem:$0x3FBA];
	_ =	sdelay $0x3  }
0x34: {  	[smem:$0x3FBA] =	sst s10  }
0x35: {  	s10 =	sld [smem:$0x3FB9];
	_ =	sdelay $0x3  }
0x36: {  	p1 =	seq.s32 s10, $0x1;
	s10 =	sld [smem:$0x3FBA];
	_ =	sdelay $0x3  }
0x37: {  	[smem:$0x3FBA] =	sst s10  }
0x38: {  	s10 =	sld [smem:$0x3FBB]  }
0x39: {  	_ = 	snop;
	(pc) =	sbr.ind lr, $3  }
0x3a: {  	_ = 	snop  }
0x3b: {  	_ = 	snop  }
0x3c: {  	p2 =	seq.s32 s10, $0x1;
	s10 =	sld [smem:$0x3FBA]  }
0x3d: {  	_ =	shalt  }
0x3e: {  	_ =	shalt  }
0x3f: {  	_ =	shalt  }
0x40: {  	_ =	shalt  }
0x41: {  	_ =	shalt  }
0x42: {  	_ =	shalt  }
0x43: {  	_ =	shalt  }
0x44: {  	_ =	shalt  }
0x45: {  	_ =	shalt  }
0x46: {  	_ =	shalt  }
0x47: {  	_ =	shalt  }
0x48: {  	_ =	shalt  }
0x49: {  	_ =	shalt  }
0x4a: {  	_ =	shalt  }
0x4b: {  	_ =	shalt  }
0x4c: {  	_ =	shalt  }
0x4d: {  	_ =	shalt  }
0x4e: {  	_ =	shalt  }
0x4f: {  	_ =	shalt  }
0x50: {  	_ =	shalt  }
0x51: {  	_ =	shalt  }
0x52: {  	_ =	shalt  }
0x53: {  	_ =	shalt  }
0x54: {  	_ =	shalt  }
0x55: {  	_ =	shalt  }
0x56: {  	_ =	shalt  }
0x57: {  	_ =	shalt  }
0x58: {  	_ =	shalt  }
0x59: {  	_ =	shalt  }
0x5a: {  	_ =	shalt  }
0x5b: {  	_ =	shalt  }
0x5c: {  	_ =	shalt  }
0x5d: {  	_ =	shalt  }
0x5e: {  	_ =	shalt  }
0x5f: {  	_ =	shalt  }
0x60: {  	_ =	shalt  }
0x61: {  	_ =	shalt  }
0x62: {  	_ =	shalt  }
0x63: {  	_ =	shalt  }
0x64: {  	_ =	shalt  }
0x65: {  	_ =	shalt  }
0x66: {  	_ =	shalt  }
0x67: {  	_ =	shalt  }
0x68: {  	_ =	shalt  }
0x69: {  	_ =	shalt  }
0x6a: {  	_ =	shalt  }
0x6b: {  	_ =	shalt  }
0x6c: {  	_ =	shalt  }
0x6d: {  	_ =	shalt  }
0x6e: {  	_ =	shalt  }
0x6f: {  	_ =	shalt  }
0x70: {  	_ =	shalt  }
0x71: {  	_ =	shalt  }
0x72: {  	_ =	shalt  }
0x73: {  	_ =	shalt  }
0x74: {  	_ =	shalt  }
0x75: {  	_ =	shalt  }
0x76: {  	_ =	shalt  }
0x77: {  	_ =	shalt  }
0x78: {  	_ =	shalt  }
0x79: {  	_ =	shalt  }
0x7a: {  	_ =	shalt  }
0x7b: {  	_ =	shalt  }
0x7c: {  	_ =	shalt  }
0x7d: {  	_ =	shalt  }
0x7e: {  	_ =	shalt  }
0x7f: {  	_ =	shalt  }
0x80: {  	_ =	shalt  }
0x81: {  	_ =	shalt  }
0x82: {  	_ =	shalt  }
0x83: {  	_ =	shalt  }
0x84: {  	_ =	shalt  }
0x85: {  	_ =	shalt  }
0x86: {  	_ =	shalt  }
0x87: {  	_ =	shalt  }
.Lfunc_end0:
.L_simem_size_0:
called_computation_lowered:
.L_overlay_start_0:
0x88: {  	s2 =	sld [smem:$0x3FD9]  }
0x89: {  	s3 =	sld [smem:$0x3FFE];
	_ =	sdelay $0x1  }
0x8a: {  	s1 =	srdreg.scid  }
0x8b: {  	s0 =	sand.u32 $0x1, s1  }
0x8c: {  	s17 =	sshll.u32 s0, $0xA;
	s2 =	sadd.s32 s3, s2  }
0x8d: {  	s2 =	sadd.s32 s2, s17  }
0x8e: {  	[smem:$0x3FC6] =	sst s2  }
0x8f: {  	_ = 	snop  }
0x90: {  	s2 =	sld [smem:$0x3FC9]  }
0x91: {  	s18 =	sld [smem:$0x3FC8];
	(tm) =	ssettm $0x1  }
0x92: {  	s4 =	sld [smem:$0x3FFB];
	_ =	sdelay $0x3  }
0x93: {  	_ =	strace s4  }
0x94: {  	s4 =	sld [smem:$0x3FFC];
	_ =	sdelay $0x3  }
0x95: {  	_ =	strace s4  }
0x96: {  	s4 =	sld [smem:$0x3FFD];
	_ =	sdelay $0x3  }
0x97: {  	_ =	strace s4  }
0x98: {  	_ =	strace $0x8FFFFFFF  }
0x99: {  	s19 =	sld [smem:$0x3FDB];
	_ =	sdelay $0x1  }
0x9a: {  	s5 =	simm.s32 $_scs_section_size  }
0x9b: {  	s6 =	simm.s32 $_size__tile_overlayer_lowered;
	s7 =	simm.s32 $_tile_overlayer_lowered  }
0x9c: {  	s22 =	simm.s32 $0x1BFF;
	s21 =	sshll.u32 s7, $0x1;
	s4 =	sadd.s32 s5, s19  }
0x9d: {  	s8 =	simm.s32 $0x0;
	s20 =	sshll.u32 s6, $0x1;
	s6 =	sadd.s32 s21, s4  }
0x9e: {  	[timem:s8], [sflag:s22] =	dma.local [hbm:s6], s20  }
0x9f: {  	_ =	swait.ge [sflag:s22], s20  }
0xa0: {  	s5 =	ssub.s32 $0x0, s20;
	[sflag:s22] =	ssyncset.done $0x0  }
0xa1: {  	[sflag:s22] =	ssyncadd.s32 s5;
	_ =	sdelay $0x1  }
0xa2: {  	s23 =	simm.s32 $0x1B8B  }
0xa3: {  	_ =	swait.ge [sflag:s23], $0x1  }
0xa4: {  	[sflag:s23] =	ssyncset.done $0x0  }
0xa5: {  	s25 =	simm.s32 $0x1B8E;
	s24 =	sld [smem:$0x3FFE];
	[sflag:s23] =	ssyncadd.s32 $0xFFFFFFFF  }
0xa6: {  	s26 =	simm.s32 $execute0_lowered;
	[smem:$0x3FD2] =	sst s25  }
0xa7: {  	s6 =	sshll.u32 s26, $0x1;
	_ =	strace $0x80000046;
	[dreg:$0x1] =	wrdreg $0xFFFFFFFF  }
0xa8: {  	s28 =	simm.s32 $_size_execute0_lowered;
	s4 =	sadd.s32 s4, s6;
	[dreg:$0x0] =	wrdreg $0x0  }
0xa9: {  	s6 =	sshll.u32 s28, $0x1;
	[dreg:$0x2] =	wrdreg s4  }
0xaa: {  	[dreg:$0x3] =	wrdreg s6  }
0xab: {  	[dreg:$0x4] =	wrdreg $0xC0  }
0xac: {  	_ =	task [dreg:s8], $0x5FFFF  }
0xad: {  	[dreg:$0x1] =	wrdreg $0xFFFFFFFF  }
0xae: {  	[dreg:$0x0] =	wrdreg $0x60  }
0xaf: {  	[dreg:$0x2] =	wrdreg s2  }
0xb0: {  	[dreg:$0x3] =	wrdreg s18  }
0xb1: {  	[dreg:$0x4] =	wrdreg s24  }
0xb2: {  	[dreg:$0x5] =	wrdreg $0x9  }
0xb3: {  	_ =	task.clear_ibuf [dreg:s8], $0x6FFFF;
	_ =	strace $0x90000046  }
0xb4: {  	s29 =	simm.s32 $0x9;
	_ =	strace $0x80000048  }
0xb5: {  	_ =	swait.ge [sflag:s29], $0x1  }
0xb6: {  	[sflag:s29] =	ssyncadd.s32 $0xFFFFFFFF  }
0xb7: {  	_ =	strace $0x90000048  }
0xb8: {  	_ =	sfence  }
0xb9: {  	s30 =	sld [smem:$0x0];
	_ =	sdelay $0x2  }
0xba: {  	s31 =	sshll.u32 s1, $0xD;
	s1 =	sshrl.u32 s1, $0x2  }
0xbb: {  	s3 =	sand.u32 $0x4000, s31;
	s1 =	sadd.s32 s1, s30  }
0xbc: {  	s0 =	sor.u32 s3, s0;
	s1 =	sshll.u32 s1, $0x11  }
0xbd: {  	s0 =	sor.u32 s1, s0  }
0xbe: {  	s0 =	sadd.s32 $0x8F2B, s0  }
0xbf: {  	[sflag:s0] =	ssyncadd.remote.s32 $0x1  }
0xc0: {  	_ =	sfence.sel $0xFFFF  }
0xc1: {  	[dreg:$0x0] =	wrdreg $0xFFFFFFFF;
	(pc) =	sbr.abs _section_cstart, $3  }
0xc2: {  	[dreg:$0x1] =	wrdreg $0xFFFFFFFF  }
0xc3: {  	_ =	task.clear_ibuf [dreg:s8], $0x2FFFF;
	_ =	strace $0x9FFFFFFF  }
0xc4: {  	(tm) =	ssettm $0x7FFFFFFF  }
0xc5: {  	_ =	shalt  }
tec
execute0_lowered:
.L_overlay_start_1:
0x0: {  	(tag) =	ssettag $0x1  }
0x1: {  	s0 =	rddreg [dreg:$0x0]  }
0x2: {  	s1 =	rddreg [dreg:$0x1]  }
0x3: {  	s3 =	rddreg [dreg:$0x2];
	s4 =	srdreg.scid;
	s2 =	simm.s32 $0x0  }
0x4: {  	s7 =	stileid.u32;
	s28 =	simm.s32 $0x1;
	s29 =	simm.s32 $0x4  }
0x5: {  	s30 =	simm.s32 $0x18000;
	s31 =	simm.s32 $0x18100;
	s4 =	sand.u32 $0x1, s4  }
0x6: {  	[smem:$0x7FF] =	sst s2;
	s5 =	ssub.s32 $0x2, s4;
	s4 =	sshll.u32 s4, $0x4  }
0x7: {  	_ =	strace $0x80000047;
	s6 =	sshrl.u32 s5, $0x1;
	s4 =	sor.u32 s7, s4  }
0x8: {  	s5 =	ssub.s32 s5, s6;
	s22 =	sshll.u32 s4, $0xE;
	s4 =	smul.u32 $0x14, s4  }
0x9: {  	s23 =	sadd.s32 s0, s22;
	s24 =	sadd.s32 s1, s22;
	s25 =	sor.u32 $0x800, s22  }
0xa: {  	s26 =	sor.u32 $0x1000, s22;
	s10 =	sor.u32 $0x1800, s22;
	s12 =	sor.u32 $0x2000, s22  }
0xb: {  	s14 =	sor.u32 $0x2800, s22;
	s16 =	sor.u32 $0x3000, s22;
	s6 =	sor.u32 $0x3800, s22  }
0xc: {  	s21 =	smax.u32 s5, $0x1;
	s22 =	simm.s32 $0xC000;
	[dreg:$0x4] =	wrdreg s23  }
0xd: {  	[dreg:$0x5] =	wrdreg s24;
	s8 =	sadd.s32 s0, s25;
	s7 =	sadd.s32 s1, s25  }
0xe: {  	s9 =	sadd.s32 s0, s10;
	s10 =	sadd.s32 s1, s10;
	s11 =	sadd.s32 s0, s12  }
0xf: {  	s12 =	sadd.s32 s1, s12;
	s13 =	sadd.s32 s0, s14;
	s14 =	sadd.s32 s1, s14  }
0x10: {  	s15 =	sadd.s32 s0, s16;
	s16 =	sadd.s32 s1, s16;
	s17 =	sadd.s32 s0, s6  }
0x11: {  	s18 =	sadd.s32 s3, s4;
	s19 =	sadd.s32 s1, s6;
	s23 =	simm.s32 $0x4000  }
0x12: {  	s24 =	simm.s32 $0x10000;
	s25 =	simm.s32 $0x3;
	[dreg:$0x6] =	wrdreg s8  }
0x13: {  	s3 =	simm.s32 $0x7;
	s4 =	simm.s32 $0x0;
	[dreg:$0x7] =	wrdreg s7  }
0x14: {  	s7 =	sadd.s32 s0, s26;
	s8 =	sadd.s32 s1, s26;
	s20 =	sadd.s32 $0x400, s18  }
0x15: {  	v0 =	vimm.f32 $0.0e+00;
	v1 =	vimm.s32 $0x0;
	v2 =	vlaneseq.u32;
	s0 =	simm.s32 $0x2;
	s1 =	simm.s32 $0x5;
	s26 =	simm.s32 $0x6  }
.LBB2_1:
0x16: {  	[tilespmem:$0x18000] =	vst v0  }
0x17: {  	[tilespmem:$0x18100] =	vst v1  }
0x18: {  	[tilespmem:$0x18010] =	vst v0  }
0x19: {  	[tilespmem:$0x18110] =	vst v1  }
0x1a: {  	[tilespmem:$0x18020] =	vst v0  }
0x1b: {  	[tilespmem:$0x18120] =	vst v1  }
0x1c: {  	[tilespmem:$0x18030] =	vst v0  }
0x1d: {  	[tilespmem:$0x18130] =	vst v1  }
0x1e: {  	[tilespmem:$0x18040] =	vst v0  }
0x1f: {  	[tilespmem:$0x18140] =	vst v1  }
0x20: {  	[tilespmem:$0x18050] =	vst v0  }
0x21: {  	[tilespmem:$0x18150] =	vst v1  }
0x22: {  	[tilespmem:$0x18060] =	vst v0  }
0x23: {  	[tilespmem:$0x18160] =	vst v1  }
0x24: {  	[tilespmem:$0x18070] =	vst v0  }
0x25: {  	[tilespmem:$0x18170] =	vst v1  }
0x26: {  	[tilespmem:$0x18080] =	vst v0  }
0x27: {  	[tilespmem:$0x18180] =	vst v1  }
0x28: {  	[tilespmem:$0x18090] =	vst v0  }
0x29: {  	[tilespmem:$0x18190] =	vst v1;
	s5 =	rddreg [dreg:$0x4]  }
0x2a: {  	[tilespmem:s2], [sflag:$0x1] =	stream.linear.gather [hbm4b:s5+s2], $0x4000, $0x38;
	[tilespmem:$0x18200] =	vst v63  }
0x2b: {  	s6 =	rddreg [dreg:$0x5]  }
0x2c: {  	[tilespmem:s22], [sflag:$0x4] =	stream.linear.gather [hbm4b:s6+s2], $0x4000, $0x38;
	[tilespmem:$0x18200] =	vst v63  }
0x2d: {  	s6 =	rddreg [dreg:$0x6]  }
0x2e: {  	[tilespmem:s23], [sflag:$0x2] =	stream.linear.gather [hbm4b:s6+s2], $0x4000, $0x38;
	[tilespmem:$0x18200] =	vst v63  }
0x2f: {  	s6 =	rddreg [dreg:$0x7]  }
0x30: {  	[tilespmem:s24], [sflag:$0x5] =	stream.linear.gather [hbm4b:s6+s2], $0x4000, $0x38;
	[tilespmem:$0x18200] =	vst v63  }
0x31: {  	s6 =	simm.s32 $0x8000  }
0x32: {  	[tilespmem:s6], [sflag:$0x3] =	stream.linear.gather [hbm4b:s7+s2], $0x4000, $0x38;
	[tilespmem:$0x18200] =	vst v63  }
0x33: {  	s6 =	simm.s32 $0x14000  }
0x34: {  	[tilespmem:s6], [sflag:$0x6] =	stream.linear.gather [hbm4b:s8+s2], $0x4000, $0x38;
	[tilespmem:$0x18200] =	vst v63  }
0x35: {  	_ =	swait.ge [sflag:s28], $0x4000  }
0x36: {  	[sflag:s28] =	ssyncset.done $0x0  }
0x37: {  	[sflag:s28] =	ssyncadd.s32 $0xFFFFC000  }
0x38: {  	_ =	swait.ge [sflag:s29], $0x4000  }
0x39: {  	[sflag:s29] =	ssyncset.done $0x0  }
0x3a: {  	s6 =	simm.s32 $0x0;
	[sflag:s29] =	ssyncadd.s32 $0xFFFFC000  }
0x3b: {  	v12 =	vld [tilespmem:s6+$0x30]  }
0x3c: {  	v13 =	vld [tilespmem:s6+$0x20]  }
0x3d: {  	v14 =	vld [tilespmem:s6+$0x10]  }
0x3e: {  	v5 =	vld [tilespmem:s6+$0xC0C0]  }
0x3f: {  	v15 =	vld [tilespmem:s6+$0x70]  }
0x40: {  	v3 =	vld [tilespmem:s6+$0xC0E0]  }
0x41: {  	v4 =	vld [tilespmem:s6+$0xE0]  }
0x42: {  	v10 =	vld [tilespmem:s6+$0xC0B0]  }
0x43: {  	v11 =	vld [tilespmem:s6+$0xC0A0]  }
0x44: {  	v6 =	vld [tilespmem:s6+$0xD0]  }
0x45: {  	v8 =	vld [tilespmem:s6+$0xC0]  }
0x46: {  	v16 =	vld [tilespmem:s6+$0x60]  }
0x47: {  	v17 =	vld [tilespmem:s6+$0xC050]  }
0x48: {  	v18 =	vld [tilespmem:s6+$0xC010]  }
0x49: {  	v19 =	vld [tilespmem:s6+$0x90]  }
0x4a: {  	v20 =	vld [tilespmem:s6+$0x0]  }
0x4b: {  	v9 =	vld [tilespmem:s6+$0xC0D0]  }
0x4c: {  	v7 =	vld [tilespmem:s6+$0xC0F0]  }
0x4d: {  	v23 =	vld [tilespmem:s6+$0xC090]  }
0x4e: {  	v32 =	vld [tilespmem:s6+$0x40];
	v21 =	vmul.f32 $9.999999040e+00, v13;
	v22 =	vmul.f32 $9.999999040e+00, v12  }
0x4f: {  	v25 =	vld [tilespmem:s6+$0xC080];
	v24 =	vmul.f32 $9.999999040e+00, v14;
	v28 =	vmul.f32 $9.999999040e+00, v20  }
0x50: {  	v35 =	vld [tilespmem:s6+$0x50];
	v31 =	vmul.f32 $9.999999040e+00, v15;
	v33 =	vmul.f32 $9.999999040e+00, v4  }
0x51: {  	v26 =	vld [tilespmem:s6+$0xC070];
	v36 =	vmul.f32 $9.999999040e+00, v6;
	v38 =	vmul.f32 $9.999999040e+00, v8  }
0x52: {  	v37 =	vld [tilespmem:s6+$0xC000];
	vm0 =	vgt.f32 v20, $0.0e+00;
	v39 =	vmul.f32 $9.999999040e+00, v16;
	v28 =	vtrunc.f32 v28  }
0x53: {  	v27 =	vld [tilespmem:s6+$0xC060];
	vm1 =	vgt.f32 v14, $0.0e+00;
	v42 =	vmul.f32 $9.999999040e+00, v32;
	v28 =	vcvt.f32.s32 v28  }
0x54: {  	v34 =	vld [tilespmem:s6+$0xC020];
	v18 =	vadd.s32 $0x4000, v18;
	vm2 =	vgt.f32 v13, $0.0e+00;
	v24 =	vtrunc.f32 v24  }
0x55: {  	v44 =	vld [tilespmem:s6+$0x80];
	v45 =	vmul.f32 $9.999999040e+00, v35;
	v24 =	vcvt.f32.s32 v24;
	v28 =	vshll.u32 v28, $0x4  }
0x56: {  	v30 =	vld [tilespmem:s6+$0xC030];
	vm3 =	vgt.f32 v12, $0.0e+00;
	v21 =	vtrunc.f32 v21;
	v28 =	vor.u32 v2, v28  }
0x57: {  	v43 =	vld [tilespmem:s6+$0xA0];
	v37 =	vadd.s32 $0x4000, v37;
	v21 =	vcvt.f32.s32 v21;
	v24 =	vshll.u32 v24, $0x4  }
0x58: {  	v29 =	vld [tilespmem:s6+$0xC040];
	v51 =	vmul.f32 $9.999999040e+00, v19;
	v22 =	vtrunc.f32 v22;
	v24 =	vor.u32 v2, v24  }
0x59: {  	v40 =	vld [tilespmem:s6+$0xF0];
	v57 =	vadd.s32 $0x4000, v34;
	v22 =	vcvt.f32.s32 v22;
	v21 =	vshll.u32 v21, $0x4  }
0x5a: {  	v41 =	vld [tilespmem:s6+$0xB0];
	v60 =	vmul.f32 $9.999999040e+00, v44;
	v42 =	vtrunc.f32 v42;
	v21 =	vor.u32 v2, v21  }
0x5b: {  	v62 =	vadd.s32 $0x4000, v30;
	v50 =	vcvt.f32.s32 v42;
	v22 =	vshll.u32 v22, $0x4;
	[tilespmem:v28+s30+$0x0] =	vst.idx.add.f32.msk vm0, v20  }
0x5c: {  	v30 =	vmul.f32 $9.999999040e+00, v43;
	v52 =	vtrunc.f32 v45;
	v22 =	vor.u32 v2, v22;
	[tilespmem:v28+s31+$0x0] =	vst.idx.add.s32.msk vm0, v37  }
0x5d: {  	v54 =	vcvt.f32.s32 v52;
	v53 =	vshll.u32 v50, $0x4;
	vm0 =	vgt.f32 v32, $0.0e+00;
	[tilespmem:v24+s30+$0x0] =	vst.idx.add.f32.msk vm1, v14  }
0x5e: {  	v31 =	vtrunc.f32 v31;
	v39 =	vtrunc.f32 v39;
	v14 =	vor.u32 v2, v53;
	[tilespmem:v24+s31+$0x0] =	vst.idx.add.s32.msk vm1, v18  }
0x5f: {  	v55 =	vcvt.f32.s32 v39;
	v58 =	vshll.u32 v54, $0x4;
	vm1 =	vgt.f32 v35, $0.0e+00;
	[tilespmem:v21+s30+$0x0] =	vst.idx.add.f32.msk vm2, v13  }
0x60: {  	v17 =	vadd.s32 $0x4000, v17;
	v31 =	vcvt.f32.s32 v31;
	v13 =	vor.u32 v2, v58;
	[tilespmem:v21+s31+$0x0] =	vst.idx.add.s32.msk vm2, v57  }
0x61: {  	v56 =	vtrunc.f32 v51;
	v61 =	vshll.u32 v55, $0x4;
	vm2 =	vgt.f32 v16, $0.0e+00;
	[tilespmem:v22+s30+$0x0] =	vst.idx.add.f32.msk vm3, v12  }
0x62: {  	v31 =	vshll.u32 v31, $0x4;
	v24 =	vtrunc.f32 v60;
	v18 =	vor.u32 v2, v61;
	[tilespmem:v22+s31+$0x0] =	vst.idx.add.s32.msk vm3, v62  }
0x63: {  	v28 =	vadd.s32 $0x4000, v29;
	v20 =	vcvt.f32.s32 v24;
	vm3 =	vgt.f32 v15, $0.0e+00;
	[tilespmem:v14+s30+$0x0] =	vst.idx.add.f32.msk vm0, v32  }
0x64: {  	v46 =	vadd.s32 $0x4000, v26;
	v59 =	vcvt.f32.s32 v56;
	v32 =	vor.u32 v2, v31;
	[tilespmem:v14+s31+$0x0] =	vst.idx.add.s32.msk vm0, v28  }
0x65: {  	v42 =	vadd.s32 $0x4000, v27;
	v20 =	vshll.u32 v20, $0x4;
	vm0 =	vgt.f32 v44, $0.0e+00;
	[tilespmem:v13+s30+$0x0] =	vst.idx.add.f32.msk vm1, v35  }
0x66: {  	v29 =	vmul.f32 $9.999999040e+00, v41;
	v37 =	vor.u32 v2, v20;
	v35 =	vtrunc.f32 v30;
	[tilespmem:v13+s31+$0x0] =	vst.idx.add.s32.msk vm1, v17  }
0x67: {  	v63 =	vshll.u32 v59, $0x4;
	v39 =	vcvt.f32.s32 v35;
	vm1 =	vgt.f32 v19, $0.0e+00;
	[tilespmem:v18+s30+$0x0] =	vst.idx.add.f32.msk vm2, v16  }
0x68: {  	vm4 =	vgt.f32 v8, $0.0e+00;
	v34 =	vtrunc.f32 v29;
	v12 =	vor.u32 v2, v63;
	[tilespmem:v18+s31+$0x0] =	vst.idx.add.s32.msk vm2, v42  }
0x69: {  	v21 =	vcvt.f32.s32 v34;
	v17 =	vshll.u32 v39, $0x4;
	vm2 =	vgt.f32 v43, $0.0e+00;
	[tilespmem:v32+s30+$0x0] =	vst.idx.add.f32.msk vm3, v15  }
0x6a: {  	v45 =	vtrunc.f32 v38;
	v50 =	vadd.s32 $0x4000, v25;
	v48 =	vor.u32 v2, v17;
	[tilespmem:v32+s31+$0x0] =	vst.idx.add.s32.msk vm3, v46  }
0x6b: {  	v49 =	vshll.u32 v21, $0x4;
	v16 =	vcvt.f32.s32 v45;
	vm3 =	vgt.f32 v41, $0.0e+00;
	[tilespmem:v37+s30+$0x0] =	vst.idx.add.f32.msk vm0, v44  }
0x6c: {  	v11 =	vadd.s32 $0x4000, v11;
	v47 =	vtrunc.f32 v36;
	v52 =	vor.u32 v2, v49;
	[tilespmem:v37+s31+$0x0] =	vst.idx.add.s32.msk vm0, v50  }
0x6d: {  	v53 =	vadd.s32 $0x4000, v23;
	v15 =	vcvt.f32.s32 v47;
	v16 =	vshll.u32 v16, $0x4;
	[tilespmem:v12+s30+$0x0] =	vst.idx.add.f32.msk vm1, v19  }
0x6e: {  	v51 =	vtrunc.f32 v33;
	v55 =	vmul.f32 $9.999999040e+00, v40;
	v56 =	vor.u32 v2, v16;
	[tilespmem:v12+s31+$0x0] =	vst.idx.add.s32.msk vm1, v53  }
0x6f: {  	v54 =	vcvt.f32.s32 v51;
	v15 =	vshll.u32 v15, $0x4;
	vm1 =	vgt.f32 v6, $0.0e+00;
	[tilespmem:v48+s30+$0x0] =	vst.idx.add.f32.msk vm2, v43  }
0x70: {  	v10 =	vadd.s32 $0x4000, v10;
	v58 =	vtrunc.f32 v55;
	v59 =	vor.u32 v2, v15;
	[tilespmem:v48+s31+$0x0] =	vst.idx.add.s32.msk vm2, v11  }
0x71: {  	v57 =	vshll.u32 v54, $0x4;
	v60 =	vcvt.f32.s32 v58;
	vm2 =	vgt.f32 v4, $0.0e+00;
	[tilespmem:v52+s30+$0x0] =	vst.idx.add.f32.msk vm3, v41  }
0x72: {  	v61 =	vor.u32 v2, v57;
	[tilespmem:v52+s31+$0x0] =	vst.idx.add.s32.msk vm3, v10  }
0x73: {  	v5 =	vadd.s32 $0x4000, v5;
	v62 =	vshll.u32 v60, $0x4;
	vm0 =	vgt.f32 v40, $0.0e+00;
	[tilespmem:v56+s30+$0x0] =	vst.idx.add.f32.msk vm4, v8  }
0x74: {  	[tilespmem:v56+s31+$0x0] =	vst.idx.add.s32.msk vm4, v5;
	v5 =	vor.u32 v2, v62  }
0x75: {  	v63 =	vadd.s32 $0x4000, v9;
	[tilespmem:v59+s30+$0x0] =	vst.idx.add.f32.msk vm1, v6  }
0x76: {  	[tilespmem:v59+s31+$0x0] =	vst.idx.add.s32.msk vm1, v63  }
0x77: {  	v3 =	vadd.s32 $0x4000, v3;
	[tilespmem:v61+s30+$0x0] =	vst.idx.add.f32.msk vm2, v4  }
0x78: {  	[tilespmem:v61+s31+$0x0] =	vst.idx.add.s32.msk vm2, v3  }
0x79: {  	s5 =	simm.s32 $0x400;
	v3 =	vadd.s32 $0x4000, v7;
	[tilespmem:v5+s30+$0x0] =	vst.idx.add.f32.msk vm0, v40  }
.LBB2_2:
0x7a: {  	s6 =	sshra.s32 s5, $0x2;
	p0 =	sne.s32 s5, $0xFC00;
	s5 =	sadd.s32 $0x400, s5;
	[tilespmem:v5+s31+$0x0] =	vst.idx.add.s32.msk vm0, v3  }
0x7b: {  	v15 =	vld [tilespmem:s6+$0x30]  }
0x7c: {  	v19 =	vld [tilespmem:s6+$0x20]  }
0x7d: {  	v22 =	vld [tilespmem:s6+$0x10]  }
0x7e: {  	v5 =	vld [tilespmem:s6+$0xC0C0]  }
0x7f: {  	v12 =	vld [tilespmem:s6+$0x70]  }
0x80: {  	v3 =	vld [tilespmem:s6+$0xC0E0]  }
0x81: {  	v8 =	vmul.f32 $9.999999040e+00, v15;
	v4 =	vld [tilespmem:s6+$0xE0];
	v6 =	vmul.f32 $9.999999040e+00, v19  }
0x82: {  	v7 =	vld [tilespmem:s6+$0xC0B0];
	v10 =	vmul.f32 $9.999999040e+00, v22  }
0x83: {  	v13 =	vtrunc.f32 v8;
	v9 =	vld [tilespmem:s6+$0xC0A0];
	v11 =	vtrunc.f32 v6  }
0x84: {  	v6 =	vld [tilespmem:s6+$0xD0];
	v10 =	vtrunc.f32 v10;
	v11 =	vcvt.f32.s32 v11  }
0x85: {  	v13 =	vcvt.f32.s32 v13;
	v8 =	vld [tilespmem:s6+$0xC0];
	v10 =	vcvt.f32.s32 v10  }
0x86: {  	v16 =	vld [tilespmem:s6+$0x60];
	v23 =	vshll.u32 v11, $0x4;
	v11 =	vmul.f32 $9.999999040e+00, v12;
	v14 =	vmul.f32 $9.999999040e+00, v4  }
0x87: {  	v26 =	vshll.u32 v13, $0x4;
	v24 =	vld [tilespmem:s6+$0xC050];
	v25 =	vshll.u32 v10, $0x4  }
0x88: {  	v17 =	vld [tilespmem:s6+$0xC010];
	v10 =	vtrunc.f32 v11;
	v13 =	vtrunc.f32 v14  }
0x89: {  	v14 =	vld [tilespmem:s6+$0x90];
	v10 =	vcvt.f32.s32 v10;
	v18 =	vmul.f32 $9.999999040e+00, v6  }
0x8a: {  	v13 =	vcvt.f32.s32 v13;
	v11 =	vld [tilespmem:s6+$0xC0D0];
	v20 =	vmul.f32 $9.999999040e+00, v8  }
0x8b: {  	v27 =	vld [tilespmem:s6+$0x0];
	v21 =	vmul.f32 $9.999999040e+00, v16;
	v28 =	vshll.u32 v10, $0x4;
	v18 =	vtrunc.f32 v18  }
0x8c: {  	v13 =	vshll.u32 v13, $0x4;
	v10 =	vld [tilespmem:s6+$0xC0F0];
	v29 =	vtrunc.f32 v20;
	v18 =	vcvt.f32.s32 v18  }
0x8d: {  	v20 =	vld [tilespmem:s6+$0xC090];
	v30 =	vadd.s32 $0x4000, v17;
	v17 =	vtrunc.f32 v21;
	v21 =	vcvt.f32.s32 v29  }
0x8e: {  	v29 =	vld [tilespmem:s6+$0xC080];
	v31 =	vcvt.f32.s32 v17;
	v32 =	vmul.f32 $9.999999040e+00, v14;
	v17 =	vshll.u32 v18, $0x4  }
0x8f: {  	v33 =	vld [tilespmem:s6+$0xC070];
	v21 =	vshll.u32 v21, $0x4  }
0x90: {  	v34 =	vld [tilespmem:s6+$0xC060];
	v18 =	vmul.f32 $9.999999040e+00, v27;
	v31 =	vshll.u32 v31, $0x4;
	v32 =	vtrunc.f32 v32  }
0x91: {  	v35 =	vld [tilespmem:s6+$0xC040];
	v32 =	vcvt.f32.s32 v32  }
0x92: {  	v36 =	vld [tilespmem:s6+$0xC030];
	v18 =	vtrunc.f32 v18  }
0x93: {  	v37 =	vld [tilespmem:s6+$0x40];
	v18 =	vcvt.f32.s32 v18;
	v32 =	vshll.u32 v32, $0x4  }
0x94: {  	v38 =	vld [tilespmem:s6+$0xC020]  }
0x95: {  	vm3 =	vgt.f32 v27, $0.0e+00;
	v39 =	vld [tilespmem:s6+$0x50];
	v18 =	vshll.u32 v18, $0x4  }
0x96: {  	v40 =	vld [tilespmem:s6+$0xC000];
	v41 =	vor.u32 v2, v18  }
0x97: {  	vm4 =	vgt.f32 v22, $0.0e+00;
	v18 =	vld [tilespmem:s6+$0xF0]  }
0x98: {  	vm0 =	vgt.f32 v12, $0.0e+00;
	v25 =	vor.u32 v2, v25;
	v42 =	vld [tilespmem:s6+$0xB0];
	v43 =	vmul.f32 $9.999999040e+00, v37  }
0x99: {  	vm2 =	vgt.f32 v15, $0.0e+00;
	vm5 =	vgt.f32 v19, $0.0e+00;
	vm1 =	vgt.f32 v16, $0.0e+00;
	v44 =	vld [tilespmem:s6+$0xA0]  }
0x9a: {  	v23 =	vor.u32 v2, v23;
	v45 =	vld [tilespmem:s6+$0x80];
	v43 =	vtrunc.f32 v43;
	v46 =	vmul.f32 $9.999999040e+00, v39  }
0x9b: {  	v26 =	vor.u32 v2, v26;
	v40 =	vadd.s32 $0x4000, v40;
	[tilespmem:v41+s30+$0x0] =	vst.idx.add.f32.msk vm3, v27;
	v27 =	vcvt.f32.s32 v43  }
0x9c: {  	v38 =	vadd.s32 $0x4000, v38;
	[tilespmem:v41+s31+$0x0] =	vst.idx.add.s32.msk vm3, v40;
	vm3 =	vgt.f32 v37, $0.0e+00;
	v40 =	vtrunc.f32 v46  }
0x9d: {  	[tilespmem:v25+s30+$0x0] =	vst.idx.add.f32.msk vm4, v22;
	v22 =	vshll.u32 v27, $0x4;
	v27 =	vcvt.f32.s32 v40;
	v40 =	vmul.f32 $9.999999040e+00, v42  }
0x9e: {  	[tilespmem:v25+s31+$0x0] =	vst.idx.add.s32.msk vm4, v30;
	v22 =	vor.u32 v2, v22;
	vm4 =	vgt.f32 v39, $0.0e+00;
	v25 =	vmul.f32 $9.999999040e+00, v44  }
0x9f: {  	[tilespmem:v23+s30+$0x0] =	vst.idx.add.f32.msk vm5, v19;
	v19 =	vshll.u32 v27, $0x4;
	v27 =	vmul.f32 $9.999999040e+00, v45;
	v30 =	vtrunc.f32 v40  }
0xa0: {  	[tilespmem:v23+s31+$0x0] =	vst.idx.add.s32.msk vm5, v38;
	v19 =	vor.u32 v2, v19;
	v23 =	vtrunc.f32 v25;
	v25 =	vcvt.f32.s32 v30  }
0xa1: {  	v30 =	vadd.s32 $0x4000, v36;
	[tilespmem:v26+s30+$0x0] =	vst.idx.add.f32.msk vm2, v15;
	v15 =	vtrunc.f32 v27;
	v23 =	vcvt.f32.s32 v23  }
0xa2: {  	v27 =	vmul.f32 $9.999999040e+00, v18;
	[tilespmem:v26+s31+$0x0] =	vst.idx.add.s32.msk vm2, v30;
	v26 =	vor.u32 v2, v31;
	v25 =	vshll.u32 v25, $0x4  }
0xa3: {  	v30 =	vadd.s32 $0x4000, v35;
	v15 =	vcvt.f32.s32 v15;
	[tilespmem:v22+s30+$0x0] =	vst.idx.add.f32.msk vm3, v37;
	v23 =	vshll.u32 v23, $0x4  }
0xa4: {  	v27 =	vtrunc.f32 v27;
	[tilespmem:v22+s31+$0x0] =	vst.idx.add.s32.msk vm3, v30;
	v22 =	vadd.s32 $0x4000, v24;
	v24 =	vor.u32 v2, v28  }
0xa5: {  	vm2 =	vgt.f32 v45, $0.0e+00;
	v15 =	vshll.u32 v15, $0x4;
	v27 =	vcvt.f32.s32 v27;
	[tilespmem:v19+s30+$0x0] =	vst.idx.add.f32.msk vm4, v39  }
0xa6: {  	v15 =	vor.u32 v2, v15;
	[tilespmem:v19+s31+$0x0] =	vst.idx.add.s32.msk vm4, v22  }
0xa7: {  	vm3 =	vgt.f32 v14, $0.0e+00;
	v19 =	vadd.s32 $0x4000, v34;
	[tilespmem:v26+s30+$0x0] =	vst.idx.add.f32.msk vm1, v16;
	v16 =	vshll.u32 v27, $0x4  }
0xa8: {  	[tilespmem:v26+s31+$0x0] =	vst.idx.add.s32.msk vm1, v19;
	v19 =	vor.u32 v2, v32  }
0xa9: {  	v22 =	vadd.s32 $0x4000, v33;
	vm1 =	vgt.f32 v44, $0.0e+00;
	[tilespmem:v24+s30+$0x0] =	vst.idx.add.f32.msk vm0, v12  }
0xaa: {  	v12 =	vor.u32 v2, v23;
	[tilespmem:v24+s31+$0x0] =	vst.idx.add.s32.msk vm0, v22  }
0xab: {  	v22 =	vadd.s32 $0x4000, v29;
	vm0 =	vgt.f32 v42, $0.0e+00;
	[tilespmem:v15+s30+$0x0] =	vst.idx.add.f32.msk vm2, v45  }
0xac: {  	[tilespmem:v15+s31+$0x0] =	vst.idx.add.s32.msk vm2, v22;
	v15 =	vor.u32 v2, v25  }
0xad: {  	v20 =	vadd.s32 $0x4000, v20;
	vm2 =	vgt.f32 v8, $0.0e+00;
	[tilespmem:v19+s30+$0x0] =	vst.idx.add.f32.msk vm3, v14  }
0xae: {  	v14 =	vor.u32 v2, v21;
	[tilespmem:v19+s31+$0x0] =	vst.idx.add.s32.msk vm3, v20  }
0xaf: {  	v9 =	vadd.s32 $0x4000, v9;
	vm3 =	vgt.f32 v6, $0.0e+00;
	[tilespmem:v12+s30+$0x0] =	vst.idx.add.f32.msk vm1, v44  }
0xb0: {  	[tilespmem:v12+s31+$0x0] =	vst.idx.add.s32.msk vm1, v9;
	v9 =	vor.u32 v2, v17  }
0xb1: {  	v7 =	vadd.s32 $0x4000, v7;
	vm1 =	vgt.f32 v4, $0.0e+00;
	[tilespmem:v15+s30+$0x0] =	vst.idx.add.f32.msk vm0, v42  }
0xb2: {  	[tilespmem:v15+s31+$0x0] =	vst.idx.add.s32.msk vm0, v7;
	v7 =	vor.u32 v2, v13  }
0xb3: {  	v5 =	vadd.s32 $0x4000, v5;
	vm0 =	vgt.f32 v18, $0.0e+00;
	[tilespmem:v14+s30+$0x0] =	vst.idx.add.f32.msk vm2, v8  }
0xb4: {  	[tilespmem:v14+s31+$0x0] =	vst.idx.add.s32.msk vm2, v5;
	v5 =	vor.u32 v2, v16  }
.Ltmp0:
0xb5: {  	v8 =	vadd.s32 $0x4000, v11;
	[tilespmem:v9+s30+$0x0] =	vst.idx.add.f32.msk vm3, v6;
	(pc) =	sbr.rel @p0 .LBB2_2-.Ltmp0, $4  }
0xb6: {  	[tilespmem:v9+s31+$0x0] =	vst.idx.add.s32.msk vm3, v8  }
0xb7: {  	v3 =	vadd.s32 $0x4000, v3;
	[tilespmem:v7+s30+$0x0] =	vst.idx.add.f32.msk vm1, v4  }
0xb8: {  	[tilespmem:v7+s31+$0x0] =	vst.idx.add.s32.msk vm1, v3  }
0xb9: {  	v3 =	vadd.s32 $0x4000, v10;
	[tilespmem:v5+s30+$0x0] =	vst.idx.add.f32.msk vm0, v18  }
0xba: {  	_ =	sdelay $0x4  }
0xbb: {  	[tilespmem:v5+s31+$0x0] =	vst.idx.add.s32.msk vm0, v3;
	s5 =	simm.s32 $0x0  }
0xbc: {  	[tilespmem:s5], [sflag:$0x1] =	stream.linear.gather [hbm4b:s9+s5], $0x4000, $0x38;
	[tilespmem:$0x18200] =	vst v63  }
0xbd: {  	_ = 	snop  }
0xbe: {  	[tilespmem:s22], [sflag:$0x4] =	stream.linear.gather [hbm4b:s10+s5], $0x4000, $0x38;
	[tilespmem:$0x18200] =	vst v63  }
0xbf: {  	_ =	swait.ge [sflag:s0], $0x4000  }
0xc0: {  	[sflag:s0] =	ssyncset.done $0x0  }
0xc1: {  	[sflag:s0] =	ssyncadd.s32 $0xFFFFC000  }
0xc2: {  	_ =	swait.ge [sflag:s1], $0x4000  }
0xc3: {  	[sflag:s1] =	ssyncset.done $0x0  }
0xc4: {  	s6 =	simm.s32 $0x0;
	[sflag:s1] =	ssyncadd.s32 $0xFFFFC000  }
0xc5: {  	v12 =	vld [tilespmem:s6+$0x4030]  }
0xc6: {  	v13 =	vld [tilespmem:s6+$0x4020]  }
0xc7: {  	v14 =	vld [tilespmem:s6+$0x4010]  }
0xc8: {  	v5 =	vld [tilespmem:s6+$0x100C0]  }
0xc9: {  	v15 =	vld [tilespmem:s6+$0x4070]  }
0xca: {  	v3 =	vld [tilespmem:s6+$0x100E0]  }
0xcb: {  	v4 =	vld [tilespmem:s6+$0x40E0]  }
0xcc: {  	v10 =	vld [tilespmem:s6+$0x100B0]  }
0xcd: {  	v11 =	vld [tilespmem:s6+$0x100A0]  }
0xce: {  	v6 =	vld [tilespmem:s6+$0x40D0]  }
0xcf: {  	v8 =	vld [tilespmem:s6+$0x40C0]  }
0xd0: {  	v16 =	vld [tilespmem:s6+$0x4060]  }
0xd1: {  	v17 =	vld [tilespmem:s6+$0x10050]  }
0xd2: {  	v18 =	vld [tilespmem:s6+$0x10010]  }
0xd3: {  	v19 =	vld [tilespmem:s6+$0x4090]  }
0xd4: {  	v20 =	vld [tilespmem:s6+$0x4000]  }
0xd5: {  	v9 =	vld [tilespmem:s6+$0x100D0]  }
0xd6: {  	v7 =	vld [tilespmem:s6+$0x100F0]  }
0xd7: {  	v23 =	vld [tilespmem:s6+$0x10090]  }
0xd8: {  	v32 =	vld [tilespmem:s6+$0x4040];
	v21 =	vmul.f32 $9.999999040e+00, v13;
	v22 =	vmul.f32 $9.999999040e+00, v12  }
0xd9: {  	v25 =	vld [tilespmem:s6+$0x10080];
	v24 =	vmul.f32 $9.999999040e+00, v14;
	v28 =	vmul.f32 $9.999999040e+00, v20  }
0xda: {  	v35 =	vld [tilespmem:s6+$0x4050];
	v31 =	vmul.f32 $9.999999040e+00, v15;
	v33 =	vmul.f32 $9.999999040e+00, v4  }
0xdb: {  	v26 =	vld [tilespmem:s6+$0x10070];
	v36 =	vmul.f32 $9.999999040e+00, v6;
	v38 =	vmul.f32 $9.999999040e+00, v8  }
0xdc: {  	v37 =	vld [tilespmem:s6+$0x10000];
	vm0 =	vgt.f32 v20, $0.0e+00;
	v39 =	vmul.f32 $9.999999040e+00, v16;
	v28 =	vtrunc.f32 v28  }
0xdd: {  	v27 =	vld [tilespmem:s6+$0x10060];
	vm1 =	vgt.f32 v14, $0.0e+00;
	v42 =	vmul.f32 $9.999999040e+00, v32;
	v28 =	vcvt.f32.s32 v28  }
0xde: {  	v34 =	vld [tilespmem:s6+$0x10020];
	v18 =	vadd.s32 $0x4000, v18;
	vm2 =	vgt.f32 v13, $0.0e+00;
	v24 =	vtrunc.f32 v24  }
0xdf: {  	v44 =	vld [tilespmem:s6+$0x4080];
	v45 =	vmul.f32 $9.999999040e+00, v35;
	v24 =	vcvt.f32.s32 v24;
	v28 =	vshll.u32 v28, $0x4  }
0xe0: {  	v30 =	vld [tilespmem:s6+$0x10030];
	vm3 =	vgt.f32 v12, $0.0e+00;
	v21 =	vtrunc.f32 v21;
	v28 =	vor.u32 v2, v28  }
0xe1: {  	v43 =	vld [tilespmem:s6+$0x40A0];
	v37 =	vadd.s32 $0x4000, v37;
	v21 =	vcvt.f32.s32 v21;
	v24 =	vshll.u32 v24, $0x4  }
0xe2: {  	v29 =	vld [tilespmem:s6+$0x10040];
	v51 =	vmul.f32 $9.999999040e+00, v19;
	v22 =	vtrunc.f32 v22;
	v24 =	vor.u32 v2, v24  }
0xe3: {  	v40 =	vld [tilespmem:s6+$0x40F0];
	v57 =	vadd.s32 $0x4000, v34;
	v22 =	vcvt.f32.s32 v22;
	v21 =	vshll.u32 v21, $0x4  }
0xe4: {  	v41 =	vld [tilespmem:s6+$0x40B0];
	v60 =	vmul.f32 $9.999999040e+00, v44;
	v42 =	vtrunc.f32 v42;
	v21 =	vor.u32 v2, v21  }
0xe5: {  	v62 =	vadd.s32 $0x4000, v30;
	v50 =	vcvt.f32.s32 v42;
	v22 =	vshll.u32 v22, $0x4;
	[tilespmem:v28+s30+$0x0] =	vst.idx.add.f32.msk vm0, v20  }
0xe6: {  	v30 =	vmul.f32 $9.999999040e+00, v43;
	v52 =	vtrunc.f32 v45;
	v22 =	vor.u32 v2, v22;
	[tilespmem:v28+s31+$0x0] =	vst.idx.add.s32.msk vm0, v37  }
0xe7: {  	v54 =	vcvt.f32.s32 v52;
	v53 =	vshll.u32 v50, $0x4;
	vm0 =	vgt.f32 v32, $0.0e+00;
	[tilespmem:v24+s30+$0x0] =	vst.idx.add.f32.msk vm1, v14  }
0xe8: {  	v31 =	vtrunc.f32 v31;
	v39 =	vtrunc.f32 v39;
	v14 =	vor.u32 v2, v53;
	[tilespmem:v24+s31+$0x0] =	vst.idx.add.s32.msk vm1, v18  }
0xe9: {  	v55 =	vcvt.f32.s32 v39;
	v58 =	vshll.u32 v54, $0x4;
	vm1 =	vgt.f32 v35, $0.0e+00;
	[tilespmem:v21+s30+$0x0] =	vst.idx.add.f32.msk vm2, v13  }
0xea: {  	v17 =	vadd.s32 $0x4000, v17;
	v31 =	vcvt.f32.s32 v31;
	v13 =	vor.u32 v2, v58;
	[tilespmem:v21+s31+$0x0] =	vst.idx.add.s32.msk vm2, v57  }
0xeb: {  	v56 =	vtrunc.f32 v51;
	v61 =	vshll.u32 v55, $0x4;
	vm2 =	vgt.f32 v16, $0.0e+00;
	[tilespmem:v22+s30+$0x0] =	vst.idx.add.f32.msk vm3, v12  }
0xec: {  	v31 =	vshll.u32 v31, $0x4;
	v24 =	vtrunc.f32 v60;
	v18 =	vor.u32 v2, v61;
	[tilespmem:v22+s31+$0x0] =	vst.idx.add.s32.msk vm3, v62  }
0xed: {  	v28 =	vadd.s32 $0x4000, v29;
	v20 =	vcvt.f32.s32 v24;
	vm3 =	vgt.f32 v15, $0.0e+00;
	[tilespmem:v14+s30+$0x0] =	vst.idx.add.f32.msk vm0, v32  }
0xee: {  	v46 =	vadd.s32 $0x4000, v26;
	v59 =	vcvt.f32.s32 v56;
	v32 =	vor.u32 v2, v31;
	[tilespmem:v14+s31+$0x0] =	vst.idx.add.s32.msk vm0, v28  }
0xef: {  	v42 =	vadd.s32 $0x4000, v27;
	v20 =	vshll.u32 v20, $0x4;
	vm0 =	vgt.f32 v44, $0.0e+00;
	[tilespmem:v13+s30+$0x0] =	vst.idx.add.f32.msk vm1, v35  }
0xf0: {  	v29 =	vmul.f32 $9.999999040e+00, v41;
	v37 =	vor.u32 v2, v20;
	v35 =	vtrunc.f32 v30;
	[tilespmem:v13+s31+$0x0] =	vst.idx.add.s32.msk vm1, v17  }
0xf1: {  	v63 =	vshll.u32 v59, $0x4;
	v39 =	vcvt.f32.s32 v35;
	vm1 =	vgt.f32 v19, $0.0e+00;
	[tilespmem:v18+s30+$0x0] =	vst.idx.add.f32.msk vm2, v16  }
0xf2: {  	vm4 =	vgt.f32 v8, $0.0e+00;
	v34 =	vtrunc.f32 v29;
	v12 =	vor.u32 v2, v63;
	[tilespmem:v18+s31+$0x0] =	vst.idx.add.s32.msk vm2, v42  }
0xf3: {  	v21 =	vcvt.f32.s32 v34;
	v17 =	vshll.u32 v39, $0x4;
	vm2 =	vgt.f32 v43, $0.0e+00;
	[tilespmem:v32+s30+$0x0] =	vst.idx.add.f32.msk vm3, v15  }
0xf4: {  	v45 =	vtrunc.f32 v38;
	v50 =	vadd.s32 $0x4000, v25;
	v48 =	vor.u32 v2, v17;
	[tilespmem:v32+s31+$0x0] =	vst.idx.add.s32.msk vm3, v46  }
0xf5: {  	v49 =	vshll.u32 v21, $0x4;
	v16 =	vcvt.f32.s32 v45;
	vm3 =	vgt.f32 v41, $0.0e+00;
	[tilespmem:v37+s30+$0x0] =	vst.idx.add.f32.msk vm0, v44  }
0xf6: {  	v11 =	vadd.s32 $0x4000, v11;
	v47 =	vtrunc.f32 v36;
	v52 =	vor.u32 v2, v49;
	[tilespmem:v37+s31+$0x0] =	vst.idx.add.s32.msk vm0, v50  }
0xf7: {  	v53 =	vadd.s32 $0x4000, v23;
	v15 =	vcvt.f32.s32 v47;
	v16 =	vshll.u32 v16, $0x4;
	[tilespmem:v12+s30+$0x0] =	vst.idx.add.f32.msk vm1, v19  }
0xf8: {  	v51 =	vtrunc.f32 v33;
	v55 =	vmul.f32 $9.999999040e+00, v40;
	v56 =	vor.u32 v2, v16;
	[tilespmem:v12+s31+$0x0] =	vst.idx.add.s32.msk vm1, v53  }
0xf9: {  	v54 =	vcvt.f32.s32 v51;
	v15 =	vshll.u32 v15, $0x4;
	vm1 =	vgt.f32 v6, $0.0e+00;
	[tilespmem:v48+s30+$0x0] =	vst.idx.add.f32.msk vm2, v43  }
0xfa: {  	v10 =	vadd.s32 $0x4000, v10;
	v58 =	vtrunc.f32 v55;
	v59 =	vor.u32 v2, v15;
	[tilespmem:v48+s31+$0x0] =	vst.idx.add.s32.msk vm2, v11  }
0xfb: {  	v57 =	vshll.u32 v54, $0x4;
	v60 =	vcvt.f32.s32 v58;
	vm2 =	vgt.f32 v4, $0.0e+00;
	[tilespmem:v52+s30+$0x0] =	vst.idx.add.f32.msk vm3, v41  }
0xfc: {  	v61 =	vor.u32 v2, v57;
	[tilespmem:v52+s31+$0x0] =	vst.idx.add.s32.msk vm3, v10  }
0xfd: {  	v5 =	vadd.s32 $0x4000, v5;
	v62 =	vshll.u32 v60, $0x4;
	vm0 =	vgt.f32 v40, $0.0e+00;
	[tilespmem:v56+s30+$0x0] =	vst.idx.add.f32.msk vm4, v8  }
0xfe: {  	[tilespmem:v56+s31+$0x0] =	vst.idx.add.s32.msk vm4, v5;
	v5 =	vor.u32 v2, v62  }
0xff: {  	v63 =	vadd.s32 $0x4000, v9;
	[tilespmem:v59+s30+$0x0] =	vst.idx.add.f32.msk vm1, v6  }
0x100: {  	[tilespmem:v59+s31+$0x0] =	vst.idx.add.s32.msk vm1, v63  }
0x101: {  	v3 =	vadd.s32 $0x4000, v3;
	[tilespmem:v61+s30+$0x0] =	vst.idx.add.f32.msk vm2, v4  }
0x102: {  	[tilespmem:v61+s31+$0x0] =	vst.idx.add.s32.msk vm2, v3  }
0x103: {  	s5 =	simm.s32 $0x400;
	v3 =	vadd.s32 $0x4000, v7;
	[tilespmem:v5+s30+$0x0] =	vst.idx.add.f32.msk vm0, v40  }
.LBB2_4:
0x104: {  	s6 =	sshra.s32 s5, $0x2;
	p0 =	sne.s32 s5, $0xFC00;
	s5 =	sadd.s32 $0x400, s5;
	[tilespmem:v5+s31+$0x0] =	vst.idx.add.s32.msk vm0, v3  }
0x105: {  	v15 =	vld [tilespmem:s6+$0x4030]  }
0x106: {  	v19 =	vld [tilespmem:s6+$0x4020]  }
0x107: {  	v22 =	vld [tilespmem:s6+$0x4010]  }
0x108: {  	v5 =	vld [tilespmem:s6+$0x100C0]  }
0x109: {  	v12 =	vld [tilespmem:s6+$0x4070]  }
0x10a: {  	v3 =	vld [tilespmem:s6+$0x100E0]  }
0x10b: {  	v8 =	vmul.f32 $9.999999040e+00, v15;
	v4 =	vld [tilespmem:s6+$0x40E0];
	v6 =	vmul.f32 $9.999999040e+00, v19  }
0x10c: {  	v7 =	vld [tilespmem:s6+$0x100B0];
	v10 =	vmul.f32 $9.999999040e+00, v22  }
0x10d: {  	v13 =	vtrunc.f32 v8;
	v9 =	vld [tilespmem:s6+$0x100A0];
	v11 =	vtrunc.f32 v6  }
0x10e: {  	v6 =	vld [tilespmem:s6+$0x40D0];
	v10 =	vtrunc.f32 v10;
	v11 =	vcvt.f32.s32 v11  }
0x10f: {  	v13 =	vcvt.f32.s32 v13;
	v8 =	vld [tilespmem:s6+$0x40C0];
	v10 =	vcvt.f32.s32 v10  }
0x110: {  	v16 =	vld [tilespmem:s6+$0x4060];
	v23 =	vshll.u32 v11, $0x4;
	v11 =	vmul.f32 $9.999999040e+00, v12;
	v14 =	vmul.f32 $9.999999040e+00, v4  }
0x111: {  	v26 =	vshll.u32 v13, $0x4;
	v24 =	vld [tilespmem:s6+$0x10050];
	v25 =	vshll.u32 v10, $0x4  }
0x112: {  	v17 =	vld [tilespmem:s6+$0x10010];
	v10 =	vtrunc.f32 v11;
	v13 =	vtrunc.f32 v14  }
0x113: {  	v14 =	vld [tilespmem:s6+$0x4090];
	v10 =	vcvt.f32.s32 v10;
	v18 =	vmul.f32 $9.999999040e+00, v6  }
0x114: {  	v13 =	vcvt.f32.s32 v13;
	v11 =	vld [tilespmem:s6+$0x100D0];
	v20 =	vmul.f32 $9.999999040e+00, v8  }
0x115: {  	v27 =	vld [tilespmem:s6+$0x4000];
	v21 =	vmul.f32 $9.999999040e+00, v16;
	v28 =	vshll.u32 v10, $0x4;
	v18 =	vtrunc.f32 v18  }
0x116: {  	v13 =	vshll.u32 v13, $0x4;
	v10 =	vld [tilespmem:s6+$0x100F0];
	v29 =	vtrunc.f32 v20;
	v18 =	vcvt.f32.s32 v18  }
0x117: {  	v20 =	vld [tilespmem:s6+$0x10090];
	v30 =	vadd.s32 $0x4000, v17;
	v17 =	vtrunc.f32 v21;
	v21 =	vcvt.f32.s32 v29  }
0x118: {  	v29 =	vld [tilespmem:s6+$0x10080];
	v31 =	vcvt.f32.s32 v17;
	v32 =	vmul.f32 $9.999999040e+00, v14;
	v17 =	vshll.u32 v18, $0x4  }
0x119: {  	v33 =	vld [tilespmem:s6+$0x10070];
	v21 =	vshll.u32 v21, $0x4  }
0x11a: {  	v34 =	vld [tilespmem:s6+$0x10060];
	v18 =	vmul.f32 $9.999999040e+00, v27;
	v31 =	vshll.u32 v31, $0x4;
	v32 =	vtrunc.f32 v32  }
0x11b: {  	v35 =	vld [tilespmem:s6+$0x10040];
	v32 =	vcvt.f32.s32 v32  }
0x11c: {  	v36 =	vld [tilespmem:s6+$0x10030];
	v18 =	vtrunc.f32 v18  }
0x11d: {  	v37 =	vld [tilespmem:s6+$0x4040];
	v18 =	vcvt.f32.s32 v18;
	v32 =	vshll.u32 v32, $0x4  }
0x11e: {  	v38 =	vld [tilespmem:s6+$0x10020]  }
0x11f: {  	vm3 =	vgt.f32 v27, $0.0e+00;
	v39 =	vld [tilespmem:s6+$0x4050];
	v18 =	vshll.u32 v18, $0x4  }
0x120: {  	v40 =	vld [tilespmem:s6+$0x10000];
	v41 =	vor.u32 v2, v18  }
0x121: {  	vm4 =	vgt.f32 v22, $0.0e+00;
	v18 =	vld [tilespmem:s6+$0x40F0]  }
0x122: {  	vm0 =	vgt.f32 v12, $0.0e+00;
	v25 =	vor.u32 v2, v25;
	v42 =	vld [tilespmem:s6+$0x40B0];
	v43 =	vmul.f32 $9.999999040e+00, v37  }
0x123: {  	vm2 =	vgt.f32 v15, $0.0e+00;
	vm5 =	vgt.f32 v19, $0.0e+00;
	vm1 =	vgt.f32 v16, $0.0e+00;
	v44 =	vld [tilespmem:s6+$0x40A0]  }
0x124: {  	v23 =	vor.u32 v2, v23;
	v45 =	vld [tilespmem:s6+$0x4080];
	v43 =	vtrunc.f32 v43;
	v46 =	vmul.f32 $9.999999040e+00, v39  }
0x125: {  	v26 =	vor.u32 v2, v26;
	v40 =	vadd.s32 $0x4000, v40;
	[tilespmem:v41+s30+$0x0] =	vst.idx.add.f32.msk vm3, v27;
	v27 =	vcvt.f32.s32 v43  }
0x126: {  	v38 =	vadd.s32 $0x4000, v38;
	[tilespmem:v41+s31+$0x0] =	vst.idx.add.s32.msk vm3, v40;
	vm3 =	vgt.f32 v37, $0.0e+00;
	v40 =	vtrunc.f32 v46  }
0x127: {  	[tilespmem:v25+s30+$0x0] =	vst.idx.add.f32.msk vm4, v22;
	v22 =	vshll.u32 v27, $0x4;
	v27 =	vcvt.f32.s32 v40;
	v40 =	vmul.f32 $9.999999040e+00, v42  }
0x128: {  	[tilespmem:v25+s31+$0x0] =	vst.idx.add.s32.msk vm4, v30;
	v22 =	vor.u32 v2, v22;
	vm4 =	vgt.f32 v39, $0.0e+00;
	v25 =	vmul.f32 $9.999999040e+00, v44  }
0x129: {  	[tilespmem:v23+s30+$0x0] =	vst.idx.add.f32.msk vm5, v19;
	v19 =	vshll.u32 v27, $0x4;
	v27 =	vmul.f32 $9.999999040e+00, v45;
	v30 =	vtrunc.f32 v40  }
0x12a: {  	[tilespmem:v23+s31+$0x0] =	vst.idx.add.s32.msk vm5, v38;
	v19 =	vor.u32 v2, v19;
	v23 =	vtrunc.f32 v25;
	v25 =	vcvt.f32.s32 v30  }
0x12b: {  	v30 =	vadd.s32 $0x4000, v36;
	[tilespmem:v26+s30+$0x0] =	vst.idx.add.f32.msk vm2, v15;
	v15 =	vtrunc.f32 v27;
	v23 =	vcvt.f32.s32 v23  }
0x12c: {  	v27 =	vmul.f32 $9.999999040e+00, v18;
	[tilespmem:v26+s31+$0x0] =	vst.idx.add.s32.msk vm2, v30;
	v26 =	vor.u32 v2, v31;
	v25 =	vshll.u32 v25, $0x4  }
0x12d: {  	v30 =	vadd.s32 $0x4000, v35;
	v15 =	vcvt.f32.s32 v15;
	[tilespmem:v22+s30+$0x0] =	vst.idx.add.f32.msk vm3, v37;
	v23 =	vshll.u32 v23, $0x4  }
0x12e: {  	v27 =	vtrunc.f32 v27;
	[tilespmem:v22+s31+$0x0] =	vst.idx.add.s32.msk vm3, v30;
	v22 =	vadd.s32 $0x4000, v24;
	v24 =	vor.u32 v2, v28  }
0x12f: {  	vm2 =	vgt.f32 v45, $0.0e+00;
	v15 =	vshll.u32 v15, $0x4;
	v27 =	vcvt.f32.s32 v27;
	[tilespmem:v19+s30+$0x0] =	vst.idx.add.f32.msk vm4, v39  }
0x130: {  	v15 =	vor.u32 v2, v15;
	[tilespmem:v19+s31+$0x0] =	vst.idx.add.s32.msk vm4, v22  }
0x131: {  	vm3 =	vgt.f32 v14, $0.0e+00;
	v19 =	vadd.s32 $0x4000, v34;
	[tilespmem:v26+s30+$0x0] =	vst.idx.add.f32.msk vm1, v16;
	v16 =	vshll.u32 v27, $0x4  }
0x132: {  	[tilespmem:v26+s31+$0x0] =	vst.idx.add.s32.msk vm1, v19;
	v19 =	vor.u32 v2, v32  }
0x133: {  	v22 =	vadd.s32 $0x4000, v33;
	vm1 =	vgt.f32 v44, $0.0e+00;
	[tilespmem:v24+s30+$0x0] =	vst.idx.add.f32.msk vm0, v12  }
0x134: {  	v12 =	vor.u32 v2, v23;
	[tilespmem:v24+s31+$0x0] =	vst.idx.add.s32.msk vm0, v22  }
0x135: {  	v22 =	vadd.s32 $0x4000, v29;
	vm0 =	vgt.f32 v42, $0.0e+00;
	[tilespmem:v15+s30+$0x0] =	vst.idx.add.f32.msk vm2, v45  }
0x136: {  	[tilespmem:v15+s31+$0x0] =	vst.idx.add.s32.msk vm2, v22;
	v15 =	vor.u32 v2, v25  }
0x137: {  	v20 =	vadd.s32 $0x4000, v20;
	vm2 =	vgt.f32 v8, $0.0e+00;
	[tilespmem:v19+s30+$0x0] =	vst.idx.add.f32.msk vm3, v14  }
0x138: {  	v14 =	vor.u32 v2, v21;
	[tilespmem:v19+s31+$0x0] =	vst.idx.add.s32.msk vm3, v20  }
0x139: {  	v9 =	vadd.s32 $0x4000, v9;
	vm3 =	vgt.f32 v6, $0.0e+00;
	[tilespmem:v12+s30+$0x0] =	vst.idx.add.f32.msk vm1, v44  }
0x13a: {  	[tilespmem:v12+s31+$0x0] =	vst.idx.add.s32.msk vm1, v9;
	v9 =	vor.u32 v2, v17  }
0x13b: {  	v7 =	vadd.s32 $0x4000, v7;
	vm1 =	vgt.f32 v4, $0.0e+00;
	[tilespmem:v15+s30+$0x0] =	vst.idx.add.f32.msk vm0, v42  }
0x13c: {  	[tilespmem:v15+s31+$0x0] =	vst.idx.add.s32.msk vm0, v7;
	v7 =	vor.u32 v2, v13  }
0x13d: {  	v5 =	vadd.s32 $0x4000, v5;
	vm0 =	vgt.f32 v18, $0.0e+00;
	[tilespmem:v14+s30+$0x0] =	vst.idx.add.f32.msk vm2, v8  }
0x13e: {  	[tilespmem:v14+s31+$0x0] =	vst.idx.add.s32.msk vm2, v5;
	v5 =	vor.u32 v2, v16  }
.Ltmp1:
0x13f: {  	v8 =	vadd.s32 $0x4000, v11;
	[tilespmem:v9+s30+$0x0] =	vst.idx.add.f32.msk vm3, v6;
	(pc) =	sbr.rel @p0 .LBB2_4-.Ltmp1, $4  }
0x140: {  	[tilespmem:v9+s31+$0x0] =	vst.idx.add.s32.msk vm3, v8  }
0x141: {  	v3 =	vadd.s32 $0x4000, v3;
	[tilespmem:v7+s30+$0x0] =	vst.idx.add.f32.msk vm1, v4  }
0x142: {  	[tilespmem:v7+s31+$0x0] =	vst.idx.add.s32.msk vm1, v3  }
0x143: {  	v3 =	vadd.s32 $0x4000, v10;
	[tilespmem:v5+s30+$0x0] =	vst.idx.add.f32.msk vm0, v18  }
0x144: {  	_ =	sdelay $0x4  }
0x145: {  	[tilespmem:v5+s31+$0x0] =	vst.idx.add.s32.msk vm0, v3;
	s5 =	simm.s32 $0x0  }
0x146: {  	[tilespmem:s23], [sflag:$0x2] =	stream.linear.gather [hbm4b:s11+s5], $0x4000, $0x38;
	[tilespmem:$0x18200] =	vst v63  }
0x147: {  	_ = 	snop  }
0x148: {  	[tilespmem:s24], [sflag:$0x5] =	stream.linear.gather [hbm4b:s12+s5], $0x4000, $0x38;
	[tilespmem:$0x18200] =	vst v63  }
0x149: {  	_ =	swait.ge [sflag:s25], $0x4000  }
0x14a: {  	[sflag:s25] =	ssyncset.done $0x0  }
0x14b: {  	[sflag:s25] =	ssyncadd.s32 $0xFFFFC000  }
0x14c: {  	_ =	swait.ge [sflag:s26], $0x4000  }
0x14d: {  	[sflag:s26] =	ssyncset.done $0x0  }
0x14e: {  	s6 =	simm.s32 $0x0;
	[sflag:s26] =	ssyncadd.s32 $0xFFFFC000  }
0x14f: {  	v12 =	vld [tilespmem:s6+$0x8030]  }
0x150: {  	v13 =	vld [tilespmem:s6+$0x8020]  }
0x151: {  	v14 =	vld [tilespmem:s6+$0x8010]  }
0x152: {  	v5 =	vld [tilespmem:s6+$0x140C0]  }
0x153: {  	v15 =	vld [tilespmem:s6+$0x8070]  }
0x154: {  	v3 =	vld [tilespmem:s6+$0x140E0]  }
0x155: {  	v4 =	vld [tilespmem:s6+$0x80E0]  }
0x156: {  	v10 =	vld [tilespmem:s6+$0x140B0]  }
0x157: {  	v11 =	vld [tilespmem:s6+$0x140A0]  }
0x158: {  	v6 =	vld [tilespmem:s6+$0x80D0]  }
0x159: {  	v8 =	vld [tilespmem:s6+$0x80C0]  }
0x15a: {  	v16 =	vld [tilespmem:s6+$0x8060]  }
0x15b: {  	v17 =	vld [tilespmem:s6+$0x14050]  }
0x15c: {  	v18 =	vld [tilespmem:s6+$0x14010]  }
0x15d: {  	v19 =	vld [tilespmem:s6+$0x8090]  }
0x15e: {  	v20 =	vld [tilespmem:s6+$0x8000]  }
0x15f: {  	v9 =	vld [tilespmem:s6+$0x140D0]  }
0x160: {  	v7 =	vld [tilespmem:s6+$0x140F0]  }
0x161: {  	v23 =	vld [tilespmem:s6+$0x14090]  }
0x162: {  	v32 =	vld [tilespmem:s6+$0x8040];
	v21 =	vmul.f32 $9.999999040e+00, v13;
	v22 =	vmul.f32 $9.999999040e+00, v12  }
0x163: {  	v25 =	vld [tilespmem:s6+$0x14080];
	v24 =	vmul.f32 $9.999999040e+00, v14;
	v28 =	vmul.f32 $9.999999040e+00, v20  }
0x164: {  	v35 =	vld [tilespmem:s6+$0x8050];
	v31 =	vmul.f32 $9.999999040e+00, v15;
	v33 =	vmul.f32 $9.999999040e+00, v4  }
0x165: {  	v26 =	vld [tilespmem:s6+$0x14070];
	v36 =	vmul.f32 $9.999999040e+00, v6;
	v38 =	vmul.f32 $9.999999040e+00, v8  }
0x166: {  	v37 =	vld [tilespmem:s6+$0x14000];
	vm0 =	vgt.f32 v20, $0.0e+00;
	v39 =	vmul.f32 $9.999999040e+00, v16;
	v28 =	vtrunc.f32 v28  }
0x167: {  	v27 =	vld [tilespmem:s6+$0x14060];
	vm1 =	vgt.f32 v14, $0.0e+00;
	v42 =	vmul.f32 $9.999999040e+00, v32;
	v28 =	vcvt.f32.s32 v28  }
0x168: {  	v34 =	vld [tilespmem:s6+$0x14020];
	v18 =	vadd.s32 $0x4000, v18;
	vm2 =	vgt.f32 v13, $0.0e+00;
	v24 =	vtrunc.f32 v24  }
0x169: {  	v44 =	vld [tilespmem:s6+$0x8080];
	v45 =	vmul.f32 $9.999999040e+00, v35;
	v24 =	vcvt.f32.s32 v24;
	v28 =	vshll.u32 v28, $0x4  }
0x16a: {  	v30 =	vld [tilespmem:s6+$0x14030];
	vm3 =	vgt.f32 v12, $0.0e+00;
	v21 =	vtrunc.f32 v21;
	v28 =	vor.u32 v2, v28  }
0x16b: {  	v43 =	vld [tilespmem:s6+$0x80A0];
	v37 =	vadd.s32 $0x4000, v37;
	v21 =	vcvt.f32.s32 v21;
	v24 =	vshll.u32 v24, $0x4  }
0x16c: {  	v29 =	vld [tilespmem:s6+$0x14040];
	v51 =	vmul.f32 $9.999999040e+00, v19;
	v22 =	vtrunc.f32 v22;
	v24 =	vor.u32 v2, v24  }
0x16d: {  	v40 =	vld [tilespmem:s6+$0x80F0];
	v57 =	vadd.s32 $0x4000, v34;
	v22 =	vcvt.f32.s32 v22;
	v21 =	vshll.u32 v21, $0x4  }
0x16e: {  	v41 =	vld [tilespmem:s6+$0x80B0];
	v60 =	vmul.f32 $9.999999040e+00, v44;
	v42 =	vtrunc.f32 v42;
	v21 =	vor.u32 v2, v21  }
0x16f: {  	v62 =	vadd.s32 $0x4000, v30;
	v50 =	vcvt.f32.s32 v42;
	v22 =	vshll.u32 v22, $0x4;
	[tilespmem:v28+s30+$0x0] =	vst.idx.add.f32.msk vm0, v20  }
0x170: {  	v30 =	vmul.f32 $9.999999040e+00, v43;
	v52 =	vtrunc.f32 v45;
	v22 =	vor.u32 v2, v22;
	[tilespmem:v28+s31+$0x0] =	vst.idx.add.s32.msk vm0, v37  }
0x171: {  	v54 =	vcvt.f32.s32 v52;
	v53 =	vshll.u32 v50, $0x4;
	vm0 =	vgt.f32 v32, $0.0e+00;
	[tilespmem:v24+s30+$0x0] =	vst.idx.add.f32.msk vm1, v14  }
0x172: {  	v31 =	vtrunc.f32 v31;
	v39 =	vtrunc.f32 v39;
	v14 =	vor.u32 v2, v53;
	[tilespmem:v24+s31+$0x0] =	vst.idx.add.s32.msk vm1, v18  }
0x173: {  	v55 =	vcvt.f32.s32 v39;
	v58 =	vshll.u32 v54, $0x4;
	vm1 =	vgt.f32 v35, $0.0e+00;
	[tilespmem:v21+s30+$0x0] =	vst.idx.add.f32.msk vm2, v13  }
0x174: {  	v17 =	vadd.s32 $0x4000, v17;
	v31 =	vcvt.f32.s32 v31;
	v13 =	vor.u32 v2, v58;
	[tilespmem:v21+s31+$0x0] =	vst.idx.add.s32.msk vm2, v57  }
0x175: {  	v56 =	vtrunc.f32 v51;
	v61 =	vshll.u32 v55, $0x4;
	vm2 =	vgt.f32 v16, $0.0e+00;
	[tilespmem:v22+s30+$0x0] =	vst.idx.add.f32.msk vm3, v12  }
0x176: {  	v31 =	vshll.u32 v31, $0x4;
	v24 =	vtrunc.f32 v60;
	v18 =	vor.u32 v2, v61;
	[tilespmem:v22+s31+$0x0] =	vst.idx.add.s32.msk vm3, v62  }
0x177: {  	v28 =	vadd.s32 $0x4000, v29;
	v20 =	vcvt.f32.s32 v24;
	vm3 =	vgt.f32 v15, $0.0e+00;
	[tilespmem:v14+s30+$0x0] =	vst.idx.add.f32.msk vm0, v32  }
0x178: {  	v46 =	vadd.s32 $0x4000, v26;
	v59 =	vcvt.f32.s32 v56;
	v32 =	vor.u32 v2, v31;
	[tilespmem:v14+s31+$0x0] =	vst.idx.add.s32.msk vm0, v28  }
0x179: {  	v42 =	vadd.s32 $0x4000, v27;
	v20 =	vshll.u32 v20, $0x4;
	vm0 =	vgt.f32 v44, $0.0e+00;
	[tilespmem:v13+s30+$0x0] =	vst.idx.add.f32.msk vm1, v35  }
0x17a: {  	v29 =	vmul.f32 $9.999999040e+00, v41;
	v37 =	vor.u32 v2, v20;
	v35 =	vtrunc.f32 v30;
	[tilespmem:v13+s31+$0x0] =	vst.idx.add.s32.msk vm1, v17  }
0x17b: {  	v63 =	vshll.u32 v59, $0x4;
	v39 =	vcvt.f32.s32 v35;
	vm1 =	vgt.f32 v19, $0.0e+00;
	[tilespmem:v18+s30+$0x0] =	vst.idx.add.f32.msk vm2, v16  }
0x17c: {  	vm4 =	vgt.f32 v8, $0.0e+00;
	v34 =	vtrunc.f32 v29;
	v12 =	vor.u32 v2, v63;
	[tilespmem:v18+s31+$0x0] =	vst.idx.add.s32.msk vm2, v42  }
0x17d: {  	v21 =	vcvt.f32.s32 v34;
	v17 =	vshll.u32 v39, $0x4;
	vm2 =	vgt.f32 v43, $0.0e+00;
	[tilespmem:v32+s30+$0x0] =	vst.idx.add.f32.msk vm3, v15  }
0x17e: {  	v45 =	vtrunc.f32 v38;
	v50 =	vadd.s32 $0x4000, v25;
	v48 =	vor.u32 v2, v17;
	[tilespmem:v32+s31+$0x0] =	vst.idx.add.s32.msk vm3, v46  }
0x17f: {  	v49 =	vshll.u32 v21, $0x4;
	v16 =	vcvt.f32.s32 v45;
	vm3 =	vgt.f32 v41, $0.0e+00;
	[tilespmem:v37+s30+$0x0] =	vst.idx.add.f32.msk vm0, v44  }
0x180: {  	v11 =	vadd.s32 $0x4000, v11;
	v47 =	vtrunc.f32 v36;
	v52 =	vor.u32 v2, v49;
	[tilespmem:v37+s31+$0x0] =	vst.idx.add.s32.msk vm0, v50  }
0x181: {  	v53 =	vadd.s32 $0x4000, v23;
	v15 =	vcvt.f32.s32 v47;
	v16 =	vshll.u32 v16, $0x4;
	[tilespmem:v12+s30+$0x0] =	vst.idx.add.f32.msk vm1, v19  }
0x182: {  	v51 =	vtrunc.f32 v33;
	v55 =	vmul.f32 $9.999999040e+00, v40;
	v56 =	vor.u32 v2, v16;
	[tilespmem:v12+s31+$0x0] =	vst.idx.add.s32.msk vm1, v53  }
0x183: {  	v54 =	vcvt.f32.s32 v51;
	v15 =	vshll.u32 v15, $0x4;
	vm1 =	vgt.f32 v6, $0.0e+00;
	[tilespmem:v48+s30+$0x0] =	vst.idx.add.f32.msk vm2, v43  }
0x184: {  	v10 =	vadd.s32 $0x4000, v10;
	v58 =	vtrunc.f32 v55;
	v59 =	vor.u32 v2, v15;
	[tilespmem:v48+s31+$0x0] =	vst.idx.add.s32.msk vm2, v11  }
0x185: {  	v57 =	vshll.u32 v54, $0x4;
	v60 =	vcvt.f32.s32 v58;
	vm2 =	vgt.f32 v4, $0.0e+00;
	[tilespmem:v52+s30+$0x0] =	vst.idx.add.f32.msk vm3, v41  }
0x186: {  	v61 =	vor.u32 v2, v57;
	[tilespmem:v52+s31+$0x0] =	vst.idx.add.s32.msk vm3, v10  }
0x187: {  	v5 =	vadd.s32 $0x4000, v5;
	v62 =	vshll.u32 v60, $0x4;
	vm0 =	vgt.f32 v40, $0.0e+00;
	[tilespmem:v56+s30+$0x0] =	vst.idx.add.f32.msk vm4, v8  }
0x188: {  	[tilespmem:v56+s31+$0x0] =	vst.idx.add.s32.msk vm4, v5;
	v5 =	vor.u32 v2, v62  }
0x189: {  	v63 =	vadd.s32 $0x4000, v9;
	[tilespmem:v59+s30+$0x0] =	vst.idx.add.f32.msk vm1, v6  }
0x18a: {  	[tilespmem:v59+s31+$0x0] =	vst.idx.add.s32.msk vm1, v63  }
0x18b: {  	v3 =	vadd.s32 $0x4000, v3;
	[tilespmem:v61+s30+$0x0] =	vst.idx.add.f32.msk vm2, v4  }
0x18c: {  	[tilespmem:v61+s31+$0x0] =	vst.idx.add.s32.msk vm2, v3  }
0x18d: {  	s5 =	simm.s32 $0x400;
	v3 =	vadd.s32 $0x4000, v7;
	[tilespmem:v5+s30+$0x0] =	vst.idx.add.f32.msk vm0, v40  }
.LBB2_6:
0x18e: {  	s6 =	sshra.s32 s5, $0x2;
	p0 =	sne.s32 s5, $0xFC00;
	s5 =	sadd.s32 $0x400, s5;
	[tilespmem:v5+s31+$0x0] =	vst.idx.add.s32.msk vm0, v3  }
0x18f: {  	v15 =	vld [tilespmem:s6+$0x8030]  }
0x190: {  	v19 =	vld [tilespmem:s6+$0x8020]  }
0x191: {  	v22 =	vld [tilespmem:s6+$0x8010]  }
0x192: {  	v5 =	vld [tilespmem:s6+$0x140C0]  }
0x193: {  	v12 =	vld [tilespmem:s6+$0x8070]  }
0x194: {  	v3 =	vld [tilespmem:s6+$0x140E0]  }
0x195: {  	v8 =	vmul.f32 $9.999999040e+00, v15;
	v4 =	vld [tilespmem:s6+$0x80E0];
	v6 =	vmul.f32 $9.999999040e+00, v19  }
0x196: {  	v7 =	vld [tilespmem:s6+$0x140B0];
	v10 =	vmul.f32 $9.999999040e+00, v22  }
0x197: {  	v13 =	vtrunc.f32 v8;
	v9 =	vld [tilespmem:s6+$0x140A0];
	v11 =	vtrunc.f32 v6  }
0x198: {  	v6 =	vld [tilespmem:s6+$0x80D0];
	v10 =	vtrunc.f32 v10;
	v11 =	vcvt.f32.s32 v11  }
0x199: {  	v13 =	vcvt.f32.s32 v13;
	v8 =	vld [tilespmem:s6+$0x80C0];
	v10 =	vcvt.f32.s32 v10  }
0x19a: {  	v16 =	vld [tilespmem:s6+$0x8060];
	v23 =	vshll.u32 v11, $0x4;
	v11 =	vmul.f32 $9.999999040e+00, v12;
	v14 =	vmul.f32 $9.999999040e+00, v4  }
0x19b: {  	v26 =	vshll.u32 v13, $0x4;
	v24 =	vld [tilespmem:s6+$0x14050];
	v25 =	vshll.u32 v10, $0x4  }
0x19c: {  	v17 =	vld [tilespmem:s6+$0x14010];
	v10 =	vtrunc.f32 v11;
	v13 =	vtrunc.f32 v14  }
0x19d: {  	v14 =	vld [tilespmem:s6+$0x8090];
	v10 =	vcvt.f32.s32 v10;
	v18 =	vmul.f32 $9.999999040e+00, v6  }
0x19e: {  	v13 =	vcvt.f32.s32 v13;
	v11 =	vld [tilespmem:s6+$0x140D0];
	v20 =	vmul.f32 $9.999999040e+00, v8  }
0x19f: {  	v27 =	vld [tilespmem:s6+$0x8000];
	v21 =	vmul.f32 $9.999999040e+00, v16;
	v28 =	vshll.u32 v10, $0x4;
	v18 =	vtrunc.f32 v18  }
0x1a0: {  	v13 =	vshll.u32 v13, $0x4;
	v10 =	vld [tilespmem:s6+$0x140F0];
	v29 =	vtrunc.f32 v20;
	v18 =	vcvt.f32.s32 v18  }
0x1a1: {  	v20 =	vld [tilespmem:s6+$0x14090];
	v30 =	vadd.s32 $0x4000, v17;
	v17 =	vtrunc.f32 v21;
	v21 =	vcvt.f32.s32 v29  }
0x1a2: {  	v29 =	vld [tilespmem:s6+$0x14080];
	v31 =	vcvt.f32.s32 v17;
	v32 =	vmul.f32 $9.999999040e+00, v14;
	v17 =	vshll.u32 v18, $0x4  }
0x1a3: {  	v33 =	vld [tilespmem:s6+$0x14070];
	v21 =	vshll.u32 v21, $0x4  }
0x1a4: {  	v34 =	vld [tilespmem:s6+$0x14060];
	v18 =	vmul.f32 $9.999999040e+00, v27;
	v31 =	vshll.u32 v31, $0x4;
	v32 =	vtrunc.f32 v32  }
0x1a5: {  	v35 =	vld [tilespmem:s6+$0x14040];
	v32 =	vcvt.f32.s32 v32  }
0x1a6: {  	v36 =	vld [tilespmem:s6+$0x14030];
	v18 =	vtrunc.f32 v18  }
0x1a7: {  	v37 =	vld [tilespmem:s6+$0x8040];
	v18 =	vcvt.f32.s32 v18;
	v32 =	vshll.u32 v32, $0x4  }
0x1a8: {  	v38 =	vld [tilespmem:s6+$0x14020]  }
0x1a9: {  	vm3 =	vgt.f32 v27, $0.0e+00;
	v39 =	vld [tilespmem:s6+$0x8050];
	v18 =	vshll.u32 v18, $0x4  }
0x1aa: {  	v40 =	vld [tilespmem:s6+$0x14000];
	v41 =	vor.u32 v2, v18  }
0x1ab: {  	vm4 =	vgt.f32 v22, $0.0e+00;
	v18 =	vld [tilespmem:s6+$0x80F0]  }
0x1ac: {  	vm0 =	vgt.f32 v12, $0.0e+00;
	v25 =	vor.u32 v2, v25;
	v42 =	vld [tilespmem:s6+$0x80B0];
	v43 =	vmul.f32 $9.999999040e+00, v37  }
0x1ad: {  	vm2 =	vgt.f32 v15, $0.0e+00;
	vm5 =	vgt.f32 v19, $0.0e+00;
	vm1 =	vgt.f32 v16, $0.0e+00;
	v44 =	vld [tilespmem:s6+$0x80A0]  }
0x1ae: {  	v23 =	vor.u32 v2, v23;
	v45 =	vld [tilespmem:s6+$0x8080];
	v43 =	vtrunc.f32 v43;
	v46 =	vmul.f32 $9.999999040e+00, v39  }
0x1af: {  	v26 =	vor.u32 v2, v26;
	v40 =	vadd.s32 $0x4000, v40;
	[tilespmem:v41+s30+$0x0] =	vst.idx.add.f32.msk vm3, v27;
	v27 =	vcvt.f32.s32 v43  }
0x1b0: {  	v38 =	vadd.s32 $0x4000, v38;
	[tilespmem:v41+s31+$0x0] =	vst.idx.add.s32.msk vm3, v40;
	vm3 =	vgt.f32 v37, $0.0e+00;
	v40 =	vtrunc.f32 v46  }
0x1b1: {  	[tilespmem:v25+s30+$0x0] =	vst.idx.add.f32.msk vm4, v22;
	v22 =	vshll.u32 v27, $0x4;
	v27 =	vcvt.f32.s32 v40;
	v40 =	vmul.f32 $9.999999040e+00, v42  }
0x1b2: {  	[tilespmem:v25+s31+$0x0] =	vst.idx.add.s32.msk vm4, v30;
	v22 =	vor.u32 v2, v22;
	vm4 =	vgt.f32 v39, $0.0e+00;
	v25 =	vmul.f32 $9.999999040e+00, v44  }
0x1b3: {  	[tilespmem:v23+s30+$0x0] =	vst.idx.add.f32.msk vm5, v19;
	v19 =	vshll.u32 v27, $0x4;
	v27 =	vmul.f32 $9.999999040e+00, v45;
	v30 =	vtrunc.f32 v40  }
0x1b4: {  	[tilespmem:v23+s31+$0x0] =	vst.idx.add.s32.msk vm5, v38;
	v19 =	vor.u32 v2, v19;
	v23 =	vtrunc.f32 v25;
	v25 =	vcvt.f32.s32 v30  }
0x1b5: {  	v30 =	vadd.s32 $0x4000, v36;
	[tilespmem:v26+s30+$0x0] =	vst.idx.add.f32.msk vm2, v15;
	v15 =	vtrunc.f32 v27;
	v23 =	vcvt.f32.s32 v23  }
0x1b6: {  	v27 =	vmul.f32 $9.999999040e+00, v18;
	[tilespmem:v26+s31+$0x0] =	vst.idx.add.s32.msk vm2, v30;
	v26 =	vor.u32 v2, v31;
	v25 =	vshll.u32 v25, $0x4  }
0x1b7: {  	v30 =	vadd.s32 $0x4000, v35;
	v15 =	vcvt.f32.s32 v15;
	[tilespmem:v22+s30+$0x0] =	vst.idx.add.f32.msk vm3, v37;
	v23 =	vshll.u32 v23, $0x4  }
0x1b8: {  	v27 =	vtrunc.f32 v27;
	[tilespmem:v22+s31+$0x0] =	vst.idx.add.s32.msk vm3, v30;
	v22 =	vadd.s32 $0x4000, v24;
	v24 =	vor.u32 v2, v28  }
0x1b9: {  	vm2 =	vgt.f32 v45, $0.0e+00;
	v15 =	vshll.u32 v15, $0x4;
	v27 =	vcvt.f32.s32 v27;
	[tilespmem:v19+s30+$0x0] =	vst.idx.add.f32.msk vm4, v39  }
0x1ba: {  	v15 =	vor.u32 v2, v15;
	[tilespmem:v19+s31+$0x0] =	vst.idx.add.s32.msk vm4, v22  }
0x1bb: {  	vm3 =	vgt.f32 v14, $0.0e+00;
	v19 =	vadd.s32 $0x4000, v34;
	[tilespmem:v26+s30+$0x0] =	vst.idx.add.f32.msk vm1, v16;
	v16 =	vshll.u32 v27, $0x4  }
0x1bc: {  	[tilespmem:v26+s31+$0x0] =	vst.idx.add.s32.msk vm1, v19;
	v19 =	vor.u32 v2, v32  }
0x1bd: {  	v22 =	vadd.s32 $0x4000, v33;
	vm1 =	vgt.f32 v44, $0.0e+00;
	[tilespmem:v24+s30+$0x0] =	vst.idx.add.f32.msk vm0, v12  }
0x1be: {  	v12 =	vor.u32 v2, v23;
	[tilespmem:v24+s31+$0x0] =	vst.idx.add.s32.msk vm0, v22  }
0x1bf: {  	v22 =	vadd.s32 $0x4000, v29;
	vm0 =	vgt.f32 v42, $0.0e+00;
	[tilespmem:v15+s30+$0x0] =	vst.idx.add.f32.msk vm2, v45  }
0x1c0: {  	[tilespmem:v15+s31+$0x0] =	vst.idx.add.s32.msk vm2, v22;
	v15 =	vor.u32 v2, v25  }
0x1c1: {  	v20 =	vadd.s32 $0x4000, v20;
	vm2 =	vgt.f32 v8, $0.0e+00;
	[tilespmem:v19+s30+$0x0] =	vst.idx.add.f32.msk vm3, v14  }
0x1c2: {  	v14 =	vor.u32 v2, v21;
	[tilespmem:v19+s31+$0x0] =	vst.idx.add.s32.msk vm3, v20  }
0x1c3: {  	v9 =	vadd.s32 $0x4000, v9;
	vm3 =	vgt.f32 v6, $0.0e+00;
	[tilespmem:v12+s30+$0x0] =	vst.idx.add.f32.msk vm1, v44  }
0x1c4: {  	[tilespmem:v12+s31+$0x0] =	vst.idx.add.s32.msk vm1, v9;
	v9 =	vor.u32 v2, v17  }
0x1c5: {  	v7 =	vadd.s32 $0x4000, v7;
	vm1 =	vgt.f32 v4, $0.0e+00;
	[tilespmem:v15+s30+$0x0] =	vst.idx.add.f32.msk vm0, v42  }
0x1c6: {  	[tilespmem:v15+s31+$0x0] =	vst.idx.add.s32.msk vm0, v7;
	v7 =	vor.u32 v2, v13  }
0x1c7: {  	v5 =	vadd.s32 $0x4000, v5;
	vm0 =	vgt.f32 v18, $0.0e+00;
	[tilespmem:v14+s30+$0x0] =	vst.idx.add.f32.msk vm2, v8  }
0x1c8: {  	[tilespmem:v14+s31+$0x0] =	vst.idx.add.s32.msk vm2, v5;
	v5 =	vor.u32 v2, v16  }
.Ltmp2:
0x1c9: {  	v8 =	vadd.s32 $0x4000, v11;
	[tilespmem:v9+s30+$0x0] =	vst.idx.add.f32.msk vm3, v6;
	(pc) =	sbr.rel @p0 .LBB2_6-.Ltmp2, $4  }
0x1ca: {  	[tilespmem:v9+s31+$0x0] =	vst.idx.add.s32.msk vm3, v8  }
0x1cb: {  	v3 =	vadd.s32 $0x4000, v3;
	[tilespmem:v7+s30+$0x0] =	vst.idx.add.f32.msk vm1, v4  }
0x1cc: {  	[tilespmem:v7+s31+$0x0] =	vst.idx.add.s32.msk vm1, v3  }
0x1cd: {  	v3 =	vadd.s32 $0x4000, v10;
	[tilespmem:v5+s30+$0x0] =	vst.idx.add.f32.msk vm0, v18  }
0x1ce: {  	_ =	sdelay $0x4  }
0x1cf: {  	[tilespmem:v5+s31+$0x0] =	vst.idx.add.s32.msk vm0, v3;
	s5 =	simm.s32 $0x0;
	s6 =	simm.s32 $0x8000  }
0x1d0: {  	[tilespmem:s6], [sflag:$0x3] =	stream.linear.gather [hbm4b:s13+s5], $0x4000, $0x38;
	[tilespmem:$0x18200] =	vst v63  }
0x1d1: {  	s6 =	simm.s32 $0x14000  }
0x1d2: {  	[tilespmem:s6], [sflag:$0x6] =	stream.linear.gather [hbm4b:s14+s5], $0x4000, $0x38;
	[tilespmem:$0x18200] =	vst v63  }
0x1d3: {  	_ =	swait.ge [sflag:s28], $0x4000  }
0x1d4: {  	[sflag:s28] =	ssyncset.done $0x0  }
0x1d5: {  	[sflag:s28] =	ssyncadd.s32 $0xFFFFC000  }
0x1d6: {  	_ =	swait.ge [sflag:s29], $0x4000  }
0x1d7: {  	[sflag:s29] =	ssyncset.done $0x0  }
0x1d8: {  	s6 =	simm.s32 $0x0;
	[sflag:s29] =	ssyncadd.s32 $0xFFFFC000  }
0x1d9: {  	v12 =	vld [tilespmem:s6+$0x30]  }
0x1da: {  	v13 =	vld [tilespmem:s6+$0x20]  }
0x1db: {  	v14 =	vld [tilespmem:s6+$0x10]  }
0x1dc: {  	v5 =	vld [tilespmem:s6+$0xC0C0]  }
0x1dd: {  	v15 =	vld [tilespmem:s6+$0x70]  }
0x1de: {  	v3 =	vld [tilespmem:s6+$0xC0E0]  }
0x1df: {  	v4 =	vld [tilespmem:s6+$0xE0]  }
0x1e0: {  	v10 =	vld [tilespmem:s6+$0xC0B0]  }
0x1e1: {  	v11 =	vld [tilespmem:s6+$0xC0A0]  }
0x1e2: {  	v6 =	vld [tilespmem:s6+$0xD0]  }
0x1e3: {  	v8 =	vld [tilespmem:s6+$0xC0]  }
0x1e4: {  	v16 =	vld [tilespmem:s6+$0x60]  }
0x1e5: {  	v17 =	vld [tilespmem:s6+$0xC050]  }
0x1e6: {  	v18 =	vld [tilespmem:s6+$0xC010]  }
0x1e7: {  	v19 =	vld [tilespmem:s6+$0x90]  }
0x1e8: {  	v20 =	vld [tilespmem:s6+$0x0]  }
0x1e9: {  	v9 =	vld [tilespmem:s6+$0xC0D0]  }
0x1ea: {  	v7 =	vld [tilespmem:s6+$0xC0F0]  }
0x1eb: {  	v23 =	vld [tilespmem:s6+$0xC090]  }
0x1ec: {  	v32 =	vld [tilespmem:s6+$0x40];
	v21 =	vmul.f32 $9.999999040e+00, v13;
	v22 =	vmul.f32 $9.999999040e+00, v12  }
0x1ed: {  	v25 =	vld [tilespmem:s6+$0xC080];
	v24 =	vmul.f32 $9.999999040e+00, v14;
	v28 =	vmul.f32 $9.999999040e+00, v20  }
0x1ee: {  	v35 =	vld [tilespmem:s6+$0x50];
	v31 =	vmul.f32 $9.999999040e+00, v15;
	v33 =	vmul.f32 $9.999999040e+00, v4  }
0x1ef: {  	v26 =	vld [tilespmem:s6+$0xC070];
	v36 =	vmul.f32 $9.999999040e+00, v6;
	v38 =	vmul.f32 $9.999999040e+00, v8  }
0x1f0: {  	v37 =	vld [tilespmem:s6+$0xC000];
	vm0 =	vgt.f32 v20, $0.0e+00;
	v39 =	vmul.f32 $9.999999040e+00, v16;
	v28 =	vtrunc.f32 v28  }
0x1f1: {  	v27 =	vld [tilespmem:s6+$0xC060];
	vm1 =	vgt.f32 v14, $0.0e+00;
	v42 =	vmul.f32 $9.999999040e+00, v32;
	v28 =	vcvt.f32.s32 v28  }
0x1f2: {  	v34 =	vld [tilespmem:s6+$0xC020];
	v18 =	vadd.s32 $0x4000, v18;
	vm2 =	vgt.f32 v13, $0.0e+00;
	v24 =	vtrunc.f32 v24  }
0x1f3: {  	v44 =	vld [tilespmem:s6+$0x80];
	v45 =	vmul.f32 $9.999999040e+00, v35;
	v24 =	vcvt.f32.s32 v24;
	v28 =	vshll.u32 v28, $0x4  }
0x1f4: {  	v30 =	vld [tilespmem:s6+$0xC030];
	vm3 =	vgt.f32 v12, $0.0e+00;
	v21 =	vtrunc.f32 v21;
	v28 =	vor.u32 v2, v28  }
0x1f5: {  	v43 =	vld [tilespmem:s6+$0xA0];
	v37 =	vadd.s32 $0x4000, v37;
	v21 =	vcvt.f32.s32 v21;
	v24 =	vshll.u32 v24, $0x4  }
0x1f6: {  	v29 =	vld [tilespmem:s6+$0xC040];
	v51 =	vmul.f32 $9.999999040e+00, v19;
	v22 =	vtrunc.f32 v22;
	v24 =	vor.u32 v2, v24  }
0x1f7: {  	v40 =	vld [tilespmem:s6+$0xF0];
	v57 =	vadd.s32 $0x4000, v34;
	v22 =	vcvt.f32.s32 v22;
	v21 =	vshll.u32 v21, $0x4  }
0x1f8: {  	v41 =	vld [tilespmem:s6+$0xB0];
	v60 =	vmul.f32 $9.999999040e+00, v44;
	v42 =	vtrunc.f32 v42;
	v21 =	vor.u32 v2, v21  }
0x1f9: {  	v62 =	vadd.s32 $0x4000, v30;
	v50 =	vcvt.f32.s32 v42;
	v22 =	vshll.u32 v22, $0x4;
	[tilespmem:v28+s30+$0x0] =	vst.idx.add.f32.msk vm0, v20  }
0x1fa: {  	v30 =	vmul.f32 $9.999999040e+00, v43;
	v52 =	vtrunc.f32 v45;
	v22 =	vor.u32 v2, v22;
	[tilespmem:v28+s31+$0x0] =	vst.idx.add.s32.msk vm0, v37  }
0x1fb: {  	v54 =	vcvt.f32.s32 v52;
	v53 =	vshll.u32 v50, $0x4;
	vm0 =	vgt.f32 v32, $0.0e+00;
	[tilespmem:v24+s30+$0x0] =	vst.idx.add.f32.msk vm1, v14  }
0x1fc: {  	v31 =	vtrunc.f32 v31;
	v39 =	vtrunc.f32 v39;
	v14 =	vor.u32 v2, v53;
	[tilespmem:v24+s31+$0x0] =	vst.idx.add.s32.msk vm1, v18  }
0x1fd: {  	v55 =	vcvt.f32.s32 v39;
	v58 =	vshll.u32 v54, $0x4;
	vm1 =	vgt.f32 v35, $0.0e+00;
	[tilespmem:v21+s30+$0x0] =	vst.idx.add.f32.msk vm2, v13  }
0x1fe: {  	v17 =	vadd.s32 $0x4000, v17;
	v31 =	vcvt.f32.s32 v31;
	v13 =	vor.u32 v2, v58;
	[tilespmem:v21+s31+$0x0] =	vst.idx.add.s32.msk vm2, v57  }
0x1ff: {  	v56 =	vtrunc.f32 v51;
	v61 =	vshll.u32 v55, $0x4;
	vm2 =	vgt.f32 v16, $0.0e+00;
	[tilespmem:v22+s30+$0x0] =	vst.idx.add.f32.msk vm3, v12  }
0x200: {  	v31 =	vshll.u32 v31, $0x4;
	v24 =	vtrunc.f32 v60;
	v18 =	vor.u32 v2, v61;
	[tilespmem:v22+s31+$0x0] =	vst.idx.add.s32.msk vm3, v62  }
0x201: {  	v28 =	vadd.s32 $0x4000, v29;
	v20 =	vcvt.f32.s32 v24;
	vm3 =	vgt.f32 v15, $0.0e+00;
	[tilespmem:v14+s30+$0x0] =	vst.idx.add.f32.msk vm0, v32  }
0x202: {  	v46 =	vadd.s32 $0x4000, v26;
	v59 =	vcvt.f32.s32 v56;
	v32 =	vor.u32 v2, v31;
	[tilespmem:v14+s31+$0x0] =	vst.idx.add.s32.msk vm0, v28  }
0x203: {  	v42 =	vadd.s32 $0x4000, v27;
	v20 =	vshll.u32 v20, $0x4;
	vm0 =	vgt.f32 v44, $0.0e+00;
	[tilespmem:v13+s30+$0x0] =	vst.idx.add.f32.msk vm1, v35  }
0x204: {  	v29 =	vmul.f32 $9.999999040e+00, v41;
	v37 =	vor.u32 v2, v20;
	v35 =	vtrunc.f32 v30;
	[tilespmem:v13+s31+$0x0] =	vst.idx.add.s32.msk vm1, v17  }
0x205: {  	v63 =	vshll.u32 v59, $0x4;
	v39 =	vcvt.f32.s32 v35;
	vm1 =	vgt.f32 v19, $0.0e+00;
	[tilespmem:v18+s30+$0x0] =	vst.idx.add.f32.msk vm2, v16  }
0x206: {  	vm4 =	vgt.f32 v8, $0.0e+00;
	v34 =	vtrunc.f32 v29;
	v12 =	vor.u32 v2, v63;
	[tilespmem:v18+s31+$0x0] =	vst.idx.add.s32.msk vm2, v42  }
0x207: {  	v21 =	vcvt.f32.s32 v34;
	v17 =	vshll.u32 v39, $0x4;
	vm2 =	vgt.f32 v43, $0.0e+00;
	[tilespmem:v32+s30+$0x0] =	vst.idx.add.f32.msk vm3, v15  }
0x208: {  	v45 =	vtrunc.f32 v38;
	v50 =	vadd.s32 $0x4000, v25;
	v48 =	vor.u32 v2, v17;
	[tilespmem:v32+s31+$0x0] =	vst.idx.add.s32.msk vm3, v46  }
0x209: {  	v49 =	vshll.u32 v21, $0x4;
	v16 =	vcvt.f32.s32 v45;
	vm3 =	vgt.f32 v41, $0.0e+00;
	[tilespmem:v37+s30+$0x0] =	vst.idx.add.f32.msk vm0, v44  }
0x20a: {  	v11 =	vadd.s32 $0x4000, v11;
	v47 =	vtrunc.f32 v36;
	v52 =	vor.u32 v2, v49;
	[tilespmem:v37+s31+$0x0] =	vst.idx.add.s32.msk vm0, v50  }
0x20b: {  	v53 =	vadd.s32 $0x4000, v23;
	v15 =	vcvt.f32.s32 v47;
	v16 =	vshll.u32 v16, $0x4;
	[tilespmem:v12+s30+$0x0] =	vst.idx.add.f32.msk vm1, v19  }
0x20c: {  	v51 =	vtrunc.f32 v33;
	v55 =	vmul.f32 $9.999999040e+00, v40;
	v56 =	vor.u32 v2, v16;
	[tilespmem:v12+s31+$0x0] =	vst.idx.add.s32.msk vm1, v53  }
0x20d: {  	v54 =	vcvt.f32.s32 v51;
	v15 =	vshll.u32 v15, $0x4;
	vm1 =	vgt.f32 v6, $0.0e+00;
	[tilespmem:v48+s30+$0x0] =	vst.idx.add.f32.msk vm2, v43  }
0x20e: {  	v10 =	vadd.s32 $0x4000, v10;
	v58 =	vtrunc.f32 v55;
	v59 =	vor.u32 v2, v15;
	[tilespmem:v48+s31+$0x0] =	vst.idx.add.s32.msk vm2, v11  }
0x20f: {  	v57 =	vshll.u32 v54, $0x4;
	v60 =	vcvt.f32.s32 v58;
	vm2 =	vgt.f32 v4, $0.0e+00;
	[tilespmem:v52+s30+$0x0] =	vst.idx.add.f32.msk vm3, v41  }
0x210: {  	v61 =	vor.u32 v2, v57;
	[tilespmem:v52+s31+$0x0] =	vst.idx.add.s32.msk vm3, v10  }
0x211: {  	v5 =	vadd.s32 $0x4000, v5;
	v62 =	vshll.u32 v60, $0x4;
	vm0 =	vgt.f32 v40, $0.0e+00;
	[tilespmem:v56+s30+$0x0] =	vst.idx.add.f32.msk vm4, v8  }
0x212: {  	[tilespmem:v56+s31+$0x0] =	vst.idx.add.s32.msk vm4, v5;
	v5 =	vor.u32 v2, v62  }
0x213: {  	v63 =	vadd.s32 $0x4000, v9;
	[tilespmem:v59+s30+$0x0] =	vst.idx.add.f32.msk vm1, v6  }
0x214: {  	[tilespmem:v59+s31+$0x0] =	vst.idx.add.s32.msk vm1, v63  }
0x215: {  	v3 =	vadd.s32 $0x4000, v3;
	[tilespmem:v61+s30+$0x0] =	vst.idx.add.f32.msk vm2, v4  }
0x216: {  	[tilespmem:v61+s31+$0x0] =	vst.idx.add.s32.msk vm2, v3  }
0x217: {  	s5 =	simm.s32 $0x400;
	v3 =	vadd.s32 $0x4000, v7;
	[tilespmem:v5+s30+$0x0] =	vst.idx.add.f32.msk vm0, v40  }
.LBB2_8:
0x218: {  	s6 =	sshra.s32 s5, $0x2;
	p0 =	sne.s32 s5, $0xFC00;
	s5 =	sadd.s32 $0x400, s5;
	[tilespmem:v5+s31+$0x0] =	vst.idx.add.s32.msk vm0, v3  }
0x219: {  	v15 =	vld [tilespmem:s6+$0x30]  }
0x21a: {  	v19 =	vld [tilespmem:s6+$0x20]  }
0x21b: {  	v22 =	vld [tilespmem:s6+$0x10]  }
0x21c: {  	v5 =	vld [tilespmem:s6+$0xC0C0]  }
0x21d: {  	v12 =	vld [tilespmem:s6+$0x70]  }
0x21e: {  	v3 =	vld [tilespmem:s6+$0xC0E0]  }
0x21f: {  	v8 =	vmul.f32 $9.999999040e+00, v15;
	v4 =	vld [tilespmem:s6+$0xE0];
	v6 =	vmul.f32 $9.999999040e+00, v19  }
0x220: {  	v7 =	vld [tilespmem:s6+$0xC0B0];
	v10 =	vmul.f32 $9.999999040e+00, v22  }
0x221: {  	v13 =	vtrunc.f32 v8;
	v9 =	vld [tilespmem:s6+$0xC0A0];
	v11 =	vtrunc.f32 v6  }
0x222: {  	v6 =	vld [tilespmem:s6+$0xD0];
	v10 =	vtrunc.f32 v10;
	v11 =	vcvt.f32.s32 v11  }
0x223: {  	v13 =	vcvt.f32.s32 v13;
	v8 =	vld [tilespmem:s6+$0xC0];
	v10 =	vcvt.f32.s32 v10  }
0x224: {  	v16 =	vld [tilespmem:s6+$0x60];
	v23 =	vshll.u32 v11, $0x4;
	v11 =	vmul.f32 $9.999999040e+00, v12;
	v14 =	vmul.f32 $9.999999040e+00, v4  }
0x225: {  	v26 =	vshll.u32 v13, $0x4;
	v24 =	vld [tilespmem:s6+$0xC050];
	v25 =	vshll.u32 v10, $0x4  }
0x226: {  	v17 =	vld [tilespmem:s6+$0xC010];
	v10 =	vtrunc.f32 v11;
	v13 =	vtrunc.f32 v14  }
0x227: {  	v14 =	vld [tilespmem:s6+$0x90];
	v10 =	vcvt.f32.s32 v10;
	v18 =	vmul.f32 $9.999999040e+00, v6  }
0x228: {  	v13 =	vcvt.f32.s32 v13;
	v11 =	vld [tilespmem:s6+$0xC0D0];
	v20 =	vmul.f32 $9.999999040e+00, v8  }
0x229: {  	v27 =	vld [tilespmem:s6+$0x0];
	v21 =	vmul.f32 $9.999999040e+00, v16;
	v28 =	vshll.u32 v10, $0x4;
	v18 =	vtrunc.f32 v18  }
0x22a: {  	v13 =	vshll.u32 v13, $0x4;
	v10 =	vld [tilespmem:s6+$0xC0F0];
	v29 =	vtrunc.f32 v20;
	v18 =	vcvt.f32.s32 v18  }
0x22b: {  	v20 =	vld [tilespmem:s6+$0xC090];
	v30 =	vadd.s32 $0x4000, v17;
	v17 =	vtrunc.f32 v21;
	v21 =	vcvt.f32.s32 v29  }
0x22c: {  	v29 =	vld [tilespmem:s6+$0xC080];
	v31 =	vcvt.f32.s32 v17;
	v32 =	vmul.f32 $9.999999040e+00, v14;
	v17 =	vshll.u32 v18, $0x4  }
0x22d: {  	v33 =	vld [tilespmem:s6+$0xC070];
	v21 =	vshll.u32 v21, $0x4  }
0x22e: {  	v34 =	vld [tilespmem:s6+$0xC060];
	v18 =	vmul.f32 $9.999999040e+00, v27;
	v31 =	vshll.u32 v31, $0x4;
	v32 =	vtrunc.f32 v32  }
0x22f: {  	v35 =	vld [tilespmem:s6+$0xC040];
	v32 =	vcvt.f32.s32 v32  }
0x230: {  	v36 =	vld [tilespmem:s6+$0xC030];
	v18 =	vtrunc.f32 v18  }
0x231: {  	v37 =	vld [tilespmem:s6+$0x40];
	v18 =	vcvt.f32.s32 v18;
	v32 =	vshll.u32 v32, $0x4  }
0x232: {  	v38 =	vld [tilespmem:s6+$0xC020]  }
0x233: {  	vm3 =	vgt.f32 v27, $0.0e+00;
	v39 =	vld [tilespmem:s6+$0x50];
	v18 =	vshll.u32 v18, $0x4  }
0x234: {  	v40 =	vld [tilespmem:s6+$0xC000];
	v41 =	vor.u32 v2, v18  }
0x235: {  	vm4 =	vgt.f32 v22, $0.0e+00;
	v18 =	vld [tilespmem:s6+$0xF0]  }
0x236: {  	vm0 =	vgt.f32 v12, $0.0e+00;
	v25 =	vor.u32 v2, v25;
	v42 =	vld [tilespmem:s6+$0xB0];
	v43 =	vmul.f32 $9.999999040e+00, v37  }
0x237: {  	vm2 =	vgt.f32 v15, $0.0e+00;
	vm5 =	vgt.f32 v19, $0.0e+00;
	vm1 =	vgt.f32 v16, $0.0e+00;
	v44 =	vld [tilespmem:s6+$0xA0]  }
0x238: {  	v23 =	vor.u32 v2, v23;
	v45 =	vld [tilespmem:s6+$0x80];
	v43 =	vtrunc.f32 v43;
	v46 =	vmul.f32 $9.999999040e+00, v39  }
0x239: {  	v26 =	vor.u32 v2, v26;
	v40 =	vadd.s32 $0x4000, v40;
	[tilespmem:v41+s30+$0x0] =	vst.idx.add.f32.msk vm3, v27;
	v27 =	vcvt.f32.s32 v43  }
0x23a: {  	v38 =	vadd.s32 $0x4000, v38;
	[tilespmem:v41+s31+$0x0] =	vst.idx.add.s32.msk vm3, v40;
	vm3 =	vgt.f32 v37, $0.0e+00;
	v40 =	vtrunc.f32 v46  }
0x23b: {  	[tilespmem:v25+s30+$0x0] =	vst.idx.add.f32.msk vm4, v22;
	v22 =	vshll.u32 v27, $0x4;
	v27 =	vcvt.f32.s32 v40;
	v40 =	vmul.f32 $9.999999040e+00, v42  }
0x23c: {  	[tilespmem:v25+s31+$0x0] =	vst.idx.add.s32.msk vm4, v30;
	v22 =	vor.u32 v2, v22;
	vm4 =	vgt.f32 v39, $0.0e+00;
	v25 =	vmul.f32 $9.999999040e+00, v44  }
0x23d: {  	[tilespmem:v23+s30+$0x0] =	vst.idx.add.f32.msk vm5, v19;
	v19 =	vshll.u32 v27, $0x4;
	v27 =	vmul.f32 $9.999999040e+00, v45;
	v30 =	vtrunc.f32 v40  }
0x23e: {  	[tilespmem:v23+s31+$0x0] =	vst.idx.add.s32.msk vm5, v38;
	v19 =	vor.u32 v2, v19;
	v23 =	vtrunc.f32 v25;
	v25 =	vcvt.f32.s32 v30  }
0x23f: {  	v30 =	vadd.s32 $0x4000, v36;
	[tilespmem:v26+s30+$0x0] =	vst.idx.add.f32.msk vm2, v15;
	v15 =	vtrunc.f32 v27;
	v23 =	vcvt.f32.s32 v23  }
0x240: {  	v27 =	vmul.f32 $9.999999040e+00, v18;
	[tilespmem:v26+s31+$0x0] =	vst.idx.add.s32.msk vm2, v30;
	v26 =	vor.u32 v2, v31;
	v25 =	vshll.u32 v25, $0x4  }
0x241: {  	v30 =	vadd.s32 $0x4000, v35;
	v15 =	vcvt.f32.s32 v15;
	[tilespmem:v22+s30+$0x0] =	vst.idx.add.f32.msk vm3, v37;
	v23 =	vshll.u32 v23, $0x4  }
0x242: {  	v27 =	vtrunc.f32 v27;
	[tilespmem:v22+s31+$0x0] =	vst.idx.add.s32.msk vm3, v30;
	v22 =	vadd.s32 $0x4000, v24;
	v24 =	vor.u32 v2, v28  }
0x243: {  	vm2 =	vgt.f32 v45, $0.0e+00;
	v15 =	vshll.u32 v15, $0x4;
	v27 =	vcvt.f32.s32 v27;
	[tilespmem:v19+s30+$0x0] =	vst.idx.add.f32.msk vm4, v39  }
0x244: {  	v15 =	vor.u32 v2, v15;
	[tilespmem:v19+s31+$0x0] =	vst.idx.add.s32.msk vm4, v22  }
0x245: {  	vm3 =	vgt.f32 v14, $0.0e+00;
	v19 =	vadd.s32 $0x4000, v34;
	[tilespmem:v26+s30+$0x0] =	vst.idx.add.f32.msk vm1, v16;
	v16 =	vshll.u32 v27, $0x4  }
0x246: {  	[tilespmem:v26+s31+$0x0] =	vst.idx.add.s32.msk vm1, v19;
	v19 =	vor.u32 v2, v32  }
0x247: {  	v22 =	vadd.s32 $0x4000, v33;
	vm1 =	vgt.f32 v44, $0.0e+00;
	[tilespmem:v24+s30+$0x0] =	vst.idx.add.f32.msk vm0, v12  }
0x248: {  	v12 =	vor.u32 v2, v23;
	[tilespmem:v24+s31+$0x0] =	vst.idx.add.s32.msk vm0, v22  }
0x249: {  	v22 =	vadd.s32 $0x4000, v29;
	vm0 =	vgt.f32 v42, $0.0e+00;
	[tilespmem:v15+s30+$0x0] =	vst.idx.add.f32.msk vm2, v45  }
0x24a: {  	[tilespmem:v15+s31+$0x0] =	vst.idx.add.s32.msk vm2, v22;
	v15 =	vor.u32 v2, v25  }
0x24b: {  	v20 =	vadd.s32 $0x4000, v20;
	vm2 =	vgt.f32 v8, $0.0e+00;
	[tilespmem:v19+s30+$0x0] =	vst.idx.add.f32.msk vm3, v14  }
0x24c: {  	v14 =	vor.u32 v2, v21;
	[tilespmem:v19+s31+$0x0] =	vst.idx.add.s32.msk vm3, v20  }
0x24d: {  	v9 =	vadd.s32 $0x4000, v9;
	vm3 =	vgt.f32 v6, $0.0e+00;
	[tilespmem:v12+s30+$0x0] =	vst.idx.add.f32.msk vm1, v44  }
0x24e: {  	[tilespmem:v12+s31+$0x0] =	vst.idx.add.s32.msk vm1, v9;
	v9 =	vor.u32 v2, v17  }
0x24f: {  	v7 =	vadd.s32 $0x4000, v7;
	vm1 =	vgt.f32 v4, $0.0e+00;
	[tilespmem:v15+s30+$0x0] =	vst.idx.add.f32.msk vm0, v42  }
0x250: {  	[tilespmem:v15+s31+$0x0] =	vst.idx.add.s32.msk vm0, v7;
	v7 =	vor.u32 v2, v13  }
0x251: {  	v5 =	vadd.s32 $0x4000, v5;
	vm0 =	vgt.f32 v18, $0.0e+00;
	[tilespmem:v14+s30+$0x0] =	vst.idx.add.f32.msk vm2, v8  }
0x252: {  	[tilespmem:v14+s31+$0x0] =	vst.idx.add.s32.msk vm2, v5;
	v5 =	vor.u32 v2, v16  }
.Ltmp3:
0x253: {  	v8 =	vadd.s32 $0x4000, v11;
	[tilespmem:v9+s30+$0x0] =	vst.idx.add.f32.msk vm3, v6;
	(pc) =	sbr.rel @p0 .LBB2_8-.Ltmp3, $4  }
0x254: {  	[tilespmem:v9+s31+$0x0] =	vst.idx.add.s32.msk vm3, v8  }
0x255: {  	v3 =	vadd.s32 $0x4000, v3;
	[tilespmem:v7+s30+$0x0] =	vst.idx.add.f32.msk vm1, v4  }
0x256: {  	[tilespmem:v7+s31+$0x0] =	vst.idx.add.s32.msk vm1, v3  }
0x257: {  	v3 =	vadd.s32 $0x4000, v10;
	[tilespmem:v5+s30+$0x0] =	vst.idx.add.f32.msk vm0, v18  }
0x258: {  	_ =	sdelay $0x4  }
0x259: {  	[tilespmem:v5+s31+$0x0] =	vst.idx.add.s32.msk vm0, v3;
	s5 =	simm.s32 $0x0  }
0x25a: {  	[tilespmem:s5], [sflag:$0x1] =	stream.linear.gather [hbm4b:s15+s5], $0x4000, $0x38;
	[tilespmem:$0x18200] =	vst v63  }
0x25b: {  	_ = 	snop  }
0x25c: {  	[tilespmem:s22], [sflag:$0x4] =	stream.linear.gather [hbm4b:s16+s5], $0x4000, $0x38;
	[tilespmem:$0x18200] =	vst v63  }
0x25d: {  	_ =	swait.ge [sflag:s0], $0x4000  }
0x25e: {  	[sflag:s0] =	ssyncset.done $0x0  }
0x25f: {  	[sflag:s0] =	ssyncadd.s32 $0xFFFFC000  }
0x260: {  	_ =	swait.ge [sflag:s1], $0x4000  }
0x261: {  	[sflag:s1] =	ssyncset.done $0x0  }
0x262: {  	s6 =	simm.s32 $0x0;
	[sflag:s1] =	ssyncadd.s32 $0xFFFFC000  }
0x263: {  	v12 =	vld [tilespmem:s6+$0x4030]  }
0x264: {  	v13 =	vld [tilespmem:s6+$0x4020]  }
0x265: {  	v14 =	vld [tilespmem:s6+$0x4010]  }
0x266: {  	v5 =	vld [tilespmem:s6+$0x100C0]  }
0x267: {  	v15 =	vld [tilespmem:s6+$0x4070]  }
0x268: {  	v3 =	vld [tilespmem:s6+$0x100E0]  }
0x269: {  	v4 =	vld [tilespmem:s6+$0x40E0]  }
0x26a: {  	v10 =	vld [tilespmem:s6+$0x100B0]  }
0x26b: {  	v11 =	vld [tilespmem:s6+$0x100A0]  }
0x26c: {  	v6 =	vld [tilespmem:s6+$0x40D0]  }
0x26d: {  	v8 =	vld [tilespmem:s6+$0x40C0]  }
0x26e: {  	v16 =	vld [tilespmem:s6+$0x4060]  }
0x26f: {  	v17 =	vld [tilespmem:s6+$0x10050]  }
0x270: {  	v18 =	vld [tilespmem:s6+$0x10010]  }
0x271: {  	v19 =	vld [tilespmem:s6+$0x4090]  }
0x272: {  	v20 =	vld [tilespmem:s6+$0x4000]  }
0x273: {  	v9 =	vld [tilespmem:s6+$0x100D0]  }
0x274: {  	v7 =	vld [tilespmem:s6+$0x100F0]  }
0x275: {  	v23 =	vld [tilespmem:s6+$0x10090]  }
0x276: {  	v32 =	vld [tilespmem:s6+$0x4040];
	v21 =	vmul.f32 $9.999999040e+00, v13;
	v22 =	vmul.f32 $9.999999040e+00, v12  }
0x277: {  	v25 =	vld [tilespmem:s6+$0x10080];
	v24 =	vmul.f32 $9.999999040e+00, v14;
	v28 =	vmul.f32 $9.999999040e+00, v20  }
0x278: {  	v35 =	vld [tilespmem:s6+$0x4050];
	v31 =	vmul.f32 $9.999999040e+00, v15;
	v33 =	vmul.f32 $9.999999040e+00, v4  }
0x279: {  	v26 =	vld [tilespmem:s6+$0x10070];
	v36 =	vmul.f32 $9.999999040e+00, v6;
	v38 =	vmul.f32 $9.999999040e+00, v8  }
0x27a: {  	v37 =	vld [tilespmem:s6+$0x10000];
	vm0 =	vgt.f32 v20, $0.0e+00;
	v39 =	vmul.f32 $9.999999040e+00, v16;
	v28 =	vtrunc.f32 v28  }
0x27b: {  	v27 =	vld [tilespmem:s6+$0x10060];
	vm1 =	vgt.f32 v14, $0.0e+00;
	v42 =	vmul.f32 $9.999999040e+00, v32;
	v28 =	vcvt.f32.s32 v28  }
0x27c: {  	v34 =	vld [tilespmem:s6+$0x10020];
	v18 =	vadd.s32 $0x4000, v18;
	vm2 =	vgt.f32 v13, $0.0e+00;
	v24 =	vtrunc.f32 v24  }
0x27d: {  	v44 =	vld [tilespmem:s6+$0x4080];
	v45 =	vmul.f32 $9.999999040e+00, v35;
	v24 =	vcvt.f32.s32 v24;
	v28 =	vshll.u32 v28, $0x4  }
0x27e: {  	v30 =	vld [tilespmem:s6+$0x10030];
	vm3 =	vgt.f32 v12, $0.0e+00;
	v21 =	vtrunc.f32 v21;
	v28 =	vor.u32 v2, v28  }
0x27f: {  	v43 =	vld [tilespmem:s6+$0x40A0];
	v37 =	vadd.s32 $0x4000, v37;
	v21 =	vcvt.f32.s32 v21;
	v24 =	vshll.u32 v24, $0x4  }
0x280: {  	v29 =	vld [tilespmem:s6+$0x10040];
	v51 =	vmul.f32 $9.999999040e+00, v19;
	v22 =	vtrunc.f32 v22;
	v24 =	vor.u32 v2, v24  }
0x281: {  	v40 =	vld [tilespmem:s6+$0x40F0];
	v57 =	vadd.s32 $0x4000, v34;
	v22 =	vcvt.f32.s32 v22;
	v21 =	vshll.u32 v21, $0x4  }
0x282: {  	v41 =	vld [tilespmem:s6+$0x40B0];
	v60 =	vmul.f32 $9.999999040e+00, v44;
	v42 =	vtrunc.f32 v42;
	v21 =	vor.u32 v2, v21  }
0x283: {  	v62 =	vadd.s32 $0x4000, v30;
	v50 =	vcvt.f32.s32 v42;
	v22 =	vshll.u32 v22, $0x4;
	[tilespmem:v28+s30+$0x0] =	vst.idx.add.f32.msk vm0, v20  }
0x284: {  	v30 =	vmul.f32 $9.999999040e+00, v43;
	v52 =	vtrunc.f32 v45;
	v22 =	vor.u32 v2, v22;
	[tilespmem:v28+s31+$0x0] =	vst.idx.add.s32.msk vm0, v37  }
0x285: {  	v54 =	vcvt.f32.s32 v52;
	v53 =	vshll.u32 v50, $0x4;
	vm0 =	vgt.f32 v32, $0.0e+00;
	[tilespmem:v24+s30+$0x0] =	vst.idx.add.f32.msk vm1, v14  }
0x286: {  	v31 =	vtrunc.f32 v31;
	v39 =	vtrunc.f32 v39;
	v14 =	vor.u32 v2, v53;
	[tilespmem:v24+s31+$0x0] =	vst.idx.add.s32.msk vm1, v18  }
0x287: {  	v55 =	vcvt.f32.s32 v39;
	v58 =	vshll.u32 v54, $0x4;
	vm1 =	vgt.f32 v35, $0.0e+00;
	[tilespmem:v21+s30+$0x0] =	vst.idx.add.f32.msk vm2, v13  }
0x288: {  	v17 =	vadd.s32 $0x4000, v17;
	v31 =	vcvt.f32.s32 v31;
	v13 =	vor.u32 v2, v58;
	[tilespmem:v21+s31+$0x0] =	vst.idx.add.s32.msk vm2, v57  }
0x289: {  	v56 =	vtrunc.f32 v51;
	v61 =	vshll.u32 v55, $0x4;
	vm2 =	vgt.f32 v16, $0.0e+00;
	[tilespmem:v22+s30+$0x0] =	vst.idx.add.f32.msk vm3, v12  }
0x28a: {  	v31 =	vshll.u32 v31, $0x4;
	v24 =	vtrunc.f32 v60;
	v18 =	vor.u32 v2, v61;
	[tilespmem:v22+s31+$0x0] =	vst.idx.add.s32.msk vm3, v62  }
0x28b: {  	v28 =	vadd.s32 $0x4000, v29;
	v20 =	vcvt.f32.s32 v24;
	vm3 =	vgt.f32 v15, $0.0e+00;
	[tilespmem:v14+s30+$0x0] =	vst.idx.add.f32.msk vm0, v32  }
0x28c: {  	v46 =	vadd.s32 $0x4000, v26;
	v59 =	vcvt.f32.s32 v56;
	v32 =	vor.u32 v2, v31;
	[tilespmem:v14+s31+$0x0] =	vst.idx.add.s32.msk vm0, v28  }
0x28d: {  	v42 =	vadd.s32 $0x4000, v27;
	v20 =	vshll.u32 v20, $0x4;
	vm0 =	vgt.f32 v44, $0.0e+00;
	[tilespmem:v13+s30+$0x0] =	vst.idx.add.f32.msk vm1, v35  }
0x28e: {  	v29 =	vmul.f32 $9.999999040e+00, v41;
	v37 =	vor.u32 v2, v20;
	v35 =	vtrunc.f32 v30;
	[tilespmem:v13+s31+$0x0] =	vst.idx.add.s32.msk vm1, v17  }
0x28f: {  	v63 =	vshll.u32 v59, $0x4;
	v39 =	vcvt.f32.s32 v35;
	vm1 =	vgt.f32 v19, $0.0e+00;
	[tilespmem:v18+s30+$0x0] =	vst.idx.add.f32.msk vm2, v16  }
0x290: {  	vm4 =	vgt.f32 v8, $0.0e+00;
	v34 =	vtrunc.f32 v29;
	v12 =	vor.u32 v2, v63;
	[tilespmem:v18+s31+$0x0] =	vst.idx.add.s32.msk vm2, v42  }
0x291: {  	v21 =	vcvt.f32.s32 v34;
	v17 =	vshll.u32 v39, $0x4;
	vm2 =	vgt.f32 v43, $0.0e+00;
	[tilespmem:v32+s30+$0x0] =	vst.idx.add.f32.msk vm3, v15  }
0x292: {  	v45 =	vtrunc.f32 v38;
	v50 =	vadd.s32 $0x4000, v25;
	v48 =	vor.u32 v2, v17;
	[tilespmem:v32+s31+$0x0] =	vst.idx.add.s32.msk vm3, v46  }
0x293: {  	v49 =	vshll.u32 v21, $0x4;
	v16 =	vcvt.f32.s32 v45;
	vm3 =	vgt.f32 v41, $0.0e+00;
	[tilespmem:v37+s30+$0x0] =	vst.idx.add.f32.msk vm0, v44  }
0x294: {  	v11 =	vadd.s32 $0x4000, v11;
	v47 =	vtrunc.f32 v36;
	v52 =	vor.u32 v2, v49;
	[tilespmem:v37+s31+$0x0] =	vst.idx.add.s32.msk vm0, v50  }
0x295: {  	v53 =	vadd.s32 $0x4000, v23;
	v15 =	vcvt.f32.s32 v47;
	v16 =	vshll.u32 v16, $0x4;
	[tilespmem:v12+s30+$0x0] =	vst.idx.add.f32.msk vm1, v19  }
0x296: {  	v51 =	vtrunc.f32 v33;
	v55 =	vmul.f32 $9.999999040e+00, v40;
	v56 =	vor.u32 v2, v16;
	[tilespmem:v12+s31+$0x0] =	vst.idx.add.s32.msk vm1, v53  }
0x297: {  	v54 =	vcvt.f32.s32 v51;
	v15 =	vshll.u32 v15, $0x4;
	vm1 =	vgt.f32 v6, $0.0e+00;
	[tilespmem:v48+s30+$0x0] =	vst.idx.add.f32.msk vm2, v43  }
0x298: {  	v10 =	vadd.s32 $0x4000, v10;
	v58 =	vtrunc.f32 v55;
	v59 =	vor.u32 v2, v15;
	[tilespmem:v48+s31+$0x0] =	vst.idx.add.s32.msk vm2, v11  }
0x299: {  	v57 =	vshll.u32 v54, $0x4;
	v60 =	vcvt.f32.s32 v58;
	vm2 =	vgt.f32 v4, $0.0e+00;
	[tilespmem:v52+s30+$0x0] =	vst.idx.add.f32.msk vm3, v41  }
0x29a: {  	v61 =	vor.u32 v2, v57;
	[tilespmem:v52+s31+$0x0] =	vst.idx.add.s32.msk vm3, v10  }
0x29b: {  	v5 =	vadd.s32 $0x4000, v5;
	v62 =	vshll.u32 v60, $0x4;
	vm0 =	vgt.f32 v40, $0.0e+00;
	[tilespmem:v56+s30+$0x0] =	vst.idx.add.f32.msk vm4, v8  }
0x29c: {  	[tilespmem:v56+s31+$0x0] =	vst.idx.add.s32.msk vm4, v5;
	v5 =	vor.u32 v2, v62  }
0x29d: {  	v63 =	vadd.s32 $0x4000, v9;
	[tilespmem:v59+s30+$0x0] =	vst.idx.add.f32.msk vm1, v6  }
0x29e: {  	[tilespmem:v59+s31+$0x0] =	vst.idx.add.s32.msk vm1, v63  }
0x29f: {  	v3 =	vadd.s32 $0x4000, v3;
	[tilespmem:v61+s30+$0x0] =	vst.idx.add.f32.msk vm2, v4  }
0x2a0: {  	[tilespmem:v61+s31+$0x0] =	vst.idx.add.s32.msk vm2, v3  }
0x2a1: {  	s5 =	simm.s32 $0x400;
	v3 =	vadd.s32 $0x4000, v7;
	[tilespmem:v5+s30+$0x0] =	vst.idx.add.f32.msk vm0, v40  }
.LBB2_10:
0x2a2: {  	s6 =	sshra.s32 s5, $0x2;
	p0 =	sne.s32 s5, $0xFC00;
	s5 =	sadd.s32 $0x400, s5;
	[tilespmem:v5+s31+$0x0] =	vst.idx.add.s32.msk vm0, v3  }
0x2a3: {  	v15 =	vld [tilespmem:s6+$0x4030]  }
0x2a4: {  	v19 =	vld [tilespmem:s6+$0x4020]  }
0x2a5: {  	v22 =	vld [tilespmem:s6+$0x4010]  }
0x2a6: {  	v5 =	vld [tilespmem:s6+$0x100C0]  }
0x2a7: {  	v12 =	vld [tilespmem:s6+$0x4070]  }
0x2a8: {  	v3 =	vld [tilespmem:s6+$0x100E0]  }
0x2a9: {  	v8 =	vmul.f32 $9.999999040e+00, v15;
	v4 =	vld [tilespmem:s6+$0x40E0];
	v6 =	vmul.f32 $9.999999040e+00, v19  }
0x2aa: {  	v7 =	vld [tilespmem:s6+$0x100B0];
	v10 =	vmul.f32 $9.999999040e+00, v22  }
0x2ab: {  	v13 =	vtrunc.f32 v8;
	v9 =	vld [tilespmem:s6+$0x100A0];
	v11 =	vtrunc.f32 v6  }
0x2ac: {  	v6 =	vld [tilespmem:s6+$0x40D0];
	v10 =	vtrunc.f32 v10;
	v11 =	vcvt.f32.s32 v11  }
0x2ad: {  	v13 =	vcvt.f32.s32 v13;
	v8 =	vld [tilespmem:s6+$0x40C0];
	v10 =	vcvt.f32.s32 v10  }
0x2ae: {  	v16 =	vld [tilespmem:s6+$0x4060];
	v23 =	vshll.u32 v11, $0x4;
	v11 =	vmul.f32 $9.999999040e+00, v12;
	v14 =	vmul.f32 $9.999999040e+00, v4  }
0x2af: {  	v26 =	vshll.u32 v13, $0x4;
	v24 =	vld [tilespmem:s6+$0x10050];
	v25 =	vshll.u32 v10, $0x4  }
0x2b0: {  	v17 =	vld [tilespmem:s6+$0x10010];
	v10 =	vtrunc.f32 v11;
	v13 =	vtrunc.f32 v14  }
0x2b1: {  	v14 =	vld [tilespmem:s6+$0x4090];
	v10 =	vcvt.f32.s32 v10;
	v18 =	vmul.f32 $9.999999040e+00, v6  }
0x2b2: {  	v13 =	vcvt.f32.s32 v13;
	v11 =	vld [tilespmem:s6+$0x100D0];
	v20 =	vmul.f32 $9.999999040e+00, v8  }
0x2b3: {  	v27 =	vld [tilespmem:s6+$0x4000];
	v21 =	vmul.f32 $9.999999040e+00, v16;
	v28 =	vshll.u32 v10, $0x4;
	v18 =	vtrunc.f32 v18  }
0x2b4: {  	v13 =	vshll.u32 v13, $0x4;
	v10 =	vld [tilespmem:s6+$0x100F0];
	v29 =	vtrunc.f32 v20;
	v18 =	vcvt.f32.s32 v18  }
0x2b5: {  	v20 =	vld [tilespmem:s6+$0x10090];
	v30 =	vadd.s32 $0x4000, v17;
	v17 =	vtrunc.f32 v21;
	v21 =	vcvt.f32.s32 v29  }
0x2b6: {  	v29 =	vld [tilespmem:s6+$0x10080];
	v31 =	vcvt.f32.s32 v17;
	v32 =	vmul.f32 $9.999999040e+00, v14;
	v17 =	vshll.u32 v18, $0x4  }
0x2b7: {  	v33 =	vld [tilespmem:s6+$0x10070];
	v21 =	vshll.u32 v21, $0x4  }
0x2b8: {  	v34 =	vld [tilespmem:s6+$0x10060];
	v18 =	vmul.f32 $9.999999040e+00, v27;
	v31 =	vshll.u32 v31, $0x4;
	v32 =	vtrunc.f32 v32  }
0x2b9: {  	v35 =	vld [tilespmem:s6+$0x10040];
	v32 =	vcvt.f32.s32 v32  }
0x2ba: {  	v36 =	vld [tilespmem:s6+$0x10030];
	v18 =	vtrunc.f32 v18  }
0x2bb: {  	v37 =	vld [tilespmem:s6+$0x4040];
	v18 =	vcvt.f32.s32 v18;
	v32 =	vshll.u32 v32, $0x4  }
0x2bc: {  	v38 =	vld [tilespmem:s6+$0x10020]  }
0x2bd: {  	vm3 =	vgt.f32 v27, $0.0e+00;
	v39 =	vld [tilespmem:s6+$0x4050];
	v18 =	vshll.u32 v18, $0x4  }
0x2be: {  	v40 =	vld [tilespmem:s6+$0x10000];
	v41 =	vor.u32 v2, v18  }
0x2bf: {  	vm4 =	vgt.f32 v22, $0.0e+00;
	v18 =	vld [tilespmem:s6+$0x40F0]  }
0x2c0: {  	vm0 =	vgt.f32 v12, $0.0e+00;
	v25 =	vor.u32 v2, v25;
	v42 =	vld [tilespmem:s6+$0x40B0];
	v43 =	vmul.f32 $9.999999040e+00, v37  }
0x2c1: {  	vm2 =	vgt.f32 v15, $0.0e+00;
	vm5 =	vgt.f32 v19, $0.0e+00;
	vm1 =	vgt.f32 v16, $0.0e+00;
	v44 =	vld [tilespmem:s6+$0x40A0]  }
0x2c2: {  	v23 =	vor.u32 v2, v23;
	v45 =	vld [tilespmem:s6+$0x4080];
	v43 =	vtrunc.f32 v43;
	v46 =	vmul.f32 $9.999999040e+00, v39  }
0x2c3: {  	v26 =	vor.u32 v2, v26;
	v40 =	vadd.s32 $0x4000, v40;
	[tilespmem:v41+s30+$0x0] =	vst.idx.add.f32.msk vm3, v27;
	v27 =	vcvt.f32.s32 v43  }
0x2c4: {  	v38 =	vadd.s32 $0x4000, v38;
	[tilespmem:v41+s31+$0x0] =	vst.idx.add.s32.msk vm3, v40;
	vm3 =	vgt.f32 v37, $0.0e+00;
	v40 =	vtrunc.f32 v46  }
0x2c5: {  	[tilespmem:v25+s30+$0x0] =	vst.idx.add.f32.msk vm4, v22;
	v22 =	vshll.u32 v27, $0x4;
	v27 =	vcvt.f32.s32 v40;
	v40 =	vmul.f32 $9.999999040e+00, v42  }
0x2c6: {  	[tilespmem:v25+s31+$0x0] =	vst.idx.add.s32.msk vm4, v30;
	v22 =	vor.u32 v2, v22;
	vm4 =	vgt.f32 v39, $0.0e+00;
	v25 =	vmul.f32 $9.999999040e+00, v44  }
0x2c7: {  	[tilespmem:v23+s30+$0x0] =	vst.idx.add.f32.msk vm5, v19;
	v19 =	vshll.u32 v27, $0x4;
	v27 =	vmul.f32 $9.999999040e+00, v45;
	v30 =	vtrunc.f32 v40  }
0x2c8: {  	[tilespmem:v23+s31+$0x0] =	vst.idx.add.s32.msk vm5, v38;
	v19 =	vor.u32 v2, v19;
	v23 =	vtrunc.f32 v25;
	v25 =	vcvt.f32.s32 v30  }
0x2c9: {  	v30 =	vadd.s32 $0x4000, v36;
	[tilespmem:v26+s30+$0x0] =	vst.idx.add.f32.msk vm2, v15;
	v15 =	vtrunc.f32 v27;
	v23 =	vcvt.f32.s32 v23  }
0x2ca: {  	v27 =	vmul.f32 $9.999999040e+00, v18;
	[tilespmem:v26+s31+$0x0] =	vst.idx.add.s32.msk vm2, v30;
	v26 =	vor.u32 v2, v31;
	v25 =	vshll.u32 v25, $0x4  }
0x2cb: {  	v30 =	vadd.s32 $0x4000, v35;
	v15 =	vcvt.f32.s32 v15;
	[tilespmem:v22+s30+$0x0] =	vst.idx.add.f32.msk vm3, v37;
	v23 =	vshll.u32 v23, $0x4  }
0x2cc: {  	v27 =	vtrunc.f32 v27;
	[tilespmem:v22+s31+$0x0] =	vst.idx.add.s32.msk vm3, v30;
	v22 =	vadd.s32 $0x4000, v24;
	v24 =	vor.u32 v2, v28  }
0x2cd: {  	vm2 =	vgt.f32 v45, $0.0e+00;
	v15 =	vshll.u32 v15, $0x4;
	v27 =	vcvt.f32.s32 v27;
	[tilespmem:v19+s30+$0x0] =	vst.idx.add.f32.msk vm4, v39  }
0x2ce: {  	v15 =	vor.u32 v2, v15;
	[tilespmem:v19+s31+$0x0] =	vst.idx.add.s32.msk vm4, v22  }
0x2cf: {  	vm3 =	vgt.f32 v14, $0.0e+00;
	v19 =	vadd.s32 $0x4000, v34;
	[tilespmem:v26+s30+$0x0] =	vst.idx.add.f32.msk vm1, v16;
	v16 =	vshll.u32 v27, $0x4  }
0x2d0: {  	[tilespmem:v26+s31+$0x0] =	vst.idx.add.s32.msk vm1, v19;
	v19 =	vor.u32 v2, v32  }
0x2d1: {  	v22 =	vadd.s32 $0x4000, v33;
	vm1 =	vgt.f32 v44, $0.0e+00;
	[tilespmem:v24+s30+$0x0] =	vst.idx.add.f32.msk vm0, v12  }
0x2d2: {  	v12 =	vor.u32 v2, v23;
	[tilespmem:v24+s31+$0x0] =	vst.idx.add.s32.msk vm0, v22  }
0x2d3: {  	v22 =	vadd.s32 $0x4000, v29;
	vm0 =	vgt.f32 v42, $0.0e+00;
	[tilespmem:v15+s30+$0x0] =	vst.idx.add.f32.msk vm2, v45  }
0x2d4: {  	[tilespmem:v15+s31+$0x0] =	vst.idx.add.s32.msk vm2, v22;
	v15 =	vor.u32 v2, v25  }
0x2d5: {  	v20 =	vadd.s32 $0x4000, v20;
	vm2 =	vgt.f32 v8, $0.0e+00;
	[tilespmem:v19+s30+$0x0] =	vst.idx.add.f32.msk vm3, v14  }
0x2d6: {  	v14 =	vor.u32 v2, v21;
	[tilespmem:v19+s31+$0x0] =	vst.idx.add.s32.msk vm3, v20  }
0x2d7: {  	v9 =	vadd.s32 $0x4000, v9;
	vm3 =	vgt.f32 v6, $0.0e+00;
	[tilespmem:v12+s30+$0x0] =	vst.idx.add.f32.msk vm1, v44  }
0x2d8: {  	[tilespmem:v12+s31+$0x0] =	vst.idx.add.s32.msk vm1, v9;
	v9 =	vor.u32 v2, v17  }
0x2d9: {  	v7 =	vadd.s32 $0x4000, v7;
	vm1 =	vgt.f32 v4, $0.0e+00;
	[tilespmem:v15+s30+$0x0] =	vst.idx.add.f32.msk vm0, v42  }
0x2da: {  	[tilespmem:v15+s31+$0x0] =	vst.idx.add.s32.msk vm0, v7;
	v7 =	vor.u32 v2, v13  }
0x2db: {  	v5 =	vadd.s32 $0x4000, v5;
	vm0 =	vgt.f32 v18, $0.0e+00;
	[tilespmem:v14+s30+$0x0] =	vst.idx.add.f32.msk vm2, v8  }
0x2dc: {  	[tilespmem:v14+s31+$0x0] =	vst.idx.add.s32.msk vm2, v5;
	v5 =	vor.u32 v2, v16  }
.Ltmp4:
0x2dd: {  	v8 =	vadd.s32 $0x4000, v11;
	[tilespmem:v9+s30+$0x0] =	vst.idx.add.f32.msk vm3, v6;
	(pc) =	sbr.rel @p0 .LBB2_10-.Ltmp4, $4  }
0x2de: {  	[tilespmem:v9+s31+$0x0] =	vst.idx.add.s32.msk vm3, v8  }
0x2df: {  	v3 =	vadd.s32 $0x4000, v3;
	[tilespmem:v7+s30+$0x0] =	vst.idx.add.f32.msk vm1, v4  }
0x2e0: {  	[tilespmem:v7+s31+$0x0] =	vst.idx.add.s32.msk vm1, v3  }
0x2e1: {  	v3 =	vadd.s32 $0x4000, v10;
	[tilespmem:v5+s30+$0x0] =	vst.idx.add.f32.msk vm0, v18  }
0x2e2: {  	_ =	sdelay $0x4  }
0x2e3: {  	[tilespmem:v5+s31+$0x0] =	vst.idx.add.s32.msk vm0, v3;
	s5 =	simm.s32 $0x0  }
0x2e4: {  	[tilespmem:s23], [sflag:$0x2] =	stream.linear.gather [hbm4b:s17+s5], $0x4000, $0x38;
	[tilespmem:$0x18200] =	vst v63  }
0x2e5: {  	_ = 	snop  }
0x2e6: {  	[tilespmem:s24], [sflag:$0x5] =	stream.linear.gather [hbm4b:s19+s5], $0x4000, $0x38;
	[tilespmem:$0x18200] =	vst v63  }
0x2e7: {  	_ =	swait.ge [sflag:s25], $0x4000  }
0x2e8: {  	[sflag:s25] =	ssyncset.done $0x0  }
0x2e9: {  	[sflag:s25] =	ssyncadd.s32 $0xFFFFC000  }
0x2ea: {  	_ =	swait.ge [sflag:s26], $0x4000  }
0x2eb: {  	[sflag:s26] =	ssyncset.done $0x0  }
0x2ec: {  	s6 =	simm.s32 $0x0;
	[sflag:s26] =	ssyncadd.s32 $0xFFFFC000  }
0x2ed: {  	v12 =	vld [tilespmem:s6+$0x8030]  }
0x2ee: {  	v13 =	vld [tilespmem:s6+$0x8020]  }
0x2ef: {  	v14 =	vld [tilespmem:s6+$0x8010]  }
0x2f0: {  	v5 =	vld [tilespmem:s6+$0x140C0]  }
0x2f1: {  	v15 =	vld [tilespmem:s6+$0x8070]  }
0x2f2: {  	v3 =	vld [tilespmem:s6+$0x140E0]  }
0x2f3: {  	v4 =	vld [tilespmem:s6+$0x80E0]  }
0x2f4: {  	v10 =	vld [tilespmem:s6+$0x140B0]  }
0x2f5: {  	v11 =	vld [tilespmem:s6+$0x140A0]  }
0x2f6: {  	v6 =	vld [tilespmem:s6+$0x80D0]  }
0x2f7: {  	v8 =	vld [tilespmem:s6+$0x80C0]  }
0x2f8: {  	v16 =	vld [tilespmem:s6+$0x8060]  }
0x2f9: {  	v17 =	vld [tilespmem:s6+$0x14050]  }
0x2fa: {  	v18 =	vld [tilespmem:s6+$0x14010]  }
0x2fb: {  	v19 =	vld [tilespmem:s6+$0x8090]  }
0x2fc: {  	v20 =	vld [tilespmem:s6+$0x8000]  }
0x2fd: {  	v9 =	vld [tilespmem:s6+$0x140D0]  }
0x2fe: {  	v7 =	vld [tilespmem:s6+$0x140F0]  }
0x2ff: {  	v23 =	vld [tilespmem:s6+$0x14090]  }
0x300: {  	v32 =	vld [tilespmem:s6+$0x8040];
	v21 =	vmul.f32 $9.999999040e+00, v13;
	v22 =	vmul.f32 $9.999999040e+00, v12  }
0x301: {  	v25 =	vld [tilespmem:s6+$0x14080];
	v24 =	vmul.f32 $9.999999040e+00, v14;
	v28 =	vmul.f32 $9.999999040e+00, v20  }
0x302: {  	v35 =	vld [tilespmem:s6+$0x8050];
	v31 =	vmul.f32 $9.999999040e+00, v15;
	v33 =	vmul.f32 $9.999999040e+00, v4  }
0x303: {  	v26 =	vld [tilespmem:s6+$0x14070];
	v36 =	vmul.f32 $9.999999040e+00, v6;
	v38 =	vmul.f32 $9.999999040e+00, v8  }
0x304: {  	v37 =	vld [tilespmem:s6+$0x14000];
	vm0 =	vgt.f32 v20, $0.0e+00;
	v39 =	vmul.f32 $9.999999040e+00, v16;
	v28 =	vtrunc.f32 v28  }
0x305: {  	v27 =	vld [tilespmem:s6+$0x14060];
	vm1 =	vgt.f32 v14, $0.0e+00;
	v42 =	vmul.f32 $9.999999040e+00, v32;
	v28 =	vcvt.f32.s32 v28  }
0x306: {  	v34 =	vld [tilespmem:s6+$0x14020];
	v18 =	vadd.s32 $0x4000, v18;
	vm2 =	vgt.f32 v13, $0.0e+00;
	v24 =	vtrunc.f32 v24  }
0x307: {  	v44 =	vld [tilespmem:s6+$0x8080];
	v45 =	vmul.f32 $9.999999040e+00, v35;
	v24 =	vcvt.f32.s32 v24;
	v28 =	vshll.u32 v28, $0x4  }
0x308: {  	v30 =	vld [tilespmem:s6+$0x14030];
	vm3 =	vgt.f32 v12, $0.0e+00;
	v21 =	vtrunc.f32 v21;
	v28 =	vor.u32 v2, v28  }
0x309: {  	v43 =	vld [tilespmem:s6+$0x80A0];
	v37 =	vadd.s32 $0x4000, v37;
	v21 =	vcvt.f32.s32 v21;
	v24 =	vshll.u32 v24, $0x4  }
0x30a: {  	v29 =	vld [tilespmem:s6+$0x14040];
	v51 =	vmul.f32 $9.999999040e+00, v19;
	v22 =	vtrunc.f32 v22;
	v24 =	vor.u32 v2, v24  }
0x30b: {  	v40 =	vld [tilespmem:s6+$0x80F0];
	v57 =	vadd.s32 $0x4000, v34;
	v22 =	vcvt.f32.s32 v22;
	v21 =	vshll.u32 v21, $0x4  }
0x30c: {  	v41 =	vld [tilespmem:s6+$0x80B0];
	v60 =	vmul.f32 $9.999999040e+00, v44;
	v42 =	vtrunc.f32 v42;
	v21 =	vor.u32 v2, v21  }
0x30d: {  	v62 =	vadd.s32 $0x4000, v30;
	v50 =	vcvt.f32.s32 v42;
	v22 =	vshll.u32 v22, $0x4;
	[tilespmem:v28+s30+$0x0] =	vst.idx.add.f32.msk vm0, v20  }
0x30e: {  	v30 =	vmul.f32 $9.999999040e+00, v43;
	v52 =	vtrunc.f32 v45;
	v22 =	vor.u32 v2, v22;
	[tilespmem:v28+s31+$0x0] =	vst.idx.add.s32.msk vm0, v37  }
0x30f: {  	v54 =	vcvt.f32.s32 v52;
	v53 =	vshll.u32 v50, $0x4;
	vm0 =	vgt.f32 v32, $0.0e+00;
	[tilespmem:v24+s30+$0x0] =	vst.idx.add.f32.msk vm1, v14  }
0x310: {  	v31 =	vtrunc.f32 v31;
	v39 =	vtrunc.f32 v39;
	v14 =	vor.u32 v2, v53;
	[tilespmem:v24+s31+$0x0] =	vst.idx.add.s32.msk vm1, v18  }
0x311: {  	v55 =	vcvt.f32.s32 v39;
	v58 =	vshll.u32 v54, $0x4;
	vm1 =	vgt.f32 v35, $0.0e+00;
	[tilespmem:v21+s30+$0x0] =	vst.idx.add.f32.msk vm2, v13  }
0x312: {  	v17 =	vadd.s32 $0x4000, v17;
	v31 =	vcvt.f32.s32 v31;
	v13 =	vor.u32 v2, v58;
	[tilespmem:v21+s31+$0x0] =	vst.idx.add.s32.msk vm2, v57  }
0x313: {  	v56 =	vtrunc.f32 v51;
	v61 =	vshll.u32 v55, $0x4;
	vm2 =	vgt.f32 v16, $0.0e+00;
	[tilespmem:v22+s30+$0x0] =	vst.idx.add.f32.msk vm3, v12  }
0x314: {  	v31 =	vshll.u32 v31, $0x4;
	v24 =	vtrunc.f32 v60;
	v18 =	vor.u32 v2, v61;
	[tilespmem:v22+s31+$0x0] =	vst.idx.add.s32.msk vm3, v62  }
0x315: {  	v28 =	vadd.s32 $0x4000, v29;
	v20 =	vcvt.f32.s32 v24;
	vm3 =	vgt.f32 v15, $0.0e+00;
	[tilespmem:v14+s30+$0x0] =	vst.idx.add.f32.msk vm0, v32  }
0x316: {  	v46 =	vadd.s32 $0x4000, v26;
	v59 =	vcvt.f32.s32 v56;
	v32 =	vor.u32 v2, v31;
	[tilespmem:v14+s31+$0x0] =	vst.idx.add.s32.msk vm0, v28  }
0x317: {  	v42 =	vadd.s32 $0x4000, v27;
	v20 =	vshll.u32 v20, $0x4;
	vm0 =	vgt.f32 v44, $0.0e+00;
	[tilespmem:v13+s30+$0x0] =	vst.idx.add.f32.msk vm1, v35  }
0x318: {  	v29 =	vmul.f32 $9.999999040e+00, v41;
	v37 =	vor.u32 v2, v20;
	v35 =	vtrunc.f32 v30;
	[tilespmem:v13+s31+$0x0] =	vst.idx.add.s32.msk vm1, v17  }
0x319: {  	v63 =	vshll.u32 v59, $0x4;
	v39 =	vcvt.f32.s32 v35;
	vm1 =	vgt.f32 v19, $0.0e+00;
	[tilespmem:v18+s30+$0x0] =	vst.idx.add.f32.msk vm2, v16  }
0x31a: {  	vm4 =	vgt.f32 v8, $0.0e+00;
	v34 =	vtrunc.f32 v29;
	v12 =	vor.u32 v2, v63;
	[tilespmem:v18+s31+$0x0] =	vst.idx.add.s32.msk vm2, v42  }
0x31b: {  	v21 =	vcvt.f32.s32 v34;
	v17 =	vshll.u32 v39, $0x4;
	vm2 =	vgt.f32 v43, $0.0e+00;
	[tilespmem:v32+s30+$0x0] =	vst.idx.add.f32.msk vm3, v15  }
0x31c: {  	v45 =	vtrunc.f32 v38;
	v50 =	vadd.s32 $0x4000, v25;
	v48 =	vor.u32 v2, v17;
	[tilespmem:v32+s31+$0x0] =	vst.idx.add.s32.msk vm3, v46  }
0x31d: {  	v49 =	vshll.u32 v21, $0x4;
	v16 =	vcvt.f32.s32 v45;
	vm3 =	vgt.f32 v41, $0.0e+00;
	[tilespmem:v37+s30+$0x0] =	vst.idx.add.f32.msk vm0, v44  }
0x31e: {  	v11 =	vadd.s32 $0x4000, v11;
	v47 =	vtrunc.f32 v36;
	v52 =	vor.u32 v2, v49;
	[tilespmem:v37+s31+$0x0] =	vst.idx.add.s32.msk vm0, v50  }
0x31f: {  	v53 =	vadd.s32 $0x4000, v23;
	v15 =	vcvt.f32.s32 v47;
	v16 =	vshll.u32 v16, $0x4;
	[tilespmem:v12+s30+$0x0] =	vst.idx.add.f32.msk vm1, v19  }
0x320: {  	v51 =	vtrunc.f32 v33;
	v55 =	vmul.f32 $9.999999040e+00, v40;
	v56 =	vor.u32 v2, v16;
	[tilespmem:v12+s31+$0x0] =	vst.idx.add.s32.msk vm1, v53  }
0x321: {  	v54 =	vcvt.f32.s32 v51;
	v15 =	vshll.u32 v15, $0x4;
	vm1 =	vgt.f32 v6, $0.0e+00;
	[tilespmem:v48+s30+$0x0] =	vst.idx.add.f32.msk vm2, v43  }
0x322: {  	v10 =	vadd.s32 $0x4000, v10;
	v58 =	vtrunc.f32 v55;
	v59 =	vor.u32 v2, v15;
	[tilespmem:v48+s31+$0x0] =	vst.idx.add.s32.msk vm2, v11  }
0x323: {  	v57 =	vshll.u32 v54, $0x4;
	v60 =	vcvt.f32.s32 v58;
	vm2 =	vgt.f32 v4, $0.0e+00;
	[tilespmem:v52+s30+$0x0] =	vst.idx.add.f32.msk vm3, v41  }
0x324: {  	v61 =	vor.u32 v2, v57;
	[tilespmem:v52+s31+$0x0] =	vst.idx.add.s32.msk vm3, v10  }
0x325: {  	v5 =	vadd.s32 $0x4000, v5;
	v62 =	vshll.u32 v60, $0x4;
	vm0 =	vgt.f32 v40, $0.0e+00;
	[tilespmem:v56+s30+$0x0] =	vst.idx.add.f32.msk vm4, v8  }
0x326: {  	[tilespmem:v56+s31+$0x0] =	vst.idx.add.s32.msk vm4, v5;
	v5 =	vor.u32 v2, v62  }
0x327: {  	v63 =	vadd.s32 $0x4000, v9;
	[tilespmem:v59+s30+$0x0] =	vst.idx.add.f32.msk vm1, v6  }
0x328: {  	[tilespmem:v59+s31+$0x0] =	vst.idx.add.s32.msk vm1, v63  }
0x329: {  	v3 =	vadd.s32 $0x4000, v3;
	[tilespmem:v61+s30+$0x0] =	vst.idx.add.f32.msk vm2, v4  }
0x32a: {  	[tilespmem:v61+s31+$0x0] =	vst.idx.add.s32.msk vm2, v3  }
0x32b: {  	s5 =	simm.s32 $0x400;
	v3 =	vadd.s32 $0x4000, v7;
	[tilespmem:v5+s30+$0x0] =	vst.idx.add.f32.msk vm0, v40  }
.LBB2_12:
0x32c: {  	s6 =	sshra.s32 s5, $0x2;
	p0 =	sne.s32 s5, $0xFC00;
	s5 =	sadd.s32 $0x400, s5;
	[tilespmem:v5+s31+$0x0] =	vst.idx.add.s32.msk vm0, v3  }
0x32d: {  	v15 =	vld [tilespmem:s6+$0x8030]  }
0x32e: {  	v19 =	vld [tilespmem:s6+$0x8020]  }
0x32f: {  	v22 =	vld [tilespmem:s6+$0x8010]  }
0x330: {  	v5 =	vld [tilespmem:s6+$0x140C0]  }
0x331: {  	v12 =	vld [tilespmem:s6+$0x8070]  }
0x332: {  	v3 =	vld [tilespmem:s6+$0x140E0]  }
0x333: {  	v8 =	vmul.f32 $9.999999040e+00, v15;
	v4 =	vld [tilespmem:s6+$0x80E0];
	v6 =	vmul.f32 $9.999999040e+00, v19  }
0x334: {  	v7 =	vld [tilespmem:s6+$0x140B0];
	v10 =	vmul.f32 $9.999999040e+00, v22  }
0x335: {  	v13 =	vtrunc.f32 v8;
	v9 =	vld [tilespmem:s6+$0x140A0];
	v11 =	vtrunc.f32 v6  }
0x336: {  	v6 =	vld [tilespmem:s6+$0x80D0];
	v10 =	vtrunc.f32 v10;
	v11 =	vcvt.f32.s32 v11  }
0x337: {  	v13 =	vcvt.f32.s32 v13;
	v8 =	vld [tilespmem:s6+$0x80C0];
	v10 =	vcvt.f32.s32 v10  }
0x338: {  	v16 =	vld [tilespmem:s6+$0x8060];
	v23 =	vshll.u32 v11, $0x4;
	v11 =	vmul.f32 $9.999999040e+00, v12;
	v14 =	vmul.f32 $9.999999040e+00, v4  }
0x339: {  	v26 =	vshll.u32 v13, $0x4;
	v24 =	vld [tilespmem:s6+$0x14050];
	v25 =	vshll.u32 v10, $0x4  }
0x33a: {  	v17 =	vld [tilespmem:s6+$0x14010];
	v10 =	vtrunc.f32 v11;
	v13 =	vtrunc.f32 v14  }
0x33b: {  	v14 =	vld [tilespmem:s6+$0x8090];
	v10 =	vcvt.f32.s32 v10;
	v18 =	vmul.f32 $9.999999040e+00, v6  }
0x33c: {  	v13 =	vcvt.f32.s32 v13;
	v11 =	vld [tilespmem:s6+$0x140D0];
	v20 =	vmul.f32 $9.999999040e+00, v8  }
0x33d: {  	v27 =	vld [tilespmem:s6+$0x8000];
	v21 =	vmul.f32 $9.999999040e+00, v16;
	v28 =	vshll.u32 v10, $0x4;
	v18 =	vtrunc.f32 v18  }
0x33e: {  	v13 =	vshll.u32 v13, $0x4;
	v10 =	vld [tilespmem:s6+$0x140F0];
	v29 =	vtrunc.f32 v20;
	v18 =	vcvt.f32.s32 v18  }
0x33f: {  	v20 =	vld [tilespmem:s6+$0x14090];
	v30 =	vadd.s32 $0x4000, v17;
	v17 =	vtrunc.f32 v21;
	v21 =	vcvt.f32.s32 v29  }
0x340: {  	v29 =	vld [tilespmem:s6+$0x14080];
	v31 =	vcvt.f32.s32 v17;
	v32 =	vmul.f32 $9.999999040e+00, v14;
	v17 =	vshll.u32 v18, $0x4  }
0x341: {  	v33 =	vld [tilespmem:s6+$0x14070];
	v21 =	vshll.u32 v21, $0x4  }
0x342: {  	v34 =	vld [tilespmem:s6+$0x14060];
	v18 =	vmul.f32 $9.999999040e+00, v27;
	v31 =	vshll.u32 v31, $0x4;
	v32 =	vtrunc.f32 v32  }
0x343: {  	v35 =	vld [tilespmem:s6+$0x14040];
	v32 =	vcvt.f32.s32 v32  }
0x344: {  	v36 =	vld [tilespmem:s6+$0x14030];
	v18 =	vtrunc.f32 v18  }
0x345: {  	v37 =	vld [tilespmem:s6+$0x8040];
	v18 =	vcvt.f32.s32 v18;
	v32 =	vshll.u32 v32, $0x4  }
0x346: {  	v38 =	vld [tilespmem:s6+$0x14020]  }
0x347: {  	vm3 =	vgt.f32 v27, $0.0e+00;
	v39 =	vld [tilespmem:s6+$0x8050];
	v18 =	vshll.u32 v18, $0x4  }
0x348: {  	v40 =	vld [tilespmem:s6+$0x14000];
	v41 =	vor.u32 v2, v18  }
0x349: {  	vm4 =	vgt.f32 v22, $0.0e+00;
	v18 =	vld [tilespmem:s6+$0x80F0]  }
0x34a: {  	vm0 =	vgt.f32 v12, $0.0e+00;
	v25 =	vor.u32 v2, v25;
	v42 =	vld [tilespmem:s6+$0x80B0];
	v43 =	vmul.f32 $9.999999040e+00, v37  }
0x34b: {  	vm2 =	vgt.f32 v15, $0.0e+00;
	vm5 =	vgt.f32 v19, $0.0e+00;
	vm1 =	vgt.f32 v16, $0.0e+00;
	v44 =	vld [tilespmem:s6+$0x80A0]  }
0x34c: {  	v23 =	vor.u32 v2, v23;
	v45 =	vld [tilespmem:s6+$0x8080];
	v43 =	vtrunc.f32 v43;
	v46 =	vmul.f32 $9.999999040e+00, v39  }
0x34d: {  	v26 =	vor.u32 v2, v26;
	v40 =	vadd.s32 $0x4000, v40;
	[tilespmem:v41+s30+$0x0] =	vst.idx.add.f32.msk vm3, v27;
	v27 =	vcvt.f32.s32 v43  }
0x34e: {  	v38 =	vadd.s32 $0x4000, v38;
	[tilespmem:v41+s31+$0x0] =	vst.idx.add.s32.msk vm3, v40;
	vm3 =	vgt.f32 v37, $0.0e+00;
	v40 =	vtrunc.f32 v46  }
0x34f: {  	[tilespmem:v25+s30+$0x0] =	vst.idx.add.f32.msk vm4, v22;
	v22 =	vshll.u32 v27, $0x4;
	v27 =	vcvt.f32.s32 v40;
	v40 =	vmul.f32 $9.999999040e+00, v42  }
0x350: {  	[tilespmem:v25+s31+$0x0] =	vst.idx.add.s32.msk vm4, v30;
	v22 =	vor.u32 v2, v22;
	vm4 =	vgt.f32 v39, $0.0e+00;
	v25 =	vmul.f32 $9.999999040e+00, v44  }
0x351: {  	[tilespmem:v23+s30+$0x0] =	vst.idx.add.f32.msk vm5, v19;
	v19 =	vshll.u32 v27, $0x4;
	v27 =	vmul.f32 $9.999999040e+00, v45;
	v30 =	vtrunc.f32 v40  }
0x352: {  	[tilespmem:v23+s31+$0x0] =	vst.idx.add.s32.msk vm5, v38;
	v19 =	vor.u32 v2, v19;
	v23 =	vtrunc.f32 v25;
	v25 =	vcvt.f32.s32 v30  }
0x353: {  	v30 =	vadd.s32 $0x4000, v36;
	[tilespmem:v26+s30+$0x0] =	vst.idx.add.f32.msk vm2, v15;
	v15 =	vtrunc.f32 v27;
	v23 =	vcvt.f32.s32 v23  }
0x354: {  	v27 =	vmul.f32 $9.999999040e+00, v18;
	[tilespmem:v26+s31+$0x0] =	vst.idx.add.s32.msk vm2, v30;
	v26 =	vor.u32 v2, v31;
	v25 =	vshll.u32 v25, $0x4  }
0x355: {  	v30 =	vadd.s32 $0x4000, v35;
	v15 =	vcvt.f32.s32 v15;
	[tilespmem:v22+s30+$0x0] =	vst.idx.add.f32.msk vm3, v37;
	v23 =	vshll.u32 v23, $0x4  }
0x356: {  	v27 =	vtrunc.f32 v27;
	[tilespmem:v22+s31+$0x0] =	vst.idx.add.s32.msk vm3, v30;
	v22 =	vadd.s32 $0x4000, v24;
	v24 =	vor.u32 v2, v28  }
0x357: {  	vm2 =	vgt.f32 v45, $0.0e+00;
	v15 =	vshll.u32 v15, $0x4;
	v27 =	vcvt.f32.s32 v27;
	[tilespmem:v19+s30+$0x0] =	vst.idx.add.f32.msk vm4, v39  }
0x358: {  	v15 =	vor.u32 v2, v15;
	[tilespmem:v19+s31+$0x0] =	vst.idx.add.s32.msk vm4, v22  }
0x359: {  	vm3 =	vgt.f32 v14, $0.0e+00;
	v19 =	vadd.s32 $0x4000, v34;
	[tilespmem:v26+s30+$0x0] =	vst.idx.add.f32.msk vm1, v16;
	v16 =	vshll.u32 v27, $0x4  }
0x35a: {  	[tilespmem:v26+s31+$0x0] =	vst.idx.add.s32.msk vm1, v19;
	v19 =	vor.u32 v2, v32  }
0x35b: {  	v22 =	vadd.s32 $0x4000, v33;
	vm1 =	vgt.f32 v44, $0.0e+00;
	[tilespmem:v24+s30+$0x0] =	vst.idx.add.f32.msk vm0, v12  }
0x35c: {  	v12 =	vor.u32 v2, v23;
	[tilespmem:v24+s31+$0x0] =	vst.idx.add.s32.msk vm0, v22  }
0x35d: {  	v22 =	vadd.s32 $0x4000, v29;
	vm0 =	vgt.f32 v42, $0.0e+00;
	[tilespmem:v15+s30+$0x0] =	vst.idx.add.f32.msk vm2, v45  }
0x35e: {  	[tilespmem:v15+s31+$0x0] =	vst.idx.add.s32.msk vm2, v22;
	v15 =	vor.u32 v2, v25  }
0x35f: {  	v20 =	vadd.s32 $0x4000, v20;
	vm2 =	vgt.f32 v8, $0.0e+00;
	[tilespmem:v19+s30+$0x0] =	vst.idx.add.f32.msk vm3, v14  }
0x360: {  	v14 =	vor.u32 v2, v21;
	[tilespmem:v19+s31+$0x0] =	vst.idx.add.s32.msk vm3, v20  }
0x361: {  	v9 =	vadd.s32 $0x4000, v9;
	vm3 =	vgt.f32 v6, $0.0e+00;
	[tilespmem:v12+s30+$0x0] =	vst.idx.add.f32.msk vm1, v44  }
0x362: {  	[tilespmem:v12+s31+$0x0] =	vst.idx.add.s32.msk vm1, v9;
	v9 =	vor.u32 v2, v17  }
0x363: {  	v7 =	vadd.s32 $0x4000, v7;
	vm1 =	vgt.f32 v4, $0.0e+00;
	[tilespmem:v15+s30+$0x0] =	vst.idx.add.f32.msk vm0, v42  }
0x364: {  	[tilespmem:v15+s31+$0x0] =	vst.idx.add.s32.msk vm0, v7;
	v7 =	vor.u32 v2, v13  }
0x365: {  	v5 =	vadd.s32 $0x4000, v5;
	vm0 =	vgt.f32 v18, $0.0e+00;
	[tilespmem:v14+s30+$0x0] =	vst.idx.add.f32.msk vm2, v8  }
0x366: {  	[tilespmem:v14+s31+$0x0] =	vst.idx.add.s32.msk vm2, v5;
	v5 =	vor.u32 v2, v16  }
.Ltmp5:
0x367: {  	v8 =	vadd.s32 $0x4000, v11;
	[tilespmem:v9+s30+$0x0] =	vst.idx.add.f32.msk vm3, v6;
	(pc) =	sbr.rel @p0 .LBB2_12-.Ltmp5, $4  }
0x368: {  	[tilespmem:v9+s31+$0x0] =	vst.idx.add.s32.msk vm3, v8  }
0x369: {  	v3 =	vadd.s32 $0x4000, v3;
	[tilespmem:v7+s30+$0x0] =	vst.idx.add.f32.msk vm1, v4  }
0x36a: {  	[tilespmem:v7+s31+$0x0] =	vst.idx.add.s32.msk vm1, v3  }
0x36b: {  	v3 =	vadd.s32 $0x4000, v10;
	[tilespmem:v5+s30+$0x0] =	vst.idx.add.f32.msk vm0, v18  }
0x36c: {  	_ =	sdelay $0x4  }
0x36d: {  	[tilespmem:v5+s31+$0x0] =	vst.idx.add.s32.msk vm0, v3  }
0x36e: {  	_ =	swait.ge [sflag:s28], $0x4000  }
0x36f: {  	[sflag:s28] =	ssyncset.done $0x0  }
0x370: {  	[sflag:s28] =	ssyncadd.s32 $0xFFFFC000  }
0x371: {  	_ =	swait.ge [sflag:s29], $0x4000  }
0x372: {  	[sflag:s29] =	ssyncset.done $0x0  }
0x373: {  	s5 =	simm.s32 $0x0;
	[sflag:s29] =	ssyncadd.s32 $0xFFFFC000  }
0x374: {  	v12 =	vld [tilespmem:s5+$0x30]  }
0x375: {  	v13 =	vld [tilespmem:s5+$0x20]  }
0x376: {  	v14 =	vld [tilespmem:s5+$0x10]  }
0x377: {  	v5 =	vld [tilespmem:s5+$0xC0C0]  }
0x378: {  	v15 =	vld [tilespmem:s5+$0x70]  }
0x379: {  	v3 =	vld [tilespmem:s5+$0xC0E0]  }
0x37a: {  	v4 =	vld [tilespmem:s5+$0xE0]  }
0x37b: {  	v10 =	vld [tilespmem:s5+$0xC0B0]  }
0x37c: {  	v11 =	vld [tilespmem:s5+$0xC0A0]  }
0x37d: {  	v6 =	vld [tilespmem:s5+$0xD0]  }
0x37e: {  	v8 =	vld [tilespmem:s5+$0xC0]  }
0x37f: {  	v16 =	vld [tilespmem:s5+$0x60]  }
0x380: {  	v17 =	vld [tilespmem:s5+$0xC050]  }
0x381: {  	v18 =	vld [tilespmem:s5+$0xC010]  }
0x382: {  	v19 =	vld [tilespmem:s5+$0x90]  }
0x383: {  	v20 =	vld [tilespmem:s5+$0x0]  }
0x384: {  	v9 =	vld [tilespmem:s5+$0xC0D0]  }
0x385: {  	v7 =	vld [tilespmem:s5+$0xC0F0]  }
0x386: {  	v23 =	vld [tilespmem:s5+$0xC090]  }
0x387: {  	v32 =	vld [tilespmem:s5+$0x40];
	v21 =	vmul.f32 $9.999999040e+00, v13;
	v22 =	vmul.f32 $9.999999040e+00, v12  }
0x388: {  	v25 =	vld [tilespmem:s5+$0xC080];
	v24 =	vmul.f32 $9.999999040e+00, v14;
	v28 =	vmul.f32 $9.999999040e+00, v20  }
0x389: {  	v35 =	vld [tilespmem:s5+$0x50];
	v31 =	vmul.f32 $9.999999040e+00, v15;
	v33 =	vmul.f32 $9.999999040e+00, v4  }
0x38a: {  	v26 =	vld [tilespmem:s5+$0xC070];
	v36 =	vmul.f32 $9.999999040e+00, v6;
	v38 =	vmul.f32 $9.999999040e+00, v8  }
0x38b: {  	v37 =	vld [tilespmem:s5+$0xC000];
	vm0 =	vgt.f32 v20, $0.0e+00;
	v39 =	vmul.f32 $9.999999040e+00, v16;
	v28 =	vtrunc.f32 v28  }
0x38c: {  	v27 =	vld [tilespmem:s5+$0xC060];
	vm1 =	vgt.f32 v14, $0.0e+00;
	v42 =	vmul.f32 $9.999999040e+00, v32;
	v28 =	vcvt.f32.s32 v28  }
0x38d: {  	v34 =	vld [tilespmem:s5+$0xC020];
	v18 =	vadd.s32 $0x4000, v18;
	vm2 =	vgt.f32 v13, $0.0e+00;
	v24 =	vtrunc.f32 v24  }
0x38e: {  	v44 =	vld [tilespmem:s5+$0x80];
	v45 =	vmul.f32 $9.999999040e+00, v35;
	v24 =	vcvt.f32.s32 v24;
	v28 =	vshll.u32 v28, $0x4  }
0x38f: {  	v30 =	vld [tilespmem:s5+$0xC030];
	vm3 =	vgt.f32 v12, $0.0e+00;
	v21 =	vtrunc.f32 v21;
	v28 =	vor.u32 v2, v28  }
0x390: {  	v43 =	vld [tilespmem:s5+$0xA0];
	v37 =	vadd.s32 $0x4000, v37;
	v21 =	vcvt.f32.s32 v21;
	v24 =	vshll.u32 v24, $0x4  }
0x391: {  	v29 =	vld [tilespmem:s5+$0xC040];
	v51 =	vmul.f32 $9.999999040e+00, v19;
	v22 =	vtrunc.f32 v22;
	v24 =	vor.u32 v2, v24  }
0x392: {  	v40 =	vld [tilespmem:s5+$0xF0];
	v57 =	vadd.s32 $0x4000, v34;
	v22 =	vcvt.f32.s32 v22;
	v21 =	vshll.u32 v21, $0x4  }
0x393: {  	v41 =	vld [tilespmem:s5+$0xB0];
	v60 =	vmul.f32 $9.999999040e+00, v44;
	v42 =	vtrunc.f32 v42;
	v21 =	vor.u32 v2, v21  }
0x394: {  	v62 =	vadd.s32 $0x4000, v30;
	v50 =	vcvt.f32.s32 v42;
	v22 =	vshll.u32 v22, $0x4;
	[tilespmem:v28+s30+$0x0] =	vst.idx.add.f32.msk vm0, v20  }
0x395: {  	v30 =	vmul.f32 $9.999999040e+00, v43;
	v52 =	vtrunc.f32 v45;
	v22 =	vor.u32 v2, v22;
	[tilespmem:v28+s31+$0x0] =	vst.idx.add.s32.msk vm0, v37  }
0x396: {  	v54 =	vcvt.f32.s32 v52;
	v53 =	vshll.u32 v50, $0x4;
	vm0 =	vgt.f32 v32, $0.0e+00;
	[tilespmem:v24+s30+$0x0] =	vst.idx.add.f32.msk vm1, v14  }
0x397: {  	v31 =	vtrunc.f32 v31;
	v39 =	vtrunc.f32 v39;
	v14 =	vor.u32 v2, v53;
	[tilespmem:v24+s31+$0x0] =	vst.idx.add.s32.msk vm1, v18  }
0x398: {  	v55 =	vcvt.f32.s32 v39;
	v58 =	vshll.u32 v54, $0x4;
	vm1 =	vgt.f32 v35, $0.0e+00;
	[tilespmem:v21+s30+$0x0] =	vst.idx.add.f32.msk vm2, v13  }
0x399: {  	v17 =	vadd.s32 $0x4000, v17;
	v31 =	vcvt.f32.s32 v31;
	v13 =	vor.u32 v2, v58;
	[tilespmem:v21+s31+$0x0] =	vst.idx.add.s32.msk vm2, v57  }
0x39a: {  	v56 =	vtrunc.f32 v51;
	v61 =	vshll.u32 v55, $0x4;
	vm2 =	vgt.f32 v16, $0.0e+00;
	[tilespmem:v22+s30+$0x0] =	vst.idx.add.f32.msk vm3, v12  }
0x39b: {  	v31 =	vshll.u32 v31, $0x4;
	v24 =	vtrunc.f32 v60;
	v18 =	vor.u32 v2, v61;
	[tilespmem:v22+s31+$0x0] =	vst.idx.add.s32.msk vm3, v62  }
0x39c: {  	v28 =	vadd.s32 $0x4000, v29;
	v20 =	vcvt.f32.s32 v24;
	vm3 =	vgt.f32 v15, $0.0e+00;
	[tilespmem:v14+s30+$0x0] =	vst.idx.add.f32.msk vm0, v32  }
0x39d: {  	v46 =	vadd.s32 $0x4000, v26;
	v59 =	vcvt.f32.s32 v56;
	v32 =	vor.u32 v2, v31;
	[tilespmem:v14+s31+$0x0] =	vst.idx.add.s32.msk vm0, v28  }
0x39e: {  	v42 =	vadd.s32 $0x4000, v27;
	v20 =	vshll.u32 v20, $0x4;
	vm0 =	vgt.f32 v44, $0.0e+00;
	[tilespmem:v13+s30+$0x0] =	vst.idx.add.f32.msk vm1, v35  }
0x39f: {  	v29 =	vmul.f32 $9.999999040e+00, v41;
	v37 =	vor.u32 v2, v20;
	v35 =	vtrunc.f32 v30;
	[tilespmem:v13+s31+$0x0] =	vst.idx.add.s32.msk vm1, v17  }
0x3a0: {  	v63 =	vshll.u32 v59, $0x4;
	v39 =	vcvt.f32.s32 v35;
	vm1 =	vgt.f32 v19, $0.0e+00;
	[tilespmem:v18+s30+$0x0] =	vst.idx.add.f32.msk vm2, v16  }
0x3a1: {  	vm4 =	vgt.f32 v8, $0.0e+00;
	v34 =	vtrunc.f32 v29;
	v12 =	vor.u32 v2, v63;
	[tilespmem:v18+s31+$0x0] =	vst.idx.add.s32.msk vm2, v42  }
0x3a2: {  	v21 =	vcvt.f32.s32 v34;
	v17 =	vshll.u32 v39, $0x4;
	vm2 =	vgt.f32 v43, $0.0e+00;
	[tilespmem:v32+s30+$0x0] =	vst.idx.add.f32.msk vm3, v15  }
0x3a3: {  	v45 =	vtrunc.f32 v38;
	v50 =	vadd.s32 $0x4000, v25;
	v48 =	vor.u32 v2, v17;
	[tilespmem:v32+s31+$0x0] =	vst.idx.add.s32.msk vm3, v46  }
0x3a4: {  	v49 =	vshll.u32 v21, $0x4;
	v16 =	vcvt.f32.s32 v45;
	vm3 =	vgt.f32 v41, $0.0e+00;
	[tilespmem:v37+s30+$0x0] =	vst.idx.add.f32.msk vm0, v44  }
0x3a5: {  	v11 =	vadd.s32 $0x4000, v11;
	v47 =	vtrunc.f32 v36;
	v52 =	vor.u32 v2, v49;
	[tilespmem:v37+s31+$0x0] =	vst.idx.add.s32.msk vm0, v50  }
0x3a6: {  	v53 =	vadd.s32 $0x4000, v23;
	v15 =	vcvt.f32.s32 v47;
	v16 =	vshll.u32 v16, $0x4;
	[tilespmem:v12+s30+$0x0] =	vst.idx.add.f32.msk vm1, v19  }
0x3a7: {  	v51 =	vtrunc.f32 v33;
	v55 =	vmul.f32 $9.999999040e+00, v40;
	v56 =	vor.u32 v2, v16;
	[tilespmem:v12+s31+$0x0] =	vst.idx.add.s32.msk vm1, v53  }
0x3a8: {  	v54 =	vcvt.f32.s32 v51;
	v15 =	vshll.u32 v15, $0x4;
	vm1 =	vgt.f32 v6, $0.0e+00;
	[tilespmem:v48+s30+$0x0] =	vst.idx.add.f32.msk vm2, v43  }
0x3a9: {  	v10 =	vadd.s32 $0x4000, v10;
	v58 =	vtrunc.f32 v55;
	v59 =	vor.u32 v2, v15;
	[tilespmem:v48+s31+$0x0] =	vst.idx.add.s32.msk vm2, v11  }
0x3aa: {  	v57 =	vshll.u32 v54, $0x4;
	v60 =	vcvt.f32.s32 v58;
	vm2 =	vgt.f32 v4, $0.0e+00;
	[tilespmem:v52+s30+$0x0] =	vst.idx.add.f32.msk vm3, v41  }
0x3ab: {  	v61 =	vor.u32 v2, v57;
	[tilespmem:v52+s31+$0x0] =	vst.idx.add.s32.msk vm3, v10  }
0x3ac: {  	v5 =	vadd.s32 $0x4000, v5;
	v62 =	vshll.u32 v60, $0x4;
	vm0 =	vgt.f32 v40, $0.0e+00;
	[tilespmem:v56+s30+$0x0] =	vst.idx.add.f32.msk vm4, v8  }
0x3ad: {  	[tilespmem:v56+s31+$0x0] =	vst.idx.add.s32.msk vm4, v5;
	v5 =	vor.u32 v2, v62  }
0x3ae: {  	v63 =	vadd.s32 $0x4000, v9;
	[tilespmem:v59+s30+$0x0] =	vst.idx.add.f32.msk vm1, v6  }
0x3af: {  	[tilespmem:v59+s31+$0x0] =	vst.idx.add.s32.msk vm1, v63  }
0x3b0: {  	v3 =	vadd.s32 $0x4000, v3;
	[tilespmem:v61+s30+$0x0] =	vst.idx.add.f32.msk vm2, v4  }
0x3b1: {  	[tilespmem:v61+s31+$0x0] =	vst.idx.add.s32.msk vm2, v3  }
0x3b2: {  	s5 =	simm.s32 $0x400;
	v3 =	vadd.s32 $0x4000, v7;
	[tilespmem:v5+s30+$0x0] =	vst.idx.add.f32.msk vm0, v40  }
.LBB2_14:
0x3b3: {  	s6 =	sshra.s32 s5, $0x2;
	p0 =	sne.s32 s5, $0xFC00;
	s5 =	sadd.s32 $0x400, s5;
	[tilespmem:v5+s31+$0x0] =	vst.idx.add.s32.msk vm0, v3  }
0x3b4: {  	v15 =	vld [tilespmem:s6+$0x30]  }
0x3b5: {  	v19 =	vld [tilespmem:s6+$0x20]  }
0x3b6: {  	v22 =	vld [tilespmem:s6+$0x10]  }
0x3b7: {  	v5 =	vld [tilespmem:s6+$0xC0C0]  }
0x3b8: {  	v12 =	vld [tilespmem:s6+$0x70]  }
0x3b9: {  	v3 =	vld [tilespmem:s6+$0xC0E0]  }
0x3ba: {  	v8 =	vmul.f32 $9.999999040e+00, v15;
	v4 =	vld [tilespmem:s6+$0xE0];
	v6 =	vmul.f32 $9.999999040e+00, v19  }
0x3bb: {  	v7 =	vld [tilespmem:s6+$0xC0B0];
	v10 =	vmul.f32 $9.999999040e+00, v22  }
0x3bc: {  	v13 =	vtrunc.f32 v8;
	v9 =	vld [tilespmem:s6+$0xC0A0];
	v11 =	vtrunc.f32 v6  }
0x3bd: {  	v6 =	vld [tilespmem:s6+$0xD0];
	v10 =	vtrunc.f32 v10;
	v11 =	vcvt.f32.s32 v11  }
0x3be: {  	v13 =	vcvt.f32.s32 v13;
	v8 =	vld [tilespmem:s6+$0xC0];
	v10 =	vcvt.f32.s32 v10  }
0x3bf: {  	v16 =	vld [tilespmem:s6+$0x60];
	v23 =	vshll.u32 v11, $0x4;
	v11 =	vmul.f32 $9.999999040e+00, v12;
	v14 =	vmul.f32 $9.999999040e+00, v4  }
0x3c0: {  	v26 =	vshll.u32 v13, $0x4;
	v24 =	vld [tilespmem:s6+$0xC050];
	v25 =	vshll.u32 v10, $0x4  }
0x3c1: {  	v17 =	vld [tilespmem:s6+$0xC010];
	v10 =	vtrunc.f32 v11;
	v13 =	vtrunc.f32 v14  }
0x3c2: {  	v14 =	vld [tilespmem:s6+$0x90];
	v10 =	vcvt.f32.s32 v10;
	v18 =	vmul.f32 $9.999999040e+00, v6  }
0x3c3: {  	v13 =	vcvt.f32.s32 v13;
	v11 =	vld [tilespmem:s6+$0xC0D0];
	v20 =	vmul.f32 $9.999999040e+00, v8  }
0x3c4: {  	v27 =	vld [tilespmem:s6+$0x0];
	v21 =	vmul.f32 $9.999999040e+00, v16;
	v28 =	vshll.u32 v10, $0x4;
	v18 =	vtrunc.f32 v18  }
0x3c5: {  	v13 =	vshll.u32 v13, $0x4;
	v10 =	vld [tilespmem:s6+$0xC0F0];
	v29 =	vtrunc.f32 v20;
	v18 =	vcvt.f32.s32 v18  }
0x3c6: {  	v20 =	vld [tilespmem:s6+$0xC090];
	v30 =	vadd.s32 $0x4000, v17;
	v17 =	vtrunc.f32 v21;
	v21 =	vcvt.f32.s32 v29  }
0x3c7: {  	v29 =	vld [tilespmem:s6+$0xC080];
	v31 =	vcvt.f32.s32 v17;
	v32 =	vmul.f32 $9.999999040e+00, v14;
	v17 =	vshll.u32 v18, $0x4  }
0x3c8: {  	v33 =	vld [tilespmem:s6+$0xC070];
	v21 =	vshll.u32 v21, $0x4  }
0x3c9: {  	v34 =	vld [tilespmem:s6+$0xC060];
	v18 =	vmul.f32 $9.999999040e+00, v27;
	v31 =	vshll.u32 v31, $0x4;
	v32 =	vtrunc.f32 v32  }
0x3ca: {  	v35 =	vld [tilespmem:s6+$0xC040];
	v32 =	vcvt.f32.s32 v32  }
0x3cb: {  	v36 =	vld [tilespmem:s6+$0xC030];
	v18 =	vtrunc.f32 v18  }
0x3cc: {  	v37 =	vld [tilespmem:s6+$0x40];
	v18 =	vcvt.f32.s32 v18;
	v32 =	vshll.u32 v32, $0x4  }
0x3cd: {  	v38 =	vld [tilespmem:s6+$0xC020]  }
0x3ce: {  	vm3 =	vgt.f32 v27, $0.0e+00;
	v39 =	vld [tilespmem:s6+$0x50];
	v18 =	vshll.u32 v18, $0x4  }
0x3cf: {  	v40 =	vld [tilespmem:s6+$0xC000];
	v41 =	vor.u32 v2, v18  }
0x3d0: {  	vm4 =	vgt.f32 v22, $0.0e+00;
	v18 =	vld [tilespmem:s6+$0xF0]  }
0x3d1: {  	vm0 =	vgt.f32 v12, $0.0e+00;
	v25 =	vor.u32 v2, v25;
	v42 =	vld [tilespmem:s6+$0xB0];
	v43 =	vmul.f32 $9.999999040e+00, v37  }
0x3d2: {  	vm2 =	vgt.f32 v15, $0.0e+00;
	vm5 =	vgt.f32 v19, $0.0e+00;
	vm1 =	vgt.f32 v16, $0.0e+00;
	v44 =	vld [tilespmem:s6+$0xA0]  }
0x3d3: {  	v23 =	vor.u32 v2, v23;
	v45 =	vld [tilespmem:s6+$0x80];
	v43 =	vtrunc.f32 v43;
	v46 =	vmul.f32 $9.999999040e+00, v39  }
0x3d4: {  	v26 =	vor.u32 v2, v26;
	v40 =	vadd.s32 $0x4000, v40;
	[tilespmem:v41+s30+$0x0] =	vst.idx.add.f32.msk vm3, v27;
	v27 =	vcvt.f32.s32 v43  }
0x3d5: {  	v38 =	vadd.s32 $0x4000, v38;
	[tilespmem:v41+s31+$0x0] =	vst.idx.add.s32.msk vm3, v40;
	vm3 =	vgt.f32 v37, $0.0e+00;
	v40 =	vtrunc.f32 v46  }
0x3d6: {  	[tilespmem:v25+s30+$0x0] =	vst.idx.add.f32.msk vm4, v22;
	v22 =	vshll.u32 v27, $0x4;
	v27 =	vcvt.f32.s32 v40;
	v40 =	vmul.f32 $9.999999040e+00, v42  }
0x3d7: {  	[tilespmem:v25+s31+$0x0] =	vst.idx.add.s32.msk vm4, v30;
	v22 =	vor.u32 v2, v22;
	vm4 =	vgt.f32 v39, $0.0e+00;
	v25 =	vmul.f32 $9.999999040e+00, v44  }
0x3d8: {  	[tilespmem:v23+s30+$0x0] =	vst.idx.add.f32.msk vm5, v19;
	v19 =	vshll.u32 v27, $0x4;
	v27 =	vmul.f32 $9.999999040e+00, v45;
	v30 =	vtrunc.f32 v40  }
0x3d9: {  	[tilespmem:v23+s31+$0x0] =	vst.idx.add.s32.msk vm5, v38;
	v19 =	vor.u32 v2, v19;
	v23 =	vtrunc.f32 v25;
	v25 =	vcvt.f32.s32 v30  }
0x3da: {  	v30 =	vadd.s32 $0x4000, v36;
	[tilespmem:v26+s30+$0x0] =	vst.idx.add.f32.msk vm2, v15;
	v15 =	vtrunc.f32 v27;
	v23 =	vcvt.f32.s32 v23  }
0x3db: {  	v27 =	vmul.f32 $9.999999040e+00, v18;
	[tilespmem:v26+s31+$0x0] =	vst.idx.add.s32.msk vm2, v30;
	v26 =	vor.u32 v2, v31;
	v25 =	vshll.u32 v25, $0x4  }
0x3dc: {  	v30 =	vadd.s32 $0x4000, v35;
	v15 =	vcvt.f32.s32 v15;
	[tilespmem:v22+s30+$0x0] =	vst.idx.add.f32.msk vm3, v37;
	v23 =	vshll.u32 v23, $0x4  }
0x3dd: {  	v27 =	vtrunc.f32 v27;
	[tilespmem:v22+s31+$0x0] =	vst.idx.add.s32.msk vm3, v30;
	v22 =	vadd.s32 $0x4000, v24;
	v24 =	vor.u32 v2, v28  }
0x3de: {  	vm2 =	vgt.f32 v45, $0.0e+00;
	v15 =	vshll.u32 v15, $0x4;
	v27 =	vcvt.f32.s32 v27;
	[tilespmem:v19+s30+$0x0] =	vst.idx.add.f32.msk vm4, v39  }
0x3df: {  	v15 =	vor.u32 v2, v15;
	[tilespmem:v19+s31+$0x0] =	vst.idx.add.s32.msk vm4, v22  }
0x3e0: {  	vm3 =	vgt.f32 v14, $0.0e+00;
	v19 =	vadd.s32 $0x4000, v34;
	[tilespmem:v26+s30+$0x0] =	vst.idx.add.f32.msk vm1, v16;
	v16 =	vshll.u32 v27, $0x4  }
0x3e1: {  	[tilespmem:v26+s31+$0x0] =	vst.idx.add.s32.msk vm1, v19;
	v19 =	vor.u32 v2, v32  }
0x3e2: {  	v22 =	vadd.s32 $0x4000, v33;
	vm1 =	vgt.f32 v44, $0.0e+00;
	[tilespmem:v24+s30+$0x0] =	vst.idx.add.f32.msk vm0, v12  }
0x3e3: {  	v12 =	vor.u32 v2, v23;
	[tilespmem:v24+s31+$0x0] =	vst.idx.add.s32.msk vm0, v22  }
0x3e4: {  	v22 =	vadd.s32 $0x4000, v29;
	vm0 =	vgt.f32 v42, $0.0e+00;
	[tilespmem:v15+s30+$0x0] =	vst.idx.add.f32.msk vm2, v45  }
0x3e5: {  	[tilespmem:v15+s31+$0x0] =	vst.idx.add.s32.msk vm2, v22;
	v15 =	vor.u32 v2, v25  }
0x3e6: {  	v20 =	vadd.s32 $0x4000, v20;
	vm2 =	vgt.f32 v8, $0.0e+00;
	[tilespmem:v19+s30+$0x0] =	vst.idx.add.f32.msk vm3, v14  }
0x3e7: {  	v14 =	vor.u32 v2, v21;
	[tilespmem:v19+s31+$0x0] =	vst.idx.add.s32.msk vm3, v20  }
0x3e8: {  	v9 =	vadd.s32 $0x4000, v9;
	vm3 =	vgt.f32 v6, $0.0e+00;
	[tilespmem:v12+s30+$0x0] =	vst.idx.add.f32.msk vm1, v44  }
0x3e9: {  	[tilespmem:v12+s31+$0x0] =	vst.idx.add.s32.msk vm1, v9;
	v9 =	vor.u32 v2, v17  }
0x3ea: {  	v7 =	vadd.s32 $0x4000, v7;
	vm1 =	vgt.f32 v4, $0.0e+00;
	[tilespmem:v15+s30+$0x0] =	vst.idx.add.f32.msk vm0, v42  }
0x3eb: {  	[tilespmem:v15+s31+$0x0] =	vst.idx.add.s32.msk vm0, v7;
	v7 =	vor.u32 v2, v13  }
0x3ec: {  	v5 =	vadd.s32 $0x4000, v5;
	vm0 =	vgt.f32 v18, $0.0e+00;
	[tilespmem:v14+s30+$0x0] =	vst.idx.add.f32.msk vm2, v8  }
0x3ed: {  	[tilespmem:v14+s31+$0x0] =	vst.idx.add.s32.msk vm2, v5;
	v5 =	vor.u32 v2, v16  }
.Ltmp6:
0x3ee: {  	v8 =	vadd.s32 $0x4000, v11;
	[tilespmem:v9+s30+$0x0] =	vst.idx.add.f32.msk vm3, v6;
	(pc) =	sbr.rel @p0 .LBB2_14-.Ltmp6, $4  }
0x3ef: {  	[tilespmem:v9+s31+$0x0] =	vst.idx.add.s32.msk vm3, v8  }
0x3f0: {  	v3 =	vadd.s32 $0x4000, v3;
	[tilespmem:v7+s30+$0x0] =	vst.idx.add.f32.msk vm1, v4  }
0x3f1: {  	[tilespmem:v7+s31+$0x0] =	vst.idx.add.s32.msk vm1, v3  }
0x3f2: {  	v3 =	vadd.s32 $0x4000, v10;
	[tilespmem:v5+s30+$0x0] =	vst.idx.add.f32.msk vm0, v18  }
0x3f3: {  	_ =	sdelay $0x4  }
0x3f4: {  	[tilespmem:v5+s31+$0x0] =	vst.idx.add.s32.msk vm0, v3  }
0x3f5: {  	_ =	swait.ge [sflag:s0], $0x4000  }
0x3f6: {  	[sflag:s0] =	ssyncset.done $0x0  }
0x3f7: {  	[sflag:s0] =	ssyncadd.s32 $0xFFFFC000  }
0x3f8: {  	_ =	swait.ge [sflag:s1], $0x4000  }
0x3f9: {  	[sflag:s1] =	ssyncset.done $0x0  }
0x3fa: {  	s5 =	simm.s32 $0x0;
	[sflag:s1] =	ssyncadd.s32 $0xFFFFC000  }
0x3fb: {  	v12 =	vld [tilespmem:s5+$0x4030]  }
0x3fc: {  	v13 =	vld [tilespmem:s5+$0x4020]  }
0x3fd: {  	v14 =	vld [tilespmem:s5+$0x4010]  }
0x3fe: {  	v5 =	vld [tilespmem:s5+$0x100C0]  }
0x3ff: {  	v15 =	vld [tilespmem:s5+$0x4070]  }
0x400: {  	v3 =	vld [tilespmem:s5+$0x100E0]  }
0x401: {  	v4 =	vld [tilespmem:s5+$0x40E0]  }
0x402: {  	v10 =	vld [tilespmem:s5+$0x100B0]  }
0x403: {  	v11 =	vld [tilespmem:s5+$0x100A0]  }
0x404: {  	v6 =	vld [tilespmem:s5+$0x40D0]  }
0x405: {  	v8 =	vld [tilespmem:s5+$0x40C0]  }
0x406: {  	v16 =	vld [tilespmem:s5+$0x4060]  }
0x407: {  	v17 =	vld [tilespmem:s5+$0x10050]  }
0x408: {  	v18 =	vld [tilespmem:s5+$0x10010]  }
0x409: {  	v19 =	vld [tilespmem:s5+$0x4090]  }
0x40a: {  	v20 =	vld [tilespmem:s5+$0x4000]  }
0x40b: {  	v9 =	vld [tilespmem:s5+$0x100D0]  }
0x40c: {  	v7 =	vld [tilespmem:s5+$0x100F0]  }
0x40d: {  	v23 =	vld [tilespmem:s5+$0x10090]  }
0x40e: {  	v32 =	vld [tilespmem:s5+$0x4040];
	v21 =	vmul.f32 $9.999999040e+00, v13;
	v22 =	vmul.f32 $9.999999040e+00, v12  }
0x40f: {  	v25 =	vld [tilespmem:s5+$0x10080];
	v24 =	vmul.f32 $9.999999040e+00, v14;
	v28 =	vmul.f32 $9.999999040e+00, v20  }
0x410: {  	v35 =	vld [tilespmem:s5+$0x4050];
	v31 =	vmul.f32 $9.999999040e+00, v15;
	v33 =	vmul.f32 $9.999999040e+00, v4  }
0x411: {  	v26 =	vld [tilespmem:s5+$0x10070];
	v36 =	vmul.f32 $9.999999040e+00, v6;
	v38 =	vmul.f32 $9.999999040e+00, v8  }
0x412: {  	v37 =	vld [tilespmem:s5+$0x10000];
	vm0 =	vgt.f32 v20, $0.0e+00;
	v39 =	vmul.f32 $9.999999040e+00, v16;
	v28 =	vtrunc.f32 v28  }
0x413: {  	v27 =	vld [tilespmem:s5+$0x10060];
	vm1 =	vgt.f32 v14, $0.0e+00;
	v42 =	vmul.f32 $9.999999040e+00, v32;
	v28 =	vcvt.f32.s32 v28  }
0x414: {  	v34 =	vld [tilespmem:s5+$0x10020];
	v18 =	vadd.s32 $0x4000, v18;
	vm2 =	vgt.f32 v13, $0.0e+00;
	v24 =	vtrunc.f32 v24  }
0x415: {  	v44 =	vld [tilespmem:s5+$0x4080];
	v45 =	vmul.f32 $9.999999040e+00, v35;
	v24 =	vcvt.f32.s32 v24;
	v28 =	vshll.u32 v28, $0x4  }
0x416: {  	v30 =	vld [tilespmem:s5+$0x10030];
	vm3 =	vgt.f32 v12, $0.0e+00;
	v21 =	vtrunc.f32 v21;
	v28 =	vor.u32 v2, v28  }
0x417: {  	v43 =	vld [tilespmem:s5+$0x40A0];
	v37 =	vadd.s32 $0x4000, v37;
	v21 =	vcvt.f32.s32 v21;
	v24 =	vshll.u32 v24, $0x4  }
0x418: {  	v29 =	vld [tilespmem:s5+$0x10040];
	v51 =	vmul.f32 $9.999999040e+00, v19;
	v22 =	vtrunc.f32 v22;
	v24 =	vor.u32 v2, v24  }
0x419: {  	v40 =	vld [tilespmem:s5+$0x40F0];
	v57 =	vadd.s32 $0x4000, v34;
	v22 =	vcvt.f32.s32 v22;
	v21 =	vshll.u32 v21, $0x4  }
0x41a: {  	v41 =	vld [tilespmem:s5+$0x40B0];
	v60 =	vmul.f32 $9.999999040e+00, v44;
	v42 =	vtrunc.f32 v42;
	v21 =	vor.u32 v2, v21  }
0x41b: {  	v62 =	vadd.s32 $0x4000, v30;
	v50 =	vcvt.f32.s32 v42;
	v22 =	vshll.u32 v22, $0x4;
	[tilespmem:v28+s30+$0x0] =	vst.idx.add.f32.msk vm0, v20  }
0x41c: {  	v30 =	vmul.f32 $9.999999040e+00, v43;
	v52 =	vtrunc.f32 v45;
	v22 =	vor.u32 v2, v22;
	[tilespmem:v28+s31+$0x0] =	vst.idx.add.s32.msk vm0, v37  }
0x41d: {  	v54 =	vcvt.f32.s32 v52;
	v53 =	vshll.u32 v50, $0x4;
	vm0 =	vgt.f32 v32, $0.0e+00;
	[tilespmem:v24+s30+$0x0] =	vst.idx.add.f32.msk vm1, v14  }
0x41e: {  	v31 =	vtrunc.f32 v31;
	v39 =	vtrunc.f32 v39;
	v14 =	vor.u32 v2, v53;
	[tilespmem:v24+s31+$0x0] =	vst.idx.add.s32.msk vm1, v18  }
0x41f: {  	v55 =	vcvt.f32.s32 v39;
	v58 =	vshll.u32 v54, $0x4;
	vm1 =	vgt.f32 v35, $0.0e+00;
	[tilespmem:v21+s30+$0x0] =	vst.idx.add.f32.msk vm2, v13  }
0x420: {  	v17 =	vadd.s32 $0x4000, v17;
	v31 =	vcvt.f32.s32 v31;
	v13 =	vor.u32 v2, v58;
	[tilespmem:v21+s31+$0x0] =	vst.idx.add.s32.msk vm2, v57  }
0x421: {  	v56 =	vtrunc.f32 v51;
	v61 =	vshll.u32 v55, $0x4;
	vm2 =	vgt.f32 v16, $0.0e+00;
	[tilespmem:v22+s30+$0x0] =	vst.idx.add.f32.msk vm3, v12  }
0x422: {  	v31 =	vshll.u32 v31, $0x4;
	v24 =	vtrunc.f32 v60;
	v18 =	vor.u32 v2, v61;
	[tilespmem:v22+s31+$0x0] =	vst.idx.add.s32.msk vm3, v62  }
0x423: {  	v28 =	vadd.s32 $0x4000, v29;
	v20 =	vcvt.f32.s32 v24;
	vm3 =	vgt.f32 v15, $0.0e+00;
	[tilespmem:v14+s30+$0x0] =	vst.idx.add.f32.msk vm0, v32  }
0x424: {  	v46 =	vadd.s32 $0x4000, v26;
	v59 =	vcvt.f32.s32 v56;
	v32 =	vor.u32 v2, v31;
	[tilespmem:v14+s31+$0x0] =	vst.idx.add.s32.msk vm0, v28  }
0x425: {  	v42 =	vadd.s32 $0x4000, v27;
	v20 =	vshll.u32 v20, $0x4;
	vm0 =	vgt.f32 v44, $0.0e+00;
	[tilespmem:v13+s30+$0x0] =	vst.idx.add.f32.msk vm1, v35  }
0x426: {  	v29 =	vmul.f32 $9.999999040e+00, v41;
	v37 =	vor.u32 v2, v20;
	v35 =	vtrunc.f32 v30;
	[tilespmem:v13+s31+$0x0] =	vst.idx.add.s32.msk vm1, v17  }
0x427: {  	v63 =	vshll.u32 v59, $0x4;
	v39 =	vcvt.f32.s32 v35;
	vm1 =	vgt.f32 v19, $0.0e+00;
	[tilespmem:v18+s30+$0x0] =	vst.idx.add.f32.msk vm2, v16  }
0x428: {  	vm4 =	vgt.f32 v8, $0.0e+00;
	v34 =	vtrunc.f32 v29;
	v12 =	vor.u32 v2, v63;
	[tilespmem:v18+s31+$0x0] =	vst.idx.add.s32.msk vm2, v42  }
0x429: {  	v21 =	vcvt.f32.s32 v34;
	v17 =	vshll.u32 v39, $0x4;
	vm2 =	vgt.f32 v43, $0.0e+00;
	[tilespmem:v32+s30+$0x0] =	vst.idx.add.f32.msk vm3, v15  }
0x42a: {  	v45 =	vtrunc.f32 v38;
	v50 =	vadd.s32 $0x4000, v25;
	v48 =	vor.u32 v2, v17;
	[tilespmem:v32+s31+$0x0] =	vst.idx.add.s32.msk vm3, v46  }
0x42b: {  	v49 =	vshll.u32 v21, $0x4;
	v16 =	vcvt.f32.s32 v45;
	vm3 =	vgt.f32 v41, $0.0e+00;
	[tilespmem:v37+s30+$0x0] =	vst.idx.add.f32.msk vm0, v44  }
0x42c: {  	v11 =	vadd.s32 $0x4000, v11;
	v47 =	vtrunc.f32 v36;
	v52 =	vor.u32 v2, v49;
	[tilespmem:v37+s31+$0x0] =	vst.idx.add.s32.msk vm0, v50  }
0x42d: {  	v53 =	vadd.s32 $0x4000, v23;
	v15 =	vcvt.f32.s32 v47;
	v16 =	vshll.u32 v16, $0x4;
	[tilespmem:v12+s30+$0x0] =	vst.idx.add.f32.msk vm1, v19  }
0x42e: {  	v51 =	vtrunc.f32 v33;
	v55 =	vmul.f32 $9.999999040e+00, v40;
	v56 =	vor.u32 v2, v16;
	[tilespmem:v12+s31+$0x0] =	vst.idx.add.s32.msk vm1, v53  }
0x42f: {  	v54 =	vcvt.f32.s32 v51;
	v15 =	vshll.u32 v15, $0x4;
	vm1 =	vgt.f32 v6, $0.0e+00;
	[tilespmem:v48+s30+$0x0] =	vst.idx.add.f32.msk vm2, v43  }
0x430: {  	v10 =	vadd.s32 $0x4000, v10;
	v58 =	vtrunc.f32 v55;
	v59 =	vor.u32 v2, v15;
	[tilespmem:v48+s31+$0x0] =	vst.idx.add.s32.msk vm2, v11  }
0x431: {  	v57 =	vshll.u32 v54, $0x4;
	v60 =	vcvt.f32.s32 v58;
	vm2 =	vgt.f32 v4, $0.0e+00;
	[tilespmem:v52+s30+$0x0] =	vst.idx.add.f32.msk vm3, v41  }
0x432: {  	v61 =	vor.u32 v2, v57;
	[tilespmem:v52+s31+$0x0] =	vst.idx.add.s32.msk vm3, v10  }
0x433: {  	v5 =	vadd.s32 $0x4000, v5;
	v62 =	vshll.u32 v60, $0x4;
	vm0 =	vgt.f32 v40, $0.0e+00;
	[tilespmem:v56+s30+$0x0] =	vst.idx.add.f32.msk vm4, v8  }
0x434: {  	[tilespmem:v56+s31+$0x0] =	vst.idx.add.s32.msk vm4, v5;
	v5 =	vor.u32 v2, v62  }
0x435: {  	v63 =	vadd.s32 $0x4000, v9;
	[tilespmem:v59+s30+$0x0] =	vst.idx.add.f32.msk vm1, v6  }
0x436: {  	[tilespmem:v59+s31+$0x0] =	vst.idx.add.s32.msk vm1, v63  }
0x437: {  	v3 =	vadd.s32 $0x4000, v3;
	[tilespmem:v61+s30+$0x0] =	vst.idx.add.f32.msk vm2, v4  }
0x438: {  	[tilespmem:v61+s31+$0x0] =	vst.idx.add.s32.msk vm2, v3  }
0x439: {  	s5 =	simm.s32 $0x400;
	v3 =	vadd.s32 $0x4000, v7;
	[tilespmem:v5+s30+$0x0] =	vst.idx.add.f32.msk vm0, v40  }
.LBB2_16:
0x43a: {  	s6 =	sshra.s32 s5, $0x2;
	p0 =	sne.s32 s5, $0xFC00;
	s5 =	sadd.s32 $0x400, s5;
	[tilespmem:v5+s31+$0x0] =	vst.idx.add.s32.msk vm0, v3  }
0x43b: {  	v15 =	vld [tilespmem:s6+$0x4030]  }
0x43c: {  	v19 =	vld [tilespmem:s6+$0x4020]  }
0x43d: {  	v22 =	vld [tilespmem:s6+$0x4010]  }
0x43e: {  	v5 =	vld [tilespmem:s6+$0x100C0]  }
0x43f: {  	v12 =	vld [tilespmem:s6+$0x4070]  }
0x440: {  	v3 =	vld [tilespmem:s6+$0x100E0]  }
0x441: {  	v8 =	vmul.f32 $9.999999040e+00, v15;
	v4 =	vld [tilespmem:s6+$0x40E0];
	v6 =	vmul.f32 $9.999999040e+00, v19  }
0x442: {  	v7 =	vld [tilespmem:s6+$0x100B0];
	v10 =	vmul.f32 $9.999999040e+00, v22  }
0x443: {  	v13 =	vtrunc.f32 v8;
	v9 =	vld [tilespmem:s6+$0x100A0];
	v11 =	vtrunc.f32 v6  }
0x444: {  	v6 =	vld [tilespmem:s6+$0x40D0];
	v10 =	vtrunc.f32 v10;
	v11 =	vcvt.f32.s32 v11  }
0x445: {  	v13 =	vcvt.f32.s32 v13;
	v8 =	vld [tilespmem:s6+$0x40C0];
	v10 =	vcvt.f32.s32 v10  }
0x446: {  	v16 =	vld [tilespmem:s6+$0x4060];
	v23 =	vshll.u32 v11, $0x4;
	v11 =	vmul.f32 $9.999999040e+00, v12;
	v14 =	vmul.f32 $9.999999040e+00, v4  }
0x447: {  	v26 =	vshll.u32 v13, $0x4;
	v24 =	vld [tilespmem:s6+$0x10050];
	v25 =	vshll.u32 v10, $0x4  }
0x448: {  	v17 =	vld [tilespmem:s6+$0x10010];
	v10 =	vtrunc.f32 v11;
	v13 =	vtrunc.f32 v14  }
0x449: {  	v14 =	vld [tilespmem:s6+$0x4090];
	v10 =	vcvt.f32.s32 v10;
	v18 =	vmul.f32 $9.999999040e+00, v6  }
0x44a: {  	v13 =	vcvt.f32.s32 v13;
	v11 =	vld [tilespmem:s6+$0x100D0];
	v20 =	vmul.f32 $9.999999040e+00, v8  }
0x44b: {  	v27 =	vld [tilespmem:s6+$0x4000];
	v21 =	vmul.f32 $9.999999040e+00, v16;
	v28 =	vshll.u32 v10, $0x4;
	v18 =	vtrunc.f32 v18  }
0x44c: {  	v13 =	vshll.u32 v13, $0x4;
	v10 =	vld [tilespmem:s6+$0x100F0];
	v29 =	vtrunc.f32 v20;
	v18 =	vcvt.f32.s32 v18  }
0x44d: {  	v20 =	vld [tilespmem:s6+$0x10090];
	v30 =	vadd.s32 $0x4000, v17;
	v17 =	vtrunc.f32 v21;
	v21 =	vcvt.f32.s32 v29  }
0x44e: {  	v29 =	vld [tilespmem:s6+$0x10080];
	v31 =	vcvt.f32.s32 v17;
	v32 =	vmul.f32 $9.999999040e+00, v14;
	v17 =	vshll.u32 v18, $0x4  }
0x44f: {  	v33 =	vld [tilespmem:s6+$0x10070];
	v21 =	vshll.u32 v21, $0x4  }
0x450: {  	v34 =	vld [tilespmem:s6+$0x10060];
	v18 =	vmul.f32 $9.999999040e+00, v27;
	v31 =	vshll.u32 v31, $0x4;
	v32 =	vtrunc.f32 v32  }
0x451: {  	v35 =	vld [tilespmem:s6+$0x10040];
	v32 =	vcvt.f32.s32 v32  }
0x452: {  	v36 =	vld [tilespmem:s6+$0x10030];
	v18 =	vtrunc.f32 v18  }
0x453: {  	v37 =	vld [tilespmem:s6+$0x4040];
	v18 =	vcvt.f32.s32 v18;
	v32 =	vshll.u32 v32, $0x4  }
0x454: {  	v38 =	vld [tilespmem:s6+$0x10020]  }
0x455: {  	vm3 =	vgt.f32 v27, $0.0e+00;
	v39 =	vld [tilespmem:s6+$0x4050];
	v18 =	vshll.u32 v18, $0x4  }
0x456: {  	v40 =	vld [tilespmem:s6+$0x10000];
	v41 =	vor.u32 v2, v18  }
0x457: {  	vm4 =	vgt.f32 v22, $0.0e+00;
	v18 =	vld [tilespmem:s6+$0x40F0]  }
0x458: {  	vm0 =	vgt.f32 v12, $0.0e+00;
	v25 =	vor.u32 v2, v25;
	v42 =	vld [tilespmem:s6+$0x40B0];
	v43 =	vmul.f32 $9.999999040e+00, v37  }
0x459: {  	vm2 =	vgt.f32 v15, $0.0e+00;
	vm5 =	vgt.f32 v19, $0.0e+00;
	vm1 =	vgt.f32 v16, $0.0e+00;
	v44 =	vld [tilespmem:s6+$0x40A0]  }
0x45a: {  	v23 =	vor.u32 v2, v23;
	v45 =	vld [tilespmem:s6+$0x4080];
	v43 =	vtrunc.f32 v43;
	v46 =	vmul.f32 $9.999999040e+00, v39  }
0x45b: {  	v26 =	vor.u32 v2, v26;
	v40 =	vadd.s32 $0x4000, v40;
	[tilespmem:v41+s30+$0x0] =	vst.idx.add.f32.msk vm3, v27;
	v27 =	vcvt.f32.s32 v43  }
0x45c: {  	v38 =	vadd.s32 $0x4000, v38;
	[tilespmem:v41+s31+$0x0] =	vst.idx.add.s32.msk vm3, v40;
	vm3 =	vgt.f32 v37, $0.0e+00;
	v40 =	vtrunc.f32 v46  }
0x45d: {  	[tilespmem:v25+s30+$0x0] =	vst.idx.add.f32.msk vm4, v22;
	v22 =	vshll.u32 v27, $0x4;
	v27 =	vcvt.f32.s32 v40;
	v40 =	vmul.f32 $9.999999040e+00, v42  }
0x45e: {  	[tilespmem:v25+s31+$0x0] =	vst.idx.add.s32.msk vm4, v30;
	v22 =	vor.u32 v2, v22;
	vm4 =	vgt.f32 v39, $0.0e+00;
	v25 =	vmul.f32 $9.999999040e+00, v44  }
0x45f: {  	[tilespmem:v23+s30+$0x0] =	vst.idx.add.f32.msk vm5, v19;
	v19 =	vshll.u32 v27, $0x4;
	v27 =	vmul.f32 $9.999999040e+00, v45;
	v30 =	vtrunc.f32 v40  }
0x460: {  	[tilespmem:v23+s31+$0x0] =	vst.idx.add.s32.msk vm5, v38;
	v19 =	vor.u32 v2, v19;
	v23 =	vtrunc.f32 v25;
	v25 =	vcvt.f32.s32 v30  }
0x461: {  	v30 =	vadd.s32 $0x4000, v36;
	[tilespmem:v26+s30+$0x0] =	vst.idx.add.f32.msk vm2, v15;
	v15 =	vtrunc.f32 v27;
	v23 =	vcvt.f32.s32 v23  }
0x462: {  	v27 =	vmul.f32 $9.999999040e+00, v18;
	[tilespmem:v26+s31+$0x0] =	vst.idx.add.s32.msk vm2, v30;
	v26 =	vor.u32 v2, v31;
	v25 =	vshll.u32 v25, $0x4  }
0x463: {  	v30 =	vadd.s32 $0x4000, v35;
	v15 =	vcvt.f32.s32 v15;
	[tilespmem:v22+s30+$0x0] =	vst.idx.add.f32.msk vm3, v37;
	v23 =	vshll.u32 v23, $0x4  }
0x464: {  	v27 =	vtrunc.f32 v27;
	[tilespmem:v22+s31+$0x0] =	vst.idx.add.s32.msk vm3, v30;
	v22 =	vadd.s32 $0x4000, v24;
	v24 =	vor.u32 v2, v28  }
0x465: {  	vm2 =	vgt.f32 v45, $0.0e+00;
	v15 =	vshll.u32 v15, $0x4;
	v27 =	vcvt.f32.s32 v27;
	[tilespmem:v19+s30+$0x0] =	vst.idx.add.f32.msk vm4, v39  }
0x466: {  	v15 =	vor.u32 v2, v15;
	[tilespmem:v19+s31+$0x0] =	vst.idx.add.s32.msk vm4, v22  }
0x467: {  	vm3 =	vgt.f32 v14, $0.0e+00;
	v19 =	vadd.s32 $0x4000, v34;
	[tilespmem:v26+s30+$0x0] =	vst.idx.add.f32.msk vm1, v16;
	v16 =	vshll.u32 v27, $0x4  }
0x468: {  	[tilespmem:v26+s31+$0x0] =	vst.idx.add.s32.msk vm1, v19;
	v19 =	vor.u32 v2, v32  }
0x469: {  	v22 =	vadd.s32 $0x4000, v33;
	vm1 =	vgt.f32 v44, $0.0e+00;
	[tilespmem:v24+s30+$0x0] =	vst.idx.add.f32.msk vm0, v12  }
0x46a: {  	v12 =	vor.u32 v2, v23;
	[tilespmem:v24+s31+$0x0] =	vst.idx.add.s32.msk vm0, v22  }
0x46b: {  	v22 =	vadd.s32 $0x4000, v29;
	vm0 =	vgt.f32 v42, $0.0e+00;
	[tilespmem:v15+s30+$0x0] =	vst.idx.add.f32.msk vm2, v45  }
0x46c: {  	[tilespmem:v15+s31+$0x0] =	vst.idx.add.s32.msk vm2, v22;
	v15 =	vor.u32 v2, v25  }
0x46d: {  	v20 =	vadd.s32 $0x4000, v20;
	vm2 =	vgt.f32 v8, $0.0e+00;
	[tilespmem:v19+s30+$0x0] =	vst.idx.add.f32.msk vm3, v14  }
0x46e: {  	v14 =	vor.u32 v2, v21;
	[tilespmem:v19+s31+$0x0] =	vst.idx.add.s32.msk vm3, v20  }
0x46f: {  	v9 =	vadd.s32 $0x4000, v9;
	vm3 =	vgt.f32 v6, $0.0e+00;
	[tilespmem:v12+s30+$0x0] =	vst.idx.add.f32.msk vm1, v44  }
0x470: {  	[tilespmem:v12+s31+$0x0] =	vst.idx.add.s32.msk vm1, v9;
	v9 =	vor.u32 v2, v17  }
0x471: {  	v7 =	vadd.s32 $0x4000, v7;
	vm1 =	vgt.f32 v4, $0.0e+00;
	[tilespmem:v15+s30+$0x0] =	vst.idx.add.f32.msk vm0, v42  }
0x472: {  	[tilespmem:v15+s31+$0x0] =	vst.idx.add.s32.msk vm0, v7;
	v7 =	vor.u32 v2, v13  }
0x473: {  	v5 =	vadd.s32 $0x4000, v5;
	vm0 =	vgt.f32 v18, $0.0e+00;
	[tilespmem:v14+s30+$0x0] =	vst.idx.add.f32.msk vm2, v8  }
0x474: {  	[tilespmem:v14+s31+$0x0] =	vst.idx.add.s32.msk vm2, v5;
	v5 =	vor.u32 v2, v16  }
.Ltmp7:
0x475: {  	v8 =	vadd.s32 $0x4000, v11;
	[tilespmem:v9+s30+$0x0] =	vst.idx.add.f32.msk vm3, v6;
	(pc) =	sbr.rel @p0 .LBB2_16-.Ltmp7, $4  }
0x476: {  	[tilespmem:v9+s31+$0x0] =	vst.idx.add.s32.msk vm3, v8  }
0x477: {  	v3 =	vadd.s32 $0x4000, v3;
	[tilespmem:v7+s30+$0x0] =	vst.idx.add.f32.msk vm1, v4  }
0x478: {  	[tilespmem:v7+s31+$0x0] =	vst.idx.add.s32.msk vm1, v3  }
0x479: {  	v3 =	vadd.s32 $0x4000, v10;
	[tilespmem:v5+s30+$0x0] =	vst.idx.add.f32.msk vm0, v18  }
0x47a: {  	_ =	sdelay $0x4  }
0x47b: {  	[tilespmem:v5+s31+$0x0] =	vst.idx.add.s32.msk vm0, v3  }
0x47c: {  	[hbm4b:s18+s2] =	stream.linear.scatter [tilespmem:s30], [sflag:$0x7], $0xA0, $0x38;
	[tilespmem:$0x18200] =	vst v63  }
0x47d: {  	s4 =	sadd.s32 $0x1, s4;
	_ =	swait.ge [sflag:s3], $0xA0  }
0x47e: {  	p0 =	sne.s32 s4, s21;
	[sflag:s3] =	ssyncset.done $0x0  }
.Ltmp8:
0x47f: {  	[sflag:s3] =	ssyncadd.s32 $0xFFFFFF60;
	(pc) =	sbr.rel @p0 .LBB2_1-.Ltmp8, $4  }
0x480: {  	[hbm4b:s20+s2] =	stream.linear.scatter [tilespmem:s31], [sflag:$0x7], $0xA0, $0x38;
	[tilespmem:$0x18200] =	vst v63  }
0x481: {  	_ =	swait.ge [sflag:s3], $0xA0  }
0x482: {  	[sflag:s3] =	ssyncset.done $0x0  }
0x483: {  	[sflag:s3] =	ssyncadd.s32 $0xFFFFFF60  }
0x484: {  	_ =	sfence.sel $0x180000  }
0x485: {  	[bflag:$0x0] =	sbarrier.arrive $0xFFFF  }
0x486: {  	_ =	strace $0x90000047  }
0x487: {  	s0 =	stileid.u32;
	[bflag:$0x2] =	sbarrier.arrive $0xFFFF  }
0x488: {  	p0 =	sne.s32 s0, $0x0;
	s0 =	rddreg [dreg:$0x3]  }
0x489: {  	s0 =	sadd.s32 @!p0 $0x100000, s0  }
0x48a: {  	[sflag:s0] =	ssyncadd.tile.s32 @!p0 $0x1;
	_ =	shalt  }
.Lfunc_end2:
_tile_overlayer_lowered:
.L_overlay_start_2:
0x48b: {  	(tag) =	ssettag $0x2  }
0x48c: {  	s0 =	rddreg [dreg:$0x0];
	s2 =	stileid.u32  }
0x48d: {  	s1 =	rddreg [dreg:$0x1];
	p0 =	sne.s32 s2, $0x0  }
0x48e: {  	s3 =	rddreg [dreg:$0x2];
	[bflag:$0x3] =	sbarrier.arrive $0xFFFF;
	s2 =	simm.s32 @!p0 $0x1C07  }
0x48f: {  	[timem:s3], [sflag:s2] =	dma.local @!p0 [hbm:s0], s1  }
0x490: {  	s0 =	simm.s32 @!p0 $0x7  }
0x491: {  	_ =	swait.ge @!p0 [sflag:s0], s1  }
0x492: {  	s1 =	ssub.s32 @!p0 $0x0, s1;
	[sflag:s0] =	ssyncset.done @!p0 $0x0  }
0x493: {  	[sflag:s0] =	ssyncadd.s32 @!p0 s1  }
0x494: {  	[bflag:$0x3] =	sbarrier.arrive $0xFFFF  }
0x495: {  	_ =	shalt  }

</sc_bundles>
